<compile_context>
chip_gen: v7x
topology: tpu7x:2x2x1
jax: 0.10.2.dev20260603
libtpu: 0.0.44.dev20260713+nightly
codegen_flags: <defaults>
</compile_context>

<pallas_src>
import functools

import jax
import jax.numpy as jnp
from jax import lax
from jax.experimental import pallas as pl
from jax.experimental.pallas import tpu as pltpu
from jax.experimental.pallas import tpu_sc as plsc

_N = 10000
_E = 320000
_D = 128
_G = 128
_NSC = 2
_NT = 16
_NW = _NSC * _NT
_K = 128
_NP = 10240
_DUMMY = _NP - 1
_EPW = 10240
_CMSG = _EPW // _K
_NCHUNK = _NW * _CMSG
_C0 = 144
_C1 = _CMSG * 2 - _C0
_EP = _NW * _EPW
_PT = 256
_PDUMMY = _PT - 1
_KP = 64
_CPOOL = _NP // _NW // _KP
_RB = 512
_NBLK = _NP // _RB

_F32 = jnp.float32



@functools.lru_cache(maxsize=None)
def _sc_mesh():
    return plsc.VectorSubcoreMesh(core_axis_name="c", subcore_axis_name="s",
                                  num_cores=_NSC, num_subcores=_NT)


def _build_count(T, C):
    rpt = T // _NT
    nblk = max(1, rpt // _K)
    blk = min(_K, rpt)

    @functools.partial(
        pl.kernel, mesh=_sc_mesh(),
        out_type=jax.ShapeDtypeStruct((_NSC, T, _D), _F32),
        scratch_types=[
            pltpu.VMEM((C, _K), jnp.int32),
            pltpu.VMEM((_K, _D), _F32),
            pltpu.VMEM((_K, _D), _F32),
            pltpu.VMEM_SHARED((T, _D), _F32),
        ],
    )
    def count_kernel(idx_hbm, ones_hbm, zeros_hbm, out_hbm, iv, onesv, stv, shared):
        cid = lax.axis_index("c")
        sid = lax.axis_index("s")
        wid = cid * _NT + sid
        pltpu.sync_copy(idx_hbm.at[pl.ds(wid * C, C)], iv)
        pltpu.sync_copy(ones_hbm, onesv)
        pltpu.sync_copy(zeros_hbm, stv)
        for k in range(nblk):
            pltpu.sync_copy(stv.at[pl.ds(0, blk)],
                            shared.at[pl.ds(sid * rpt + k * _K, blk)])
        plsc.subcore_barrier()

        @pl.loop(0, C)
        def _(c):
            pltpu.sync_copy(onesv, shared.at[iv.at[c]], add=True)

        plsc.subcore_barrier()
        for k in range(nblk):
            sl = pl.ds(sid * rpt + k * _K, blk)
            pltpu.sync_copy(shared.at[sl], stv.at[pl.ds(0, blk)])
            pltpu.sync_copy(stv.at[pl.ds(0, blk)], out_hbm.at[cid, sl])

    return count_kernel


def _build_msg():
    rpt = _NP // _NT
    nblk = rpt // _K
    sl = 40

    def _plan(c):
        return [(o, min(sl, c - o)) for o in range(0, c, sl)]

    @functools.partial(
        pl.kernel, mesh=_sc_mesh(),
        out_type=jax.ShapeDtypeStruct((_NSC, _NP, _D), _F32),
        scratch_types=[
            pltpu.VMEM((sl, _K), jnp.int32),
            pltpu.VMEM((sl, _K), jnp.int32),
            pltpu.VMEM((_K, _D), _F32),
            pltpu.VMEM((_K, _D), _F32),
            pltpu.VMEM_SHARED((_NP, _D), _F32),
            pltpu.SemaphoreType.DMA,
            pltpu.SemaphoreType.DMA,
        ],
    )
    def msg_kernel(h_hbm, src_hbm, dst_hbm, zeros_hbm, out_hbm,
                   sv, dv, rows0, rows1, shared, gsem0, gsem1):
        cid = lax.axis_index("c")
        sid = lax.axis_index("s")
        pltpu.sync_copy(zeros_hbm, rows0)
        for k in range(nblk):
            pltpu.sync_copy(rows0, shared.at[pl.ds(sid * rpt + k * _K, _K)])
        plsc.subcore_barrier()

        def run(base, c):
            for off, cnt in _plan(c):
                pltpu.sync_copy(src_hbm.at[pl.ds(base + off, cnt)],
                                sv.at[pl.ds(0, cnt)])
                pltpu.sync_copy(dst_hbm.at[pl.ds(base + off, cnt)],
                                dv.at[pl.ds(0, cnt)])

                @pl.loop(0, cnt // 2)
                def _(i):
                    a = 2 * i
                    b = a + 1
                    ga = pltpu.async_copy(h_hbm.at[sv.at[a]], rows0, gsem0)
                    gb = pltpu.async_copy(h_hbm.at[sv.at[b]], rows1, gsem1)
                    ga.wait()
                    pltpu.sync_copy(rows0, shared.at[dv.at[a]], add=True)
                    gb.wait()
                    pltpu.sync_copy(rows1, shared.at[dv.at[b]], add=True)

        @pl.when(cid == 0)
        def _():
            run(sid * _C0, _C0)

        @pl.when(cid == 1)
        def _():
            run(_NT * _C0 + sid * _C1, _C1)

        plsc.subcore_barrier()
        for k in range(nblk):
            slc = pl.ds(sid * rpt + k * _K, _K)
            pltpu.sync_copy(shared.at[slc], rows0)
            pltpu.sync_copy(rows0, out_hbm.at[cid, slc])

    return msg_kernel


def _build_pool():
    rpt = _PT // _NT

    @functools.partial(
        pl.kernel, mesh=_sc_mesh(),
        out_type=(jax.ShapeDtypeStruct((_NSC, _PT, _D), _F32),
                  jax.ShapeDtypeStruct((_NSC, _PT, _D), _F32)),
        scratch_types=[
            pltpu.VMEM((1, _KP), jnp.int32),
            pltpu.VMEM((_KP, _D), _F32),
            pltpu.VMEM((_KP, _D), _F32),
            pltpu.VMEM_SHARED((_PT, _D), _F32),
            pltpu.VMEM_SHARED((_PT, _D), _F32),
        ],
    )
    def pool_kernel(h_hbm, b_hbm, z128_hbm, o128_hbm,
                    pool_hbm, cnt_hbm, iv, rows, onesv, shp, shc):
        cid = lax.axis_index("c")
        sid = lax.axis_index("s")
        wid = cid * _NT + sid
        pltpu.sync_copy(z128_hbm.at[pl.ds(0, _KP)], rows)
        pltpu.sync_copy(rows.at[pl.ds(0, rpt)], shp.at[pl.ds(sid * rpt, rpt)])
        pltpu.sync_copy(rows.at[pl.ds(0, rpt)], shc.at[pl.ds(sid * rpt, rpt)])
        pltpu.sync_copy(o128_hbm.at[pl.ds(0, _KP)], onesv)
        plsc.subcore_barrier()

        @pl.loop(0, _CPOOL)
        def _(c):
            pltpu.sync_copy(b_hbm.at[wid, c], iv.at[0])
            pltpu.sync_copy(h_hbm.at[pl.ds(wid * (_NP // _NW) + c * _KP, _KP)], rows)
            pltpu.sync_copy(rows, shp.at[iv.at[0]], add=True)
            pltpu.sync_copy(onesv, shc.at[iv.at[0]], add=True)

        plsc.subcore_barrier()
        sl = pl.ds(sid * rpt, rpt)
        pltpu.sync_copy(shp.at[sl], rows.at[pl.ds(0, rpt)])
        pltpu.sync_copy(rows.at[pl.ds(0, rpt)], pool_hbm.at[cid, sl])
        pltpu.sync_copy(shc.at[sl], onesv.at[pl.ds(0, rpt)])
        pltpu.sync_copy(onesv.at[pl.ds(0, rpt)], cnt_hbm.at[cid, sl])

    return pool_kernel


@functools.lru_cache(maxsize=None)
def _sc_count():
    return _build_count(_NP, _CMSG)


@functools.lru_cache(maxsize=None)
def _sc_msg():
    return _build_msg()


@functools.lru_cache(maxsize=None)
def _sc_pool():
    return _build_pool()



def _dis_of(degp):
    return lax.rsqrt(degp[0, :, 0:1] + degp[1, :, 0:1] + 1.0)


def _tc_a_body(x_ref, degp_ref, w_ref, o_ref):
    dis = _dis_of(degp_ref[...])
    h = jnp.dot(x_ref[...], w_ref[...], precision=lax.Precision.HIGHEST)
    o_ref[...] = h * dis


def _tc_b_body(s_ref, hs_ref, degp_ref, b_ref, w_ref, o_ref):
    dis = _dis_of(degp_ref[...])
    t = (s_ref[0] + s_ref[1] + hs_ref[...]) * dis + b_ref[...]
    t = jnp.maximum(t, 0.0)
    o_ref[...] = jnp.dot(t, w_ref[...], precision=lax.Precision.HIGHEST) * dis


def _tc_c_body(s_ref, hs_ref, degp_ref, b_ref, o_ref):
    dis = _dis_of(degp_ref[...])
    t = (s_ref[0] + s_ref[1] + hs_ref[...]) * dis + b_ref[...]
    o_ref[...] = jnp.maximum(t, 0.0)


def _tc_d_body(pool_ref, cnt_ref, wl_ref, bl_ref, o_ref):
    pooled = pool_ref[0] + pool_ref[1]
    counts = cnt_ref[0, :, 0:1] + cnt_ref[1, :, 0:1]
    pooled = pooled / jnp.maximum(counts, 1.0)
    s = jnp.sum(pooled * wl_ref[...], axis=1, keepdims=True) + bl_ref[...]
    o_ref[...] = jax.nn.sigmoid(s)


_ROW = pl.BlockSpec((_RB, _D), lambda i: (i, 0))
_DEGB = pl.BlockSpec((_NSC, _RB, _D), lambda i: (0, i, 0))
_SROW = pl.BlockSpec((_NSC, _RB, _D), lambda i: (0, i, 0))
_WFULL = pl.BlockSpec((_D, _D), lambda i: (0, 0))
_BROW = pl.BlockSpec((1, _D), lambda i: (0, 0))

_TC_A = pl.pallas_call(
    _tc_a_body, grid=(_NBLK,),
    in_specs=[_ROW, _DEGB, _WFULL], out_specs=_ROW,
    out_shape=jax.ShapeDtypeStruct((_NP, _D), _F32))

_TC_B = pl.pallas_call(
    _tc_b_body, grid=(_NBLK,),
    in_specs=[_SROW, _ROW, _DEGB, _BROW, _WFULL], out_specs=_ROW,
    out_shape=jax.ShapeDtypeStruct((_NP, _D), _F32))

_TC_C = pl.pallas_call(
    _tc_c_body, grid=(_NBLK,),
    in_specs=[_SROW, _ROW, _DEGB, _BROW], out_specs=_ROW,
    out_shape=jax.ShapeDtypeStruct((_NP, _D), _F32))

_TC_D = pl.pallas_call(
    _tc_d_body,
    out_shape=jax.ShapeDtypeStruct((_PT, 1), _F32))


def kernel(x, edge_index, batch, W1, b1, W2, b2, Wlin, blin):
    src = edge_index[0]
    dst = edge_index[1]
    pad_e = _EP - _E
    srcp = jnp.concatenate(
        [src, jnp.zeros((pad_e,), jnp.int32)]).reshape(_NCHUNK, _K)
    dstp = jnp.concatenate(
        [dst, jnp.full((pad_e,), _DUMMY, jnp.int32)]).reshape(_NCHUNK, _K)
    xp = jnp.zeros((_NP, _D), _F32).at[:_N].set(x)
    batchp = jnp.concatenate(
        [batch, jnp.full((_NP - _N,), _PDUMMY, jnp.int32)]
    ).reshape(_NW, _CPOOL, _KP)
    z128 = jnp.zeros((_K, _D), _F32)
    o128 = jnp.ones((_K, _D), _F32)
    b1r = b1.reshape(1, _D)
    b2r = b2.reshape(1, _D)
    wlr = Wlin.reshape(1, _D)
    blr = blin.reshape(1, 1)

    degp = _sc_count()(dstp, o128, z128)
    hs1 = _TC_A(xp, degp, W1)
    s1p = _sc_msg()(hs1, srcp, dstp, z128)
    hs2 = _TC_B(s1p, hs1, degp, b1r, W2)
    s2p = _sc_msg()(hs2, srcp, dstp, z128)
    h3 = _TC_C(s2p, hs2, degp, b2r)
    poolp, cntp = _sc_pool()(h3, batchp, z128, o128)
    outg = _TC_D(poolp, cntp, wlr, blr)
    return outg[:_G, 0]

# --- scband reference (transcript-rebuilt; emitter-appended) ---
"""Pipeline reference for scband-gcn-26594437497094 (READ-ONLY COPY).

The authoritative reference and input builder live on the scoring server;
editing this copy changes nothing except your own understanding.
"""

import jax, jax.numpy as jnp
import numpy as np

N = 10000
E = 320000
D = 128
H = 128
OUT = 1
G = 128  # number of graphs in the batch


def setup_inputs(seed: int = 0) -> dict:
    key = jax.random.key(seed)
    ks = jax.random.split(key, 10)
    x = jax.random.normal(ks[0], (N, D), dtype=jnp.float32)
    edge_index = jax.random.randint(ks[1], (2, E), 0, N, dtype=jnp.int32)
    batch = jnp.sort(jax.random.randint(ks[2], (N,), 0, G, dtype=jnp.int32))
    W1 = jax.random.normal(ks[3], (D, H), dtype=jnp.float32) * (1.0 / np.sqrt(D))
    b1 = jnp.zeros((H,), dtype=jnp.float32)
    W2 = jax.random.normal(ks[4], (H, H), dtype=jnp.float32) * (1.0 / np.sqrt(H))
    b2 = jnp.zeros((H,), dtype=jnp.float32)
    Wlin = jax.random.normal(ks[5], (H, OUT), dtype=jnp.float32) * (1.0 / np.sqrt(H))
    blin = jnp.zeros((OUT,), dtype=jnp.float32)
    return {"x": x, "edge_index": edge_index, "batch": batch,
            "W1": W1, "b1": b1, "W2": W2, "b2": b2, "Wlin": Wlin, "blin": blin}


def _gcn_conv(x, src, dst, deg_inv_sqrt_src, deg_inv_sqrt_dst, W, b):
    # x' = D^-1/2 (A + I) D^-1/2 X W + b   (PyG GCNConv semantics, self-loops pre-appended)
    h = x @ W
    norm = deg_inv_sqrt_src * deg_inv_sqrt_dst
    msg = h[src] * norm[:, None]
    out = jnp.zeros((x.shape[0], W.shape[1]), dtype=x.dtype).at[dst].add(msg)
    return out + b


def reference(x, edge_index, batch, W1, b1, W2, b2, Wlin, blin):
    n = x.shape[0]
    loops = jnp.arange(n, dtype=edge_index.dtype)
    src = jnp.concatenate([edge_index[0], loops])
    dst = jnp.concatenate([edge_index[1], loops])
    # symmetric normalization degrees (computed on dst, matches PyG gcn_norm)
    deg = jnp.zeros((n,), dtype=x.dtype).at[dst].add(1.0)
    dis = jnp.where(deg > 0, deg ** -0.5, 0.0)
    dis_src = dis[src]
    dis_dst = dis[dst]

    h = _gcn_conv(x, src, dst, dis_src, dis_dst, W1, b1)
    h = jax.nn.relu(h)
    h = _gcn_conv(h, src, dst, dis_src, dis_dst, W2, b2)
    h = jax.nn.relu(h)

    # global_mean_pool over graph segment ids
    sums = jax.ops.segment_sum(h, batch, num_segments=G)
    counts = jax.ops.segment_sum(jnp.ones((n,), dtype=x.dtype), batch, num_segments=G)
    pooled = sums / jnp.clip(counts, 1.0)[:, None]

    out = pooled @ Wlin + blin
    out = jax.nn.sigmoid(out)
    out = jnp.squeeze(out, axis=1)
    return out

if __name__ == "__main__":
    import jax
    _d = setup_inputs()
    print(jax.jit(kernel)(*tuple(_d.values())))

</pallas_src>

<mosaic_0001>
#map = affine_map<(d0, d1) -> (0, 0)>
#map1 = affine_map<(d0, d1) -> (0, 0, 0)>
module attributes {stable_mosaic.version = 14 : i64} {
  func.func @msg_kernel(%arg0: i32, %arg1: i32, %arg2: memref<10240x128xf32, #tpu.memory_space<hbm>>, %arg3: memref<2560x128xi32, #tpu.memory_space<hbm>>, %arg4: memref<2560x128xi32, #tpu.memory_space<hbm>>, %arg5: memref<128x128xf32, #tpu.memory_space<hbm>>, %arg6: memref<2x10240x128xf32, #tpu.memory_space<hbm>>, %arg7: memref<40x128xi32, #tpu.memory_space<vmem>>, %arg8: memref<40x128xi32, #tpu.memory_space<vmem>>, %arg9: memref<128x128xf32, #tpu.memory_space<vmem>>, %arg10: memref<128x128xf32, #tpu.memory_space<vmem>>, %arg11: memref<10240x128xf32, #tpu.memory_space<vmem_shared>>, %arg12: memref<!tpu.dma_semaphore, #tpu.memory_space<semaphore_mem>>, %arg13: memref<!tpu.dma_semaphore, #tpu.memory_space<semaphore_mem>>) attributes {dimension_semantics = [#tpu.dimension_semantics<core_parallel>, #tpu.dimension_semantics<subcore_parallel>], iteration_bounds = array<i64: 2, 16>, scalar_prefetch = 0 : i64, scratch_operands = 7 : i64, tpu.core_type = #tpu.core_type<sc_vector_subcore>, window_params = [{transform_indices = #map}, {transform_indices = #map}, {transform_indices = #map}, {transform_indices = #map}, {transform_indices = #map1}]} {
    "tpu.region"() ({
      %run_scoped3A = tpu.sem_alloc : memref<!tpu.dma_semaphore, #tpu.memory_space<semaphore_mem>>
      tpu.enqueue_dma source(%arg5 : memref<128x128xf32, #tpu.memory_space<hbm>>) target(%arg9 : memref<128x128xf32, #tpu.memory_space<vmem>>) target_semaphore(%run_scoped3A : memref<!tpu.dma_semaphore, #tpu.memory_space<semaphore_mem>>)
      tpu.wait_dma2 semaphore(%run_scoped3A : memref<!tpu.dma_semaphore, #tpu.memory_space<semaphore_mem>>) src(%arg5 : memref<128x128xf32, #tpu.memory_space<hbm>>) dst(%arg9 : memref<128x128xf32, #tpu.memory_space<vmem>>)
      tpu.yield
    }) : () -> ()
    %mul3A = arith.constant 640 : i32
    %mul3A_0 = arith.muli %arg1, %mul3A : i32
    %add3A = arith.constant 0 : i32
    %add3A_1 = arith.addi %mul3A_0, %add3A : i32
    "tpu.region"() ({
      %run_scoped3A = tpu.sem_alloc : memref<!tpu.dma_semaphore, #tpu.memory_space<semaphore_mem>>
      %dma_start3A = arith.constant 0 : i32
      %dma_start3A_46 = tpu.memref_slice %arg11[%add3A_1, %dma_start3A] : memref<10240x128xf32, #tpu.memory_space<vmem_shared>> -> memref<128x128xf32, #tpu.memory_space<vmem_shared>>
      %dma_start3A_47 = arith.constant 0 : i32
      %dma_start3A_48 = tpu.memref_slice %arg11[%add3A_1, %dma_start3A_47] : memref<10240x128xf32, #tpu.memory_space<vmem_shared>> -> memref<128x128xf32, #tpu.memory_space<vmem_shared>>
      tpu.enqueue_dma source(%arg9 : memref<128x128xf32, #tpu.memory_space<vmem>>) target(%dma_start3A_48 : memref<128x128xf32, #tpu.memory_space<vmem_shared>>) target_semaphore(%run_scoped3A : memref<!tpu.dma_semaphore, #tpu.memory_space<semaphore_mem>>)
      %dma_wait3A = arith.constant 0 : i32
      %dma_wait3A_49 = tpu.memref_slice %arg11[%add3A_1, %dma_wait3A] : memref<10240x128xf32, #tpu.memory_space<vmem_shared>> -> memref<128x128xf32, #tpu.memory_space<vmem_shared>>
      %dma_wait3A_50 = arith.constant 0 : i32
      %dma_wait3A_51 = tpu.memref_slice %arg11[%add3A_1, %dma_wait3A_50] : memref<10240x128xf32, #tpu.memory_space<vmem_shared>> -> memref<128x128xf32, #tpu.memory_space<vmem_shared>>
      tpu.wait_dma2 semaphore(%run_scoped3A : memref<!tpu.dma_semaphore, #tpu.memory_space<semaphore_mem>>) src(%arg9 : memref<128x128xf32, #tpu.memory_space<vmem>>) dst(%dma_wait3A_51 : memref<128x128xf32, #tpu.memory_space<vmem_shared>>)
      tpu.yield
    }) : () -> ()
    %mul3A_2 = arith.constant 640 : i32
    %mul3A_3 = arith.muli %arg1, %mul3A_2 : i32
    %add3A_4 = arith.constant 128 : i32
    %add3A_5 = arith.addi %mul3A_3, %add3A_4 : i32
    "tpu.region"() ({
      %run_scoped3A = tpu.sem_alloc : memref<!tpu.dma_semaphore, #tpu.memory_space<semaphore_mem>>
      %dma_start3A = arith.constant 0 : i32
      %dma_start3A_46 = tpu.memref_slice %arg11[%add3A_5, %dma_start3A] : memref<10240x128xf32, #tpu.memory_space<vmem_shared>> -> memref<128x128xf32, #tpu.memory_space<vmem_shared>>
      %dma_start3A_47 = arith.constant 0 : i32
      %dma_start3A_48 = tpu.memref_slice %arg11[%add3A_5, %dma_start3A_47] : memref<10240x128xf32, #tpu.memory_space<vmem_shared>> -> memref<128x128xf32, #tpu.memory_space<vmem_shared>>
      tpu.enqueue_dma source(%arg9 : memref<128x128xf32, #tpu.memory_space<vmem>>) target(%dma_start3A_48 : memref<128x128xf32, #tpu.memory_space<vmem_shared>>) target_semaphore(%run_scoped3A : memref<!tpu.dma_semaphore, #tpu.memory_space<semaphore_mem>>)
      %dma_wait3A = arith.constant 0 : i32
      %dma_wait3A_49 = tpu.memref_slice %arg11[%add3A_5, %dma_wait3A] : memref<10240x128xf32, #tpu.memory_space<vmem_shared>> -> memref<128x128xf32, #tpu.memory_space<vmem_shared>>
      %dma_wait3A_50 = arith.constant 0 : i32
      %dma_wait3A_51 = tpu.memref_slice %arg11[%add3A_5, %dma_wait3A_50] : memref<10240x128xf32, #tpu.memory_space<vmem_shared>> -> memref<128x128xf32, #tpu.memory_space<vmem_shared>>
      tpu.wait_dma2 semaphore(%run_scoped3A : memref<!tpu.dma_semaphore, #tpu.memory_space<semaphore_mem>>) src(%arg9 : memref<128x128xf32, #tpu.memory_space<vmem>>) dst(%dma_wait3A_51 : memref<128x128xf32, #tpu.memory_space<vmem_shared>>)
      tpu.yield
    }) : () -> ()
    %mul3A_6 = arith.constant 640 : i32
    %mul3A_7 = arith.muli %arg1, %mul3A_6 : i32
    %add3A_8 = arith.constant 256 : i32
    %add3A_9 = arith.addi %mul3A_7, %add3A_8 : i32
    "tpu.region"() ({
      %run_scoped3A = tpu.sem_alloc : memref<!tpu.dma_semaphore, #tpu.memory_space<semaphore_mem>>
      %dma_start3A = arith.constant 0 : i32
      %dma_start3A_46 = tpu.memref_slice %arg11[%add3A_9, %dma_start3A] : memref<10240x128xf32, #tpu.memory_space<vmem_shared>> -> memref<128x128xf32, #tpu.memory_space<vmem_shared>>
      %dma_start3A_47 = arith.constant 0 : i32
      %dma_start3A_48 = tpu.memref_slice %arg11[%add3A_9, %dma_start3A_47] : memref<10240x128xf32, #tpu.memory_space<vmem_shared>> -> memref<128x128xf32, #tpu.memory_space<vmem_shared>>
      tpu.enqueue_dma source(%arg9 : memref<128x128xf32, #tpu.memory_space<vmem>>) target(%dma_start3A_48 : memref<128x128xf32, #tpu.memory_space<vmem_shared>>) target_semaphore(%run_scoped3A : memref<!tpu.dma_semaphore, #tpu.memory_space<semaphore_mem>>)
      %dma_wait3A = arith.constant 0 : i32
      %dma_wait3A_49 = tpu.memref_slice %arg11[%add3A_9, %dma_wait3A] : memref<10240x128xf32, #tpu.memory_space<vmem_shared>> -> memref<128x128xf32, #tpu.memory_space<vmem_shared>>
      %dma_wait3A_50 = arith.constant 0 : i32
      %dma_wait3A_51 = tpu.memref_slice %arg11[%add3A_9, %dma_wait3A_50] : memref<10240x128xf32, #tpu.memory_space<vmem_shared>> -> memref<128x128xf32, #tpu.memory_space<vmem_shared>>
      tpu.wait_dma2 semaphore(%run_scoped3A : memref<!tpu.dma_semaphore, #tpu.memory_space<semaphore_mem>>) src(%arg9 : memref<128x128xf32, #tpu.memory_space<vmem>>) dst(%dma_wait3A_51 : memref<128x128xf32, #tpu.memory_space<vmem_shared>>)
      tpu.yield
    }) : () -> ()
    %mul3A_10 = arith.constant 640 : i32
    %mul3A_11 = arith.muli %arg1, %mul3A_10 : i32
    %add3A_12 = arith.constant 384 : i32
    %add3A_13 = arith.addi %mul3A_11, %add3A_12 : i32
    "tpu.region"() ({
      %run_scoped3A = tpu.sem_alloc : memref<!tpu.dma_semaphore, #tpu.memory_space<semaphore_mem>>
      %dma_start3A = arith.constant 0 : i32
      %dma_start3A_46 = tpu.memref_slice %arg11[%add3A_13, %dma_start3A] : memref<10240x128xf32, #tpu.memory_space<vmem_shared>> -> memref<128x128xf32, #tpu.memory_space<vmem_shared>>
      %dma_start3A_47 = arith.constant 0 : i32
      %dma_start3A_48 = tpu.memref_slice %arg11[%add3A_13, %dma_start3A_47] : memref<10240x128xf32, #tpu.memory_space<vmem_shared>> -> memref<128x128xf32, #tpu.memory_space<vmem_shared>>
      tpu.enqueue_dma source(%arg9 : memref<128x128xf32, #tpu.memory_space<vmem>>) target(%dma_start3A_48 : memref<128x128xf32, #tpu.memory_space<vmem_shared>>) target_semaphore(%run_scoped3A : memref<!tpu.dma_semaphore, #tpu.memory_space<semaphore_mem>>)
      %dma_wait3A = arith.constant 0 : i32
      %dma_wait3A_49 = tpu.memref_slice %arg11[%add3A_13, %dma_wait3A] : memref<10240x128xf32, #tpu.memory_space<vmem_shared>> -> memref<128x128xf32, #tpu.memory_space<vmem_shared>>
      %dma_wait3A_50 = arith.constant 0 : i32
      %dma_wait3A_51 = tpu.memref_slice %arg11[%add3A_13, %dma_wait3A_50] : memref<10240x128xf32, #tpu.memory_space<vmem_shared>> -> memref<128x128xf32, #tpu.memory_space<vmem_shared>>
      tpu.wait_dma2 semaphore(%run_scoped3A : memref<!tpu.dma_semaphore, #tpu.memory_space<semaphore_mem>>) src(%arg9 : memref<128x128xf32, #tpu.memory_space<vmem>>) dst(%dma_wait3A_51 : memref<128x128xf32, #tpu.memory_space<vmem_shared>>)
      tpu.yield
    }) : () -> ()
    %mul3A_14 = arith.constant 640 : i32
    %mul3A_15 = arith.muli %arg1, %mul3A_14 : i32
    %add3A_16 = arith.constant 512 : i32
    %add3A_17 = arith.addi %mul3A_15, %add3A_16 : i32
    "tpu.region"() ({
      %run_scoped3A = tpu.sem_alloc : memref<!tpu.dma_semaphore, #tpu.memory_space<semaphore_mem>>
      %dma_start3A = arith.constant 0 : i32
      %dma_start3A_46 = tpu.memref_slice %arg11[%add3A_17, %dma_start3A] : memref<10240x128xf32, #tpu.memory_space<vmem_shared>> -> memref<128x128xf32, #tpu.memory_space<vmem_shared>>
      %dma_start3A_47 = arith.constant 0 : i32
      %dma_start3A_48 = tpu.memref_slice %arg11[%add3A_17, %dma_start3A_47] : memref<10240x128xf32, #tpu.memory_space<vmem_shared>> -> memref<128x128xf32, #tpu.memory_space<vmem_shared>>
      tpu.enqueue_dma source(%arg9 : memref<128x128xf32, #tpu.memory_space<vmem>>) target(%dma_start3A_48 : memref<128x128xf32, #tpu.memory_space<vmem_shared>>) target_semaphore(%run_scoped3A : memref<!tpu.dma_semaphore, #tpu.memory_space<semaphore_mem>>)
      %dma_wait3A = arith.constant 0 : i32
      %dma_wait3A_49 = tpu.memref_slice %arg11[%add3A_17, %dma_wait3A] : memref<10240x128xf32, #tpu.memory_space<vmem_shared>> -> memref<128x128xf32, #tpu.memory_space<vmem_shared>>
      %dma_wait3A_50 = arith.constant 0 : i32
      %dma_wait3A_51 = tpu.memref_slice %arg11[%add3A_17, %dma_wait3A_50] : memref<10240x128xf32, #tpu.memory_space<vmem_shared>> -> memref<128x128xf32, #tpu.memory_space<vmem_shared>>
      tpu.wait_dma2 semaphore(%run_scoped3A : memref<!tpu.dma_semaphore, #tpu.memory_space<semaphore_mem>>) src(%arg9 : memref<128x128xf32, #tpu.memory_space<vmem>>) dst(%dma_wait3A_51 : memref<128x128xf32, #tpu.memory_space<vmem_shared>>)
      tpu.yield
    }) : () -> ()
    %barrier3A = arith.constant 0 : index
    tpu.barrier barrier_id(%barrier3A)
    %eq3A = arith.constant 0 : i32
    %eq3A_18 = arith.cmpi eq, %arg0, %eq3A : i32
    %convert_element_type3A = arith.extui %eq3A_18 : i1 to i32
    %cond3A = arith.constant 0 : i32
    %cond3A_19 = arith.cmpi ne, %convert_element_type3A, %cond3A : i32
    scf.if %cond3A_19 {
      %mul3A_46 = arith.constant 144 : i32
      %mul3A_47 = arith.muli %arg1, %mul3A_46 : i32
      %add3A_48 = arith.constant 0 : i32
      %add3A_49 = arith.addi %mul3A_47, %add3A_48 : i32
      "tpu.region"() ({
        %run_scoped3A = tpu.sem_alloc : memref<!tpu.dma_semaphore, #tpu.memory_space<semaphore_mem>>
        %dma_start3A = arith.constant 0 : i32
        %dma_start3A_83 = arith.constant 0 : i32
        %dma_start3A_84 = tpu.memref_slice %arg7[%dma_start3A, %dma_start3A_83] : memref<40x128xi32, #tpu.memory_space<vmem>> -> memref<40x128xi32, #tpu.memory_space<vmem>>
        %dma_start3A_85 = arith.constant 0 : i32
        %dma_start3A_86 = tpu.memref_slice %arg3[%add3A_49, %dma_start3A_85] : memref<2560x128xi32, #tpu.memory_space<hbm>> -> memref<40x128xi32, #tpu.memory_space<hbm>>
        %dma_start3A_87 = arith.constant 0 : i32
        %dma_start3A_88 = arith.constant 0 : i32
        %dma_start3A_89 = tpu.memref_slice %arg7[%dma_start3A_87, %dma_start3A_88] : memref<40x128xi32, #tpu.memory_space<vmem>> -> memref<40x128xi32, #tpu.memory_space<vmem>>
        %dma_start3A_90 = arith.constant 0 : i32
        %dma_start3A_91 = tpu.memref_slice %arg3[%add3A_49, %dma_start3A_90] : memref<2560x128xi32, #tpu.memory_space<hbm>> -> memref<40x128xi32, #tpu.memory_space<hbm>>
        tpu.enqueue_dma source(%dma_start3A_91 : memref<40x128xi32, #tpu.memory_space<hbm>>) target(%dma_start3A_89 : memref<40x128xi32, #tpu.memory_space<vmem>>) target_semaphore(%run_scoped3A : memref<!tpu.dma_semaphore, #tpu.memory_space<semaphore_mem>>)
        %dma_wait3A = arith.constant 0 : i32
        %dma_wait3A_92 = arith.constant 0 : i32
        %dma_wait3A_93 = tpu.memref_slice %arg7[%dma_wait3A, %dma_wait3A_92] : memref<40x128xi32, #tpu.memory_space<vmem>> -> memref<40x128xi32, #tpu.memory_space<vmem>>
        %dma_wait3A_94 = arith.constant 0 : i32
        %dma_wait3A_95 = tpu.memref_slice %arg3[%add3A_49, %dma_wait3A_94] : memref<2560x128xi32, #tpu.memory_space<hbm>> -> memref<40x128xi32, #tpu.memory_space<hbm>>
        %dma_wait3A_96 = arith.constant 0 : i32
        %dma_wait3A_97 = arith.constant 0 : i32
        %dma_wait3A_98 = tpu.memref_slice %arg7[%dma_wait3A_96, %dma_wait3A_97] : memref<40x128xi32, #tpu.memory_space<vmem>> -> memref<40x128xi32, #tpu.memory_space<vmem>>
        %dma_wait3A_99 = arith.constant 0 : i32
        %dma_wait3A_100 = tpu.memref_slice %arg3[%add3A_49, %dma_wait3A_99] : memref<2560x128xi32, #tpu.memory_space<hbm>> -> memref<40x128xi32, #tpu.memory_space<hbm>>
        tpu.wait_dma2 semaphore(%run_scoped3A : memref<!tpu.dma_semaphore, #tpu.memory_space<semaphore_mem>>) src(%dma_wait3A_100 : memref<40x128xi32, #tpu.memory_space<hbm>>) dst(%dma_wait3A_98 : memref<40x128xi32, #tpu.memory_space<vmem>>)
        tpu.yield
      }) : () -> ()
      %add3A_50 = arith.constant 0 : i32
      %add3A_51 = arith.addi %mul3A_47, %add3A_50 : i32
      "tpu.region"() ({
        %run_scoped3A = tpu.sem_alloc : memref<!tpu.dma_semaphore, #tpu.memory_space<semaphore_mem>>
        %dma_start3A = arith.constant 0 : i32
        %dma_start3A_83 = arith.constant 0 : i32
        %dma_start3A_84 = tpu.memref_slice %arg8[%dma_start3A, %dma_start3A_83] : memref<40x128xi32, #tpu.memory_space<vmem>> -> memref<40x128xi32, #tpu.memory_space<vmem>>
        %dma_start3A_85 = arith.constant 0 : i32
        %dma_start3A_86 = tpu.memref_slice %arg4[%add3A_51, %dma_start3A_85] : memref<2560x128xi32, #tpu.memory_space<hbm>> -> memref<40x128xi32, #tpu.memory_space<hbm>>
        %dma_start3A_87 = arith.constant 0 : i32
        %dma_start3A_88 = arith.constant 0 : i32
        %dma_start3A_89 = tpu.memref_slice %arg8[%dma_start3A_87, %dma_start3A_88] : memref<40x128xi32, #tpu.memory_space<vmem>> -> memref<40x128xi32, #tpu.memory_space<vmem>>
        %dma_start3A_90 = arith.constant 0 : i32
        %dma_start3A_91 = tpu.memref_slice %arg4[%add3A_51, %dma_start3A_90] : memref<2560x128xi32, #tpu.memory_space<hbm>> -> memref<40x128xi32, #tpu.memory_space<hbm>>
        tpu.enqueue_dma source(%dma_start3A_91 : memref<40x128xi32, #tpu.memory_space<hbm>>) target(%dma_start3A_89 : memref<40x128xi32, #tpu.memory_space<vmem>>) target_semaphore(%run_scoped3A : memref<!tpu.dma_semaphore, #tpu.memory_space<semaphore_mem>>)
        %dma_wait3A = arith.constant 0 : i32
        %dma_wait3A_92 = arith.constant 0 : i32
        %dma_wait3A_93 = tpu.memref_slice %arg8[%dma_wait3A, %dma_wait3A_92] : memref<40x128xi32, #tpu.memory_space<vmem>> -> memref<40x128xi32, #tpu.memory_space<vmem>>
        %dma_wait3A_94 = arith.constant 0 : i32
        %dma_wait3A_95 = tpu.memref_slice %arg4[%add3A_51, %dma_wait3A_94] : memref<2560x128xi32, #tpu.memory_space<hbm>> -> memref<40x128xi32, #tpu.memory_space<hbm>>
        %dma_wait3A_96 = arith.constant 0 : i32
        %dma_wait3A_97 = arith.constant 0 : i32
        %dma_wait3A_98 = tpu.memref_slice %arg8[%dma_wait3A_96, %dma_wait3A_97] : memref<40x128xi32, #tpu.memory_space<vmem>> -> memref<40x128xi32, #tpu.memory_space<vmem>>
        %dma_wait3A_99 = arith.constant 0 : i32
        %dma_wait3A_100 = tpu.memref_slice %arg4[%add3A_51, %dma_wait3A_99] : memref<2560x128xi32, #tpu.memory_space<hbm>> -> memref<40x128xi32, #tpu.memory_space<hbm>>
        tpu.wait_dma2 semaphore(%run_scoped3A : memref<!tpu.dma_semaphore, #tpu.memory_space<semaphore_mem>>) src(%dma_wait3A_100 : memref<40x128xi32, #tpu.memory_space<hbm>>) dst(%dma_wait3A_98 : memref<40x128xi32, #tpu.memory_space<vmem>>)
        tpu.yield
      }) : () -> ()
      %scan3A = arith.constant 0 : i32
      %scan3A_52 = arith.constant 20 : i32
      %scan3A_53 = arith.addi %scan3A, %scan3A_52 : i32
      %scan3A_54 = arith.constant 1 : i32
      scf.for %scan3A_83 = %scan3A to %scan3A_53 step %scan3A_54  : i32 {
        %mul3A_84 = arith.constant 1 : i32
        %mul3A_85 = arith.muli %scan3A_83, %mul3A_84 : i32
        %add3A_86 = arith.constant 0 : i32
        %add3A_87 = arith.addi %add3A_86, %mul3A_85 : i32
        %mul3A_88 = arith.constant 2 : i32
        %mul3A_89 = arith.muli %mul3A_88, %add3A_87 : i32
        %add3A_90 = arith.constant 1 : i32
        %add3A_91 = arith.addi %mul3A_89, %add3A_90 : i32
        %dma_start3A = arith.constant 0 : i32
        %dma_start3A_92 = tpu.memref_slice %arg7[%mul3A_89, %dma_start3A] : memref<40x128xi32, #tpu.memory_space<vmem>> -> memref<1x128xi32, #tpu.memory_space<vmem>>
        %dma_start3A_93 = tpu.memref_squeeze %dma_start3A_92 : memref<1x128xi32, #tpu.memory_space<vmem>> -> memref<128xi32, #tpu.memory_space<vmem>>
        %dma_start3A_94 = arith.constant 0 : i32
        %dma_start3A_95 = arith.constant 0 : i32
        %dma_start3A_96 = tpu.memref_slice %arg2[%dma_start3A_94, %dma_start3A_95] : memref<10240x128xf32, #tpu.memory_space<hbm>> -> memref<10240x128xf32, #tpu.memory_space<hbm>>
        tpu.enqueue_indirect_dma source(%dma_start3A_96 : memref<10240x128xf32, #tpu.memory_space<hbm>>) target(%arg9 : memref<128x128xf32, #tpu.memory_space<vmem>>) offsets(%dma_start3A_93 : memref<128xi32, #tpu.memory_space<vmem>>) semaphore(%arg12 : memref<!tpu.dma_semaphore, #tpu.memory_space<semaphore_mem>>)
        %dma_start3A_97 = arith.constant 0 : i32
        %dma_start3A_98 = tpu.memref_slice %arg7[%add3A_91, %dma_start3A_97] : memref<40x128xi32, #tpu.memory_space<vmem>> -> memref<1x128xi32, #tpu.memory_space<vmem>>
        %dma_start3A_99 = tpu.memref_squeeze %dma_start3A_98 : memref<1x128xi32, #tpu.memory_space<vmem>> -> memref<128xi32, #tpu.memory_space<vmem>>
        %dma_start3A_100 = arith.constant 0 : i32
        %dma_start3A_101 = arith.constant 0 : i32
        %dma_start3A_102 = tpu.memref_slice %arg2[%dma_start3A_100, %dma_start3A_101] : memref<10240x128xf32, #tpu.memory_space<hbm>> -> memref<10240x128xf32, #tpu.memory_space<hbm>>
        tpu.enqueue_indirect_dma source(%dma_start3A_102 : memref<10240x128xf32, #tpu.memory_space<hbm>>) target(%arg10 : memref<128x128xf32, #tpu.memory_space<vmem>>) offsets(%dma_start3A_99 : memref<128xi32, #tpu.memory_space<vmem>>) semaphore(%arg13 : memref<!tpu.dma_semaphore, #tpu.memory_space<semaphore_mem>>)
        %dma_wait3A = arith.constant 0 : i32
        %dma_wait3A_103 = tpu.memref_slice %arg7[%mul3A_89, %dma_wait3A] : memref<40x128xi32, #tpu.memory_space<vmem>> -> memref<1x128xi32, #tpu.memory_space<vmem>>
        %dma_wait3A_104 = tpu.memref_squeeze %dma_wait3A_103 : memref<1x128xi32, #tpu.memory_space<vmem>> -> memref<128xi32, #tpu.memory_space<vmem>>
        %dma_wait3A_105 = arith.constant 0 : i32
        %dma_wait3A_106 = arith.constant 0 : i32
        %dma_wait3A_107 = tpu.memref_slice %arg2[%dma_wait3A_105, %dma_wait3A_106] : memref<10240x128xf32, #tpu.memory_space<hbm>> -> memref<10240x128xf32, #tpu.memory_space<hbm>>
        tpu.wait_indirect_dma semaphore(%arg12 : memref<!tpu.dma_semaphore, #tpu.memory_space<semaphore_mem>>) src(%dma_wait3A_107 : memref<10240x128xf32, #tpu.memory_space<hbm>>) dst(%arg9 : memref<128x128xf32, #tpu.memory_space<vmem>>)
        "tpu.region"() ({
          %run_scoped3A = tpu.sem_alloc : memref<!tpu.dma_semaphore, #tpu.memory_space<semaphore_mem>>
          %dma_start3A_114 = arith.constant 0 : i32
          %dma_start3A_115 = tpu.memref_slice %arg8[%mul3A_89, %dma_start3A_114] : memref<40x128xi32, #tpu.memory_space<vmem>> -> memref<1x128xi32, #tpu.memory_space<vmem>>
          %dma_start3A_116 = tpu.memref_squeeze %dma_start3A_115 : memref<1x128xi32, #tpu.memory_space<vmem>> -> memref<128xi32, #tpu.memory_space<vmem>>
          %dma_start3A_117 = arith.constant 0 : i32
          %dma_start3A_118 = arith.constant 0 : i32
          %dma_start3A_119 = tpu.memref_slice %arg11[%dma_start3A_117, %dma_start3A_118] : memref<10240x128xf32, #tpu.memory_space<vmem_shared>> -> memref<10240x128xf32, #tpu.memory_space<vmem_shared>>
          tpu.enqueue_indirect_dma source(%arg9 : memref<128x128xf32, #tpu.memory_space<vmem>>) target(%dma_start3A_119 : memref<10240x128xf32, #tpu.memory_space<vmem_shared>>) offsets(%dma_start3A_116 : memref<128xi32, #tpu.memory_space<vmem>>) semaphore(%run_scoped3A : memref<!tpu.dma_semaphore, #tpu.memory_space<semaphore_mem>>) {add = true}
          %dma_wait3A_120 = arith.constant 0 : i32
          %dma_wait3A_121 = tpu.memref_slice %arg8[%mul3A_89, %dma_wait3A_120] : memref<40x128xi32, #tpu.memory_space<vmem>> -> memref<1x128xi32, #tpu.memory_space<vmem>>
          %dma_wait3A_122 = tpu.memref_squeeze %dma_wait3A_121 : memref<1x128xi32, #tpu.memory_space<vmem>> -> memref<128xi32, #tpu.memory_space<vmem>>
          %dma_wait3A_123 = arith.constant 0 : i32
          %dma_wait3A_124 = arith.constant 0 : i32
          %dma_wait3A_125 = tpu.memref_slice %arg11[%dma_wait3A_123, %dma_wait3A_124] : memref<10240x128xf32, #tpu.memory_space<vmem_shared>> -> memref<10240x128xf32, #tpu.memory_space<vmem_shared>>
          tpu.wait_indirect_dma semaphore(%run_scoped3A : memref<!tpu.dma_semaphore, #tpu.memory_space<semaphore_mem>>) src(%arg9 : memref<128x128xf32, #tpu.memory_space<vmem>>) dst(%dma_wait3A_125 : memref<10240x128xf32, #tpu.memory_space<vmem_shared>>)
          tpu.yield
        }) : () -> ()
        %dma_wait3A_108 = arith.constant 0 : i32
        %dma_wait3A_109 = tpu.memref_slice %arg7[%add3A_91, %dma_wait3A_108] : memref<40x128xi32, #tpu.memory_space<vmem>> -> memref<1x128xi32, #tpu.memory_space<vmem>>
        %dma_wait3A_110 = tpu.memref_squeeze %dma_wait3A_109 : memref<1x128xi32, #tpu.memory_space<vmem>> -> memref<128xi32, #tpu.memory_space<vmem>>
        %dma_wait3A_111 = arith.constant 0 : i32
        %dma_wait3A_112 = arith.constant 0 : i32
        %dma_wait3A_113 = tpu.memref_slice %arg2[%dma_wait3A_111, %dma_wait3A_112] : memref<10240x128xf32, #tpu.memory_space<hbm>> -> memref<10240x128xf32, #tpu.memory_space<hbm>>
        tpu.wait_indirect_dma semaphore(%arg13 : memref<!tpu.dma_semaphore, #tpu.memory_space<semaphore_mem>>) src(%dma_wait3A_113 : memref<10240x128xf32, #tpu.memory_space<hbm>>) dst(%arg10 : memref<128x128xf32, #tpu.memory_space<vmem>>)
        "tpu.region"() ({
          %run_scoped3A = tpu.sem_alloc : memref<!tpu.dma_semaphore, #tpu.memory_space<semaphore_mem>>
          %dma_start3A_114 = arith.constant 0 : i32
          %dma_start3A_115 = tpu.memref_slice %arg8[%add3A_91, %dma_start3A_114] : memref<40x128xi32, #tpu.memory_space<vmem>> -> memref<1x128xi32, #tpu.memory_space<vmem>>
          %dma_start3A_116 = tpu.memref_squeeze %dma_start3A_115 : memref<1x128xi32, #tpu.memory_space<vmem>> -> memref<128xi32, #tpu.memory_space<vmem>>
          %dma_start3A_117 = arith.constant 0 : i32
          %dma_start3A_118 = arith.constant 0 : i32
          %dma_start3A_119 = tpu.memref_slice %arg11[%dma_start3A_117, %dma_start3A_118] : memref<10240x128xf32, #tpu.memory_space<vmem_shared>> -> memref<10240x128xf32, #tpu.memory_space<vmem_shared>>
          tpu.enqueue_indirect_dma source(%arg10 : memref<128x128xf32, #tpu.memory_space<vmem>>) target(%dma_start3A_119 : memref<10240x128xf32, #tpu.memory_space<vmem_shared>>) offsets(%dma_start3A_116 : memref<128xi32, #tpu.memory_space<vmem>>) semaphore(%run_scoped3A : memref<!tpu.dma_semaphore, #tpu.memory_space<semaphore_mem>>) {add = true}
          %dma_wait3A_120 = arith.constant 0 : i32
          %dma_wait3A_121 = tpu.memref_slice %arg8[%add3A_91, %dma_wait3A_120] : memref<40x128xi32, #tpu.memory_space<vmem>> -> memref<1x128xi32, #tpu.memory_space<vmem>>
          %dma_wait3A_122 = tpu.memref_squeeze %dma_wait3A_121 : memref<1x128xi32, #tpu.memory_space<vmem>> -> memref<128xi32, #tpu.memory_space<vmem>>
          %dma_wait3A_123 = arith.constant 0 : i32
          %dma_wait3A_124 = arith.constant 0 : i32
          %dma_wait3A_125 = tpu.memref_slice %arg11[%dma_wait3A_123, %dma_wait3A_124] : memref<10240x128xf32, #tpu.memory_space<vmem_shared>> -> memref<10240x128xf32, #tpu.memory_space<vmem_shared>>
          tpu.wait_indirect_dma semaphore(%run_scoped3A : memref<!tpu.dma_semaphore, #tpu.memory_space<semaphore_mem>>) src(%arg10 : memref<128x128xf32, #tpu.memory_space<vmem>>) dst(%dma_wait3A_125 : memref<10240x128xf32, #tpu.memory_space<vmem_shared>>)
          tpu.yield
        }) : () -> ()
      }
      %scan3A_55 = arith.constant 20 : i32
      %add3A_56 = arith.constant 40 : i32
      %add3A_57 = arith.addi %mul3A_47, %add3A_56 : i32
      "tpu.region"() ({
        %run_scoped3A = tpu.sem_alloc : memref<!tpu.dma_semaphore, #tpu.memory_space<semaphore_mem>>
        %dma_start3A = arith.constant 0 : i32
        %dma_start3A_83 = arith.constant 0 : i32
        %dma_start3A_84 = tpu.memref_slice %arg7[%dma_start3A, %dma_start3A_83] : memref<40x128xi32, #tpu.memory_space<vmem>> -> memref<40x128xi32, #tpu.memory_space<vmem>>
        %dma_start3A_85 = arith.constant 0 : i32
        %dma_start3A_86 = tpu.memref_slice %arg3[%add3A_57, %dma_start3A_85] : memref<2560x128xi32, #tpu.memory_space<hbm>> -> memref<40x128xi32, #tpu.memory_space<hbm>>
        %dma_start3A_87 = arith.constant 0 : i32
        %dma_start3A_88 = arith.constant 0 : i32
        %dma_start3A_89 = tpu.memref_slice %arg7[%dma_start3A_87, %dma_start3A_88] : memref<40x128xi32, #tpu.memory_space<vmem>> -> memref<40x128xi32, #tpu.memory_space<vmem>>
        %dma_start3A_90 = arith.constant 0 : i32
        %dma_start3A_91 = tpu.memref_slice %arg3[%add3A_57, %dma_start3A_90] : memref<2560x128xi32, #tpu.memory_space<hbm>> -> memref<40x128xi32, #tpu.memory_space<hbm>>
        tpu.enqueue_dma source(%dma_start3A_91 : memref<40x128xi32, #tpu.memory_space<hbm>>) target(%dma_start3A_89 : memref<40x128xi32, #tpu.memory_space<vmem>>) target_semaphore(%run_scoped3A : memref<!tpu.dma_semaphore, #tpu.memory_space<semaphore_mem>>)
        %dma_wait3A = arith.constant 0 : i32
        %dma_wait3A_92 = arith.constant 0 : i32
        %dma_wait3A_93 = tpu.memref_slice %arg7[%dma_wait3A, %dma_wait3A_92] : memref<40x128xi32, #tpu.memory_space<vmem>> -> memref<40x128xi32, #tpu.memory_space<vmem>>
        %dma_wait3A_94 = arith.constant 0 : i32
        %dma_wait3A_95 = tpu.memref_slice %arg3[%add3A_57, %dma_wait3A_94] : memref<2560x128xi32, #tpu.memory_space<hbm>> -> memref<40x128xi32, #tpu.memory_space<hbm>>
        %dma_wait3A_96 = arith.constant 0 : i32
        %dma_wait3A_97 = arith.constant 0 : i32
        %dma_wait3A_98 = tpu.memref_slice %arg7[%dma_wait3A_96, %dma_wait3A_97] : memref<40x128xi32, #tpu.memory_space<vmem>> -> memref<40x128xi32, #tpu.memory_space<vmem>>
        %dma_wait3A_99 = arith.constant 0 : i32
        %dma_wait3A_100 = tpu.memref_slice %arg3[%add3A_57, %dma_wait3A_99] : memref<2560x128xi32, #tpu.memory_space<hbm>> -> memref<40x128xi32, #tpu.memory_space<hbm>>
        tpu.wait_dma2 semaphore(%run_scoped3A : memref<!tpu.dma_semaphore, #tpu.memory_space<semaphore_mem>>) src(%dma_wait3A_100 : memref<40x128xi32, #tpu.memory_space<hbm>>) dst(%dma_wait3A_98 : memref<40x128xi32, #tpu.memory_space<vmem>>)
        tpu.yield
      }) : () -> ()
      %add3A_58 = arith.constant 40 : i32
      %add3A_59 = arith.addi %mul3A_47, %add3A_58 : i32
      "tpu.region"() ({
        %run_scoped3A = tpu.sem_alloc : memref<!tpu.dma_semaphore, #tpu.memory_space<semaphore_mem>>
        %dma_start3A = arith.constant 0 : i32
        %dma_start3A_83 = arith.constant 0 : i32
        %dma_start3A_84 = tpu.memref_slice %arg8[%dma_start3A, %dma_start3A_83] : memref<40x128xi32, #tpu.memory_space<vmem>> -> memref<40x128xi32, #tpu.memory_space<vmem>>
        %dma_start3A_85 = arith.constant 0 : i32
        %dma_start3A_86 = tpu.memref_slice %arg4[%add3A_59, %dma_start3A_85] : memref<2560x128xi32, #tpu.memory_space<hbm>> -> memref<40x128xi32, #tpu.memory_space<hbm>>
        %dma_start3A_87 = arith.constant 0 : i32
        %dma_start3A_88 = arith.constant 0 : i32
        %dma_start3A_89 = tpu.memref_slice %arg8[%dma_start3A_87, %dma_start3A_88] : memref<40x128xi32, #tpu.memory_space<vmem>> -> memref<40x128xi32, #tpu.memory_space<vmem>>
        %dma_start3A_90 = arith.constant 0 : i32
        %dma_start3A_91 = tpu.memref_slice %arg4[%add3A_59, %dma_start3A_90] : memref<2560x128xi32, #tpu.memory_space<hbm>> -> memref<40x128xi32, #tpu.memory_space<hbm>>
        tpu.enqueue_dma source(%dma_start3A_91 : memref<40x128xi32, #tpu.memory_space<hbm>>) target(%dma_start3A_89 : memref<40x128xi32, #tpu.memory_space<vmem>>) target_semaphore(%run_scoped3A : memref<!tpu.dma_semaphore, #tpu.memory_space<semaphore_mem>>)
        %dma_wait3A = arith.constant 0 : i32
        %dma_wait3A_92 = arith.constant 0 : i32
        %dma_wait3A_93 = tpu.memref_slice %arg8[%dma_wait3A, %dma_wait3A_92] : memref<40x128xi32, #tpu.memory_space<vmem>> -> memref<40x128xi32, #tpu.memory_space<vmem>>
        %dma_wait3A_94 = arith.constant 0 : i32
        %dma_wait3A_95 = tpu.memref_slice %arg4[%add3A_59, %dma_wait3A_94] : memref<2560x128xi32, #tpu.memory_space<hbm>> -> memref<40x128xi32, #tpu.memory_space<hbm>>
        %dma_wait3A_96 = arith.constant 0 : i32
        %dma_wait3A_97 = arith.constant 0 : i32
        %dma_wait3A_98 = tpu.memref_slice %arg8[%dma_wait3A_96, %dma_wait3A_97] : memref<40x128xi32, #tpu.memory_space<vmem>> -> memref<40x128xi32, #tpu.memory_space<vmem>>
        %dma_wait3A_99 = arith.constant 0 : i32
        %dma_wait3A_100 = tpu.memref_slice %arg4[%add3A_59, %dma_wait3A_99] : memref<2560x128xi32, #tpu.memory_space<hbm>> -> memref<40x128xi32, #tpu.memory_space<hbm>>
        tpu.wait_dma2 semaphore(%run_scoped3A : memref<!tpu.dma_semaphore, #tpu.memory_space<semaphore_mem>>) src(%dma_wait3A_100 : memref<40x128xi32, #tpu.memory_space<hbm>>) dst(%dma_wait3A_98 : memref<40x128xi32, #tpu.memory_space<vmem>>)
        tpu.yield
      }) : () -> ()
      %scan3A_60 = arith.constant 0 : i32
      %scan3A_61 = arith.constant 20 : i32
      %scan3A_62 = arith.addi %scan3A_60, %scan3A_61 : i32
      %scan3A_63 = arith.constant 1 : i32
      scf.for %scan3A_83 = %scan3A_60 to %scan3A_62 step %scan3A_63  : i32 {
        %mul3A_84 = arith.constant 1 : i32
        %mul3A_85 = arith.muli %scan3A_83, %mul3A_84 : i32
        %add3A_86 = arith.constant 0 : i32
        %add3A_87 = arith.addi %add3A_86, %mul3A_85 : i32
        %mul3A_88 = arith.constant 2 : i32
        %mul3A_89 = arith.muli %mul3A_88, %add3A_87 : i32
        %add3A_90 = arith.constant 1 : i32
        %add3A_91 = arith.addi %mul3A_89, %add3A_90 : i32
        %dma_start3A = arith.constant 0 : i32
        %dma_start3A_92 = tpu.memref_slice %arg7[%mul3A_89, %dma_start3A] : memref<40x128xi32, #tpu.memory_space<vmem>> -> memref<1x128xi32, #tpu.memory_space<vmem>>
        %dma_start3A_93 = tpu.memref_squeeze %dma_start3A_92 : memref<1x128xi32, #tpu.memory_space<vmem>> -> memref<128xi32, #tpu.memory_space<vmem>>
        %dma_start3A_94 = arith.constant 0 : i32
        %dma_start3A_95 = arith.constant 0 : i32
        %dma_start3A_96 = tpu.memref_slice %arg2[%dma_start3A_94, %dma_start3A_95] : memref<10240x128xf32, #tpu.memory_space<hbm>> -> memref<10240x128xf32, #tpu.memory_space<hbm>>
        tpu.enqueue_indirect_dma source(%dma_start3A_96 : memref<10240x128xf32, #tpu.memory_space<hbm>>) target(%arg9 : memref<128x128xf32, #tpu.memory_space<vmem>>) offsets(%dma_start3A_93 : memref<128xi32, #tpu.memory_space<vmem>>) semaphore(%arg12 : memref<!tpu.dma_semaphore, #tpu.memory_space<semaphore_mem>>)
        %dma_start3A_97 = arith.constant 0 : i32
        %dma_start3A_98 = tpu.memref_slice %arg7[%add3A_91, %dma_start3A_97] : memref<40x128xi32, #tpu.memory_space<vmem>> -> memref<1x128xi32, #tpu.memory_space<vmem>>
        %dma_start3A_99 = tpu.memref_squeeze %dma_start3A_98 : memref<1x128xi32, #tpu.memory_space<vmem>> -> memref<128xi32, #tpu.memory_space<vmem>>
        %dma_start3A_100 = arith.constant 0 : i32
        %dma_start3A_101 = arith.constant 0 : i32
        %dma_start3A_102 = tpu.memref_slice %arg2[%dma_start3A_100, %dma_start3A_101] : memref<10240x128xf32, #tpu.memory_space<hbm>> -> memref<10240x128xf32, #tpu.memory_space<hbm>>
        tpu.enqueue_indirect_dma source(%dma_start3A_102 : memref<10240x128xf32, #tpu.memory_space<hbm>>) target(%arg10 : memref<128x128xf32, #tpu.memory_space<vmem>>) offsets(%dma_start3A_99 : memref<128xi32, #tpu.memory_space<vmem>>) semaphore(%arg13 : memref<!tpu.dma_semaphore, #tpu.memory_space<semaphore_mem>>)
        %dma_wait3A = arith.constant 0 : i32
        %dma_wait3A_103 = tpu.memref_slice %arg7[%mul3A_89, %dma_wait3A] : memref<40x128xi32, #tpu.memory_space<vmem>> -> memref<1x128xi32, #tpu.memory_space<vmem>>
        %dma_wait3A_104 = tpu.memref_squeeze %dma_wait3A_103 : memref<1x128xi32, #tpu.memory_space<vmem>> -> memref<128xi32, #tpu.memory_space<vmem>>
        %dma_wait3A_105 = arith.constant 0 : i32
        %dma_wait3A_106 = arith.constant 0 : i32
        %dma_wait3A_107 = tpu.memref_slice %arg2[%dma_wait3A_105, %dma_wait3A_106] : memref<10240x128xf32, #tpu.memory_space<hbm>> -> memref<10240x128xf32, #tpu.memory_space<hbm>>
        tpu.wait_indirect_dma semaphore(%arg12 : memref<!tpu.dma_semaphore, #tpu.memory_space<semaphore_mem>>) src(%dma_wait3A_107 : memref<10240x128xf32, #tpu.memory_space<hbm>>) dst(%arg9 : memref<128x128xf32, #tpu.memory_space<vmem>>)
        "tpu.region"() ({
          %run_scoped3A = tpu.sem_alloc : memref<!tpu.dma_semaphore, #tpu.memory_space<semaphore_mem>>
          %dma_start3A_114 = arith.constant 0 : i32
          %dma_start3A_115 = tpu.memref_slice %arg8[%mul3A_89, %dma_start3A_114] : memref<40x128xi32, #tpu.memory_space<vmem>> -> memref<1x128xi32, #tpu.memory_space<vmem>>
          %dma_start3A_116 = tpu.memref_squeeze %dma_start3A_115 : memref<1x128xi32, #tpu.memory_space<vmem>> -> memref<128xi32, #tpu.memory_space<vmem>>
          %dma_start3A_117 = arith.constant 0 : i32
          %dma_start3A_118 = arith.constant 0 : i32
          %dma_start3A_119 = tpu.memref_slice %arg11[%dma_start3A_117, %dma_start3A_118] : memref<10240x128xf32, #tpu.memory_space<vmem_shared>> -> memref<10240x128xf32, #tpu.memory_space<vmem_shared>>
          tpu.enqueue_indirect_dma source(%arg9 : memref<128x128xf32, #tpu.memory_space<vmem>>) target(%dma_start3A_119 : memref<10240x128xf32, #tpu.memory_space<vmem_shared>>) offsets(%dma_start3A_116 : memref<128xi32, #tpu.memory_space<vmem>>) semaphore(%run_scoped3A : memref<!tpu.dma_semaphore, #tpu.memory_space<semaphore_mem>>) {add = true}
          %dma_wait3A_120 = arith.constant 0 : i32
          %dma_wait3A_121 = tpu.memref_slice %arg8[%mul3A_89, %dma_wait3A_120] : memref<40x128xi32, #tpu.memory_space<vmem>> -> memref<1x128xi32, #tpu.memory_space<vmem>>
          %dma_wait3A_122 = tpu.memref_squeeze %dma_wait3A_121 : memref<1x128xi32, #tpu.memory_space<vmem>> -> memref<128xi32, #tpu.memory_space<vmem>>
          %dma_wait3A_123 = arith.constant 0 : i32
          %dma_wait3A_124 = arith.constant 0 : i32
          %dma_wait3A_125 = tpu.memref_slice %arg11[%dma_wait3A_123, %dma_wait3A_124] : memref<10240x128xf32, #tpu.memory_space<vmem_shared>> -> memref<10240x128xf32, #tpu.memory_space<vmem_shared>>
          tpu.wait_indirect_dma semaphore(%run_scoped3A : memref<!tpu.dma_semaphore, #tpu.memory_space<semaphore_mem>>) src(%arg9 : memref<128x128xf32, #tpu.memory_space<vmem>>) dst(%dma_wait3A_125 : memref<10240x128xf32, #tpu.memory_space<vmem_shared>>)
          tpu.yield
        }) : () -> ()
        %dma_wait3A_108 = arith.constant 0 : i32
        %dma_wait3A_109 = tpu.memref_slice %arg7[%add3A_91, %dma_wait3A_108] : memref<40x128xi32, #tpu.memory_space<vmem>> -> memref<1x128xi32, #tpu.memory_space<vmem>>
        %dma_wait3A_110 = tpu.memref_squeeze %dma_wait3A_109 : memref<1x128xi32, #tpu.memory_space<vmem>> -> memref<128xi32, #tpu.memory_space<vmem>>
        %dma_wait3A_111 = arith.constant 0 : i32
        %dma_wait3A_112 = arith.constant 0 : i32
        %dma_wait3A_113 = tpu.memref_slice %arg2[%dma_wait3A_111, %dma_wait3A_112] : memref<10240x128xf32, #tpu.memory_space<hbm>> -> memref<10240x128xf32, #tpu.memory_space<hbm>>
        tpu.wait_indirect_dma semaphore(%arg13 : memref<!tpu.dma_semaphore, #tpu.memory_space<semaphore_mem>>) src(%dma_wait3A_113 : memref<10240x128xf32, #tpu.memory_space<hbm>>) dst(%arg10 : memref<128x128xf32, #tpu.memory_space<vmem>>)
        "tpu.region"() ({
          %run_scoped3A = tpu.sem_alloc : memref<!tpu.dma_semaphore, #tpu.memory_space<semaphore_mem>>
          %dma_start3A_114 = arith.constant 0 : i32
          %dma_start3A_115 = tpu.memref_slice %arg8[%add3A_91, %dma_start3A_114] : memref<40x128xi32, #tpu.memory_space<vmem>> -> memref<1x128xi32, #tpu.memory_space<vmem>>
          %dma_start3A_116 = tpu.memref_squeeze %dma_start3A_115 : memref<1x128xi32, #tpu.memory_space<vmem>> -> memref<128xi32, #tpu.memory_space<vmem>>
          %dma_start3A_117 = arith.constant 0 : i32
          %dma_start3A_118 = arith.constant 0 : i32
          %dma_start3A_119 = tpu.memref_slice %arg11[%dma_start3A_117, %dma_start3A_118] : memref<10240x128xf32, #tpu.memory_space<vmem_shared>> -> memref<10240x128xf32, #tpu.memory_space<vmem_shared>>
          tpu.enqueue_indirect_dma source(%arg10 : memref<128x128xf32, #tpu.memory_space<vmem>>) target(%dma_start3A_119 : memref<10240x128xf32, #tpu.memory_space<vmem_shared>>) offsets(%dma_start3A_116 : memref<128xi32, #tpu.memory_space<vmem>>) semaphore(%run_scoped3A : memref<!tpu.dma_semaphore, #tpu.memory_space<semaphore_mem>>) {add = true}
          %dma_wait3A_120 = arith.constant 0 : i32
          %dma_wait3A_121 = tpu.memref_slice %arg8[%add3A_91, %dma_wait3A_120] : memref<40x128xi32, #tpu.memory_space<vmem>> -> memref<1x128xi32, #tpu.memory_space<vmem>>
          %dma_wait3A_122 = tpu.memref_squeeze %dma_wait3A_121 : memref<1x128xi32, #tpu.memory_space<vmem>> -> memref<128xi32, #tpu.memory_space<vmem>>
          %dma_wait3A_123 = arith.constant 0 : i32
          %dma_wait3A_124 = arith.constant 0 : i32
          %dma_wait3A_125 = tpu.memref_slice %arg11[%dma_wait3A_123, %dma_wait3A_124] : memref<10240x128xf32, #tpu.memory_space<vmem_shared>> -> memref<10240x128xf32, #tpu.memory_space<vmem_shared>>
          tpu.wait_indirect_dma semaphore(%run_scoped3A : memref<!tpu.dma_semaphore, #tpu.memory_space<semaphore_mem>>) src(%arg10 : memref<128x128xf32, #tpu.memory_space<vmem>>) dst(%dma_wait3A_125 : memref<10240x128xf32, #tpu.memory_space<vmem_shared>>)
          tpu.yield
        }) : () -> ()
      }
      %scan3A_64 = arith.constant 20 : i32
      %add3A_65 = arith.constant 80 : i32
      %add3A_66 = arith.addi %mul3A_47, %add3A_65 : i32
      "tpu.region"() ({
        %run_scoped3A = tpu.sem_alloc : memref<!tpu.dma_semaphore, #tpu.memory_space<semaphore_mem>>
        %dma_start3A = arith.constant 0 : i32
        %dma_start3A_83 = arith.constant 0 : i32
        %dma_start3A_84 = tpu.memref_slice %arg7[%dma_start3A, %dma_start3A_83] : memref<40x128xi32, #tpu.memory_space<vmem>> -> memref<40x128xi32, #tpu.memory_space<vmem>>
        %dma_start3A_85 = arith.constant 0 : i32
        %dma_start3A_86 = tpu.memref_slice %arg3[%add3A_66, %dma_start3A_85] : memref<2560x128xi32, #tpu.memory_space<hbm>> -> memref<40x128xi32, #tpu.memory_space<hbm>>
        %dma_start3A_87 = arith.constant 0 : i32
        %dma_start3A_88 = arith.constant 0 : i32
        %dma_start3A_89 = tpu.memref_slice %arg7[%dma_start3A_87, %dma_start3A_88] : memref<40x128xi32, #tpu.memory_space<vmem>> -> memref<40x128xi32, #tpu.memory_space<vmem>>
        %dma_start3A_90 = arith.constant 0 : i32
        %dma_start3A_91 = tpu.memref_slice %arg3[%add3A_66, %dma_start3A_90] : memref<2560x128xi32, #tpu.memory_space<hbm>> -> memref<40x128xi32, #tpu.memory_space<hbm>>
        tpu.enqueue_dma source(%dma_start3A_91 : memref<40x128xi32, #tpu.memory_space<hbm>>) target(%dma_start3A_89 : memref<40x128xi32, #tpu.memory_space<vmem>>) target_semaphore(%run_scoped3A : memref<!tpu.dma_semaphore, #tpu.memory_space<semaphore_mem>>)
        %dma_wait3A = arith.constant 0 : i32
        %dma_wait3A_92 = arith.constant 0 : i32
        %dma_wait3A_93 = tpu.memref_slice %arg7[%dma_wait3A, %dma_wait3A_92] : memref<40x128xi32, #tpu.memory_space<vmem>> -> memref<40x128xi32, #tpu.memory_space<vmem>>
        %dma_wait3A_94 = arith.constant 0 : i32
        %dma_wait3A_95 = tpu.memref_slice %arg3[%add3A_66, %dma_wait3A_94] : memref<2560x128xi32, #tpu.memory_space<hbm>> -> memref<40x128xi32, #tpu.memory_space<hbm>>
        %dma_wait3A_96 = arith.constant 0 : i32
        %dma_wait3A_97 = arith.constant 0 : i32
        %dma_wait3A_98 = tpu.memref_slice %arg7[%dma_wait3A_96, %dma_wait3A_97] : memref<40x128xi32, #tpu.memory_space<vmem>> -> memref<40x128xi32, #tpu.memory_space<vmem>>
        %dma_wait3A_99 = arith.constant 0 : i32
        %dma_wait3A_100 = tpu.memref_slice %arg3[%add3A_66, %dma_wait3A_99] : memref<2560x128xi32, #tpu.memory_space<hbm>> -> memref<40x128xi32, #tpu.memory_space<hbm>>
        tpu.wait_dma2 semaphore(%run_scoped3A : memref<!tpu.dma_semaphore, #tpu.memory_space<semaphore_mem>>) src(%dma_wait3A_100 : memref<40x128xi32, #tpu.memory_space<hbm>>) dst(%dma_wait3A_98 : memref<40x128xi32, #tpu.memory_space<vmem>>)
        tpu.yield
      }) : () -> ()
      %add3A_67 = arith.constant 80 : i32
      %add3A_68 = arith.addi %mul3A_47, %add3A_67 : i32
      "tpu.region"() ({
        %run_scoped3A = tpu.sem_alloc : memref<!tpu.dma_semaphore, #tpu.memory_space<semaphore_mem>>
        %dma_start3A = arith.constant 0 : i32
        %dma_start3A_83 = arith.constant 0 : i32
        %dma_start3A_84 = tpu.memref_slice %arg8[%dma_start3A, %dma_start3A_83] : memref<40x128xi32, #tpu.memory_space<vmem>> -> memref<40x128xi32, #tpu.memory_space<vmem>>
        %dma_start3A_85 = arith.constant 0 : i32
        %dma_start3A_86 = tpu.memref_slice %arg4[%add3A_68, %dma_start3A_85] : memref<2560x128xi32, #tpu.memory_space<hbm>> -> memref<40x128xi32, #tpu.memory_space<hbm>>
        %dma_start3A_87 = arith.constant 0 : i32
        %dma_start3A_88 = arith.constant 0 : i32
        %dma_start3A_89 = tpu.memref_slice %arg8[%dma_start3A_87, %dma_start3A_88] : memref<40x128xi32, #tpu.memory_space<vmem>> -> memref<40x128xi32, #tpu.memory_space<vmem>>
        %dma_start3A_90 = arith.constant 0 : i32
        %dma_start3A_91 = tpu.memref_slice %arg4[%add3A_68, %dma_start3A_90] : memref<2560x128xi32, #tpu.memory_space<hbm>> -> memref<40x128xi32, #tpu.memory_space<hbm>>
        tpu.enqueue_dma source(%dma_start3A_91 : memref<40x128xi32, #tpu.memory_space<hbm>>) target(%dma_start3A_89 : memref<40x128xi32, #tpu.memory_space<vmem>>) target_semaphore(%run_scoped3A : memref<!tpu.dma_semaphore, #tpu.memory_space<semaphore_mem>>)
        %dma_wait3A = arith.constant 0 : i32
        %dma_wait3A_92 = arith.constant 0 : i32
        %dma_wait3A_93 = tpu.memref_slice %arg8[%dma_wait3A, %dma_wait3A_92] : memref<40x128xi32, #tpu.memory_space<vmem>> -> memref<40x128xi32, #tpu.memory_space<vmem>>
        %dma_wait3A_94 = arith.constant 0 : i32
        %dma_wait3A_95 = tpu.memref_slice %arg4[%add3A_68, %dma_wait3A_94] : memref<2560x128xi32, #tpu.memory_space<hbm>> -> memref<40x128xi32, #tpu.memory_space<hbm>>
        %dma_wait3A_96 = arith.constant 0 : i32
        %dma_wait3A_97 = arith.constant 0 : i32
        %dma_wait3A_98 = tpu.memref_slice %arg8[%dma_wait3A_96, %dma_wait3A_97] : memref<40x128xi32, #tpu.memory_space<vmem>> -> memref<40x128xi32, #tpu.memory_space<vmem>>
        %dma_wait3A_99 = arith.constant 0 : i32
        %dma_wait3A_100 = tpu.memref_slice %arg4[%add3A_68, %dma_wait3A_99] : memref<2560x128xi32, #tpu.memory_space<hbm>> -> memref<40x128xi32, #tpu.memory_space<hbm>>
        tpu.wait_dma2 semaphore(%run_scoped3A : memref<!tpu.dma_semaphore, #tpu.memory_space<semaphore_mem>>) src(%dma_wait3A_100 : memref<40x128xi32, #tpu.memory_space<hbm>>) dst(%dma_wait3A_98 : memref<40x128xi32, #tpu.memory_space<vmem>>)
        tpu.yield
      }) : () -> ()
      %scan3A_69 = arith.constant 0 : i32
      %scan3A_70 = arith.constant 20 : i32
      %scan3A_71 = arith.addi %scan3A_69, %scan3A_70 : i32
      %scan3A_72 = arith.constant 1 : i32
      scf.for %scan3A_83 = %scan3A_69 to %scan3A_71 step %scan3A_72  : i32 {
        %mul3A_84 = arith.constant 1 : i32
        %mul3A_85 = arith.muli %scan3A_83, %mul3A_84 : i32
        %add3A_86 = arith.constant 0 : i32
        %add3A_87 = arith.addi %add3A_86, %mul3A_85 : i32
        %mul3A_88 = arith.constant 2 : i32
        %mul3A_89 = arith.muli %mul3A_88, %add3A_87 : i32
        %add3A_90 = arith.constant 1 : i32
        %add3A_91 = arith.addi %mul3A_89, %add3A_90 : i32
        %dma_start3A = arith.constant 0 : i32
        %dma_start3A_92 = tpu.memref_slice %arg7[%mul3A_89, %dma_start3A] : memref<40x128xi32, #tpu.memory_space<vmem>> -> memref<1x128xi32, #tpu.memory_space<vmem>>
        %dma_start3A_93 = tpu.memref_squeeze %dma_start3A_92 : memref<1x128xi32, #tpu.memory_space<vmem>> -> memref<128xi32, #tpu.memory_space<vmem>>
        %dma_start3A_94 = arith.constant 0 : i32
        %dma_start3A_95 = arith.constant 0 : i32
        %dma_start3A_96 = tpu.memref_slice %arg2[%dma_start3A_94, %dma_start3A_95] : memref<10240x128xf32, #tpu.memory_space<hbm>> -> memref<10240x128xf32, #tpu.memory_space<hbm>>
        tpu.enqueue_indirect_dma source(%dma_start3A_96 : memref<10240x128xf32, #tpu.memory_space<hbm>>) target(%arg9 : memref<128x128xf32, #tpu.memory_space<vmem>>) offsets(%dma_start3A_93 : memref<128xi32, #tpu.memory_space<vmem>>) semaphore(%arg12 : memref<!tpu.dma_semaphore, #tpu.memory_space<semaphore_mem>>)
        %dma_start3A_97 = arith.constant 0 : i32
        %dma_start3A_98 = tpu.memref_slice %arg7[%add3A_91, %dma_start3A_97] : memref<40x128xi32, #tpu.memory_space<vmem>> -> memref<1x128xi32, #tpu.memory_space<vmem>>
        %dma_start3A_99 = tpu.memref_squeeze %dma_start3A_98 : memref<1x128xi32, #tpu.memory_space<vmem>> -> memref<128xi32, #tpu.memory_space<vmem>>
        %dma_start3A_100 = arith.constant 0 : i32
        %dma_start3A_101 = arith.constant 0 : i32
        %dma_start3A_102 = tpu.memref_slice %arg2[%dma_start3A_100, %dma_start3A_101] : memref<10240x128xf32, #tpu.memory_space<hbm>> -> memref<10240x128xf32, #tpu.memory_space<hbm>>
        tpu.enqueue_indirect_dma source(%dma_start3A_102 : memref<10240x128xf32, #tpu.memory_space<hbm>>) target(%arg10 : memref<128x128xf32, #tpu.memory_space<vmem>>) offsets(%dma_start3A_99 : memref<128xi32, #tpu.memory_space<vmem>>) semaphore(%arg13 : memref<!tpu.dma_semaphore, #tpu.memory_space<semaphore_mem>>)
        %dma_wait3A = arith.constant 0 : i32
        %dma_wait3A_103 = tpu.memref_slice %arg7[%mul3A_89, %dma_wait3A] : memref<40x128xi32, #tpu.memory_space<vmem>> -> memref<1x128xi32, #tpu.memory_space<vmem>>
        %dma_wait3A_104 = tpu.memref_squeeze %dma_wait3A_103 : memref<1x128xi32, #tpu.memory_space<vmem>> -> memref<128xi32, #tpu.memory_space<vmem>>
        %dma_wait3A_105 = arith.constant 0 : i32
        %dma_wait3A_106 = arith.constant 0 : i32
        %dma_wait3A_107 = tpu.memref_slice %arg2[%dma_wait3A_105, %dma_wait3A_106] : memref<10240x128xf32, #tpu.memory_space<hbm>> -> memref<10240x128xf32, #tpu.memory_space<hbm>>
        tpu.wait_indirect_dma semaphore(%arg12 : memref<!tpu.dma_semaphore, #tpu.memory_space<semaphore_mem>>) src(%dma_wait3A_107 : memref<10240x128xf32, #tpu.memory_space<hbm>>) dst(%arg9 : memref<128x128xf32, #tpu.memory_space<vmem>>)
        "tpu.region"() ({
          %run_scoped3A = tpu.sem_alloc : memref<!tpu.dma_semaphore, #tpu.memory_space<semaphore_mem>>
          %dma_start3A_114 = arith.constant 0 : i32
          %dma_start3A_115 = tpu.memref_slice %arg8[%mul3A_89, %dma_start3A_114] : memref<40x128xi32, #tpu.memory_space<vmem>> -> memref<1x128xi32, #tpu.memory_space<vmem>>
          %dma_start3A_116 = tpu.memref_squeeze %dma_start3A_115 : memref<1x128xi32, #tpu.memory_space<vmem>> -> memref<128xi32, #tpu.memory_space<vmem>>
          %dma_start3A_117 = arith.constant 0 : i32
          %dma_start3A_118 = arith.constant 0 : i32
          %dma_start3A_119 = tpu.memref_slice %arg11[%dma_start3A_117, %dma_start3A_118] : memref<10240x128xf32, #tpu.memory_space<vmem_shared>> -> memref<10240x128xf32, #tpu.memory_space<vmem_shared>>
          tpu.enqueue_indirect_dma source(%arg9 : memref<128x128xf32, #tpu.memory_space<vmem>>) target(%dma_start3A_119 : memref<10240x128xf32, #tpu.memory_space<vmem_shared>>) offsets(%dma_start3A_116 : memref<128xi32, #tpu.memory_space<vmem>>) semaphore(%run_scoped3A : memref<!tpu.dma_semaphore, #tpu.memory_space<semaphore_mem>>) {add = true}
          %dma_wait3A_120 = arith.constant 0 : i32
          %dma_wait3A_121 = tpu.memref_slice %arg8[%mul3A_89, %dma_wait3A_120] : memref<40x128xi32, #tpu.memory_space<vmem>> -> memref<1x128xi32, #tpu.memory_space<vmem>>
          %dma_wait3A_122 = tpu.memref_squeeze %dma_wait3A_121 : memref<1x128xi32, #tpu.memory_space<vmem>> -> memref<128xi32, #tpu.memory_space<vmem>>
          %dma_wait3A_123 = arith.constant 0 : i32
          %dma_wait3A_124 = arith.constant 0 : i32
          %dma_wait3A_125 = tpu.memref_slice %arg11[%dma_wait3A_123, %dma_wait3A_124] : memref<10240x128xf32, #tpu.memory_space<vmem_shared>> -> memref<10240x128xf32, #tpu.memory_space<vmem_shared>>
          tpu.wait_indirect_dma semaphore(%run_scoped3A : memref<!tpu.dma_semaphore, #tpu.memory_space<semaphore_mem>>) src(%arg9 : memref<128x128xf32, #tpu.memory_space<vmem>>) dst(%dma_wait3A_125 : memref<10240x128xf32, #tpu.memory_space<vmem_shared>>)
          tpu.yield
        }) : () -> ()
        %dma_wait3A_108 = arith.constant 0 : i32
        %dma_wait3A_109 = tpu.memref_slice %arg7[%add3A_91, %dma_wait3A_108] : memref<40x128xi32, #tpu.memory_space<vmem>> -> memref<1x128xi32, #tpu.memory_space<vmem>>
        %dma_wait3A_110 = tpu.memref_squeeze %dma_wait3A_109 : memref<1x128xi32, #tpu.memory_space<vmem>> -> memref<128xi32, #tpu.memory_space<vmem>>
        %dma_wait3A_111 = arith.constant 0 : i32
        %dma_wait3A_112 = arith.constant 0 : i32
        %dma_wait3A_113 = tpu.memref_slice %arg2[%dma_wait3A_111, %dma_wait3A_112] : memref<10240x128xf32, #tpu.memory_space<hbm>> -> memref<10240x128xf32, #tpu.memory_space<hbm>>
        tpu.wait_indirect_dma semaphore(%arg13 : memref<!tpu.dma_semaphore, #tpu.memory_space<semaphore_mem>>) src(%dma_wait3A_113 : memref<10240x128xf32, #tpu.memory_space<hbm>>) dst(%arg10 : memref<128x128xf32, #tpu.memory_space<vmem>>)
        "tpu.region"() ({
          %run_scoped3A = tpu.sem_alloc : memref<!tpu.dma_semaphore, #tpu.memory_space<semaphore_mem>>
          %dma_start3A_114 = arith.constant 0 : i32
          %dma_start3A_115 = tpu.memref_slice %arg8[%add3A_91, %dma_start3A_114] : memref<40x128xi32, #tpu.memory_space<vmem>> -> memref<1x128xi32, #tpu.memory_space<vmem>>
          %dma_start3A_116 = tpu.memref_squeeze %dma_start3A_115 : memref<1x128xi32, #tpu.memory_space<vmem>> -> memref<128xi32, #tpu.memory_space<vmem>>
          %dma_start3A_117 = arith.constant 0 : i32
          %dma_start3A_118 = arith.constant 0 : i32
          %dma_start3A_119 = tpu.memref_slice %arg11[%dma_start3A_117, %dma_start3A_118] : memref<10240x128xf32, #tpu.memory_space<vmem_shared>> -> memref<10240x128xf32, #tpu.memory_space<vmem_shared>>
          tpu.enqueue_indirect_dma source(%arg10 : memref<128x128xf32, #tpu.memory_space<vmem>>) target(%dma_start3A_119 : memref<10240x128xf32, #tpu.memory_space<vmem_shared>>) offsets(%dma_start3A_116 : memref<128xi32, #tpu.memory_space<vmem>>) semaphore(%run_scoped3A : memref<!tpu.dma_semaphore, #tpu.memory_space<semaphore_mem>>) {add = true}
          %dma_wait3A_120 = arith.constant 0 : i32
          %dma_wait3A_121 = tpu.memref_slice %arg8[%add3A_91, %dma_wait3A_120] : memref<40x128xi32, #tpu.memory_space<vmem>> -> memref<1x128xi32, #tpu.memory_space<vmem>>
          %dma_wait3A_122 = tpu.memref_squeeze %dma_wait3A_121 : memref<1x128xi32, #tpu.memory_space<vmem>> -> memref<128xi32, #tpu.memory_space<vmem>>
          %dma_wait3A_123 = arith.constant 0 : i32
          %dma_wait3A_124 = arith.constant 0 : i32
          %dma_wait3A_125 = tpu.memref_slice %arg11[%dma_wait3A_123, %dma_wait3A_124] : memref<10240x128xf32, #tpu.memory_space<vmem_shared>> -> memref<10240x128xf32, #tpu.memory_space<vmem_shared>>
          tpu.wait_indirect_dma semaphore(%run_scoped3A : memref<!tpu.dma_semaphore, #tpu.memory_space<semaphore_mem>>) src(%arg10 : memref<128x128xf32, #tpu.memory_space<vmem>>) dst(%dma_wait3A_125 : memref<10240x128xf32, #tpu.memory_space<vmem_shared>>)
          tpu.yield
        }) : () -> ()
      }
      %scan3A_73 = arith.constant 20 : i32
      %add3A_74 = arith.constant 120 : i32
      %add3A_75 = arith.addi %mul3A_47, %add3A_74 : i32
      "tpu.region"() ({
        %run_scoped3A = tpu.sem_alloc : memref<!tpu.dma_semaphore, #tpu.memory_space<semaphore_mem>>
        %dma_start3A = arith.constant 0 : i32
        %dma_start3A_83 = arith.constant 0 : i32
        %dma_start3A_84 = tpu.memref_slice %arg7[%dma_start3A, %dma_start3A_83] : memref<40x128xi32, #tpu.memory_space<vmem>> -> memref<24x128xi32, #tpu.memory_space<vmem>>
        %dma_start3A_85 = arith.constant 0 : i32
        %dma_start3A_86 = tpu.memref_slice %arg3[%add3A_75, %dma_start3A_85] : memref<2560x128xi32, #tpu.memory_space<hbm>> -> memref<24x128xi32, #tpu.memory_space<hbm>>
        %dma_start3A_87 = arith.constant 0 : i32
        %dma_start3A_88 = arith.constant 0 : i32
        %dma_start3A_89 = tpu.memref_slice %arg7[%dma_start3A_87, %dma_start3A_88] : memref<40x128xi32, #tpu.memory_space<vmem>> -> memref<24x128xi32, #tpu.memory_space<vmem>>
        %dma_start3A_90 = arith.constant 0 : i32
        %dma_start3A_91 = tpu.memref_slice %arg3[%add3A_75, %dma_start3A_90] : memref<2560x128xi32, #tpu.memory_space<hbm>> -> memref<24x128xi32, #tpu.memory_space<hbm>>
        tpu.enqueue_dma source(%dma_start3A_91 : memref<24x128xi32, #tpu.memory_space<hbm>>) target(%dma_start3A_89 : memref<24x128xi32, #tpu.memory_space<vmem>>) target_semaphore(%run_scoped3A : memref<!tpu.dma_semaphore, #tpu.memory_space<semaphore_mem>>)
        %dma_wait3A = arith.constant 0 : i32
        %dma_wait3A_92 = arith.constant 0 : i32
        %dma_wait3A_93 = tpu.memref_slice %arg7[%dma_wait3A, %dma_wait3A_92] : memref<40x128xi32, #tpu.memory_space<vmem>> -> memref<24x128xi32, #tpu.memory_space<vmem>>
        %dma_wait3A_94 = arith.constant 0 : i32
        %dma_wait3A_95 = tpu.memref_slice %arg3[%add3A_75, %dma_wait3A_94] : memref<2560x128xi32, #tpu.memory_space<hbm>> -> memref<24x128xi32, #tpu.memory_space<hbm>>
        %dma_wait3A_96 = arith.constant 0 : i32
        %dma_wait3A_97 = arith.constant 0 : i32
        %dma_wait3A_98 = tpu.memref_slice %arg7[%dma_wait3A_96, %dma_wait3A_97] : memref<40x128xi32, #tpu.memory_space<vmem>> -> memref<24x128xi32, #tpu.memory_space<vmem>>
        %dma_wait3A_99 = arith.constant 0 : i32
        %dma_wait3A_100 = tpu.memref_slice %arg3[%add3A_75, %dma_wait3A_99] : memref<2560x128xi32, #tpu.memory_space<hbm>> -> memref<24x128xi32, #tpu.memory_space<hbm>>
        tpu.wait_dma2 semaphore(%run_scoped3A : memref<!tpu.dma_semaphore, #tpu.memory_space<semaphore_mem>>) src(%dma_wait3A_100 : memref<24x128xi32, #tpu.memory_space<hbm>>) dst(%dma_wait3A_98 : memref<24x128xi32, #tpu.memory_space<vmem>>)
        tpu.yield
      }) : () -> ()
      %add3A_76 = arith.constant 120 : i32
      %add3A_77 = arith.addi %mul3A_47, %add3A_76 : i32
      "tpu.region"() ({
        %run_scoped3A = tpu.sem_alloc : memref<!tpu.dma_semaphore, #tpu.memory_space<semaphore_mem>>
        %dma_start3A = arith.constant 0 : i32
        %dma_start3A_83 = arith.constant 0 : i32
        %dma_start3A_84 = tpu.memref_slice %arg8[%dma_start3A, %dma_start3A_83] : memref<40x128xi32, #tpu.memory_space<vmem>> -> memref<24x128xi32, #tpu.memory_space<vmem>>
        %dma_start3A_85 = arith.constant 0 : i32
        %dma_start3A_86 = tpu.memref_slice %arg4[%add3A_77, %dma_start3A_85] : memref<2560x128xi32, #tpu.memory_space<hbm>> -> memref<24x128xi32, #tpu.memory_space<hbm>>
        %dma_start3A_87 = arith.constant 0 : i32
        %dma_start3A_88 = arith.constant 0 : i32
        %dma_start3A_89 = tpu.memref_slice %arg8[%dma_start3A_87, %dma_start3A_88] : memref<40x128xi32, #tpu.memory_space<vmem>> -> memref<24x128xi32, #tpu.memory_space<vmem>>
        %dma_start3A_90 = arith.constant 0 : i32
        %dma_start3A_91 = tpu.memref_slice %arg4[%add3A_77, %dma_start3A_90] : memref<2560x128xi32, #tpu.memory_space<hbm>> -> memref<24x128xi32, #tpu.memory_space<hbm>>
        tpu.enqueue_dma source(%dma_start3A_91 : memref<24x128xi32, #tpu.memory_space<hbm>>) target(%dma_start3A_89 : memref<24x128xi32, #tpu.memory_space<vmem>>) target_semaphore(%run_scoped3A : memref<!tpu.dma_semaphore, #tpu.memory_space<semaphore_mem>>)
        %dma_wait3A = arith.constant 0 : i32
        %dma_wait3A_92 = arith.constant 0 : i32
        %dma_wait3A_93 = tpu.memref_slice %arg8[%dma_wait3A, %dma_wait3A_92] : memref<40x128xi32, #tpu.memory_space<vmem>> -> memref<24x128xi32, #tpu.memory_space<vmem>>
        %dma_wait3A_94 = arith.constant 0 : i32
        %dma_wait3A_95 = tpu.memref_slice %arg4[%add3A_77, %dma_wait3A_94] : memref<2560x128xi32, #tpu.memory_space<hbm>> -> memref<24x128xi32, #tpu.memory_space<hbm>>
        %dma_wait3A_96 = arith.constant 0 : i32
        %dma_wait3A_97 = arith.constant 0 : i32
        %dma_wait3A_98 = tpu.memref_slice %arg8[%dma_wait3A_96, %dma_wait3A_97] : memref<40x128xi32, #tpu.memory_space<vmem>> -> memref<24x128xi32, #tpu.memory_space<vmem>>
        %dma_wait3A_99 = arith.constant 0 : i32
        %dma_wait3A_100 = tpu.memref_slice %arg4[%add3A_77, %dma_wait3A_99] : memref<2560x128xi32, #tpu.memory_space<hbm>> -> memref<24x128xi32, #tpu.memory_space<hbm>>
        tpu.wait_dma2 semaphore(%run_scoped3A : memref<!tpu.dma_semaphore, #tpu.memory_space<semaphore_mem>>) src(%dma_wait3A_100 : memref<24x128xi32, #tpu.memory_space<hbm>>) dst(%dma_wait3A_98 : memref<24x128xi32, #tpu.memory_space<vmem>>)
        tpu.yield
      }) : () -> ()
      %scan3A_78 = arith.constant 0 : i32
      %scan3A_79 = arith.constant 12 : i32
      %scan3A_80 = arith.addi %scan3A_78, %scan3A_79 : i32
      %scan3A_81 = arith.constant 1 : i32
      scf.for %scan3A_83 = %scan3A_78 to %scan3A_80 step %scan3A_81  : i32 {
        %mul3A_84 = arith.constant 1 : i32
        %mul3A_85 = arith.muli %scan3A_83, %mul3A_84 : i32
        %add3A_86 = arith.constant 0 : i32
        %add3A_87 = arith.addi %add3A_86, %mul3A_85 : i32
        %mul3A_88 = arith.constant 2 : i32
        %mul3A_89 = arith.muli %mul3A_88, %add3A_87 : i32
        %add3A_90 = arith.constant 1 : i32
        %add3A_91 = arith.addi %mul3A_89, %add3A_90 : i32
        %dma_start3A = arith.constant 0 : i32
        %dma_start3A_92 = tpu.memref_slice %arg7[%mul3A_89, %dma_start3A] : memref<40x128xi32, #tpu.memory_space<vmem>> -> memref<1x128xi32, #tpu.memory_space<vmem>>
        %dma_start3A_93 = tpu.memref_squeeze %dma_start3A_92 : memref<1x128xi32, #tpu.memory_space<vmem>> -> memref<128xi32, #tpu.memory_space<vmem>>
        %dma_start3A_94 = arith.constant 0 : i32
        %dma_start3A_95 = arith.constant 0 : i32
        %dma_start3A_96 = tpu.memref_slice %arg2[%dma_start3A_94, %dma_start3A_95] : memref<10240x128xf32, #tpu.memory_space<hbm>> -> memref<10240x128xf32, #tpu.memory_space<hbm>>
        tpu.enqueue_indirect_dma source(%dma_start3A_96 : memref<10240x128xf32, #tpu.memory_space<hbm>>) target(%arg9 : memref<128x128xf32, #tpu.memory_space<vmem>>) offsets(%dma_start3A_93 : memref<128xi32, #tpu.memory_space<vmem>>) semaphore(%arg12 : memref<!tpu.dma_semaphore, #tpu.memory_space<semaphore_mem>>)
        %dma_start3A_97 = arith.constant 0 : i32
        %dma_start3A_98 = tpu.memref_slice %arg7[%add3A_91, %dma_start3A_97] : memref<40x128xi32, #tpu.memory_space<vmem>> -> memref<1x128xi32, #tpu.memory_space<vmem>>
        %dma_start3A_99 = tpu.memref_squeeze %dma_start3A_98 : memref<1x128xi32, #tpu.memory_space<vmem>> -> memref<128xi32, #tpu.memory_space<vmem>>
        %dma_start3A_100 = arith.constant 0 : i32
        %dma_start3A_101 = arith.constant 0 : i32
        %dma_start3A_102 = tpu.memref_slice %arg2[%dma_start3A_100, %dma_start3A_101] : memref<10240x128xf32, #tpu.memory_space<hbm>> -> memref<10240x128xf32, #tpu.memory_space<hbm>>
        tpu.enqueue_indirect_dma source(%dma_start3A_102 : memref<10240x128xf32, #tpu.memory_space<hbm>>) target(%arg10 : memref<128x128xf32, #tpu.memory_space<vmem>>) offsets(%dma_start3A_99 : memref<128xi32, #tpu.memory_space<vmem>>) semaphore(%arg13 : memref<!tpu.dma_semaphore, #tpu.memory_space<semaphore_mem>>)
        %dma_wait3A = arith.constant 0 : i32
        %dma_wait3A_103 = tpu.memref_slice %arg7[%mul3A_89, %dma_wait3A] : memref<40x128xi32, #tpu.memory_space<vmem>> -> memref<1x128xi32, #tpu.memory_space<vmem>>
        %dma_wait3A_104 = tpu.memref_squeeze %dma_wait3A_103 : memref<1x128xi32, #tpu.memory_space<vmem>> -> memref<128xi32, #tpu.memory_space<vmem>>
        %dma_wait3A_105 = arith.constant 0 : i32
        %dma_wait3A_106 = arith.constant 0 : i32
        %dma_wait3A_107 = tpu.memref_slice %arg2[%dma_wait3A_105, %dma_wait3A_106] : memref<10240x128xf32, #tpu.memory_space<hbm>> -> memref<10240x128xf32, #tpu.memory_space<hbm>>
        tpu.wait_indirect_dma semaphore(%arg12 : memref<!tpu.dma_semaphore, #tpu.memory_space<semaphore_mem>>) src(%dma_wait3A_107 : memref<10240x128xf32, #tpu.memory_space<hbm>>) dst(%arg9 : memref<128x128xf32, #tpu.memory_space<vmem>>)
        "tpu.region"() ({
          %run_scoped3A = tpu.sem_alloc : memref<!tpu.dma_semaphore, #tpu.memory_space<semaphore_mem>>
          %dma_start3A_114 = arith.constant 0 : i32
          %dma_start3A_115 = tpu.memref_slice %arg8[%mul3A_89, %dma_start3A_114] : memref<40x128xi32, #tpu.memory_space<vmem>> -> memref<1x128xi32, #tpu.memory_space<vmem>>
          %dma_start3A_116 = tpu.memref_squeeze %dma_start3A_115 : memref<1x128xi32, #tpu.memory_space<vmem>> -> memref<128xi32, #tpu.memory_space<vmem>>
          %dma_start3A_117 = arith.constant 0 : i32
          %dma_start3A_118 = arith.constant 0 : i32
          %dma_start3A_119 = tpu.memref_slice %arg11[%dma_start3A_117, %dma_start3A_118] : memref<10240x128xf32, #tpu.memory_space<vmem_shared>> -> memref<10240x128xf32, #tpu.memory_space<vmem_shared>>
          tpu.enqueue_indirect_dma source(%arg9 : memref<128x128xf32, #tpu.memory_space<vmem>>) target(%dma_start3A_119 : memref<10240x128xf32, #tpu.memory_space<vmem_shared>>) offsets(%dma_start3A_116 : memref<128xi32, #tpu.memory_space<vmem>>) semaphore(%run_scoped3A : memref<!tpu.dma_semaphore, #tpu.memory_space<semaphore_mem>>) {add = true}
          %dma_wait3A_120 = arith.constant 0 : i32
          %dma_wait3A_121 = tpu.memref_slice %arg8[%mul3A_89, %dma_wait3A_120] : memref<40x128xi32, #tpu.memory_space<vmem>> -> memref<1x128xi32, #tpu.memory_space<vmem>>
          %dma_wait3A_122 = tpu.memref_squeeze %dma_wait3A_121 : memref<1x128xi32, #tpu.memory_space<vmem>> -> memref<128xi32, #tpu.memory_space<vmem>>
          %dma_wait3A_123 = arith.constant 0 : i32
          %dma_wait3A_124 = arith.constant 0 : i32
          %dma_wait3A_125 = tpu.memref_slice %arg11[%dma_wait3A_123, %dma_wait3A_124] : memref<10240x128xf32, #tpu.memory_space<vmem_shared>> -> memref<10240x128xf32, #tpu.memory_space<vmem_shared>>
          tpu.wait_indirect_dma semaphore(%run_scoped3A : memref<!tpu.dma_semaphore, #tpu.memory_space<semaphore_mem>>) src(%arg9 : memref<128x128xf32, #tpu.memory_space<vmem>>) dst(%dma_wait3A_125 : memref<10240x128xf32, #tpu.memory_space<vmem_shared>>)
          tpu.yield
        }) : () -> ()
        %dma_wait3A_108 = arith.constant 0 : i32
        %dma_wait3A_109 = tpu.memref_slice %arg7[%add3A_91, %dma_wait3A_108] : memref<40x128xi32, #tpu.memory_space<vmem>> -> memref<1x128xi32, #tpu.memory_space<vmem>>
        %dma_wait3A_110 = tpu.memref_squeeze %dma_wait3A_109 : memref<1x128xi32, #tpu.memory_space<vmem>> -> memref<128xi32, #tpu.memory_space<vmem>>
        %dma_wait3A_111 = arith.constant 0 : i32
        %dma_wait3A_112 = arith.constant 0 : i32
        %dma_wait3A_113 = tpu.memref_slice %arg2[%dma_wait3A_111, %dma_wait3A_112] : memref<10240x128xf32, #tpu.memory_space<hbm>> -> memref<10240x128xf32, #tpu.memory_space<hbm>>
        tpu.wait_indirect_dma semaphore(%arg13 : memref<!tpu.dma_semaphore, #tpu.memory_space<semaphore_mem>>) src(%dma_wait3A_113 : memref<10240x128xf32, #tpu.memory_space<hbm>>) dst(%arg10 : memref<128x128xf32, #tpu.memory_space<vmem>>)
        "tpu.region"() ({
          %run_scoped3A = tpu.sem_alloc : memref<!tpu.dma_semaphore, #tpu.memory_space<semaphore_mem>>
          %dma_start3A_114 = arith.constant 0 : i32
          %dma_start3A_115 = tpu.memref_slice %arg8[%add3A_91, %dma_start3A_114] : memref<40x128xi32, #tpu.memory_space<vmem>> -> memref<1x128xi32, #tpu.memory_space<vmem>>
          %dma_start3A_116 = tpu.memref_squeeze %dma_start3A_115 : memref<1x128xi32, #tpu.memory_space<vmem>> -> memref<128xi32, #tpu.memory_space<vmem>>
          %dma_start3A_117 = arith.constant 0 : i32
          %dma_start3A_118 = arith.constant 0 : i32
          %dma_start3A_119 = tpu.memref_slice %arg11[%dma_start3A_117, %dma_start3A_118] : memref<10240x128xf32, #tpu.memory_space<vmem_shared>> -> memref<10240x128xf32, #tpu.memory_space<vmem_shared>>
          tpu.enqueue_indirect_dma source(%arg10 : memref<128x128xf32, #tpu.memory_space<vmem>>) target(%dma_start3A_119 : memref<10240x128xf32, #tpu.memory_space<vmem_shared>>) offsets(%dma_start3A_116 : memref<128xi32, #tpu.memory_space<vmem>>) semaphore(%run_scoped3A : memref<!tpu.dma_semaphore, #tpu.memory_space<semaphore_mem>>) {add = true}
          %dma_wait3A_120 = arith.constant 0 : i32
          %dma_wait3A_121 = tpu.memref_slice %arg8[%add3A_91, %dma_wait3A_120] : memref<40x128xi32, #tpu.memory_space<vmem>> -> memref<1x128xi32, #tpu.memory_space<vmem>>
          %dma_wait3A_122 = tpu.memref_squeeze %dma_wait3A_121 : memref<1x128xi32, #tpu.memory_space<vmem>> -> memref<128xi32, #tpu.memory_space<vmem>>
          %dma_wait3A_123 = arith.constant 0 : i32
          %dma_wait3A_124 = arith.constant 0 : i32
          %dma_wait3A_125 = tpu.memref_slice %arg11[%dma_wait3A_123, %dma_wait3A_124] : memref<10240x128xf32, #tpu.memory_space<vmem_shared>> -> memref<10240x128xf32, #tpu.memory_space<vmem_shared>>
          tpu.wait_indirect_dma semaphore(%run_scoped3A : memref<!tpu.dma_semaphore, #tpu.memory_space<semaphore_mem>>) src(%arg10 : memref<128x128xf32, #tpu.memory_space<vmem>>) dst(%dma_wait3A_125 : memref<10240x128xf32, #tpu.memory_space<vmem_shared>>)
          tpu.yield
        }) : () -> ()
      }
      %scan3A_82 = arith.constant 12 : i32
    } else {
    }
    %eq3A_20 = arith.constant 1 : i32
    %eq3A_21 = arith.cmpi eq, %arg0, %eq3A_20 : i32
    %convert_element_type3A_22 = arith.extui %eq3A_21 : i1 to i32
    %cond3A_23 = arith.constant 0 : i32
    %cond3A_24 = arith.cmpi ne, %convert_element_type3A_22, %cond3A_23 : i32
    scf.if %cond3A_24 {
      %mul3A_46 = arith.constant 16 : i32
      %mul3A_47 = arith.muli %arg1, %mul3A_46 : i32
      %add3A_48 = arith.constant 2304 : i32
      %add3A_49 = arith.addi %add3A_48, %mul3A_47 : i32
      %add3A_50 = arith.constant 0 : i32
      %add3A_51 = arith.addi %add3A_49, %add3A_50 : i32
      "tpu.region"() ({
        %run_scoped3A = tpu.sem_alloc : memref<!tpu.dma_semaphore, #tpu.memory_space<semaphore_mem>>
        %dma_start3A = arith.constant 0 : i32
        %dma_start3A_58 = arith.constant 0 : i32
        %dma_start3A_59 = tpu.memref_slice %arg7[%dma_start3A, %dma_start3A_58] : memref<40x128xi32, #tpu.memory_space<vmem>> -> memref<16x128xi32, #tpu.memory_space<vmem>>
        %dma_start3A_60 = arith.constant 0 : i32
        %dma_start3A_61 = tpu.memref_slice %arg3[%add3A_51, %dma_start3A_60] : memref<2560x128xi32, #tpu.memory_space<hbm>> -> memref<16x128xi32, #tpu.memory_space<hbm>>
        %dma_start3A_62 = arith.constant 0 : i32
        %dma_start3A_63 = arith.constant 0 : i32
        %dma_start3A_64 = tpu.memref_slice %arg7[%dma_start3A_62, %dma_start3A_63] : memref<40x128xi32, #tpu.memory_space<vmem>> -> memref<16x128xi32, #tpu.memory_space<vmem>>
        %dma_start3A_65 = arith.constant 0 : i32
        %dma_start3A_66 = tpu.memref_slice %arg3[%add3A_51, %dma_start3A_65] : memref<2560x128xi32, #tpu.memory_space<hbm>> -> memref<16x128xi32, #tpu.memory_space<hbm>>
        tpu.enqueue_dma source(%dma_start3A_66 : memref<16x128xi32, #tpu.memory_space<hbm>>) target(%dma_start3A_64 : memref<16x128xi32, #tpu.memory_space<vmem>>) target_semaphore(%run_scoped3A : memref<!tpu.dma_semaphore, #tpu.memory_space<semaphore_mem>>)
        %dma_wait3A = arith.constant 0 : i32
        %dma_wait3A_67 = arith.constant 0 : i32
        %dma_wait3A_68 = tpu.memref_slice %arg7[%dma_wait3A, %dma_wait3A_67] : memref<40x128xi32, #tpu.memory_space<vmem>> -> memref<16x128xi32, #tpu.memory_space<vmem>>
        %dma_wait3A_69 = arith.constant 0 : i32
        %dma_wait3A_70 = tpu.memref_slice %arg3[%add3A_51, %dma_wait3A_69] : memref<2560x128xi32, #tpu.memory_space<hbm>> -> memref<16x128xi32, #tpu.memory_space<hbm>>
        %dma_wait3A_71 = arith.constant 0 : i32
        %dma_wait3A_72 = arith.constant 0 : i32
        %dma_wait3A_73 = tpu.memref_slice %arg7[%dma_wait3A_71, %dma_wait3A_72] : memref<40x128xi32, #tpu.memory_space<vmem>> -> memref<16x128xi32, #tpu.memory_space<vmem>>
        %dma_wait3A_74 = arith.constant 0 : i32
        %dma_wait3A_75 = tpu.memref_slice %arg3[%add3A_51, %dma_wait3A_74] : memref<2560x128xi32, #tpu.memory_space<hbm>> -> memref<16x128xi32, #tpu.memory_space<hbm>>
        tpu.wait_dma2 semaphore(%run_scoped3A : memref<!tpu.dma_semaphore, #tpu.memory_space<semaphore_mem>>) src(%dma_wait3A_75 : memref<16x128xi32, #tpu.memory_space<hbm>>) dst(%dma_wait3A_73 : memref<16x128xi32, #tpu.memory_space<vmem>>)
        tpu.yield
      }) : () -> ()
      %add3A_52 = arith.constant 0 : i32
      %add3A_53 = arith.addi %add3A_49, %add3A_52 : i32
      "tpu.region"() ({
        %run_scoped3A = tpu.sem_alloc : memref<!tpu.dma_semaphore, #tpu.memory_space<semaphore_mem>>
        %dma_start3A = arith.constant 0 : i32
        %dma_start3A_58 = arith.constant 0 : i32
        %dma_start3A_59 = tpu.memref_slice %arg8[%dma_start3A, %dma_start3A_58] : memref<40x128xi32, #tpu.memory_space<vmem>> -> memref<16x128xi32, #tpu.memory_space<vmem>>
        %dma_start3A_60 = arith.constant 0 : i32
        %dma_start3A_61 = tpu.memref_slice %arg4[%add3A_53, %dma_start3A_60] : memref<2560x128xi32, #tpu.memory_space<hbm>> -> memref<16x128xi32, #tpu.memory_space<hbm>>
        %dma_start3A_62 = arith.constant 0 : i32
        %dma_start3A_63 = arith.constant 0 : i32
        %dma_start3A_64 = tpu.memref_slice %arg8[%dma_start3A_62, %dma_start3A_63] : memref<40x128xi32, #tpu.memory_space<vmem>> -> memref<16x128xi32, #tpu.memory_space<vmem>>
        %dma_start3A_65 = arith.constant 0 : i32
        %dma_start3A_66 = tpu.memref_slice %arg4[%add3A_53, %dma_start3A_65] : memref<2560x128xi32, #tpu.memory_space<hbm>> -> memref<16x128xi32, #tpu.memory_space<hbm>>
        tpu.enqueue_dma source(%dma_start3A_66 : memref<16x128xi32, #tpu.memory_space<hbm>>) target(%dma_start3A_64 : memref<16x128xi32, #tpu.memory_space<vmem>>) target_semaphore(%run_scoped3A : memref<!tpu.dma_semaphore, #tpu.memory_space<semaphore_mem>>)
        %dma_wait3A = arith.constant 0 : i32
        %dma_wait3A_67 = arith.constant 0 : i32
        %dma_wait3A_68 = tpu.memref_slice %arg8[%dma_wait3A, %dma_wait3A_67] : memref<40x128xi32, #tpu.memory_space<vmem>> -> memref<16x128xi32, #tpu.memory_space<vmem>>
        %dma_wait3A_69 = arith.constant 0 : i32
        %dma_wait3A_70 = tpu.memref_slice %arg4[%add3A_53, %dma_wait3A_69] : memref<2560x128xi32, #tpu.memory_space<hbm>> -> memref<16x128xi32, #tpu.memory_space<hbm>>
        %dma_wait3A_71 = arith.constant 0 : i32
        %dma_wait3A_72 = arith.constant 0 : i32
        %dma_wait3A_73 = tpu.memref_slice %arg8[%dma_wait3A_71, %dma_wait3A_72] : memref<40x128xi32, #tpu.memory_space<vmem>> -> memref<16x128xi32, #tpu.memory_space<vmem>>
        %dma_wait3A_74 = arith.constant 0 : i32
        %dma_wait3A_75 = tpu.memref_slice %arg4[%add3A_53, %dma_wait3A_74] : memref<2560x128xi32, #tpu.memory_space<hbm>> -> memref<16x128xi32, #tpu.memory_space<hbm>>
        tpu.wait_dma2 semaphore(%run_scoped3A : memref<!tpu.dma_semaphore, #tpu.memory_space<semaphore_mem>>) src(%dma_wait3A_75 : memref<16x128xi32, #tpu.memory_space<hbm>>) dst(%dma_wait3A_73 : memref<16x128xi32, #tpu.memory_space<vmem>>)
        tpu.yield
      }) : () -> ()
      %scan3A = arith.constant 0 : i32
      %scan3A_54 = arith.constant 8 : i32
      %scan3A_55 = arith.addi %scan3A, %scan3A_54 : i32
      %scan3A_56 = arith.constant 1 : i32
      scf.for %scan3A_58 = %scan3A to %scan3A_55 step %scan3A_56  : i32 {
        %mul3A_59 = arith.constant 1 : i32
        %mul3A_60 = arith.muli %scan3A_58, %mul3A_59 : i32
        %add3A_61 = arith.constant 0 : i32
        %add3A_62 = arith.addi %add3A_61, %mul3A_60 : i32
        %mul3A_63 = arith.constant 2 : i32
        %mul3A_64 = arith.muli %mul3A_63, %add3A_62 : i32
        %add3A_65 = arith.constant 1 : i32
        %add3A_66 = arith.addi %mul3A_64, %add3A_65 : i32
        %dma_start3A = arith.constant 0 : i32
        %dma_start3A_67 = tpu.memref_slice %arg7[%mul3A_64, %dma_start3A] : memref<40x128xi32, #tpu.memory_space<vmem>> -> memref<1x128xi32, #tpu.memory_space<vmem>>
        %dma_start3A_68 = tpu.memref_squeeze %dma_start3A_67 : memref<1x128xi32, #tpu.memory_space<vmem>> -> memref<128xi32, #tpu.memory_space<vmem>>
        %dma_start3A_69 = arith.constant 0 : i32
        %dma_start3A_70 = arith.constant 0 : i32
        %dma_start3A_71 = tpu.memref_slice %arg2[%dma_start3A_69, %dma_start3A_70] : memref<10240x128xf32, #tpu.memory_space<hbm>> -> memref<10240x128xf32, #tpu.memory_space<hbm>>
        tpu.enqueue_indirect_dma source(%dma_start3A_71 : memref<10240x128xf32, #tpu.memory_space<hbm>>) target(%arg9 : memref<128x128xf32, #tpu.memory_space<vmem>>) offsets(%dma_start3A_68 : memref<128xi32, #tpu.memory_space<vmem>>) semaphore(%arg12 : memref<!tpu.dma_semaphore, #tpu.memory_space<semaphore_mem>>)
        %dma_start3A_72 = arith.constant 0 : i32
        %dma_start3A_73 = tpu.memref_slice %arg7[%add3A_66, %dma_start3A_72] : memref<40x128xi32, #tpu.memory_space<vmem>> -> memref<1x128xi32, #tpu.memory_space<vmem>>
        %dma_start3A_74 = tpu.memref_squeeze %dma_start3A_73 : memref<1x128xi32, #tpu.memory_space<vmem>> -> memref<128xi32, #tpu.memory_space<vmem>>
        %dma_start3A_75 = arith.constant 0 : i32
        %dma_start3A_76 = arith.constant 0 : i32
        %dma_start3A_77 = tpu.memref_slice %arg2[%dma_start3A_75, %dma_start3A_76] : memref<10240x128xf32, #tpu.memory_space<hbm>> -> memref<10240x128xf32, #tpu.memory_space<hbm>>
        tpu.enqueue_indirect_dma source(%dma_start3A_77 : memref<10240x128xf32, #tpu.memory_space<hbm>>) target(%arg10 : memref<128x128xf32, #tpu.memory_space<vmem>>) offsets(%dma_start3A_74 : memref<128xi32, #tpu.memory_space<vmem>>) semaphore(%arg13 : memref<!tpu.dma_semaphore, #tpu.memory_space<semaphore_mem>>)
        %dma_wait3A = arith.constant 0 : i32
        %dma_wait3A_78 = tpu.memref_slice %arg7[%mul3A_64, %dma_wait3A] : memref<40x128xi32, #tpu.memory_space<vmem>> -> memref<1x128xi32, #tpu.memory_space<vmem>>
        %dma_wait3A_79 = tpu.memref_squeeze %dma_wait3A_78 : memref<1x128xi32, #tpu.memory_space<vmem>> -> memref<128xi32, #tpu.memory_space<vmem>>
        %dma_wait3A_80 = arith.constant 0 : i32
        %dma_wait3A_81 = arith.constant 0 : i32
        %dma_wait3A_82 = tpu.memref_slice %arg2[%dma_wait3A_80, %dma_wait3A_81] : memref<10240x128xf32, #tpu.memory_space<hbm>> -> memref<10240x128xf32, #tpu.memory_space<hbm>>
        tpu.wait_indirect_dma semaphore(%arg12 : memref<!tpu.dma_semaphore, #tpu.memory_space<semaphore_mem>>) src(%dma_wait3A_82 : memref<10240x128xf32, #tpu.memory_space<hbm>>) dst(%arg9 : memref<128x128xf32, #tpu.memory_space<vmem>>)
        "tpu.region"() ({
          %run_scoped3A = tpu.sem_alloc : memref<!tpu.dma_semaphore, #tpu.memory_space<semaphore_mem>>
          %dma_start3A_89 = arith.constant 0 : i32
          %dma_start3A_90 = tpu.memref_slice %arg8[%mul3A_64, %dma_start3A_89] : memref<40x128xi32, #tpu.memory_space<vmem>> -> memref<1x128xi32, #tpu.memory_space<vmem>>
          %dma_start3A_91 = tpu.memref_squeeze %dma_start3A_90 : memref<1x128xi32, #tpu.memory_space<vmem>> -> memref<128xi32, #tpu.memory_space<vmem>>
          %dma_start3A_92 = arith.constant 0 : i32
          %dma_start3A_93 = arith.constant 0 : i32
          %dma_start3A_94 = tpu.memref_slice %arg11[%dma_start3A_92, %dma_start3A_93] : memref<10240x128xf32, #tpu.memory_space<vmem_shared>> -> memref<10240x128xf32, #tpu.memory_space<vmem_shared>>
          tpu.enqueue_indirect_dma source(%arg9 : memref<128x128xf32, #tpu.memory_space<vmem>>) target(%dma_start3A_94 : memref<10240x128xf32, #tpu.memory_space<vmem_shared>>) offsets(%dma_start3A_91 : memref<128xi32, #tpu.memory_space<vmem>>) semaphore(%run_scoped3A : memref<!tpu.dma_semaphore, #tpu.memory_space<semaphore_mem>>) {add = true}
          %dma_wait3A_95 = arith.constant 0 : i32
          %dma_wait3A_96 = tpu.memref_slice %arg8[%mul3A_64, %dma_wait3A_95] : memref<40x128xi32, #tpu.memory_space<vmem>> -> memref<1x128xi32, #tpu.memory_space<vmem>>
          %dma_wait3A_97 = tpu.memref_squeeze %dma_wait3A_96 : memref<1x128xi32, #tpu.memory_space<vmem>> -> memref<128xi32, #tpu.memory_space<vmem>>
          %dma_wait3A_98 = arith.constant 0 : i32
          %dma_wait3A_99 = arith.constant 0 : i32
          %dma_wait3A_100 = tpu.memref_slice %arg11[%dma_wait3A_98, %dma_wait3A_99] : memref<10240x128xf32, #tpu.memory_space<vmem_shared>> -> memref<10240x128xf32, #tpu.memory_space<vmem_shared>>
          tpu.wait_indirect_dma semaphore(%run_scoped3A : memref<!tpu.dma_semaphore, #tpu.memory_space<semaphore_mem>>) src(%arg9 : memref<128x128xf32, #tpu.memory_space<vmem>>) dst(%dma_wait3A_100 : memref<10240x128xf32, #tpu.memory_space<vmem_shared>>)
          tpu.yield
        }) : () -> ()
        %dma_wait3A_83 = arith.constant 0 : i32
        %dma_wait3A_84 = tpu.memref_slice %arg7[%add3A_66, %dma_wait3A_83] : memref<40x128xi32, #tpu.memory_space<vmem>> -> memref<1x128xi32, #tpu.memory_space<vmem>>
        %dma_wait3A_85 = tpu.memref_squeeze %dma_wait3A_84 : memref<1x128xi32, #tpu.memory_space<vmem>> -> memref<128xi32, #tpu.memory_space<vmem>>
        %dma_wait3A_86 = arith.constant 0 : i32
        %dma_wait3A_87 = arith.constant 0 : i32
        %dma_wait3A_88 = tpu.memref_slice %arg2[%dma_wait3A_86, %dma_wait3A_87] : memref<10240x128xf32, #tpu.memory_space<hbm>> -> memref<10240x128xf32, #tpu.memory_space<hbm>>
        tpu.wait_indirect_dma semaphore(%arg13 : memref<!tpu.dma_semaphore, #tpu.memory_space<semaphore_mem>>) src(%dma_wait3A_88 : memref<10240x128xf32, #tpu.memory_space<hbm>>) dst(%arg10 : memref<128x128xf32, #tpu.memory_space<vmem>>)
        "tpu.region"() ({
          %run_scoped3A = tpu.sem_alloc : memref<!tpu.dma_semaphore, #tpu.memory_space<semaphore_mem>>
          %dma_start3A_89 = arith.constant 0 : i32
          %dma_start3A_90 = tpu.memref_slice %arg8[%add3A_66, %dma_start3A_89] : memref<40x128xi32, #tpu.memory_space<vmem>> -> memref<1x128xi32, #tpu.memory_space<vmem>>
          %dma_start3A_91 = tpu.memref_squeeze %dma_start3A_90 : memref<1x128xi32, #tpu.memory_space<vmem>> -> memref<128xi32, #tpu.memory_space<vmem>>
          %dma_start3A_92 = arith.constant 0 : i32
          %dma_start3A_93 = arith.constant 0 : i32
          %dma_start3A_94 = tpu.memref_slice %arg11[%dma_start3A_92, %dma_start3A_93] : memref<10240x128xf32, #tpu.memory_space<vmem_shared>> -> memref<10240x128xf32, #tpu.memory_space<vmem_shared>>
          tpu.enqueue_indirect_dma source(%arg10 : memref<128x128xf32, #tpu.memory_space<vmem>>) target(%dma_start3A_94 : memref<10240x128xf32, #tpu.memory_space<vmem_shared>>) offsets(%dma_start3A_91 : memref<128xi32, #tpu.memory_space<vmem>>) semaphore(%run_scoped3A : memref<!tpu.dma_semaphore, #tpu.memory_space<semaphore_mem>>) {add = true}
          %dma_wait3A_95 = arith.constant 0 : i32
          %dma_wait3A_96 = tpu.memref_slice %arg8[%add3A_66, %dma_wait3A_95] : memref<40x128xi32, #tpu.memory_space<vmem>> -> memref<1x128xi32, #tpu.memory_space<vmem>>
          %dma_wait3A_97 = tpu.memref_squeeze %dma_wait3A_96 : memref<1x128xi32, #tpu.memory_space<vmem>> -> memref<128xi32, #tpu.memory_space<vmem>>
          %dma_wait3A_98 = arith.constant 0 : i32
          %dma_wait3A_99 = arith.constant 0 : i32
          %dma_wait3A_100 = tpu.memref_slice %arg11[%dma_wait3A_98, %dma_wait3A_99] : memref<10240x128xf32, #tpu.memory_space<vmem_shared>> -> memref<10240x128xf32, #tpu.memory_space<vmem_shared>>
          tpu.wait_indirect_dma semaphore(%run_scoped3A : memref<!tpu.dma_semaphore, #tpu.memory_space<semaphore_mem>>) src(%arg10 : memref<128x128xf32, #tpu.memory_space<vmem>>) dst(%dma_wait3A_100 : memref<10240x128xf32, #tpu.memory_space<vmem_shared>>)
          tpu.yield
        }) : () -> ()
      }
      %scan3A_57 = arith.constant 8 : i32
    } else {
    }
    %barrier3A_25 = arith.constant 0 : index
    tpu.barrier barrier_id(%barrier3A_25)
    %mul3A_26 = arith.constant 640 : i32
    %mul3A_27 = arith.muli %arg1, %mul3A_26 : i32
    %add3A_28 = arith.constant 0 : i32
    %add3A_29 = arith.addi %mul3A_27, %add3A_28 : i32
    "tpu.region"() ({
      %run_scoped3A = tpu.sem_alloc : memref<!tpu.dma_semaphore, #tpu.memory_space<semaphore_mem>>
      %dma_start3A = arith.constant 0 : i32
      %dma_start3A_46 = tpu.memref_slice %arg11[%add3A_29, %dma_start3A] : memref<10240x128xf32, #tpu.memory_space<vmem_shared>> -> memref<128x128xf32, #tpu.memory_space<vmem_shared>>
      %dma_start3A_47 = arith.constant 0 : i32
      %dma_start3A_48 = tpu.memref_slice %arg11[%add3A_29, %dma_start3A_47] : memref<10240x128xf32, #tpu.memory_space<vmem_shared>> -> memref<128x128xf32, #tpu.memory_space<vmem_shared>>
      tpu.enqueue_dma source(%dma_start3A_48 : memref<128x128xf32, #tpu.memory_space<vmem_shared>>) target(%arg9 : memref<128x128xf32, #tpu.memory_space<vmem>>) target_semaphore(%run_scoped3A : memref<!tpu.dma_semaphore, #tpu.memory_space<semaphore_mem>>)
      %dma_wait3A = arith.constant 0 : i32
      %dma_wait3A_49 = tpu.memref_slice %arg11[%add3A_29, %dma_wait3A] : memref<10240x128xf32, #tpu.memory_space<vmem_shared>> -> memref<128x128xf32, #tpu.memory_space<vmem_shared>>
      %dma_wait3A_50 = arith.constant 0 : i32
      %dma_wait3A_51 = tpu.memref_slice %arg11[%add3A_29, %dma_wait3A_50] : memref<10240x128xf32, #tpu.memory_space<vmem_shared>> -> memref<128x128xf32, #tpu.memory_space<vmem_shared>>
      tpu.wait_dma2 semaphore(%run_scoped3A : memref<!tpu.dma_semaphore, #tpu.memory_space<semaphore_mem>>) src(%dma_wait3A_51 : memref<128x128xf32, #tpu.memory_space<vmem_shared>>) dst(%arg9 : memref<128x128xf32, #tpu.memory_space<vmem>>)
      tpu.yield
    }) : () -> ()
    "tpu.region"() ({
      %run_scoped3A = tpu.sem_alloc : memref<!tpu.dma_semaphore, #tpu.memory_space<semaphore_mem>>
      %dma_start3A = arith.constant 0 : i32
      %dma_start3A_46 = tpu.memref_slice %arg6[%arg0, %add3A_29, %dma_start3A] : memref<2x10240x128xf32, #tpu.memory_space<hbm>> -> memref<1x128x128xf32, #tpu.memory_space<hbm>>
      %dma_start3A_47 = tpu.memref_squeeze %dma_start3A_46 : memref<1x128x128xf32, #tpu.memory_space<hbm>> -> memref<128x128xf32, #tpu.memory_space<hbm>>
      %dma_start3A_48 = arith.constant 0 : i32
      %dma_start3A_49 = tpu.memref_slice %arg6[%arg0, %add3A_29, %dma_start3A_48] : memref<2x10240x128xf32, #tpu.memory_space<hbm>> -> memref<1x128x128xf32, #tpu.memory_space<hbm>>
      %dma_start3A_50 = tpu.memref_squeeze %dma_start3A_49 : memref<1x128x128xf32, #tpu.memory_space<hbm>> -> memref<128x128xf32, #tpu.memory_space<hbm>>
      tpu.enqueue_dma source(%arg9 : memref<128x128xf32, #tpu.memory_space<vmem>>) target(%dma_start3A_50 : memref<128x128xf32, #tpu.memory_space<hbm>>) target_semaphore(%run_scoped3A : memref<!tpu.dma_semaphore, #tpu.memory_space<semaphore_mem>>)
      %dma_wait3A = arith.constant 0 : i32
      %dma_wait3A_51 = tpu.memref_slice %arg6[%arg0, %add3A_29, %dma_wait3A] : memref<2x10240x128xf32, #tpu.memory_space<hbm>> -> memref<1x128x128xf32, #tpu.memory_space<hbm>>
      %dma_wait3A_52 = tpu.memref_squeeze %dma_wait3A_51 : memref<1x128x128xf32, #tpu.memory_space<hbm>> -> memref<128x128xf32, #tpu.memory_space<hbm>>
      %dma_wait3A_53 = arith.constant 0 : i32
      %dma_wait3A_54 = tpu.memref_slice %arg6[%arg0, %add3A_29, %dma_wait3A_53] : memref<2x10240x128xf32, #tpu.memory_space<hbm>> -> memref<1x128x128xf32, #tpu.memory_space<hbm>>
      %dma_wait3A_55 = tpu.memref_squeeze %dma_wait3A_54 : memref<1x128x128xf32, #tpu.memory_space<hbm>> -> memref<128x128xf32, #tpu.memory_space<hbm>>
      tpu.wait_dma2 semaphore(%run_scoped3A : memref<!tpu.dma_semaphore, #tpu.memory_space<semaphore_mem>>) src(%arg9 : memref<128x128xf32, #tpu.memory_space<vmem>>) dst(%dma_wait3A_55 : memref<128x128xf32, #tpu.memory_space<hbm>>)
      tpu.yield
    }) : () -> ()
    %mul3A_30 = arith.constant 640 : i32
    %mul3A_31 = arith.muli %arg1, %mul3A_30 : i32
    %add3A_32 = arith.constant 128 : i32
    %add3A_33 = arith.addi %mul3A_31, %add3A_32 : i32
    "tpu.region"() ({
      %run_scoped3A = tpu.sem_alloc : memref<!tpu.dma_semaphore, #tpu.memory_space<semaphore_mem>>
      %dma_start3A = arith.constant 0 : i32
      %dma_start3A_46 = tpu.memref_slice %arg11[%add3A_33, %dma_start3A] : memref<10240x128xf32, #tpu.memory_space<vmem_shared>> -> memref<128x128xf32, #tpu.memory_space<vmem_shared>>
      %dma_start3A_47 = arith.constant 0 : i32
      %dma_start3A_48 = tpu.memref_slice %arg11[%add3A_33, %dma_start3A_47] : memref<10240x128xf32, #tpu.memory_space<vmem_shared>> -> memref<128x128xf32, #tpu.memory_space<vmem_shared>>
      tpu.enqueue_dma source(%dma_start3A_48 : memref<128x128xf32, #tpu.memory_space<vmem_shared>>) target(%arg9 : memref<128x128xf32, #tpu.memory_space<vmem>>) target_semaphore(%run_scoped3A : memref<!tpu.dma_semaphore, #tpu.memory_space<semaphore_mem>>)
      %dma_wait3A = arith.constant 0 : i32
      %dma_wait3A_49 = tpu.memref_slice %arg11[%add3A_33, %dma_wait3A] : memref<10240x128xf32, #tpu.memory_space<vmem_shared>> -> memref<128x128xf32, #tpu.memory_space<vmem_shared>>
      %dma_wait3A_50 = arith.constant 0 : i32
      %dma_wait3A_51 = tpu.memref_slice %arg11[%add3A_33, %dma_wait3A_50] : memref<10240x128xf32, #tpu.memory_space<vmem_shared>> -> memref<128x128xf32, #tpu.memory_space<vmem_shared>>
      tpu.wait_dma2 semaphore(%run_scoped3A : memref<!tpu.dma_semaphore, #tpu.memory_space<semaphore_mem>>) src(%dma_wait3A_51 : memref<128x128xf32, #tpu.memory_space<vmem_shared>>) dst(%arg9 : memref<128x128xf32, #tpu.memory_space<vmem>>)
      tpu.yield
    }) : () -> ()
    "tpu.region"() ({
      %run_scoped3A = tpu.sem_alloc : memref<!tpu.dma_semaphore, #tpu.memory_space<semaphore_mem>>
      %dma_start3A = arith.constant 0 : i32
      %dma_start3A_46 = tpu.memref_slice %arg6[%arg0, %add3A_33, %dma_start3A] : memref<2x10240x128xf32, #tpu.memory_space<hbm>> -> memref<1x128x128xf32, #tpu.memory_space<hbm>>
      %dma_start3A_47 = tpu.memref_squeeze %dma_start3A_46 : memref<1x128x128xf32, #tpu.memory_space<hbm>> -> memref<128x128xf32, #tpu.memory_space<hbm>>
      %dma_start3A_48 = arith.constant 0 : i32
      %dma_start3A_49 = tpu.memref_slice %arg6[%arg0, %add3A_33, %dma_start3A_48] : memref<2x10240x128xf32, #tpu.memory_space<hbm>> -> memref<1x128x128xf32, #tpu.memory_space<hbm>>
      %dma_start3A_50 = tpu.memref_squeeze %dma_start3A_49 : memref<1x128x128xf32, #tpu.memory_space<hbm>> -> memref<128x128xf32, #tpu.memory_space<hbm>>
      tpu.enqueue_dma source(%arg9 : memref<128x128xf32, #tpu.memory_space<vmem>>) target(%dma_start3A_50 : memref<128x128xf32, #tpu.memory_space<hbm>>) target_semaphore(%run_scoped3A : memref<!tpu.dma_semaphore, #tpu.memory_space<semaphore_mem>>)
      %dma_wait3A = arith.constant 0 : i32
      %dma_wait3A_51 = tpu.memref_slice %arg6[%arg0, %add3A_33, %dma_wait3A] : memref<2x10240x128xf32, #tpu.memory_space<hbm>> -> memref<1x128x128xf32, #tpu.memory_space<hbm>>
      %dma_wait3A_52 = tpu.memref_squeeze %dma_wait3A_51 : memref<1x128x128xf32, #tpu.memory_space<hbm>> -> memref<128x128xf32, #tpu.memory_space<hbm>>
      %dma_wait3A_53 = arith.constant 0 : i32
      %dma_wait3A_54 = tpu.memref_slice %arg6[%arg0, %add3A_33, %dma_wait3A_53] : memref<2x10240x128xf32, #tpu.memory_space<hbm>> -> memref<1x128x128xf32, #tpu.memory_space<hbm>>
      %dma_wait3A_55 = tpu.memref_squeeze %dma_wait3A_54 : memref<1x128x128xf32, #tpu.memory_space<hbm>> -> memref<128x128xf32, #tpu.memory_space<hbm>>
      tpu.wait_dma2 semaphore(%run_scoped3A : memref<!tpu.dma_semaphore, #tpu.memory_space<semaphore_mem>>) src(%arg9 : memref<128x128xf32, #tpu.memory_space<vmem>>) dst(%dma_wait3A_55 : memref<128x128xf32, #tpu.memory_space<hbm>>)
      tpu.yield
    }) : () -> ()
    %mul3A_34 = arith.constant 640 : i32
    %mul3A_35 = arith.muli %arg1, %mul3A_34 : i32
    %add3A_36 = arith.constant 256 : i32
    %add3A_37 = arith.addi %mul3A_35, %add3A_36 : i32
    "tpu.region"() ({
      %run_scoped3A = tpu.sem_alloc : memref<!tpu.dma_semaphore, #tpu.memory_space<semaphore_mem>>
      %dma_start3A = arith.constant 0 : i32
      %dma_start3A_46 = tpu.memref_slice %arg11[%add3A_37, %dma_start3A] : memref<10240x128xf32, #tpu.memory_space<vmem_shared>> -> memref<128x128xf32, #tpu.memory_space<vmem_shared>>
      %dma_start3A_47 = arith.constant 0 : i32
      %dma_start3A_48 = tpu.memref_slice %arg11[%add3A_37, %dma_start3A_47] : memref<10240x128xf32, #tpu.memory_space<vmem_shared>> -> memref<128x128xf32, #tpu.memory_space<vmem_shared>>
      tpu.enqueue_dma source(%dma_start3A_48 : memref<128x128xf32, #tpu.memory_space<vmem_shared>>) target(%arg9 : memref<128x128xf32, #tpu.memory_space<vmem>>) target_semaphore(%run_scoped3A : memref<!tpu.dma_semaphore, #tpu.memory_space<semaphore_mem>>)
      %dma_wait3A = arith.constant 0 : i32
      %dma_wait3A_49 = tpu.memref_slice %arg11[%add3A_37, %dma_wait3A] : memref<10240x128xf32, #tpu.memory_space<vmem_shared>> -> memref<128x128xf32, #tpu.memory_space<vmem_shared>>
      %dma_wait3A_50 = arith.constant 0 : i32
      %dma_wait3A_51 = tpu.memref_slice %arg11[%add3A_37, %dma_wait3A_50] : memref<10240x128xf32, #tpu.memory_space<vmem_shared>> -> memref<128x128xf32, #tpu.memory_space<vmem_shared>>
      tpu.wait_dma2 semaphore(%run_scoped3A : memref<!tpu.dma_semaphore, #tpu.memory_space<semaphore_mem>>) src(%dma_wait3A_51 : memref<128x128xf32, #tpu.memory_space<vmem_shared>>) dst(%arg9 : memref<128x128xf32, #tpu.memory_space<vmem>>)
      tpu.yield
    }) : () -> ()
    "tpu.region"() ({
      %run_scoped3A = tpu.sem_alloc : memref<!tpu.dma_semaphore, #tpu.memory_space<semaphore_mem>>
      %dma_start3A = arith.constant 0 : i32
      %dma_start3A_46 = tpu.memref_slice %arg6[%arg0, %add3A_37, %dma_start3A] : memref<2x10240x128xf32, #tpu.memory_space<hbm>> -> memref<1x128x128xf32, #tpu.memory_space<hbm>>
      %dma_start3A_47 = tpu.memref_squeeze %dma_start3A_46 : memref<1x128x128xf32, #tpu.memory_space<hbm>> -> memref<128x128xf32, #tpu.memory_space<hbm>>
      %dma_start3A_48 = arith.constant 0 : i32
      %dma_start3A_49 = tpu.memref_slice %arg6[%arg0, %add3A_37, %dma_start3A_48] : memref<2x10240x128xf32, #tpu.memory_space<hbm>> -> memref<1x128x128xf32, #tpu.memory_space<hbm>>
      %dma_start3A_50 = tpu.memref_squeeze %dma_start3A_49 : memref<1x128x128xf32, #tpu.memory_space<hbm>> -> memref<128x128xf32, #tpu.memory_space<hbm>>
      tpu.enqueue_dma source(%arg9 : memref<128x128xf32, #tpu.memory_space<vmem>>) target(%dma_start3A_50 : memref<128x128xf32, #tpu.memory_space<hbm>>) target_semaphore(%run_scoped3A : memref<!tpu.dma_semaphore, #tpu.memory_space<semaphore_mem>>)
      %dma_wait3A = arith.constant 0 : i32
      %dma_wait3A_51 = tpu.memref_slice %arg6[%arg0, %add3A_37, %dma_wait3A] : memref<2x10240x128xf32, #tpu.memory_space<hbm>> -> memref<1x128x128xf32, #tpu.memory_space<hbm>>
      %dma_wait3A_52 = tpu.memref_squeeze %dma_wait3A_51 : memref<1x128x128xf32, #tpu.memory_space<hbm>> -> memref<128x128xf32, #tpu.memory_space<hbm>>
      %dma_wait3A_53 = arith.constant 0 : i32
      %dma_wait3A_54 = tpu.memref_slice %arg6[%arg0, %add3A_37, %dma_wait3A_53] : memref<2x10240x128xf32, #tpu.memory_space<hbm>> -> memref<1x128x128xf32, #tpu.memory_space<hbm>>
      %dma_wait3A_55 = tpu.memref_squeeze %dma_wait3A_54 : memref<1x128x128xf32, #tpu.memory_space<hbm>> -> memref<128x128xf32, #tpu.memory_space<hbm>>
      tpu.wait_dma2 semaphore(%run_scoped3A : memref<!tpu.dma_semaphore, #tpu.memory_space<semaphore_mem>>) src(%arg9 : memref<128x128xf32, #tpu.memory_space<vmem>>) dst(%dma_wait3A_55 : memref<128x128xf32, #tpu.memory_space<hbm>>)
      tpu.yield
    }) : () -> ()
    %mul3A_38 = arith.constant 640 : i32
    %mul3A_39 = arith.muli %arg1, %mul3A_38 : i32
    %add3A_40 = arith.constant 384 : i32
    %add3A_41 = arith.addi %mul3A_39, %add3A_40 : i32
    "tpu.region"() ({
      %run_scoped3A = tpu.sem_alloc : memref<!tpu.dma_semaphore, #tpu.memory_space<semaphore_mem>>
      %dma_start3A = arith.constant 0 : i32
      %dma_start3A_46 = tpu.memref_slice %arg11[%add3A_41, %dma_start3A] : memref<10240x128xf32, #tpu.memory_space<vmem_shared>> -> memref<128x128xf32, #tpu.memory_space<vmem_shared>>
      %dma_start3A_47 = arith.constant 0 : i32
      %dma_start3A_48 = tpu.memref_slice %arg11[%add3A_41, %dma_start3A_47] : memref<10240x128xf32, #tpu.memory_space<vmem_shared>> -> memref<128x128xf32, #tpu.memory_space<vmem_shared>>
      tpu.enqueue_dma source(%dma_start3A_48 : memref<128x128xf32, #tpu.memory_space<vmem_shared>>) target(%arg9 : memref<128x128xf32, #tpu.memory_space<vmem>>) target_semaphore(%run_scoped3A : memref<!tpu.dma_semaphore, #tpu.memory_space<semaphore_mem>>)
      %dma_wait3A = arith.constant 0 : i32
      %dma_wait3A_49 = tpu.memref_slice %arg11[%add3A_41, %dma_wait3A] : memref<10240x128xf32, #tpu.memory_space<vmem_shared>> -> memref<128x128xf32, #tpu.memory_space<vmem_shared>>
      %dma_wait3A_50 = arith.constant 0 : i32
      %dma_wait3A_51 = tpu.memref_slice %arg11[%add3A_41, %dma_wait3A_50] : memref<10240x128xf32, #tpu.memory_space<vmem_shared>> -> memref<128x128xf32, #tpu.memory_space<vmem_shared>>
      tpu.wait_dma2 semaphore(%run_scoped3A : memref<!tpu.dma_semaphore, #tpu.memory_space<semaphore_mem>>) src(%dma_wait3A_51 : memref<128x128xf32, #tpu.memory_space<vmem_shared>>) dst(%arg9 : memref<128x128xf32, #tpu.memory_space<vmem>>)
      tpu.yield
    }) : () -> ()
    "tpu.region"() ({
      %run_scoped3A = tpu.sem_alloc : memref<!tpu.dma_semaphore, #tpu.memory_space<semaphore_mem>>
      %dma_start3A = arith.constant 0 : i32
      %dma_start3A_46 = tpu.memref_slice %arg6[%arg0, %add3A_41, %dma_start3A] : memref<2x10240x128xf32, #tpu.memory_space<hbm>> -> memref<1x128x128xf32, #tpu.memory_space<hbm>>
      %dma_start3A_47 = tpu.memref_squeeze %dma_start3A_46 : memref<1x128x128xf32, #tpu.memory_space<hbm>> -> memref<128x128xf32, #tpu.memory_space<hbm>>
      %dma_start3A_48 = arith.constant 0 : i32
      %dma_start3A_49 = tpu.memref_slice %arg6[%arg0, %add3A_41, %dma_start3A_48] : memref<2x10240x128xf32, #tpu.memory_space<hbm>> -> memref<1x128x128xf32, #tpu.memory_space<hbm>>
      %dma_start3A_50 = tpu.memref_squeeze %dma_start3A_49 : memref<1x128x128xf32, #tpu.memory_space<hbm>> -> memref<128x128xf32, #tpu.memory_space<hbm>>
      tpu.enqueue_dma source(%arg9 : memref<128x128xf32, #tpu.memory_space<vmem>>) target(%dma_start3A_50 : memref<128x128xf32, #tpu.memory_space<hbm>>) target_semaphore(%run_scoped3A : memref<!tpu.dma_semaphore, #tpu.memory_space<semaphore_mem>>)
      %dma_wait3A = arith.constant 0 : i32
      %dma_wait3A_51 = tpu.memref_slice %arg6[%arg0, %add3A_41, %dma_wait3A] : memref<2x10240x128xf32, #tpu.memory_space<hbm>> -> memref<1x128x128xf32, #tpu.memory_space<hbm>>
      %dma_wait3A_52 = tpu.memref_squeeze %dma_wait3A_51 : memref<1x128x128xf32, #tpu.memory_space<hbm>> -> memref<128x128xf32, #tpu.memory_space<hbm>>
      %dma_wait3A_53 = arith.constant 0 : i32
      %dma_wait3A_54 = tpu.memref_slice %arg6[%arg0, %add3A_41, %dma_wait3A_53] : memref<2x10240x128xf32, #tpu.memory_space<hbm>> -> memref<1x128x128xf32, #tpu.memory_space<hbm>>
      %dma_wait3A_55 = tpu.memref_squeeze %dma_wait3A_54 : memref<1x128x128xf32, #tpu.memory_space<hbm>> -> memref<128x128xf32, #tpu.memory_space<hbm>>
      tpu.wait_dma2 semaphore(%run_scoped3A : memref<!tpu.dma_semaphore, #tpu.memory_space<semaphore_mem>>) src(%arg9 : memref<128x128xf32, #tpu.memory_space<vmem>>) dst(%dma_wait3A_55 : memref<128x128xf32, #tpu.memory_space<hbm>>)
      tpu.yield
    }) : () -> ()
    %mul3A_42 = arith.constant 640 : i32
    %mul3A_43 = arith.muli %arg1, %mul3A_42 : i32
    %add3A_44 = arith.constant 512 : i32
    %add3A_45 = arith.addi %mul3A_43, %add3A_44 : i32
    "tpu.region"() ({
      %run_scoped3A = tpu.sem_alloc : memref<!tpu.dma_semaphore, #tpu.memory_space<semaphore_mem>>
      %dma_start3A = arith.constant 0 : i32
      %dma_start3A_46 = tpu.memref_slice %arg11[%add3A_45, %dma_start3A] : memref<10240x128xf32, #tpu.memory_space<vmem_shared>> -> memref<128x128xf32, #tpu.memory_space<vmem_shared>>
      %dma_start3A_47 = arith.constant 0 : i32
      %dma_start3A_48 = tpu.memref_slice %arg11[%add3A_45, %dma_start3A_47] : memref<10240x128xf32, #tpu.memory_space<vmem_shared>> -> memref<128x128xf32, #tpu.memory_space<vmem_shared>>
      tpu.enqueue_dma source(%dma_start3A_48 : memref<128x128xf32, #tpu.memory_space<vmem_shared>>) target(%arg9 : memref<128x128xf32, #tpu.memory_space<vmem>>) target_semaphore(%run_scoped3A : memref<!tpu.dma_semaphore, #tpu.memory_space<semaphore_mem>>)
      %dma_wait3A = arith.constant 0 : i32
      %dma_wait3A_49 = tpu.memref_slice %arg11[%add3A_45, %dma_wait3A] : memref<10240x128xf32, #tpu.memory_space<vmem_shared>> -> memref<128x128xf32, #tpu.memory_space<vmem_shared>>
      %dma_wait3A_50 = arith.constant 0 : i32
      %dma_wait3A_51 = tpu.memref_slice %arg11[%add3A_45, %dma_wait3A_50] : memref<10240x128xf32, #tpu.memory_space<vmem_shared>> -> memref<128x128xf32, #tpu.memory_space<vmem_shared>>
      tpu.wait_dma2 semaphore(%run_scoped3A : memref<!tpu.dma_semaphore, #tpu.memory_space<semaphore_mem>>) src(%dma_wait3A_51 : memref<128x128xf32, #tpu.memory_space<vmem_shared>>) dst(%arg9 : memref<128x128xf32, #tpu.memory_space<vmem>>)
      tpu.yield
    }) : () -> ()
    "tpu.region"() ({
      %run_scoped3A = tpu.sem_alloc : memref<!tpu.dma_semaphore, #tpu.memory_space<semaphore_mem>>
      %dma_start3A = arith.constant 0 : i32
      %dma_start3A_46 = tpu.memref_slice %arg6[%arg0, %add3A_45, %dma_start3A] : memref<2x10240x128xf32, #tpu.memory_space<hbm>> -> memref<1x128x128xf32, #tpu.memory_space<hbm>>
      %dma_start3A_47 = tpu.memref_squeeze %dma_start3A_46 : memref<1x128x128xf32, #tpu.memory_space<hbm>> -> memref<128x128xf32, #tpu.memory_space<hbm>>
      %dma_start3A_48 = arith.constant 0 : i32
      %dma_start3A_49 = tpu.memref_slice %arg6[%arg0, %add3A_45, %dma_start3A_48] : memref<2x10240x128xf32, #tpu.memory_space<hbm>> -> memref<1x128x128xf32, #tpu.memory_space<hbm>>
      %dma_start3A_50 = tpu.memref_squeeze %dma_start3A_49 : memref<1x128x128xf32, #tpu.memory_space<hbm>> -> memref<128x128xf32, #tpu.memory_space<hbm>>
      tpu.enqueue_dma source(%arg9 : memref<128x128xf32, #tpu.memory_space<vmem>>) target(%dma_start3A_50 : memref<128x128xf32, #tpu.memory_space<hbm>>) target_semaphore(%run_scoped3A : memref<!tpu.dma_semaphore, #tpu.memory_space<semaphore_mem>>)
      %dma_wait3A = arith.constant 0 : i32
      %dma_wait3A_51 = tpu.memref_slice %arg6[%arg0, %add3A_45, %dma_wait3A] : memref<2x10240x128xf32, #tpu.memory_space<hbm>> -> memref<1x128x128xf32, #tpu.memory_space<hbm>>
      %dma_wait3A_52 = tpu.memref_squeeze %dma_wait3A_51 : memref<1x128x128xf32, #tpu.memory_space<hbm>> -> memref<128x128xf32, #tpu.memory_space<hbm>>
      %dma_wait3A_53 = arith.constant 0 : i32
      %dma_wait3A_54 = tpu.memref_slice %arg6[%arg0, %add3A_45, %dma_wait3A_53] : memref<2x10240x128xf32, #tpu.memory_space<hbm>> -> memref<1x128x128xf32, #tpu.memory_space<hbm>>
      %dma_wait3A_55 = tpu.memref_squeeze %dma_wait3A_54 : memref<1x128x128xf32, #tpu.memory_space<hbm>> -> memref<128x128xf32, #tpu.memory_space<hbm>>
      tpu.wait_dma2 semaphore(%run_scoped3A : memref<!tpu.dma_semaphore, #tpu.memory_space<semaphore_mem>>) src(%arg9 : memref<128x128xf32, #tpu.memory_space<vmem>>) dst(%dma_wait3A_55 : memref<128x128xf32, #tpu.memory_space<hbm>>)
      tpu.yield
    }) : () -> ()
    return
  }
}

#map = affine_map<(d0, d1) -> (0, 0)>
#map1 = affine_map<(d0, d1) -> (0, 0, 0)>
module attributes {stable_mosaic.version = 14 : i64} {
  func.func @count_kernel(%arg0: i32, %arg1: i32, %arg2: memref<2560x128xi32, #tpu.memory_space<hbm>>, %arg3: memref<128x128xf32, #tpu.memory_space<hbm>>, %arg4: memref<128x128xf32, #tpu.memory_space<hbm>>, %arg5: memref<2x10240x128xf32, #tpu.memory_space<hbm>>, %arg6: memref<80x128xi32, #tpu.memory_space<vmem>>, %arg7: memref<128x128xf32, #tpu.memory_space<vmem>>, %arg8: memref<128x128xf32, #tpu.memory_space<vmem>>, %arg9: memref<10240x128xf32, #tpu.memory_space<vmem_shared>>) attributes {dimension_semantics = [#tpu.dimension_semantics<core_parallel>, #tpu.dimension_semantics<subcore_parallel>], iteration_bounds = array<i64: 2, 16>, scalar_prefetch = 0 : i64, scratch_operands = 4 : i64, tpu.core_type = #tpu.core_type<sc_vector_subcore>, window_params = [{transform_indices = #map}, {transform_indices = #map}, {transform_indices = #map}, {transform_indices = #map1}]} {
    %mul3A = arith.constant 16 : i32
    %mul3A_0 = arith.muli %arg0, %mul3A : i32
    %add3A = arith.addi %mul3A_0, %arg1 : i32
    %mul3A_1 = arith.constant 80 : i32
    %mul3A_2 = arith.muli %add3A, %mul3A_1 : i32
    "tpu.region"() ({
      %run_scoped3A = tpu.sem_alloc : memref<!tpu.dma_semaphore, #tpu.memory_space<semaphore_mem>>
      %dma_start3A = arith.constant 0 : i32
      %dma_start3A_48 = tpu.memref_slice %arg2[%mul3A_2, %dma_start3A] : memref<2560x128xi32, #tpu.memory_space<hbm>> -> memref<80x128xi32, #tpu.memory_space<hbm>>
      %dma_start3A_49 = arith.constant 0 : i32
      %dma_start3A_50 = tpu.memref_slice %arg2[%mul3A_2, %dma_start3A_49] : memref<2560x128xi32, #tpu.memory_space<hbm>> -> memref<80x128xi32, #tpu.memory_space<hbm>>
      tpu.enqueue_dma source(%dma_start3A_50 : memref<80x128xi32, #tpu.memory_space<hbm>>) target(%arg6 : memref<80x128xi32, #tpu.memory_space<vmem>>) target_semaphore(%run_scoped3A : memref<!tpu.dma_semaphore, #tpu.memory_space<semaphore_mem>>)
      %dma_wait3A = arith.constant 0 : i32
      %dma_wait3A_51 = tpu.memref_slice %arg2[%mul3A_2, %dma_wait3A] : memref<2560x128xi32, #tpu.memory_space<hbm>> -> memref<80x128xi32, #tpu.memory_space<hbm>>
      %dma_wait3A_52 = arith.constant 0 : i32
      %dma_wait3A_53 = tpu.memref_slice %arg2[%mul3A_2, %dma_wait3A_52] : memref<2560x128xi32, #tpu.memory_space<hbm>> -> memref<80x128xi32, #tpu.memory_space<hbm>>
      tpu.wait_dma2 semaphore(%run_scoped3A : memref<!tpu.dma_semaphore, #tpu.memory_space<semaphore_mem>>) src(%dma_wait3A_53 : memref<80x128xi32, #tpu.memory_space<hbm>>) dst(%arg6 : memref<80x128xi32, #tpu.memory_space<vmem>>)
      tpu.yield
    }) : () -> ()
    "tpu.region"() ({
      %run_scoped3A = tpu.sem_alloc : memref<!tpu.dma_semaphore, #tpu.memory_space<semaphore_mem>>
      tpu.enqueue_dma source(%arg3 : memref<128x128xf32, #tpu.memory_space<hbm>>) target(%arg7 : memref<128x128xf32, #tpu.memory_space<vmem>>) target_semaphore(%run_scoped3A : memref<!tpu.dma_semaphore, #tpu.memory_space<semaphore_mem>>)
      tpu.wait_dma2 semaphore(%run_scoped3A : memref<!tpu.dma_semaphore, #tpu.memory_space<semaphore_mem>>) src(%arg3 : memref<128x128xf32, #tpu.memory_space<hbm>>) dst(%arg7 : memref<128x128xf32, #tpu.memory_space<vmem>>)
      tpu.yield
    }) : () -> ()
    "tpu.region"() ({
      %run_scoped3A = tpu.sem_alloc : memref<!tpu.dma_semaphore, #tpu.memory_space<semaphore_mem>>
      tpu.enqueue_dma source(%arg4 : memref<128x128xf32, #tpu.memory_space<hbm>>) target(%arg8 : memref<128x128xf32, #tpu.memory_space<vmem>>) target_semaphore(%run_scoped3A : memref<!tpu.dma_semaphore, #tpu.memory_space<semaphore_mem>>)
      tpu.wait_dma2 semaphore(%run_scoped3A : memref<!tpu.dma_semaphore, #tpu.memory_space<semaphore_mem>>) src(%arg4 : memref<128x128xf32, #tpu.memory_space<hbm>>) dst(%arg8 : memref<128x128xf32, #tpu.memory_space<vmem>>)
      tpu.yield
    }) : () -> ()
    %mul3A_3 = arith.constant 640 : i32
    %mul3A_4 = arith.muli %arg1, %mul3A_3 : i32
    %add3A_5 = arith.constant 0 : i32
    %add3A_6 = arith.addi %mul3A_4, %add3A_5 : i32
    "tpu.region"() ({
      %run_scoped3A = tpu.sem_alloc : memref<!tpu.dma_semaphore, #tpu.memory_space<semaphore_mem>>
      %dma_start3A = arith.constant 0 : i32
      %dma_start3A_48 = arith.constant 0 : i32
      %dma_start3A_49 = tpu.memref_slice %arg8[%dma_start3A, %dma_start3A_48] : memref<128x128xf32, #tpu.memory_space<vmem>> -> memref<128x128xf32, #tpu.memory_space<vmem>>
      %dma_start3A_50 = arith.constant 0 : i32
      %dma_start3A_51 = tpu.memref_slice %arg9[%add3A_6, %dma_start3A_50] : memref<10240x128xf32, #tpu.memory_space<vmem_shared>> -> memref<128x128xf32, #tpu.memory_space<vmem_shared>>
      %dma_start3A_52 = arith.constant 0 : i32
      %dma_start3A_53 = tpu.memref_slice %arg9[%add3A_6, %dma_start3A_52] : memref<10240x128xf32, #tpu.memory_space<vmem_shared>> -> memref<128x128xf32, #tpu.memory_space<vmem_shared>>
      %dma_start3A_54 = arith.constant 0 : i32
      %dma_start3A_55 = arith.constant 0 : i32
      %dma_start3A_56 = tpu.memref_slice %arg8[%dma_start3A_54, %dma_start3A_55] : memref<128x128xf32, #tpu.memory_space<vmem>> -> memref<128x128xf32, #tpu.memory_space<vmem>>
      tpu.enqueue_dma source(%dma_start3A_56 : memref<128x128xf32, #tpu.memory_space<vmem>>) target(%dma_start3A_53 : memref<128x128xf32, #tpu.memory_space<vmem_shared>>) target_semaphore(%run_scoped3A : memref<!tpu.dma_semaphore, #tpu.memory_space<semaphore_mem>>)
      %dma_wait3A = arith.constant 0 : i32
      %dma_wait3A_57 = arith.constant 0 : i32
      %dma_wait3A_58 = tpu.memref_slice %arg8[%dma_wait3A, %dma_wait3A_57] : memref<128x128xf32, #tpu.memory_space<vmem>> -> memref<128x128xf32, #tpu.memory_space<vmem>>
      %dma_wait3A_59 = arith.constant 0 : i32
      %dma_wait3A_60 = tpu.memref_slice %arg9[%add3A_6, %dma_wait3A_59] : memref<10240x128xf32, #tpu.memory_space<vmem_shared>> -> memref<128x128xf32, #tpu.memory_space<vmem_shared>>
      %dma_wait3A_61 = arith.constant 0 : i32
      %dma_wait3A_62 = tpu.memref_slice %arg9[%add3A_6, %dma_wait3A_61] : memref<10240x128xf32, #tpu.memory_space<vmem_shared>> -> memref<128x128xf32, #tpu.memory_space<vmem_shared>>
      %dma_wait3A_63 = arith.constant 0 : i32
      %dma_wait3A_64 = arith.constant 0 : i32
      %dma_wait3A_65 = tpu.memref_slice %arg8[%dma_wait3A_63, %dma_wait3A_64] : memref<128x128xf32, #tpu.memory_space<vmem>> -> memref<128x128xf32, #tpu.memory_space<vmem>>
      tpu.wait_dma2 semaphore(%run_scoped3A : memref<!tpu.dma_semaphore, #tpu.memory_space<semaphore_mem>>) src(%dma_wait3A_65 : memref<128x128xf32, #tpu.memory_space<vmem>>) dst(%dma_wait3A_62 : memref<128x128xf32, #tpu.memory_space<vmem_shared>>)
      tpu.yield
    }) : () -> ()
    %mul3A_7 = arith.constant 640 : i32
    %mul3A_8 = arith.muli %arg1, %mul3A_7 : i32
    %add3A_9 = arith.constant 128 : i32
    %add3A_10 = arith.addi %mul3A_8, %add3A_9 : i32
    "tpu.region"() ({
      %run_scoped3A = tpu.sem_alloc : memref<!tpu.dma_semaphore, #tpu.memory_space<semaphore_mem>>
      %dma_start3A = arith.constant 0 : i32
      %dma_start3A_48 = arith.constant 0 : i32
      %dma_start3A_49 = tpu.memref_slice %arg8[%dma_start3A, %dma_start3A_48] : memref<128x128xf32, #tpu.memory_space<vmem>> -> memref<128x128xf32, #tpu.memory_space<vmem>>
      %dma_start3A_50 = arith.constant 0 : i32
      %dma_start3A_51 = tpu.memref_slice %arg9[%add3A_10, %dma_start3A_50] : memref<10240x128xf32, #tpu.memory_space<vmem_shared>> -> memref<128x128xf32, #tpu.memory_space<vmem_shared>>
      %dma_start3A_52 = arith.constant 0 : i32
      %dma_start3A_53 = tpu.memref_slice %arg9[%add3A_10, %dma_start3A_52] : memref<10240x128xf32, #tpu.memory_space<vmem_shared>> -> memref<128x128xf32, #tpu.memory_space<vmem_shared>>
      %dma_start3A_54 = arith.constant 0 : i32
      %dma_start3A_55 = arith.constant 0 : i32
      %dma_start3A_56 = tpu.memref_slice %arg8[%dma_start3A_54, %dma_start3A_55] : memref<128x128xf32, #tpu.memory_space<vmem>> -> memref<128x128xf32, #tpu.memory_space<vmem>>
      tpu.enqueue_dma source(%dma_start3A_56 : memref<128x128xf32, #tpu.memory_space<vmem>>) target(%dma_start3A_53 : memref<128x128xf32, #tpu.memory_space<vmem_shared>>) target_semaphore(%run_scoped3A : memref<!tpu.dma_semaphore, #tpu.memory_space<semaphore_mem>>)
      %dma_wait3A = arith.constant 0 : i32
      %dma_wait3A_57 = arith.constant 0 : i32
      %dma_wait3A_58 = tpu.memref_slice %arg8[%dma_wait3A, %dma_wait3A_57] : memref<128x128xf32, #tpu.memory_space<vmem>> -> memref<128x128xf32, #tpu.memory_space<vmem>>
      %dma_wait3A_59 = arith.constant 0 : i32
      %dma_wait3A_60 = tpu.memref_slice %arg9[%add3A_10, %dma_wait3A_59] : memref<10240x128xf32, #tpu.memory_space<vmem_shared>> -> memref<128x128xf32, #tpu.memory_space<vmem_shared>>
      %dma_wait3A_61 = arith.constant 0 : i32
      %dma_wait3A_62 = tpu.memref_slice %arg9[%add3A_10, %dma_wait3A_61] : memref<10240x128xf32, #tpu.memory_space<vmem_shared>> -> memref<128x128xf32, #tpu.memory_space<vmem_shared>>
      %dma_wait3A_63 = arith.constant 0 : i32
      %dma_wait3A_64 = arith.constant 0 : i32
      %dma_wait3A_65 = tpu.memref_slice %arg8[%dma_wait3A_63, %dma_wait3A_64] : memref<128x128xf32, #tpu.memory_space<vmem>> -> memref<128x128xf32, #tpu.memory_space<vmem>>
      tpu.wait_dma2 semaphore(%run_scoped3A : memref<!tpu.dma_semaphore, #tpu.memory_space<semaphore_mem>>) src(%dma_wait3A_65 : memref<128x128xf32, #tpu.memory_space<vmem>>) dst(%dma_wait3A_62 : memref<128x128xf32, #tpu.memory_space<vmem_shared>>)
      tpu.yield
    }) : () -> ()
    %mul3A_11 = arith.constant 640 : i32
    %mul3A_12 = arith.muli %arg1, %mul3A_11 : i32
    %add3A_13 = arith.constant 256 : i32
    %add3A_14 = arith.addi %mul3A_12, %add3A_13 : i32
    "tpu.region"() ({
      %run_scoped3A = tpu.sem_alloc : memref<!tpu.dma_semaphore, #tpu.memory_space<semaphore_mem>>
      %dma_start3A = arith.constant 0 : i32
      %dma_start3A_48 = arith.constant 0 : i32
      %dma_start3A_49 = tpu.memref_slice %arg8[%dma_start3A, %dma_start3A_48] : memref<128x128xf32, #tpu.memory_space<vmem>> -> memref<128x128xf32, #tpu.memory_space<vmem>>
      %dma_start3A_50 = arith.constant 0 : i32
      %dma_start3A_51 = tpu.memref_slice %arg9[%add3A_14, %dma_start3A_50] : memref<10240x128xf32, #tpu.memory_space<vmem_shared>> -> memref<128x128xf32, #tpu.memory_space<vmem_shared>>
      %dma_start3A_52 = arith.constant 0 : i32
      %dma_start3A_53 = tpu.memref_slice %arg9[%add3A_14, %dma_start3A_52] : memref<10240x128xf32, #tpu.memory_space<vmem_shared>> -> memref<128x128xf32, #tpu.memory_space<vmem_shared>>
      %dma_start3A_54 = arith.constant 0 : i32
      %dma_start3A_55 = arith.constant 0 : i32
      %dma_start3A_56 = tpu.memref_slice %arg8[%dma_start3A_54, %dma_start3A_55] : memref<128x128xf32, #tpu.memory_space<vmem>> -> memref<128x128xf32, #tpu.memory_space<vmem>>
      tpu.enqueue_dma source(%dma_start3A_56 : memref<128x128xf32, #tpu.memory_space<vmem>>) target(%dma_start3A_53 : memref<128x128xf32, #tpu.memory_space<vmem_shared>>) target_semaphore(%run_scoped3A : memref<!tpu.dma_semaphore, #tpu.memory_space<semaphore_mem>>)
      %dma_wait3A = arith.constant 0 : i32
      %dma_wait3A_57 = arith.constant 0 : i32
      %dma_wait3A_58 = tpu.memref_slice %arg8[%dma_wait3A, %dma_wait3A_57] : memref<128x128xf32, #tpu.memory_space<vmem>> -> memref<128x128xf32, #tpu.memory_space<vmem>>
      %dma_wait3A_59 = arith.constant 0 : i32
      %dma_wait3A_60 = tpu.memref_slice %arg9[%add3A_14, %dma_wait3A_59] : memref<10240x128xf32, #tpu.memory_space<vmem_shared>> -> memref<128x128xf32, #tpu.memory_space<vmem_shared>>
      %dma_wait3A_61 = arith.constant 0 : i32
      %dma_wait3A_62 = tpu.memref_slice %arg9[%add3A_14, %dma_wait3A_61] : memref<10240x128xf32, #tpu.memory_space<vmem_shared>> -> memref<128x128xf32, #tpu.memory_space<vmem_shared>>
      %dma_wait3A_63 = arith.constant 0 : i32
      %dma_wait3A_64 = arith.constant 0 : i32
      %dma_wait3A_65 = tpu.memref_slice %arg8[%dma_wait3A_63, %dma_wait3A_64] : memref<128x128xf32, #tpu.memory_space<vmem>> -> memref<128x128xf32, #tpu.memory_space<vmem>>
      tpu.wait_dma2 semaphore(%run_scoped3A : memref<!tpu.dma_semaphore, #tpu.memory_space<semaphore_mem>>) src(%dma_wait3A_65 : memref<128x128xf32, #tpu.memory_space<vmem>>) dst(%dma_wait3A_62 : memref<128x128xf32, #tpu.memory_space<vmem_shared>>)
      tpu.yield
    }) : () -> ()
    %mul3A_15 = arith.constant 640 : i32
    %mul3A_16 = arith.muli %arg1, %mul3A_15 : i32
    %add3A_17 = arith.constant 384 : i32
    %add3A_18 = arith.addi %mul3A_16, %add3A_17 : i32
    "tpu.region"() ({
      %run_scoped3A = tpu.sem_alloc : memref<!tpu.dma_semaphore, #tpu.memory_space<semaphore_mem>>
      %dma_start3A = arith.constant 0 : i32
      %dma_start3A_48 = arith.constant 0 : i32
      %dma_start3A_49 = tpu.memref_slice %arg8[%dma_start3A, %dma_start3A_48] : memref<128x128xf32, #tpu.memory_space<vmem>> -> memref<128x128xf32, #tpu.memory_space<vmem>>
      %dma_start3A_50 = arith.constant 0 : i32
      %dma_start3A_51 = tpu.memref_slice %arg9[%add3A_18, %dma_start3A_50] : memref<10240x128xf32, #tpu.memory_space<vmem_shared>> -> memref<128x128xf32, #tpu.memory_space<vmem_shared>>
      %dma_start3A_52 = arith.constant 0 : i32
      %dma_start3A_53 = tpu.memref_slice %arg9[%add3A_18, %dma_start3A_52] : memref<10240x128xf32, #tpu.memory_space<vmem_shared>> -> memref<128x128xf32, #tpu.memory_space<vmem_shared>>
      %dma_start3A_54 = arith.constant 0 : i32
      %dma_start3A_55 = arith.constant 0 : i32
      %dma_start3A_56 = tpu.memref_slice %arg8[%dma_start3A_54, %dma_start3A_55] : memref<128x128xf32, #tpu.memory_space<vmem>> -> memref<128x128xf32, #tpu.memory_space<vmem>>
      tpu.enqueue_dma source(%dma_start3A_56 : memref<128x128xf32, #tpu.memory_space<vmem>>) target(%dma_start3A_53 : memref<128x128xf32, #tpu.memory_space<vmem_shared>>) target_semaphore(%run_scoped3A : memref<!tpu.dma_semaphore, #tpu.memory_space<semaphore_mem>>)
      %dma_wait3A = arith.constant 0 : i32
      %dma_wait3A_57 = arith.constant 0 : i32
      %dma_wait3A_58 = tpu.memref_slice %arg8[%dma_wait3A, %dma_wait3A_57] : memref<128x128xf32, #tpu.memory_space<vmem>> -> memref<128x128xf32, #tpu.memory_space<vmem>>
      %dma_wait3A_59 = arith.constant 0 : i32
      %dma_wait3A_60 = tpu.memref_slice %arg9[%add3A_18, %dma_wait3A_59] : memref<10240x128xf32, #tpu.memory_space<vmem_shared>> -> memref<128x128xf32, #tpu.memory_space<vmem_shared>>
      %dma_wait3A_61 = arith.constant 0 : i32
      %dma_wait3A_62 = tpu.memref_slice %arg9[%add3A_18, %dma_wait3A_61] : memref<10240x128xf32, #tpu.memory_space<vmem_shared>> -> memref<128x128xf32, #tpu.memory_space<vmem_shared>>
      %dma_wait3A_63 = arith.constant 0 : i32
      %dma_wait3A_64 = arith.constant 0 : i32
      %dma_wait3A_65 = tpu.memref_slice %arg8[%dma_wait3A_63, %dma_wait3A_64] : memref<128x128xf32, #tpu.memory_space<vmem>> -> memref<128x128xf32, #tpu.memory_space<vmem>>
      tpu.wait_dma2 semaphore(%run_scoped3A : memref<!tpu.dma_semaphore, #tpu.memory_space<semaphore_mem>>) src(%dma_wait3A_65 : memref<128x128xf32, #tpu.memory_space<vmem>>) dst(%dma_wait3A_62 : memref<128x128xf32, #tpu.memory_space<vmem_shared>>)
      tpu.yield
    }) : () -> ()
    %mul3A_19 = arith.constant 640 : i32
    %mul3A_20 = arith.muli %arg1, %mul3A_19 : i32
    %add3A_21 = arith.constant 512 : i32
    %add3A_22 = arith.addi %mul3A_20, %add3A_21 : i32
    "tpu.region"() ({
      %run_scoped3A = tpu.sem_alloc : memref<!tpu.dma_semaphore, #tpu.memory_space<semaphore_mem>>
      %dma_start3A = arith.constant 0 : i32
      %dma_start3A_48 = arith.constant 0 : i32
      %dma_start3A_49 = tpu.memref_slice %arg8[%dma_start3A, %dma_start3A_48] : memref<128x128xf32, #tpu.memory_space<vmem>> -> memref<128x128xf32, #tpu.memory_space<vmem>>
      %dma_start3A_50 = arith.constant 0 : i32
      %dma_start3A_51 = tpu.memref_slice %arg9[%add3A_22, %dma_start3A_50] : memref<10240x128xf32, #tpu.memory_space<vmem_shared>> -> memref<128x128xf32, #tpu.memory_space<vmem_shared>>
      %dma_start3A_52 = arith.constant 0 : i32
      %dma_start3A_53 = tpu.memref_slice %arg9[%add3A_22, %dma_start3A_52] : memref<10240x128xf32, #tpu.memory_space<vmem_shared>> -> memref<128x128xf32, #tpu.memory_space<vmem_shared>>
      %dma_start3A_54 = arith.constant 0 : i32
      %dma_start3A_55 = arith.constant 0 : i32
      %dma_start3A_56 = tpu.memref_slice %arg8[%dma_start3A_54, %dma_start3A_55] : memref<128x128xf32, #tpu.memory_space<vmem>> -> memref<128x128xf32, #tpu.memory_space<vmem>>
      tpu.enqueue_dma source(%dma_start3A_56 : memref<128x128xf32, #tpu.memory_space<vmem>>) target(%dma_start3A_53 : memref<128x128xf32, #tpu.memory_space<vmem_shared>>) target_semaphore(%run_scoped3A : memref<!tpu.dma_semaphore, #tpu.memory_space<semaphore_mem>>)
      %dma_wait3A = arith.constant 0 : i32
      %dma_wait3A_57 = arith.constant 0 : i32
      %dma_wait3A_58 = tpu.memref_slice %arg8[%dma_wait3A, %dma_wait3A_57] : memref<128x128xf32, #tpu.memory_space<vmem>> -> memref<128x128xf32, #tpu.memory_space<vmem>>
      %dma_wait3A_59 = arith.constant 0 : i32
      %dma_wait3A_60 = tpu.memref_slice %arg9[%add3A_22, %dma_wait3A_59] : memref<10240x128xf32, #tpu.memory_space<vmem_shared>> -> memref<128x128xf32, #tpu.memory_space<vmem_shared>>
      %dma_wait3A_61 = arith.constant 0 : i32
      %dma_wait3A_62 = tpu.memref_slice %arg9[%add3A_22, %dma_wait3A_61] : memref<10240x128xf32, #tpu.memory_space<vmem_shared>> -> memref<128x128xf32, #tpu.memory_space<vmem_shared>>
      %dma_wait3A_63 = arith.constant 0 : i32
      %dma_wait3A_64 = arith.constant 0 : i32
      %dma_wait3A_65 = tpu.memref_slice %arg8[%dma_wait3A_63, %dma_wait3A_64] : memref<128x128xf32, #tpu.memory_space<vmem>> -> memref<128x128xf32, #tpu.memory_space<vmem>>
      tpu.wait_dma2 semaphore(%run_scoped3A : memref<!tpu.dma_semaphore, #tpu.memory_space<semaphore_mem>>) src(%dma_wait3A_65 : memref<128x128xf32, #tpu.memory_space<vmem>>) dst(%dma_wait3A_62 : memref<128x128xf32, #tpu.memory_space<vmem_shared>>)
      tpu.yield
    }) : () -> ()
    %barrier3A = arith.constant 0 : index
    tpu.barrier barrier_id(%barrier3A)
    %scan3A = arith.constant 0 : i32
    %scan3A_23 = arith.constant 80 : i32
    %scan3A_24 = arith.addi %scan3A, %scan3A_23 : i32
    %scan3A_25 = arith.constant 1 : i32
    scf.for %scan3A_48 = %scan3A to %scan3A_24 step %scan3A_25  : i32 {
      %mul3A_49 = arith.constant 1 : i32
      %mul3A_50 = arith.muli %scan3A_48, %mul3A_49 : i32
      %add3A_51 = arith.constant 0 : i32
      %add3A_52 = arith.addi %add3A_51, %mul3A_50 : i32
      "tpu.region"() ({
        %run_scoped3A = tpu.sem_alloc : memref<!tpu.dma_semaphore, #tpu.memory_space<semaphore_mem>>
        %dma_start3A = arith.constant 0 : i32
        %dma_start3A_53 = tpu.memref_slice %arg6[%add3A_52, %dma_start3A] : memref<80x128xi32, #tpu.memory_space<vmem>> -> memref<1x128xi32, #tpu.memory_space<vmem>>
        %dma_start3A_54 = tpu.memref_squeeze %dma_start3A_53 : memref<1x128xi32, #tpu.memory_space<vmem>> -> memref<128xi32, #tpu.memory_space<vmem>>
        %dma_start3A_55 = arith.constant 0 : i32
        %dma_start3A_56 = arith.constant 0 : i32
        %dma_start3A_57 = tpu.memref_slice %arg9[%dma_start3A_55, %dma_start3A_56] : memref<10240x128xf32, #tpu.memory_space<vmem_shared>> -> memref<10240x128xf32, #tpu.memory_space<vmem_shared>>
        tpu.enqueue_indirect_dma source(%arg7 : memref<128x128xf32, #tpu.memory_space<vmem>>) target(%dma_start3A_57 : memref<10240x128xf32, #tpu.memory_space<vmem_shared>>) offsets(%dma_start3A_54 : memref<128xi32, #tpu.memory_space<vmem>>) semaphore(%run_scoped3A : memref<!tpu.dma_semaphore, #tpu.memory_space<semaphore_mem>>) {add = true}
        %dma_wait3A = arith.constant 0 : i32
        %dma_wait3A_58 = tpu.memref_slice %arg6[%add3A_52, %dma_wait3A] : memref<80x128xi32, #tpu.memory_space<vmem>> -> memref<1x128xi32, #tpu.memory_space<vmem>>
        %dma_wait3A_59 = tpu.memref_squeeze %dma_wait3A_58 : memref<1x128xi32, #tpu.memory_space<vmem>> -> memref<128xi32, #tpu.memory_space<vmem>>
        %dma_wait3A_60 = arith.constant 0 : i32
        %dma_wait3A_61 = arith.constant 0 : i32
        %dma_wait3A_62 = tpu.memref_slice %arg9[%dma_wait3A_60, %dma_wait3A_61] : memref<10240x128xf32, #tpu.memory_space<vmem_shared>> -> memref<10240x128xf32, #tpu.memory_space<vmem_shared>>
        tpu.wait_indirect_dma semaphore(%run_scoped3A : memref<!tpu.dma_semaphore, #tpu.memory_space<semaphore_mem>>) src(%arg7 : memref<128x128xf32, #tpu.memory_space<vmem>>) dst(%dma_wait3A_62 : memref<10240x128xf32, #tpu.memory_space<vmem_shared>>)
        tpu.yield
      }) : () -> ()
    }
    %scan3A_26 = arith.constant 80 : i32
    %barrier3A_27 = arith.constant 0 : index
    tpu.barrier barrier_id(%barrier3A_27)
    %mul3A_28 = arith.constant 640 : i32
    %mul3A_29 = arith.muli %arg1, %mul3A_28 : i32
    %add3A_30 = arith.constant 0 : i32
    %add3A_31 = arith.addi %mul3A_29, %add3A_30 : i32
    "tpu.region"() ({
      %run_scoped3A = tpu.sem_alloc : memref<!tpu.dma_semaphore, #tpu.memory_space<semaphore_mem>>
      %dma_start3A = arith.constant 0 : i32
      %dma_start3A_48 = arith.constant 0 : i32
      %dma_start3A_49 = tpu.memref_slice %arg8[%dma_start3A, %dma_start3A_48] : memref<128x128xf32, #tpu.memory_space<vmem>> -> memref<128x128xf32, #tpu.memory_space<vmem>>
      %dma_start3A_50 = arith.constant 0 : i32
      %dma_start3A_51 = tpu.memref_slice %arg9[%add3A_31, %dma_start3A_50] : memref<10240x128xf32, #tpu.memory_space<vmem_shared>> -> memref<128x128xf32, #tpu.memory_space<vmem_shared>>
      %dma_start3A_52 = arith.constant 0 : i32
      %dma_start3A_53 = arith.constant 0 : i32
      %dma_start3A_54 = tpu.memref_slice %arg8[%dma_start3A_52, %dma_start3A_53] : memref<128x128xf32, #tpu.memory_space<vmem>> -> memref<128x128xf32, #tpu.memory_space<vmem>>
      %dma_start3A_55 = arith.constant 0 : i32
      %dma_start3A_56 = tpu.memref_slice %arg9[%add3A_31, %dma_start3A_55] : memref<10240x128xf32, #tpu.memory_space<vmem_shared>> -> memref<128x128xf32, #tpu.memory_space<vmem_shared>>
      tpu.enqueue_dma source(%dma_start3A_56 : memref<128x128xf32, #tpu.memory_space<vmem_shared>>) target(%dma_start3A_54 : memref<128x128xf32, #tpu.memory_space<vmem>>) target_semaphore(%run_scoped3A : memref<!tpu.dma_semaphore, #tpu.memory_space<semaphore_mem>>)
      %dma_wait3A = arith.constant 0 : i32
      %dma_wait3A_57 = arith.constant 0 : i32
      %dma_wait3A_58 = tpu.memref_slice %arg8[%dma_wait3A, %dma_wait3A_57] : memref<128x128xf32, #tpu.memory_space<vmem>> -> memref<128x128xf32, #tpu.memory_space<vmem>>
      %dma_wait3A_59 = arith.constant 0 : i32
      %dma_wait3A_60 = tpu.memref_slice %arg9[%add3A_31, %dma_wait3A_59] : memref<10240x128xf32, #tpu.memory_space<vmem_shared>> -> memref<128x128xf32, #tpu.memory_space<vmem_shared>>
      %dma_wait3A_61 = arith.constant 0 : i32
      %dma_wait3A_62 = arith.constant 0 : i32
      %dma_wait3A_63 = tpu.memref_slice %arg8[%dma_wait3A_61, %dma_wait3A_62] : memref<128x128xf32, #tpu.memory_space<vmem>> -> memref<128x128xf32, #tpu.memory_space<vmem>>
      %dma_wait3A_64 = arith.constant 0 : i32
      %dma_wait3A_65 = tpu.memref_slice %arg9[%add3A_31, %dma_wait3A_64] : memref<10240x128xf32, #tpu.memory_space<vmem_shared>> -> memref<128x128xf32, #tpu.memory_space<vmem_shared>>
      tpu.wait_dma2 semaphore(%run_scoped3A : memref<!tpu.dma_semaphore, #tpu.memory_space<semaphore_mem>>) src(%dma_wait3A_65 : memref<128x128xf32, #tpu.memory_space<vmem_shared>>) dst(%dma_wait3A_63 : memref<128x128xf32, #tpu.memory_space<vmem>>)
      tpu.yield
    }) : () -> ()
    "tpu.region"() ({
      %run_scoped3A = tpu.sem_alloc : memref<!tpu.dma_semaphore, #tpu.memory_space<semaphore_mem>>
      %dma_start3A = arith.constant 0 : i32
      %dma_start3A_48 = arith.constant 0 : i32
      %dma_start3A_49 = tpu.memref_slice %arg8[%dma_start3A, %dma_start3A_48] : memref<128x128xf32, #tpu.memory_space<vmem>> -> memref<128x128xf32, #tpu.memory_space<vmem>>
      %dma_start3A_50 = arith.constant 0 : i32
      %dma_start3A_51 = tpu.memref_slice %arg5[%arg0, %add3A_31, %dma_start3A_50] : memref<2x10240x128xf32, #tpu.memory_space<hbm>> -> memref<1x128x128xf32, #tpu.memory_space<hbm>>
      %dma_start3A_52 = tpu.memref_squeeze %dma_start3A_51 : memref<1x128x128xf32, #tpu.memory_space<hbm>> -> memref<128x128xf32, #tpu.memory_space<hbm>>
      %dma_start3A_53 = arith.constant 0 : i32
      %dma_start3A_54 = tpu.memref_slice %arg5[%arg0, %add3A_31, %dma_start3A_53] : memref<2x10240x128xf32, #tpu.memory_space<hbm>> -> memref<1x128x128xf32, #tpu.memory_space<hbm>>
      %dma_start3A_55 = tpu.memref_squeeze %dma_start3A_54 : memref<1x128x128xf32, #tpu.memory_space<hbm>> -> memref<128x128xf32, #tpu.memory_space<hbm>>
      %dma_start3A_56 = arith.constant 0 : i32
      %dma_start3A_57 = arith.constant 0 : i32
      %dma_start3A_58 = tpu.memref_slice %arg8[%dma_start3A_56, %dma_start3A_57] : memref<128x128xf32, #tpu.memory_space<vmem>> -> memref<128x128xf32, #tpu.memory_space<vmem>>
      tpu.enqueue_dma source(%dma_start3A_58 : memref<128x128xf32, #tpu.memory_space<vmem>>) target(%dma_start3A_55 : memref<128x128xf32, #tpu.memory_space<hbm>>) target_semaphore(%run_scoped3A : memref<!tpu.dma_semaphore, #tpu.memory_space<semaphore_mem>>)
      %dma_wait3A = arith.constant 0 : i32
      %dma_wait3A_59 = arith.constant 0 : i32
      %dma_wait3A_60 = tpu.memref_slice %arg8[%dma_wait3A, %dma_wait3A_59] : memref<128x128xf32, #tpu.memory_space<vmem>> -> memref<128x128xf32, #tpu.memory_space<vmem>>
      %dma_wait3A_61 = arith.constant 0 : i32
      %dma_wait3A_62 = tpu.memref_slice %arg5[%arg0, %add3A_31, %dma_wait3A_61] : memref<2x10240x128xf32, #tpu.memory_space<hbm>> -> memref<1x128x128xf32, #tpu.memory_space<hbm>>
      %dma_wait3A_63 = tpu.memref_squeeze %dma_wait3A_62 : memref<1x128x128xf32, #tpu.memory_space<hbm>> -> memref<128x128xf32, #tpu.memory_space<hbm>>
      %dma_wait3A_64 = arith.constant 0 : i32
      %dma_wait3A_65 = tpu.memref_slice %arg5[%arg0, %add3A_31, %dma_wait3A_64] : memref<2x10240x128xf32, #tpu.memory_space<hbm>> -> memref<1x128x128xf32, #tpu.memory_space<hbm>>
      %dma_wait3A_66 = tpu.memref_squeeze %dma_wait3A_65 : memref<1x128x128xf32, #tpu.memory_space<hbm>> -> memref<128x128xf32, #tpu.memory_space<hbm>>
      %dma_wait3A_67 = arith.constant 0 : i32
      %dma_wait3A_68 = arith.constant 0 : i32
      %dma_wait3A_69 = tpu.memref_slice %arg8[%dma_wait3A_67, %dma_wait3A_68] : memref<128x128xf32, #tpu.memory_space<vmem>> -> memref<128x128xf32, #tpu.memory_space<vmem>>
      tpu.wait_dma2 semaphore(%run_scoped3A : memref<!tpu.dma_semaphore, #tpu.memory_space<semaphore_mem>>) src(%dma_wait3A_69 : memref<128x128xf32, #tpu.memory_space<vmem>>) dst(%dma_wait3A_66 : memref<128x128xf32, #tpu.memory_space<hbm>>)
      tpu.yield
    }) : () -> ()
    %mul3A_32 = arith.constant 640 : i32
    %mul3A_33 = arith.muli %arg1, %mul3A_32 : i32
    %add3A_34 = arith.constant 128 : i32
    %add3A_35 = arith.addi %mul3A_33, %add3A_34 : i32
    "tpu.region"() ({
      %run_scoped3A = tpu.sem_alloc : memref<!tpu.dma_semaphore, #tpu.memory_space<semaphore_mem>>
      %dma_start3A = arith.constant 0 : i32
      %dma_start3A_48 = arith.constant 0 : i32
      %dma_start3A_49 = tpu.memref_slice %arg8[%dma_start3A, %dma_start3A_48] : memref<128x128xf32, #tpu.memory_space<vmem>> -> memref<128x128xf32, #tpu.memory_space<vmem>>
      %dma_start3A_50 = arith.constant 0 : i32
      %dma_start3A_51 = tpu.memref_slice %arg9[%add3A_35, %dma_start3A_50] : memref<10240x128xf32, #tpu.memory_space<vmem_shared>> -> memref<128x128xf32, #tpu.memory_space<vmem_shared>>
      %dma_start3A_52 = arith.constant 0 : i32
      %dma_start3A_53 = arith.constant 0 : i32
      %dma_start3A_54 = tpu.memref_slice %arg8[%dma_start3A_52, %dma_start3A_53] : memref<128x128xf32, #tpu.memory_space<vmem>> -> memref<128x128xf32, #tpu.memory_space<vmem>>
      %dma_start3A_55 = arith.constant 0 : i32
      %dma_start3A_56 = tpu.memref_slice %arg9[%add3A_35, %dma_start3A_55] : memref<10240x128xf32, #tpu.memory_space<vmem_shared>> -> memref<128x128xf32, #tpu.memory_space<vmem_shared>>
      tpu.enqueue_dma source(%dma_start3A_56 : memref<128x128xf32, #tpu.memory_space<vmem_shared>>) target(%dma_start3A_54 : memref<128x128xf32, #tpu.memory_space<vmem>>) target_semaphore(%run_scoped3A : memref<!tpu.dma_semaphore, #tpu.memory_space<semaphore_mem>>)
      %dma_wait3A = arith.constant 0 : i32
      %dma_wait3A_57 = arith.constant 0 : i32
      %dma_wait3A_58 = tpu.memref_slice %arg8[%dma_wait3A, %dma_wait3A_57] : memref<128x128xf32, #tpu.memory_space<vmem>> -> memref<128x128xf32, #tpu.memory_space<vmem>>
      %dma_wait3A_59 = arith.constant 0 : i32
      %dma_wait3A_60 = tpu.memref_slice %arg9[%add3A_35, %dma_wait3A_59] : memref<10240x128xf32, #tpu.memory_space<vmem_shared>> -> memref<128x128xf32, #tpu.memory_space<vmem_shared>>
      %dma_wait3A_61 = arith.constant 0 : i32
      %dma_wait3A_62 = arith.constant 0 : i32
      %dma_wait3A_63 = tpu.memref_slice %arg8[%dma_wait3A_61, %dma_wait3A_62] : memref<128x128xf32, #tpu.memory_space<vmem>> -> memref<128x128xf32, #tpu.memory_space<vmem>>
      %dma_wait3A_64 = arith.constant 0 : i32
      %dma_wait3A_65 = tpu.memref_slice %arg9[%add3A_35, %dma_wait3A_64] : memref<10240x128xf32, #tpu.memory_space<vmem_shared>> -> memref<128x128xf32, #tpu.memory_space<vmem_shared>>
      tpu.wait_dma2 semaphore(%run_scoped3A : memref<!tpu.dma_semaphore, #tpu.memory_space<semaphore_mem>>) src(%dma_wait3A_65 : memref<128x128xf32, #tpu.memory_space<vmem_shared>>) dst(%dma_wait3A_63 : memref<128x128xf32, #tpu.memory_space<vmem>>)
      tpu.yield
    }) : () -> ()
    "tpu.region"() ({
      %run_scoped3A = tpu.sem_alloc : memref<!tpu.dma_semaphore, #tpu.memory_space<semaphore_mem>>
      %dma_start3A = arith.constant 0 : i32
      %dma_start3A_48 = arith.constant 0 : i32
      %dma_start3A_49 = tpu.memref_slice %arg8[%dma_start3A, %dma_start3A_48] : memref<128x128xf32, #tpu.memory_space<vmem>> -> memref<128x128xf32, #tpu.memory_space<vmem>>
      %dma_start3A_50 = arith.constant 0 : i32
      %dma_start3A_51 = tpu.memref_slice %arg5[%arg0, %add3A_35, %dma_start3A_50] : memref<2x10240x128xf32, #tpu.memory_space<hbm>> -> memref<1x128x128xf32, #tpu.memory_space<hbm>>
      %dma_start3A_52 = tpu.memref_squeeze %dma_start3A_51 : memref<1x128x128xf32, #tpu.memory_space<hbm>> -> memref<128x128xf32, #tpu.memory_space<hbm>>
      %dma_start3A_53 = arith.constant 0 : i32
      %dma_start3A_54 = tpu.memref_slice %arg5[%arg0, %add3A_35, %dma_start3A_53] : memref<2x10240x128xf32, #tpu.memory_space<hbm>> -> memref<1x128x128xf32, #tpu.memory_space<hbm>>
      %dma_start3A_55 = tpu.memref_squeeze %dma_start3A_54 : memref<1x128x128xf32, #tpu.memory_space<hbm>> -> memref<128x128xf32, #tpu.memory_space<hbm>>
      %dma_start3A_56 = arith.constant 0 : i32
      %dma_start3A_57 = arith.constant 0 : i32
      %dma_start3A_58 = tpu.memref_slice %arg8[%dma_start3A_56, %dma_start3A_57] : memref<128x128xf32, #tpu.memory_space<vmem>> -> memref<128x128xf32, #tpu.memory_space<vmem>>
      tpu.enqueue_dma source(%dma_start3A_58 : memref<128x128xf32, #tpu.memory_space<vmem>>) target(%dma_start3A_55 : memref<128x128xf32, #tpu.memory_space<hbm>>) target_semaphore(%run_scoped3A : memref<!tpu.dma_semaphore, #tpu.memory_space<semaphore_mem>>)
      %dma_wait3A = arith.constant 0 : i32
      %dma_wait3A_59 = arith.constant 0 : i32
      %dma_wait3A_60 = tpu.memref_slice %arg8[%dma_wait3A, %dma_wait3A_59] : memref<128x128xf32, #tpu.memory_space<vmem>> -> memref<128x128xf32, #tpu.memory_space<vmem>>
      %dma_wait3A_61 = arith.constant 0 : i32
      %dma_wait3A_62 = tpu.memref_slice %arg5[%arg0, %add3A_35, %dma_wait3A_61] : memref<2x10240x128xf32, #tpu.memory_space<hbm>> -> memref<1x128x128xf32, #tpu.memory_space<hbm>>
      %dma_wait3A_63 = tpu.memref_squeeze %dma_wait3A_62 : memref<1x128x128xf32, #tpu.memory_space<hbm>> -> memref<128x128xf32, #tpu.memory_space<hbm>>
      %dma_wait3A_64 = arith.constant 0 : i32
      %dma_wait3A_65 = tpu.memref_slice %arg5[%arg0, %add3A_35, %dma_wait3A_64] : memref<2x10240x128xf32, #tpu.memory_space<hbm>> -> memref<1x128x128xf32, #tpu.memory_space<hbm>>
      %dma_wait3A_66 = tpu.memref_squeeze %dma_wait3A_65 : memref<1x128x128xf32, #tpu.memory_space<hbm>> -> memref<128x128xf32, #tpu.memory_space<hbm>>
      %dma_wait3A_67 = arith.constant 0 : i32
      %dma_wait3A_68 = arith.constant 0 : i32
      %dma_wait3A_69 = tpu.memref_slice %arg8[%dma_wait3A_67, %dma_wait3A_68] : memref<128x128xf32, #tpu.memory_space<vmem>> -> memref<128x128xf32, #tpu.memory_space<vmem>>
      tpu.wait_dma2 semaphore(%run_scoped3A : memref<!tpu.dma_semaphore, #tpu.memory_space<semaphore_mem>>) src(%dma_wait3A_69 : memref<128x128xf32, #tpu.memory_space<vmem>>) dst(%dma_wait3A_66 : memref<128x128xf32, #tpu.memory_space<hbm>>)
      tpu.yield
    }) : () -> ()
    %mul3A_36 = arith.constant 640 : i32
    %mul3A_37 = arith.muli %arg1, %mul3A_36 : i32
    %add3A_38 = arith.constant 256 : i32
    %add3A_39 = arith.addi %mul3A_37, %add3A_38 : i32
    "tpu.region"() ({
      %run_scoped3A = tpu.sem_alloc : memref<!tpu.dma_semaphore, #tpu.memory_space<semaphore_mem>>
      %dma_start3A = arith.constant 0 : i32
      %dma_start3A_48 = arith.constant 0 : i32
      %dma_start3A_49 = tpu.memref_slice %arg8[%dma_start3A, %dma_start3A_48] : memref<128x128xf32, #tpu.memory_space<vmem>> -> memref<128x128xf32, #tpu.memory_space<vmem>>
      %dma_start3A_50 = arith.constant 0 : i32
      %dma_start3A_51 = tpu.memref_slice %arg9[%add3A_39, %dma_start3A_50] : memref<10240x128xf32, #tpu.memory_space<vmem_shared>> -> memref<128x128xf32, #tpu.memory_space<vmem_shared>>
      %dma_start3A_52 = arith.constant 0 : i32
      %dma_start3A_53 = arith.constant 0 : i32
      %dma_start3A_54 = tpu.memref_slice %arg8[%dma_start3A_52, %dma_start3A_53] : memref<128x128xf32, #tpu.memory_space<vmem>> -> memref<128x128xf32, #tpu.memory_space<vmem>>
      %dma_start3A_55 = arith.constant 0 : i32
      %dma_start3A_56 = tpu.memref_slice %arg9[%add3A_39, %dma_start3A_55] : memref<10240x128xf32, #tpu.memory_space<vmem_shared>> -> memref<128x128xf32, #tpu.memory_space<vmem_shared>>
      tpu.enqueue_dma source(%dma_start3A_56 : memref<128x128xf32, #tpu.memory_space<vmem_shared>>) target(%dma_start3A_54 : memref<128x128xf32, #tpu.memory_space<vmem>>) target_semaphore(%run_scoped3A : memref<!tpu.dma_semaphore, #tpu.memory_space<semaphore_mem>>)
      %dma_wait3A = arith.constant 0 : i32
      %dma_wait3A_57 = arith.constant 0 : i32
      %dma_wait3A_58 = tpu.memref_slice %arg8[%dma_wait3A, %dma_wait3A_57] : memref<128x128xf32, #tpu.memory_space<vmem>> -> memref<128x128xf32, #tpu.memory_space<vmem>>
      %dma_wait3A_59 = arith.constant 0 : i32
      %dma_wait3A_60 = tpu.memref_slice %arg9[%add3A_39, %dma_wait3A_59] : memref<10240x128xf32, #tpu.memory_space<vmem_shared>> -> memref<128x128xf32, #tpu.memory_space<vmem_shared>>
      %dma_wait3A_61 = arith.constant 0 : i32
      %dma_wait3A_62 = arith.constant 0 : i32
      %dma_wait3A_63 = tpu.memref_slice %arg8[%dma_wait3A_61, %dma_wait3A_62] : memref<128x128xf32, #tpu.memory_space<vmem>> -> memref<128x128xf32, #tpu.memory_space<vmem>>
      %dma_wait3A_64 = arith.constant 0 : i32
      %dma_wait3A_65 = tpu.memref_slice %arg9[%add3A_39, %dma_wait3A_64] : memref<10240x128xf32, #tpu.memory_space<vmem_shared>> -> memref<128x128xf32, #tpu.memory_space<vmem_shared>>
      tpu.wait_dma2 semaphore(%run_scoped3A : memref<!tpu.dma_semaphore, #tpu.memory_space<semaphore_mem>>) src(%dma_wait3A_65 : memref<128x128xf32, #tpu.memory_space<vmem_shared>>) dst(%dma_wait3A_63 : memref<128x128xf32, #tpu.memory_space<vmem>>)
      tpu.yield
    }) : () -> ()
    "tpu.region"() ({
      %run_scoped3A = tpu.sem_alloc : memref<!tpu.dma_semaphore, #tpu.memory_space<semaphore_mem>>
      %dma_start3A = arith.constant 0 : i32
      %dma_start3A_48 = arith.constant 0 : i32
      %dma_start3A_49 = tpu.memref_slice %arg8[%dma_start3A, %dma_start3A_48] : memref<128x128xf32, #tpu.memory_space<vmem>> -> memref<128x128xf32, #tpu.memory_space<vmem>>
      %dma_start3A_50 = arith.constant 0 : i32
      %dma_start3A_51 = tpu.memref_slice %arg5[%arg0, %add3A_39, %dma_start3A_50] : memref<2x10240x128xf32, #tpu.memory_space<hbm>> -> memref<1x128x128xf32, #tpu.memory_space<hbm>>
      %dma_start3A_52 = tpu.memref_squeeze %dma_start3A_51 : memref<1x128x128xf32, #tpu.memory_space<hbm>> -> memref<128x128xf32, #tpu.memory_space<hbm>>
      %dma_start3A_53 = arith.constant 0 : i32
      %dma_start3A_54 = tpu.memref_slice %arg5[%arg0, %add3A_39, %dma_start3A_53] : memref<2x10240x128xf32, #tpu.memory_space<hbm>> -> memref<1x128x128xf32, #tpu.memory_space<hbm>>
      %dma_start3A_55 = tpu.memref_squeeze %dma_start3A_54 : memref<1x128x128xf32, #tpu.memory_space<hbm>> -> memref<128x128xf32, #tpu.memory_space<hbm>>
      %dma_start3A_56 = arith.constant 0 : i32
      %dma_start3A_57 = arith.constant 0 : i32
      %dma_start3A_58 = tpu.memref_slice %arg8[%dma_start3A_56, %dma_start3A_57] : memref<128x128xf32, #tpu.memory_space<vmem>> -> memref<128x128xf32, #tpu.memory_space<vmem>>
      tpu.enqueue_dma source(%dma_start3A_58 : memref<128x128xf32, #tpu.memory_space<vmem>>) target(%dma_start3A_55 : memref<128x128xf32, #tpu.memory_space<hbm>>) target_semaphore(%run_scoped3A : memref<!tpu.dma_semaphore, #tpu.memory_space<semaphore_mem>>)
      %dma_wait3A = arith.constant 0 : i32
      %dma_wait3A_59 = arith.constant 0 : i32
      %dma_wait3A_60 = tpu.memref_slice %arg8[%dma_wait3A, %dma_wait3A_59] : memref<128x128xf32, #tpu.memory_space<vmem>> -> memref<128x128xf32, #tpu.memory_space<vmem>>
      %dma_wait3A_61 = arith.constant 0 : i32
      %dma_wait3A_62 = tpu.memref_slice %arg5[%arg0, %add3A_39, %dma_wait3A_61] : memref<2x10240x128xf32, #tpu.memory_space<hbm>> -> memref<1x128x128xf32, #tpu.memory_space<hbm>>
      %dma_wait3A_63 = tpu.memref_squeeze %dma_wait3A_62 : memref<1x128x128xf32, #tpu.memory_space<hbm>> -> memref<128x128xf32, #tpu.memory_space<hbm>>
      %dma_wait3A_64 = arith.constant 0 : i32
      %dma_wait3A_65 = tpu.memref_slice %arg5[%arg0, %add3A_39, %dma_wait3A_64] : memref<2x10240x128xf32, #tpu.memory_space<hbm>> -> memref<1x128x128xf32, #tpu.memory_space<hbm>>
      %dma_wait3A_66 = tpu.memref_squeeze %dma_wait3A_65 : memref<1x128x128xf32, #tpu.memory_space<hbm>> -> memref<128x128xf32, #tpu.memory_space<hbm>>
      %dma_wait3A_67 = arith.constant 0 : i32
      %dma_wait3A_68 = arith.constant 0 : i32
      %dma_wait3A_69 = tpu.memref_slice %arg8[%dma_wait3A_67, %dma_wait3A_68] : memref<128x128xf32, #tpu.memory_space<vmem>> -> memref<128x128xf32, #tpu.memory_space<vmem>>
      tpu.wait_dma2 semaphore(%run_scoped3A : memref<!tpu.dma_semaphore, #tpu.memory_space<semaphore_mem>>) src(%dma_wait3A_69 : memref<128x128xf32, #tpu.memory_space<vmem>>) dst(%dma_wait3A_66 : memref<128x128xf32, #tpu.memory_space<hbm>>)
      tpu.yield
    }) : () -> ()
    %mul3A_40 = arith.constant 640 : i32
    %mul3A_41 = arith.muli %arg1, %mul3A_40 : i32
    %add3A_42 = arith.constant 384 : i32
    %add3A_43 = arith.addi %mul3A_41, %add3A_42 : i32
    "tpu.region"() ({
      %run_scoped3A = tpu.sem_alloc : memref<!tpu.dma_semaphore, #tpu.memory_space<semaphore_mem>>
      %dma_start3A = arith.constant 0 : i32
      %dma_start3A_48 = arith.constant 0 : i32
      %dma_start3A_49 = tpu.memref_slice %arg8[%dma_start3A, %dma_start3A_48] : memref<128x128xf32, #tpu.memory_space<vmem>> -> memref<128x128xf32, #tpu.memory_space<vmem>>
      %dma_start3A_50 = arith.constant 0 : i32
      %dma_start3A_51 = tpu.memref_slice %arg9[%add3A_43, %dma_start3A_50] : memref<10240x128xf32, #tpu.memory_space<vmem_shared>> -> memref<128x128xf32, #tpu.memory_space<vmem_shared>>
      %dma_start3A_52 = arith.constant 0 : i32
      %dma_start3A_53 = arith.constant 0 : i32
      %dma_start3A_54 = tpu.memref_slice %arg8[%dma_start3A_52, %dma_start3A_53] : memref<128x128xf32, #tpu.memory_space<vmem>> -> memref<128x128xf32, #tpu.memory_space<vmem>>
      %dma_start3A_55 = arith.constant 0 : i32
      %dma_start3A_56 = tpu.memref_slice %arg9[%add3A_43, %dma_start3A_55] : memref<10240x128xf32, #tpu.memory_space<vmem_shared>> -> memref<128x128xf32, #tpu.memory_space<vmem_shared>>
      tpu.enqueue_dma source(%dma_start3A_56 : memref<128x128xf32, #tpu.memory_space<vmem_shared>>) target(%dma_start3A_54 : memref<128x128xf32, #tpu.memory_space<vmem>>) target_semaphore(%run_scoped3A : memref<!tpu.dma_semaphore, #tpu.memory_space<semaphore_mem>>)
      %dma_wait3A = arith.constant 0 : i32
      %dma_wait3A_57 = arith.constant 0 : i32
      %dma_wait3A_58 = tpu.memref_slice %arg8[%dma_wait3A, %dma_wait3A_57] : memref<128x128xf32, #tpu.memory_space<vmem>> -> memref<128x128xf32, #tpu.memory_space<vmem>>
      %dma_wait3A_59 = arith.constant 0 : i32
      %dma_wait3A_60 = tpu.memref_slice %arg9[%add3A_43, %dma_wait3A_59] : memref<10240x128xf32, #tpu.memory_space<vmem_shared>> -> memref<128x128xf32, #tpu.memory_space<vmem_shared>>
      %dma_wait3A_61 = arith.constant 0 : i32
      %dma_wait3A_62 = arith.constant 0 : i32
      %dma_wait3A_63 = tpu.memref_slice %arg8[%dma_wait3A_61, %dma_wait3A_62] : memref<128x128xf32, #tpu.memory_space<vmem>> -> memref<128x128xf32, #tpu.memory_space<vmem>>
      %dma_wait3A_64 = arith.constant 0 : i32
      %dma_wait3A_65 = tpu.memref_slice %arg9[%add3A_43, %dma_wait3A_64] : memref<10240x128xf32, #tpu.memory_space<vmem_shared>> -> memref<128x128xf32, #tpu.memory_space<vmem_shared>>
      tpu.wait_dma2 semaphore(%run_scoped3A : memref<!tpu.dma_semaphore, #tpu.memory_space<semaphore_mem>>) src(%dma_wait3A_65 : memref<128x128xf32, #tpu.memory_space<vmem_shared>>) dst(%dma_wait3A_63 : memref<128x128xf32, #tpu.memory_space<vmem>>)
      tpu.yield
    }) : () -> ()
    "tpu.region"() ({
      %run_scoped3A = tpu.sem_alloc : memref<!tpu.dma_semaphore, #tpu.memory_space<semaphore_mem>>
      %dma_start3A = arith.constant 0 : i32
      %dma_start3A_48 = arith.constant 0 : i32
      %dma_start3A_49 = tpu.memref_slice %arg8[%dma_start3A, %dma_start3A_48] : memref<128x128xf32, #tpu.memory_space<vmem>> -> memref<128x128xf32, #tpu.memory_space<vmem>>
      %dma_start3A_50 = arith.constant 0 : i32
      %dma_start3A_51 = tpu.memref_slice %arg5[%arg0, %add3A_43, %dma_start3A_50] : memref<2x10240x128xf32, #tpu.memory_space<hbm>> -> memref<1x128x128xf32, #tpu.memory_space<hbm>>
      %dma_start3A_52 = tpu.memref_squeeze %dma_start3A_51 : memref<1x128x128xf32, #tpu.memory_space<hbm>> -> memref<128x128xf32, #tpu.memory_space<hbm>>
      %dma_start3A_53 = arith.constant 0 : i32
      %dma_start3A_54 = tpu.memref_slice %arg5[%arg0, %add3A_43, %dma_start3A_53] : memref<2x10240x128xf32, #tpu.memory_space<hbm>> -> memref<1x128x128xf32, #tpu.memory_space<hbm>>
      %dma_start3A_55 = tpu.memref_squeeze %dma_start3A_54 : memref<1x128x128xf32, #tpu.memory_space<hbm>> -> memref<128x128xf32, #tpu.memory_space<hbm>>
      %dma_start3A_56 = arith.constant 0 : i32
      %dma_start3A_57 = arith.constant 0 : i32
      %dma_start3A_58 = tpu.memref_slice %arg8[%dma_start3A_56, %dma_start3A_57] : memref<128x128xf32, #tpu.memory_space<vmem>> -> memref<128x128xf32, #tpu.memory_space<vmem>>
      tpu.enqueue_dma source(%dma_start3A_58 : memref<128x128xf32, #tpu.memory_space<vmem>>) target(%dma_start3A_55 : memref<128x128xf32, #tpu.memory_space<hbm>>) target_semaphore(%run_scoped3A : memref<!tpu.dma_semaphore, #tpu.memory_space<semaphore_mem>>)
      %dma_wait3A = arith.constant 0 : i32
      %dma_wait3A_59 = arith.constant 0 : i32
      %dma_wait3A_60 = tpu.memref_slice %arg8[%dma_wait3A, %dma_wait3A_59] : memref<128x128xf32, #tpu.memory_space<vmem>> -> memref<128x128xf32, #tpu.memory_space<vmem>>
      %dma_wait3A_61 = arith.constant 0 : i32
      %dma_wait3A_62 = tpu.memref_slice %arg5[%arg0, %add3A_43, %dma_wait3A_61] : memref<2x10240x128xf32, #tpu.memory_space<hbm>> -> memref<1x128x128xf32, #tpu.memory_space<hbm>>
      %dma_wait3A_63 = tpu.memref_squeeze %dma_wait3A_62 : memref<1x128x128xf32, #tpu.memory_space<hbm>> -> memref<128x128xf32, #tpu.memory_space<hbm>>
      %dma_wait3A_64 = arith.constant 0 : i32
      %dma_wait3A_65 = tpu.memref_slice %arg5[%arg0, %add3A_43, %dma_wait3A_64] : memref<2x10240x128xf32, #tpu.memory_space<hbm>> -> memref<1x128x128xf32, #tpu.memory_space<hbm>>
      %dma_wait3A_66 = tpu.memref_squeeze %dma_wait3A_65 : memref<1x128x128xf32, #tpu.memory_space<hbm>> -> memref<128x128xf32, #tpu.memory_space<hbm>>
      %dma_wait3A_67 = arith.constant 0 : i32
      %dma_wait3A_68 = arith.constant 0 : i32
      %dma_wait3A_69 = tpu.memref_slice %arg8[%dma_wait3A_67, %dma_wait3A_68] : memref<128x128xf32, #tpu.memory_space<vmem>> -> memref<128x128xf32, #tpu.memory_space<vmem>>
      tpu.wait_dma2 semaphore(%run_scoped3A : memref<!tpu.dma_semaphore, #tpu.memory_space<semaphore_mem>>) src(%dma_wait3A_69 : memref<128x128xf32, #tpu.memory_space<vmem>>) dst(%dma_wait3A_66 : memref<128x128xf32, #tpu.memory_space<hbm>>)
      tpu.yield
    }) : () -> ()
    %mul3A_44 = arith.constant 640 : i32
    %mul3A_45 = arith.muli %arg1, %mul3A_44 : i32
    %add3A_46 = arith.constant 512 : i32
    %add3A_47 = arith.addi %mul3A_45, %add3A_46 : i32
    "tpu.region"() ({
      %run_scoped3A = tpu.sem_alloc : memref<!tpu.dma_semaphore, #tpu.memory_space<semaphore_mem>>
      %dma_start3A = arith.constant 0 : i32
      %dma_start3A_48 = arith.constant 0 : i32
      %dma_start3A_49 = tpu.memref_slice %arg8[%dma_start3A, %dma_start3A_48] : memref<128x128xf32, #tpu.memory_space<vmem>> -> memref<128x128xf32, #tpu.memory_space<vmem>>
      %dma_start3A_50 = arith.constant 0 : i32
      %dma_start3A_51 = tpu.memref_slice %arg9[%add3A_47, %dma_start3A_50] : memref<10240x128xf32, #tpu.memory_space<vmem_shared>> -> memref<128x128xf32, #tpu.memory_space<vmem_shared>>
      %dma_start3A_52 = arith.constant 0 : i32
      %dma_start3A_53 = arith.constant 0 : i32
      %dma_start3A_54 = tpu.memref_slice %arg8[%dma_start3A_52, %dma_start3A_53] : memref<128x128xf32, #tpu.memory_space<vmem>> -> memref<128x128xf32, #tpu.memory_space<vmem>>
      %dma_start3A_55 = arith.constant 0 : i32
      %dma_start3A_56 = tpu.memref_slice %arg9[%add3A_47, %dma_start3A_55] : memref<10240x128xf32, #tpu.memory_space<vmem_shared>> -> memref<128x128xf32, #tpu.memory_space<vmem_shared>>
      tpu.enqueue_dma source(%dma_start3A_56 : memref<128x128xf32, #tpu.memory_space<vmem_shared>>) target(%dma_start3A_54 : memref<128x128xf32, #tpu.memory_space<vmem>>) target_semaphore(%run_scoped3A : memref<!tpu.dma_semaphore, #tpu.memory_space<semaphore_mem>>)
      %dma_wait3A = arith.constant 0 : i32
      %dma_wait3A_57 = arith.constant 0 : i32
      %dma_wait3A_58 = tpu.memref_slice %arg8[%dma_wait3A, %dma_wait3A_57] : memref<128x128xf32, #tpu.memory_space<vmem>> -> memref<128x128xf32, #tpu.memory_space<vmem>>
      %dma_wait3A_59 = arith.constant 0 : i32
      %dma_wait3A_60 = tpu.memref_slice %arg9[%add3A_47, %dma_wait3A_59] : memref<10240x128xf32, #tpu.memory_space<vmem_shared>> -> memref<128x128xf32, #tpu.memory_space<vmem_shared>>
      %dma_wait3A_61 = arith.constant 0 : i32
      %dma_wait3A_62 = arith.constant 0 : i32
      %dma_wait3A_63 = tpu.memref_slice %arg8[%dma_wait3A_61, %dma_wait3A_62] : memref<128x128xf32, #tpu.memory_space<vmem>> -> memref<128x128xf32, #tpu.memory_space<vmem>>
      %dma_wait3A_64 = arith.constant 0 : i32
      %dma_wait3A_65 = tpu.memref_slice %arg9[%add3A_47, %dma_wait3A_64] : memref<10240x128xf32, #tpu.memory_space<vmem_shared>> -> memref<128x128xf32, #tpu.memory_space<vmem_shared>>
      tpu.wait_dma2 semaphore(%run_scoped3A : memref<!tpu.dma_semaphore, #tpu.memory_space<semaphore_mem>>) src(%dma_wait3A_65 : memref<128x128xf32, #tpu.memory_space<vmem_shared>>) dst(%dma_wait3A_63 : memref<128x128xf32, #tpu.memory_space<vmem>>)
      tpu.yield
    }) : () -> ()
    "tpu.region"() ({
      %run_scoped3A = tpu.sem_alloc : memref<!tpu.dma_semaphore, #tpu.memory_space<semaphore_mem>>
      %dma_start3A = arith.constant 0 : i32
      %dma_start3A_48 = arith.constant 0 : i32
      %dma_start3A_49 = tpu.memref_slice %arg8[%dma_start3A, %dma_start3A_48] : memref<128x128xf32, #tpu.memory_space<vmem>> -> memref<128x128xf32, #tpu.memory_space<vmem>>
      %dma_start3A_50 = arith.constant 0 : i32
      %dma_start3A_51 = tpu.memref_slice %arg5[%arg0, %add3A_47, %dma_start3A_50] : memref<2x10240x128xf32, #tpu.memory_space<hbm>> -> memref<1x128x128xf32, #tpu.memory_space<hbm>>
      %dma_start3A_52 = tpu.memref_squeeze %dma_start3A_51 : memref<1x128x128xf32, #tpu.memory_space<hbm>> -> memref<128x128xf32, #tpu.memory_space<hbm>>
      %dma_start3A_53 = arith.constant 0 : i32
      %dma_start3A_54 = tpu.memref_slice %arg5[%arg0, %add3A_47, %dma_start3A_53] : memref<2x10240x128xf32, #tpu.memory_space<hbm>> -> memref<1x128x128xf32, #tpu.memory_space<hbm>>
      %dma_start3A_55 = tpu.memref_squeeze %dma_start3A_54 : memref<1x128x128xf32, #tpu.memory_space<hbm>> -> memref<128x128xf32, #tpu.memory_space<hbm>>
      %dma_start3A_56 = arith.constant 0 : i32
      %dma_start3A_57 = arith.constant 0 : i32
      %dma_start3A_58 = tpu.memref_slice %arg8[%dma_start3A_56, %dma_start3A_57] : memref<128x128xf32, #tpu.memory_space<vmem>> -> memref<128x128xf32, #tpu.memory_space<vmem>>
      tpu.enqueue_dma source(%dma_start3A_58 : memref<128x128xf32, #tpu.memory_space<vmem>>) target(%dma_start3A_55 : memref<128x128xf32, #tpu.memory_space<hbm>>) target_semaphore(%run_scoped3A : memref<!tpu.dma_semaphore, #tpu.memory_space<semaphore_mem>>)
      %dma_wait3A = arith.constant 0 : i32
      %dma_wait3A_59 = arith.constant 0 : i32
      %dma_wait3A_60 = tpu.memref_slice %arg8[%dma_wait3A, %dma_wait3A_59] : memref<128x128xf32, #tpu.memory_space<vmem>> -> memref<128x128xf32, #tpu.memory_space<vmem>>
      %dma_wait3A_61 = arith.constant 0 : i32
      %dma_wait3A_62 = tpu.memref_slice %arg5[%arg0, %add3A_47, %dma_wait3A_61] : memref<2x10240x128xf32, #tpu.memory_space<hbm>> -> memref<1x128x128xf32, #tpu.memory_space<hbm>>
      %dma_wait3A_63 = tpu.memref_squeeze %dma_wait3A_62 : memref<1x128x128xf32, #tpu.memory_space<hbm>> -> memref<128x128xf32, #tpu.memory_space<hbm>>
      %dma_wait3A_64 = arith.constant 0 : i32
      %dma_wait3A_65 = tpu.memref_slice %arg5[%arg0, %add3A_47, %dma_wait3A_64] : memref<2x10240x128xf32, #tpu.memory_space<hbm>> -> memref<1x128x128xf32, #tpu.memory_space<hbm>>
      %dma_wait3A_66 = tpu.memref_squeeze %dma_wait3A_65 : memref<1x128x128xf32, #tpu.memory_space<hbm>> -> memref<128x128xf32, #tpu.memory_space<hbm>>
      %dma_wait3A_67 = arith.constant 0 : i32
      %dma_wait3A_68 = arith.constant 0 : i32
      %dma_wait3A_69 = tpu.memref_slice %arg8[%dma_wait3A_67, %dma_wait3A_68] : memref<128x128xf32, #tpu.memory_space<vmem>> -> memref<128x128xf32, #tpu.memory_space<vmem>>
      tpu.wait_dma2 semaphore(%run_scoped3A : memref<!tpu.dma_semaphore, #tpu.memory_space<semaphore_mem>>) src(%dma_wait3A_69 : memref<128x128xf32, #tpu.memory_space<vmem>>) dst(%dma_wait3A_66 : memref<128x128xf32, #tpu.memory_space<hbm>>)
      tpu.yield
    }) : () -> ()
    return
  }
}

#map = affine_map<(d0, d1) -> (0, 0)>
#map1 = affine_map<(d0, d1) -> (0, 0, 0)>
module attributes {stable_mosaic.version = 14 : i64} {
  func.func @pool_kernel(%arg0: i32, %arg1: i32, %arg2: memref<10240x128xf32, #tpu.memory_space<hbm>>, %arg3: memref<32x5x64xi32, #tpu.memory_space<hbm>>, %arg4: memref<128x128xf32, #tpu.memory_space<hbm>>, %arg5: memref<128x128xf32, #tpu.memory_space<hbm>>, %arg6: memref<2x256x128xf32, #tpu.memory_space<hbm>>, %arg7: memref<2x256x128xf32, #tpu.memory_space<hbm>>, %arg8: memref<1x64xi32, #tpu.memory_space<vmem>>, %arg9: memref<64x128xf32, #tpu.memory_space<vmem>>, %arg10: memref<64x128xf32, #tpu.memory_space<vmem>>, %arg11: memref<256x128xf32, #tpu.memory_space<vmem_shared>>, %arg12: memref<256x128xf32, #tpu.memory_space<vmem_shared>>) attributes {dimension_semantics = [#tpu.dimension_semantics<core_parallel>, #tpu.dimension_semantics<subcore_parallel>], iteration_bounds = array<i64: 2, 16>, scalar_prefetch = 0 : i64, scratch_operands = 5 : i64, tpu.core_type = #tpu.core_type<sc_vector_subcore>, window_params = [{transform_indices = #map}, {transform_indices = #map1}, {transform_indices = #map}, {transform_indices = #map}, {transform_indices = #map1}, {transform_indices = #map1}]} {
    %mul3A = arith.constant 16 : i32
    %mul3A_0 = arith.muli %arg0, %mul3A : i32
    %add3A = arith.addi %mul3A_0, %arg1 : i32
    "tpu.region"() ({
      %run_scoped3A = tpu.sem_alloc : memref<!tpu.dma_semaphore, #tpu.memory_space<semaphore_mem>>
      %dma_start3A = arith.constant 0 : i32
      %dma_start3A_12 = arith.constant 0 : i32
      %dma_start3A_13 = tpu.memref_slice %arg4[%dma_start3A, %dma_start3A_12] : memref<128x128xf32, #tpu.memory_space<hbm>> -> memref<64x128xf32, #tpu.memory_space<hbm>>
      %dma_start3A_14 = arith.constant 0 : i32
      %dma_start3A_15 = arith.constant 0 : i32
      %dma_start3A_16 = tpu.memref_slice %arg4[%dma_start3A_14, %dma_start3A_15] : memref<128x128xf32, #tpu.memory_space<hbm>> -> memref<64x128xf32, #tpu.memory_space<hbm>>
      tpu.enqueue_dma source(%dma_start3A_16 : memref<64x128xf32, #tpu.memory_space<hbm>>) target(%arg9 : memref<64x128xf32, #tpu.memory_space<vmem>>) target_semaphore(%run_scoped3A : memref<!tpu.dma_semaphore, #tpu.memory_space<semaphore_mem>>)
      %dma_wait3A = arith.constant 0 : i32
      %dma_wait3A_17 = arith.constant 0 : i32
      %dma_wait3A_18 = tpu.memref_slice %arg4[%dma_wait3A, %dma_wait3A_17] : memref<128x128xf32, #tpu.memory_space<hbm>> -> memref<64x128xf32, #tpu.memory_space<hbm>>
      %dma_wait3A_19 = arith.constant 0 : i32
      %dma_wait3A_20 = arith.constant 0 : i32
      %dma_wait3A_21 = tpu.memref_slice %arg4[%dma_wait3A_19, %dma_wait3A_20] : memref<128x128xf32, #tpu.memory_space<hbm>> -> memref<64x128xf32, #tpu.memory_space<hbm>>
      tpu.wait_dma2 semaphore(%run_scoped3A : memref<!tpu.dma_semaphore, #tpu.memory_space<semaphore_mem>>) src(%dma_wait3A_21 : memref<64x128xf32, #tpu.memory_space<hbm>>) dst(%arg9 : memref<64x128xf32, #tpu.memory_space<vmem>>)
      tpu.yield
    }) : () -> ()
    %mul3A_1 = arith.constant 16 : i32
    %mul3A_2 = arith.muli %arg1, %mul3A_1 : i32
    "tpu.region"() ({
      %run_scoped3A = tpu.sem_alloc : memref<!tpu.dma_semaphore, #tpu.memory_space<semaphore_mem>>
      %dma_start3A = arith.constant 0 : i32
      %dma_start3A_12 = arith.constant 0 : i32
      %dma_start3A_13 = tpu.memref_slice %arg9[%dma_start3A, %dma_start3A_12] : memref<64x128xf32, #tpu.memory_space<vmem>> -> memref<16x128xf32, #tpu.memory_space<vmem>>
      %dma_start3A_14 = arith.constant 0 : i32
      %dma_start3A_15 = tpu.memref_slice %arg11[%mul3A_2, %dma_start3A_14] : memref<256x128xf32, #tpu.memory_space<vmem_shared>> -> memref<16x128xf32, #tpu.memory_space<vmem_shared>>
      %dma_start3A_16 = arith.constant 0 : i32
      %dma_start3A_17 = tpu.memref_slice %arg11[%mul3A_2, %dma_start3A_16] : memref<256x128xf32, #tpu.memory_space<vmem_shared>> -> memref<16x128xf32, #tpu.memory_space<vmem_shared>>
      %dma_start3A_18 = arith.constant 0 : i32
      %dma_start3A_19 = arith.constant 0 : i32
      %dma_start3A_20 = tpu.memref_slice %arg9[%dma_start3A_18, %dma_start3A_19] : memref<64x128xf32, #tpu.memory_space<vmem>> -> memref<16x128xf32, #tpu.memory_space<vmem>>
      tpu.enqueue_dma source(%dma_start3A_20 : memref<16x128xf32, #tpu.memory_space<vmem>>) target(%dma_start3A_17 : memref<16x128xf32, #tpu.memory_space<vmem_shared>>) target_semaphore(%run_scoped3A : memref<!tpu.dma_semaphore, #tpu.memory_space<semaphore_mem>>)
      %dma_wait3A = arith.constant 0 : i32
      %dma_wait3A_21 = arith.constant 0 : i32
      %dma_wait3A_22 = tpu.memref_slice %arg9[%dma_wait3A, %dma_wait3A_21] : memref<64x128xf32, #tpu.memory_space<vmem>> -> memref<16x128xf32, #tpu.memory_space<vmem>>
      %dma_wait3A_23 = arith.constant 0 : i32
      %dma_wait3A_24 = tpu.memref_slice %arg11[%mul3A_2, %dma_wait3A_23] : memref<256x128xf32, #tpu.memory_space<vmem_shared>> -> memref<16x128xf32, #tpu.memory_space<vmem_shared>>
      %dma_wait3A_25 = arith.constant 0 : i32
      %dma_wait3A_26 = tpu.memref_slice %arg11[%mul3A_2, %dma_wait3A_25] : memref<256x128xf32, #tpu.memory_space<vmem_shared>> -> memref<16x128xf32, #tpu.memory_space<vmem_shared>>
      %dma_wait3A_27 = arith.constant 0 : i32
      %dma_wait3A_28 = arith.constant 0 : i32
      %dma_wait3A_29 = tpu.memref_slice %arg9[%dma_wait3A_27, %dma_wait3A_28] : memref<64x128xf32, #tpu.memory_space<vmem>> -> memref<16x128xf32, #tpu.memory_space<vmem>>
      tpu.wait_dma2 semaphore(%run_scoped3A : memref<!tpu.dma_semaphore, #tpu.memory_space<semaphore_mem>>) src(%dma_wait3A_29 : memref<16x128xf32, #tpu.memory_space<vmem>>) dst(%dma_wait3A_26 : memref<16x128xf32, #tpu.memory_space<vmem_shared>>)
      tpu.yield
    }) : () -> ()
    %mul3A_3 = arith.constant 16 : i32
    %mul3A_4 = arith.muli %arg1, %mul3A_3 : i32
    "tpu.region"() ({
      %run_scoped3A = tpu.sem_alloc : memref<!tpu.dma_semaphore, #tpu.memory_space<semaphore_mem>>
      %dma_start3A = arith.constant 0 : i32
      %dma_start3A_12 = arith.constant 0 : i32
      %dma_start3A_13 = tpu.memref_slice %arg9[%dma_start3A, %dma_start3A_12] : memref<64x128xf32, #tpu.memory_space<vmem>> -> memref<16x128xf32, #tpu.memory_space<vmem>>
      %dma_start3A_14 = arith.constant 0 : i32
      %dma_start3A_15 = tpu.memref_slice %arg12[%mul3A_4, %dma_start3A_14] : memref<256x128xf32, #tpu.memory_space<vmem_shared>> -> memref<16x128xf32, #tpu.memory_space<vmem_shared>>
      %dma_start3A_16 = arith.constant 0 : i32
      %dma_start3A_17 = tpu.memref_slice %arg12[%mul3A_4, %dma_start3A_16] : memref<256x128xf32, #tpu.memory_space<vmem_shared>> -> memref<16x128xf32, #tpu.memory_space<vmem_shared>>
      %dma_start3A_18 = arith.constant 0 : i32
      %dma_start3A_19 = arith.constant 0 : i32
      %dma_start3A_20 = tpu.memref_slice %arg9[%dma_start3A_18, %dma_start3A_19] : memref<64x128xf32, #tpu.memory_space<vmem>> -> memref<16x128xf32, #tpu.memory_space<vmem>>
      tpu.enqueue_dma source(%dma_start3A_20 : memref<16x128xf32, #tpu.memory_space<vmem>>) target(%dma_start3A_17 : memref<16x128xf32, #tpu.memory_space<vmem_shared>>) target_semaphore(%run_scoped3A : memref<!tpu.dma_semaphore, #tpu.memory_space<semaphore_mem>>)
      %dma_wait3A = arith.constant 0 : i32
      %dma_wait3A_21 = arith.constant 0 : i32
      %dma_wait3A_22 = tpu.memref_slice %arg9[%dma_wait3A, %dma_wait3A_21] : memref<64x128xf32, #tpu.memory_space<vmem>> -> memref<16x128xf32, #tpu.memory_space<vmem>>
      %dma_wait3A_23 = arith.constant 0 : i32
      %dma_wait3A_24 = tpu.memref_slice %arg12[%mul3A_4, %dma_wait3A_23] : memref<256x128xf32, #tpu.memory_space<vmem_shared>> -> memref<16x128xf32, #tpu.memory_space<vmem_shared>>
      %dma_wait3A_25 = arith.constant 0 : i32
      %dma_wait3A_26 = tpu.memref_slice %arg12[%mul3A_4, %dma_wait3A_25] : memref<256x128xf32, #tpu.memory_space<vmem_shared>> -> memref<16x128xf32, #tpu.memory_space<vmem_shared>>
      %dma_wait3A_27 = arith.constant 0 : i32
      %dma_wait3A_28 = arith.constant 0 : i32
      %dma_wait3A_29 = tpu.memref_slice %arg9[%dma_wait3A_27, %dma_wait3A_28] : memref<64x128xf32, #tpu.memory_space<vmem>> -> memref<16x128xf32, #tpu.memory_space<vmem>>
      tpu.wait_dma2 semaphore(%run_scoped3A : memref<!tpu.dma_semaphore, #tpu.memory_space<semaphore_mem>>) src(%dma_wait3A_29 : memref<16x128xf32, #tpu.memory_space<vmem>>) dst(%dma_wait3A_26 : memref<16x128xf32, #tpu.memory_space<vmem_shared>>)
      tpu.yield
    }) : () -> ()
    "tpu.region"() ({
      %run_scoped3A = tpu.sem_alloc : memref<!tpu.dma_semaphore, #tpu.memory_space<semaphore_mem>>
      %dma_start3A = arith.constant 0 : i32
      %dma_start3A_12 = arith.constant 0 : i32
      %dma_start3A_13 = tpu.memref_slice %arg5[%dma_start3A, %dma_start3A_12] : memref<128x128xf32, #tpu.memory_space<hbm>> -> memref<64x128xf32, #tpu.memory_space<hbm>>
      %dma_start3A_14 = arith.constant 0 : i32
      %dma_start3A_15 = arith.constant 0 : i32
      %dma_start3A_16 = tpu.memref_slice %arg5[%dma_start3A_14, %dma_start3A_15] : memref<128x128xf32, #tpu.memory_space<hbm>> -> memref<64x128xf32, #tpu.memory_space<hbm>>
      tpu.enqueue_dma source(%dma_start3A_16 : memref<64x128xf32, #tpu.memory_space<hbm>>) target(%arg10 : memref<64x128xf32, #tpu.memory_space<vmem>>) target_semaphore(%run_scoped3A : memref<!tpu.dma_semaphore, #tpu.memory_space<semaphore_mem>>)
      %dma_wait3A = arith.constant 0 : i32
      %dma_wait3A_17 = arith.constant 0 : i32
      %dma_wait3A_18 = tpu.memref_slice %arg5[%dma_wait3A, %dma_wait3A_17] : memref<128x128xf32, #tpu.memory_space<hbm>> -> memref<64x128xf32, #tpu.memory_space<hbm>>
      %dma_wait3A_19 = arith.constant 0 : i32
      %dma_wait3A_20 = arith.constant 0 : i32
      %dma_wait3A_21 = tpu.memref_slice %arg5[%dma_wait3A_19, %dma_wait3A_20] : memref<128x128xf32, #tpu.memory_space<hbm>> -> memref<64x128xf32, #tpu.memory_space<hbm>>
      tpu.wait_dma2 semaphore(%run_scoped3A : memref<!tpu.dma_semaphore, #tpu.memory_space<semaphore_mem>>) src(%dma_wait3A_21 : memref<64x128xf32, #tpu.memory_space<hbm>>) dst(%arg10 : memref<64x128xf32, #tpu.memory_space<vmem>>)
      tpu.yield
    }) : () -> ()
    %barrier3A = arith.constant 0 : index
    tpu.barrier barrier_id(%barrier3A)
    %scan3A = arith.constant 0 : i32
    %scan3A_5 = arith.constant 5 : i32
    %scan3A_6 = arith.addi %scan3A, %scan3A_5 : i32
    %scan3A_7 = arith.constant 1 : i32
    scf.for %scan3A_12 = %scan3A to %scan3A_6 step %scan3A_7  : i32 {
      %mul3A_13 = arith.constant 1 : i32
      %mul3A_14 = arith.muli %scan3A_12, %mul3A_13 : i32
      %add3A_15 = arith.constant 0 : i32
      %add3A_16 = arith.addi %add3A_15, %mul3A_14 : i32
      %run_scoped3A = arith.constant 0 : i32
      "tpu.region"() ({
        %run_scoped3A_24 = tpu.sem_alloc : memref<!tpu.dma_semaphore, #tpu.memory_space<semaphore_mem>>
        %dma_start3A = arith.constant 0 : i32
        %dma_start3A_25 = tpu.memref_slice %arg8[%run_scoped3A, %dma_start3A] : memref<1x64xi32, #tpu.memory_space<vmem>> -> memref<1x64xi32, #tpu.memory_space<vmem>>
        %dma_start3A_26 = tpu.memref_squeeze %dma_start3A_25 : memref<1x64xi32, #tpu.memory_space<vmem>> -> memref<64xi32, #tpu.memory_space<vmem>>
        %dma_start3A_27 = arith.constant 0 : i32
        %dma_start3A_28 = tpu.memref_slice %arg3[%add3A, %add3A_16, %dma_start3A_27] : memref<32x5x64xi32, #tpu.memory_space<hbm>> -> memref<1x1x64xi32, #tpu.memory_space<hbm>>
        %dma_start3A_29 = tpu.memref_squeeze %dma_start3A_28 : memref<1x1x64xi32, #tpu.memory_space<hbm>> -> memref<64xi32, #tpu.memory_space<hbm>>
        %dma_start3A_30 = arith.constant 0 : i32
        %dma_start3A_31 = tpu.memref_slice %arg8[%run_scoped3A, %dma_start3A_30] : memref<1x64xi32, #tpu.memory_space<vmem>> -> memref<1x64xi32, #tpu.memory_space<vmem>>
        %dma_start3A_32 = tpu.memref_squeeze %dma_start3A_31 : memref<1x64xi32, #tpu.memory_space<vmem>> -> memref<64xi32, #tpu.memory_space<vmem>>
        %dma_start3A_33 = arith.constant 0 : i32
        %dma_start3A_34 = tpu.memref_slice %arg3[%add3A, %add3A_16, %dma_start3A_33] : memref<32x5x64xi32, #tpu.memory_space<hbm>> -> memref<1x1x64xi32, #tpu.memory_space<hbm>>
        %dma_start3A_35 = tpu.memref_squeeze %dma_start3A_34 : memref<1x1x64xi32, #tpu.memory_space<hbm>> -> memref<64xi32, #tpu.memory_space<hbm>>
        tpu.enqueue_dma source(%dma_start3A_35 : memref<64xi32, #tpu.memory_space<hbm>>) target(%dma_start3A_32 : memref<64xi32, #tpu.memory_space<vmem>>) target_semaphore(%run_scoped3A_24 : memref<!tpu.dma_semaphore, #tpu.memory_space<semaphore_mem>>)
        %dma_wait3A = arith.constant 0 : i32
        %dma_wait3A_36 = tpu.memref_slice %arg8[%run_scoped3A, %dma_wait3A] : memref<1x64xi32, #tpu.memory_space<vmem>> -> memref<1x64xi32, #tpu.memory_space<vmem>>
        %dma_wait3A_37 = tpu.memref_squeeze %dma_wait3A_36 : memref<1x64xi32, #tpu.memory_space<vmem>> -> memref<64xi32, #tpu.memory_space<vmem>>
        %dma_wait3A_38 = arith.constant 0 : i32
        %dma_wait3A_39 = tpu.memref_slice %arg3[%add3A, %add3A_16, %dma_wait3A_38] : memref<32x5x64xi32, #tpu.memory_space<hbm>> -> memref<1x1x64xi32, #tpu.memory_space<hbm>>
        %dma_wait3A_40 = tpu.memref_squeeze %dma_wait3A_39 : memref<1x1x64xi32, #tpu.memory_space<hbm>> -> memref<64xi32, #tpu.memory_space<hbm>>
        %dma_wait3A_41 = arith.constant 0 : i32
        %dma_wait3A_42 = tpu.memref_slice %arg8[%run_scoped3A, %dma_wait3A_41] : memref<1x64xi32, #tpu.memory_space<vmem>> -> memref<1x64xi32, #tpu.memory_space<vmem>>
        %dma_wait3A_43 = tpu.memref_squeeze %dma_wait3A_42 : memref<1x64xi32, #tpu.memory_space<vmem>> -> memref<64xi32, #tpu.memory_space<vmem>>
        %dma_wait3A_44 = arith.constant 0 : i32
        %dma_wait3A_45 = tpu.memref_slice %arg3[%add3A, %add3A_16, %dma_wait3A_44] : memref<32x5x64xi32, #tpu.memory_space<hbm>> -> memref<1x1x64xi32, #tpu.memory_space<hbm>>
        %dma_wait3A_46 = tpu.memref_squeeze %dma_wait3A_45 : memref<1x1x64xi32, #tpu.memory_space<hbm>> -> memref<64xi32, #tpu.memory_space<hbm>>
        tpu.wait_dma2 semaphore(%run_scoped3A_24 : memref<!tpu.dma_semaphore, #tpu.memory_space<semaphore_mem>>) src(%dma_wait3A_46 : memref<64xi32, #tpu.memory_space<hbm>>) dst(%dma_wait3A_43 : memref<64xi32, #tpu.memory_space<vmem>>)
        tpu.yield
      }) : () -> ()
      %mul3A_17 = arith.constant 320 : i32
      %mul3A_18 = arith.muli %add3A, %mul3A_17 : i32
      %mul3A_19 = arith.constant 64 : i32
      %mul3A_20 = arith.muli %add3A_16, %mul3A_19 : i32
      %add3A_21 = arith.addi %mul3A_18, %mul3A_20 : i32
      "tpu.region"() ({
        %run_scoped3A_24 = tpu.sem_alloc : memref<!tpu.dma_semaphore, #tpu.memory_space<semaphore_mem>>
        %dma_start3A = arith.constant 0 : i32
        %dma_start3A_25 = tpu.memref_slice %arg2[%add3A_21, %dma_start3A] : memref<10240x128xf32, #tpu.memory_space<hbm>> -> memref<64x128xf32, #tpu.memory_space<hbm>>
        %dma_start3A_26 = arith.constant 0 : i32
        %dma_start3A_27 = tpu.memref_slice %arg2[%add3A_21, %dma_start3A_26] : memref<10240x128xf32, #tpu.memory_space<hbm>> -> memref<64x128xf32, #tpu.memory_space<hbm>>
        tpu.enqueue_dma source(%dma_start3A_27 : memref<64x128xf32, #tpu.memory_space<hbm>>) target(%arg9 : memref<64x128xf32, #tpu.memory_space<vmem>>) target_semaphore(%run_scoped3A_24 : memref<!tpu.dma_semaphore, #tpu.memory_space<semaphore_mem>>)
        %dma_wait3A = arith.constant 0 : i32
        %dma_wait3A_28 = tpu.memref_slice %arg2[%add3A_21, %dma_wait3A] : memref<10240x128xf32, #tpu.memory_space<hbm>> -> memref<64x128xf32, #tpu.memory_space<hbm>>
        %dma_wait3A_29 = arith.constant 0 : i32
        %dma_wait3A_30 = tpu.memref_slice %arg2[%add3A_21, %dma_wait3A_29] : memref<10240x128xf32, #tpu.memory_space<hbm>> -> memref<64x128xf32, #tpu.memory_space<hbm>>
        tpu.wait_dma2 semaphore(%run_scoped3A_24 : memref<!tpu.dma_semaphore, #tpu.memory_space<semaphore_mem>>) src(%dma_wait3A_30 : memref<64x128xf32, #tpu.memory_space<hbm>>) dst(%arg9 : memref<64x128xf32, #tpu.memory_space<vmem>>)
        tpu.yield
      }) : () -> ()
      %run_scoped3A_22 = arith.constant 0 : i32
      "tpu.region"() ({
        %run_scoped3A_24 = tpu.sem_alloc : memref<!tpu.dma_semaphore, #tpu.memory_space<semaphore_mem>>
        %dma_start3A = arith.constant 0 : i32
        %dma_start3A_25 = tpu.memref_slice %arg8[%run_scoped3A_22, %dma_start3A] : memref<1x64xi32, #tpu.memory_space<vmem>> -> memref<1x64xi32, #tpu.memory_space<vmem>>
        %dma_start3A_26 = tpu.memref_squeeze %dma_start3A_25 : memref<1x64xi32, #tpu.memory_space<vmem>> -> memref<64xi32, #tpu.memory_space<vmem>>
        %dma_start3A_27 = arith.constant 0 : i32
        %dma_start3A_28 = arith.constant 0 : i32
        %dma_start3A_29 = tpu.memref_slice %arg11[%dma_start3A_27, %dma_start3A_28] : memref<256x128xf32, #tpu.memory_space<vmem_shared>> -> memref<256x128xf32, #tpu.memory_space<vmem_shared>>
        tpu.enqueue_indirect_dma source(%arg9 : memref<64x128xf32, #tpu.memory_space<vmem>>) target(%dma_start3A_29 : memref<256x128xf32, #tpu.memory_space<vmem_shared>>) offsets(%dma_start3A_26 : memref<64xi32, #tpu.memory_space<vmem>>) semaphore(%run_scoped3A_24 : memref<!tpu.dma_semaphore, #tpu.memory_space<semaphore_mem>>) {add = true}
        %dma_wait3A = arith.constant 0 : i32
        %dma_wait3A_30 = tpu.memref_slice %arg8[%run_scoped3A_22, %dma_wait3A] : memref<1x64xi32, #tpu.memory_space<vmem>> -> memref<1x64xi32, #tpu.memory_space<vmem>>
        %dma_wait3A_31 = tpu.memref_squeeze %dma_wait3A_30 : memref<1x64xi32, #tpu.memory_space<vmem>> -> memref<64xi32, #tpu.memory_space<vmem>>
        %dma_wait3A_32 = arith.constant 0 : i32
        %dma_wait3A_33 = arith.constant 0 : i32
        %dma_wait3A_34 = tpu.memref_slice %arg11[%dma_wait3A_32, %dma_wait3A_33] : memref<256x128xf32, #tpu.memory_space<vmem_shared>> -> memref<256x128xf32, #tpu.memory_space<vmem_shared>>
        tpu.wait_indirect_dma semaphore(%run_scoped3A_24 : memref<!tpu.dma_semaphore, #tpu.memory_space<semaphore_mem>>) src(%arg9 : memref<64x128xf32, #tpu.memory_space<vmem>>) dst(%dma_wait3A_34 : memref<256x128xf32, #tpu.memory_space<vmem_shared>>)
        tpu.yield
      }) : () -> ()
      %run_scoped3A_23 = arith.constant 0 : i32
      "tpu.region"() ({
        %run_scoped3A_24 = tpu.sem_alloc : memref<!tpu.dma_semaphore, #tpu.memory_space<semaphore_mem>>
        %dma_start3A = arith.constant 0 : i32
        %dma_start3A_25 = tpu.memref_slice %arg8[%run_scoped3A_23, %dma_start3A] : memref<1x64xi32, #tpu.memory_space<vmem>> -> memref<1x64xi32, #tpu.memory_space<vmem>>
        %dma_start3A_26 = tpu.memref_squeeze %dma_start3A_25 : memref<1x64xi32, #tpu.memory_space<vmem>> -> memref<64xi32, #tpu.memory_space<vmem>>
        %dma_start3A_27 = arith.constant 0 : i32
        %dma_start3A_28 = arith.constant 0 : i32
        %dma_start3A_29 = tpu.memref_slice %arg12[%dma_start3A_27, %dma_start3A_28] : memref<256x128xf32, #tpu.memory_space<vmem_shared>> -> memref<256x128xf32, #tpu.memory_space<vmem_shared>>
        tpu.enqueue_indirect_dma source(%arg10 : memref<64x128xf32, #tpu.memory_space<vmem>>) target(%dma_start3A_29 : memref<256x128xf32, #tpu.memory_space<vmem_shared>>) offsets(%dma_start3A_26 : memref<64xi32, #tpu.memory_space<vmem>>) semaphore(%run_scoped3A_24 : memref<!tpu.dma_semaphore, #tpu.memory_space<semaphore_mem>>) {add = true}
        %dma_wait3A = arith.constant 0 : i32
        %dma_wait3A_30 = tpu.memref_slice %arg8[%run_scoped3A_23, %dma_wait3A] : memref<1x64xi32, #tpu.memory_space<vmem>> -> memref<1x64xi32, #tpu.memory_space<vmem>>
        %dma_wait3A_31 = tpu.memref_squeeze %dma_wait3A_30 : memref<1x64xi32, #tpu.memory_space<vmem>> -> memref<64xi32, #tpu.memory_space<vmem>>
        %dma_wait3A_32 = arith.constant 0 : i32
        %dma_wait3A_33 = arith.constant 0 : i32
        %dma_wait3A_34 = tpu.memref_slice %arg12[%dma_wait3A_32, %dma_wait3A_33] : memref<256x128xf32, #tpu.memory_space<vmem_shared>> -> memref<256x128xf32, #tpu.memory_space<vmem_shared>>
        tpu.wait_indirect_dma semaphore(%run_scoped3A_24 : memref<!tpu.dma_semaphore, #tpu.memory_space<semaphore_mem>>) src(%arg10 : memref<64x128xf32, #tpu.memory_space<vmem>>) dst(%dma_wait3A_34 : memref<256x128xf32, #tpu.memory_space<vmem_shared>>)
        tpu.yield
      }) : () -> ()
    }
    %scan3A_8 = arith.constant 5 : i32
    %barrier3A_9 = arith.constant 0 : index
    tpu.barrier barrier_id(%barrier3A_9)
    %mul3A_10 = arith.constant 16 : i32
    %mul3A_11 = arith.muli %arg1, %mul3A_10 : i32
    "tpu.region"() ({
      %run_scoped3A = tpu.sem_alloc : memref<!tpu.dma_semaphore, #tpu.memory_space<semaphore_mem>>
      %dma_start3A = arith.constant 0 : i32
      %dma_start3A_12 = arith.constant 0 : i32
      %dma_start3A_13 = tpu.memref_slice %arg9[%dma_start3A, %dma_start3A_12] : memref<64x128xf32, #tpu.memory_space<vmem>> -> memref<16x128xf32, #tpu.memory_space<vmem>>
      %dma_start3A_14 = arith.constant 0 : i32
      %dma_start3A_15 = tpu.memref_slice %arg11[%mul3A_11, %dma_start3A_14] : memref<256x128xf32, #tpu.memory_space<vmem_shared>> -> memref<16x128xf32, #tpu.memory_space<vmem_shared>>
      %dma_start3A_16 = arith.constant 0 : i32
      %dma_start3A_17 = arith.constant 0 : i32
      %dma_start3A_18 = tpu.memref_slice %arg9[%dma_start3A_16, %dma_start3A_17] : memref<64x128xf32, #tpu.memory_space<vmem>> -> memref<16x128xf32, #tpu.memory_space<vmem>>
      %dma_start3A_19 = arith.constant 0 : i32
      %dma_start3A_20 = tpu.memref_slice %arg11[%mul3A_11, %dma_start3A_19] : memref<256x128xf32, #tpu.memory_space<vmem_shared>> -> memref<16x128xf32, #tpu.memory_space<vmem_shared>>
      tpu.enqueue_dma source(%dma_start3A_20 : memref<16x128xf32, #tpu.memory_space<vmem_shared>>) target(%dma_start3A_18 : memref<16x128xf32, #tpu.memory_space<vmem>>) target_semaphore(%run_scoped3A : memref<!tpu.dma_semaphore, #tpu.memory_space<semaphore_mem>>)
      %dma_wait3A = arith.constant 0 : i32
      %dma_wait3A_21 = arith.constant 0 : i32
      %dma_wait3A_22 = tpu.memref_slice %arg9[%dma_wait3A, %dma_wait3A_21] : memref<64x128xf32, #tpu.memory_space<vmem>> -> memref<16x128xf32, #tpu.memory_space<vmem>>
      %dma_wait3A_23 = arith.constant 0 : i32
      %dma_wait3A_24 = tpu.memref_slice %arg11[%mul3A_11, %dma_wait3A_23] : memref<256x128xf32, #tpu.memory_space<vmem_shared>> -> memref<16x128xf32, #tpu.memory_space<vmem_shared>>
      %dma_wait3A_25 = arith.constant 0 : i32
      %dma_wait3A_26 = arith.constant 0 : i32
      %dma_wait3A_27 = tpu.memref_slice %arg9[%dma_wait3A_25, %dma_wait3A_26] : memref<64x128xf32, #tpu.memory_space<vmem>> -> memref<16x128xf32, #tpu.memory_space<vmem>>
      %dma_wait3A_28 = arith.constant 0 : i32
      %dma_wait3A_29 = tpu.memref_slice %arg11[%mul3A_11, %dma_wait3A_28] : memref<256x128xf32, #tpu.memory_space<vmem_shared>> -> memref<16x128xf32, #tpu.memory_space<vmem_shared>>
      tpu.wait_dma2 semaphore(%run_scoped3A : memref<!tpu.dma_semaphore, #tpu.memory_space<semaphore_mem>>) src(%dma_wait3A_29 : memref<16x128xf32, #tpu.memory_space<vmem_shared>>) dst(%dma_wait3A_27 : memref<16x128xf32, #tpu.memory_space<vmem>>)
      tpu.yield
    }) : () -> ()
    "tpu.region"() ({
      %run_scoped3A = tpu.sem_alloc : memref<!tpu.dma_semaphore, #tpu.memory_space<semaphore_mem>>
      %dma_start3A = arith.constant 0 : i32
      %dma_start3A_12 = arith.constant 0 : i32
      %dma_start3A_13 = tpu.memref_slice %arg9[%dma_start3A, %dma_start3A_12] : memref<64x128xf32, #tpu.memory_space<vmem>> -> memref<16x128xf32, #tpu.memory_space<vmem>>
      %dma_start3A_14 = arith.constant 0 : i32
      %dma_start3A_15 = tpu.memref_slice %arg6[%arg0, %mul3A_11, %dma_start3A_14] : memref<2x256x128xf32, #tpu.memory_space<hbm>> -> memref<1x16x128xf32, #tpu.memory_space<hbm>>
      %dma_start3A_16 = tpu.memref_squeeze %dma_start3A_15 : memref<1x16x128xf32, #tpu.memory_space<hbm>> -> memref<16x128xf32, #tpu.memory_space<hbm>>
      %dma_start3A_17 = arith.constant 0 : i32
      %dma_start3A_18 = tpu.memref_slice %arg6[%arg0, %mul3A_11, %dma_start3A_17] : memref<2x256x128xf32, #tpu.memory_space<hbm>> -> memref<1x16x128xf32, #tpu.memory_space<hbm>>
      %dma_start3A_19 = tpu.memref_squeeze %dma_start3A_18 : memref<1x16x128xf32, #tpu.memory_space<hbm>> -> memref<16x128xf32, #tpu.memory_space<hbm>>
      %dma_start3A_20 = arith.constant 0 : i32
      %dma_start3A_21 = arith.constant 0 : i32
      %dma_start3A_22 = tpu.memref_slice %arg9[%dma_start3A_20, %dma_start3A_21] : memref<64x128xf32, #tpu.memory_space<vmem>> -> memref<16x128xf32, #tpu.memory_space<vmem>>
      tpu.enqueue_dma source(%dma_start3A_22 : memref<16x128xf32, #tpu.memory_space<vmem>>) target(%dma_start3A_19 : memref<16x128xf32, #tpu.memory_space<hbm>>) target_semaphore(%run_scoped3A : memref<!tpu.dma_semaphore, #tpu.memory_space<semaphore_mem>>)
      %dma_wait3A = arith.constant 0 : i32
      %dma_wait3A_23 = arith.constant 0 : i32
      %dma_wait3A_24 = tpu.memref_slice %arg9[%dma_wait3A, %dma_wait3A_23] : memref<64x128xf32, #tpu.memory_space<vmem>> -> memref<16x128xf32, #tpu.memory_space<vmem>>
      %dma_wait3A_25 = arith.constant 0 : i32
      %dma_wait3A_26 = tpu.memref_slice %arg6[%arg0, %mul3A_11, %dma_wait3A_25] : memref<2x256x128xf32, #tpu.memory_space<hbm>> -> memref<1x16x128xf32, #tpu.memory_space<hbm>>
      %dma_wait3A_27 = tpu.memref_squeeze %dma_wait3A_26 : memref<1x16x128xf32, #tpu.memory_space<hbm>> -> memref<16x128xf32, #tpu.memory_space<hbm>>
      %dma_wait3A_28 = arith.constant 0 : i32
      %dma_wait3A_29 = tpu.memref_slice %arg6[%arg0, %mul3A_11, %dma_wait3A_28] : memref<2x256x128xf32, #tpu.memory_space<hbm>> -> memref<1x16x128xf32, #tpu.memory_space<hbm>>
      %dma_wait3A_30 = tpu.memref_squeeze %dma_wait3A_29 : memref<1x16x128xf32, #tpu.memory_space<hbm>> -> memref<16x128xf32, #tpu.memory_space<hbm>>
      %dma_wait3A_31 = arith.constant 0 : i32
      %dma_wait3A_32 = arith.constant 0 : i32
      %dma_wait3A_33 = tpu.memref_slice %arg9[%dma_wait3A_31, %dma_wait3A_32] : memref<64x128xf32, #tpu.memory_space<vmem>> -> memref<16x128xf32, #tpu.memory_space<vmem>>
      tpu.wait_dma2 semaphore(%run_scoped3A : memref<!tpu.dma_semaphore, #tpu.memory_space<semaphore_mem>>) src(%dma_wait3A_33 : memref<16x128xf32, #tpu.memory_space<vmem>>) dst(%dma_wait3A_30 : memref<16x128xf32, #tpu.memory_space<hbm>>)
      tpu.yield
    }) : () -> ()
    "tpu.region"() ({
      %run_scoped3A = tpu.sem_alloc : memref<!tpu.dma_semaphore, #tpu.memory_space<semaphore_mem>>
      %dma_start3A = arith.constant 0 : i32
      %dma_start3A_12 = arith.constant 0 : i32
      %dma_start3A_13 = tpu.memref_slice %arg10[%dma_start3A, %dma_start3A_12] : memref<64x128xf32, #tpu.memory_space<vmem>> -> memref<16x128xf32, #tpu.memory_space<vmem>>
      %dma_start3A_14 = arith.constant 0 : i32
      %dma_start3A_15 = tpu.memref_slice %arg12[%mul3A_11, %dma_start3A_14] : memref<256x128xf32, #tpu.memory_space<vmem_shared>> -> memref<16x128xf32, #tpu.memory_space<vmem_shared>>
      %dma_start3A_16 = arith.constant 0 : i32
      %dma_start3A_17 = arith.constant 0 : i32
      %dma_start3A_18 = tpu.memref_slice %arg10[%dma_start3A_16, %dma_start3A_17] : memref<64x128xf32, #tpu.memory_space<vmem>> -> memref<16x128xf32, #tpu.memory_space<vmem>>
      %dma_start3A_19 = arith.constant 0 : i32
      %dma_start3A_20 = tpu.memref_slice %arg12[%mul3A_11, %dma_start3A_19] : memref<256x128xf32, #tpu.memory_space<vmem_shared>> -> memref<16x128xf32, #tpu.memory_space<vmem_shared>>
      tpu.enqueue_dma source(%dma_start3A_20 : memref<16x128xf32, #tpu.memory_space<vmem_shared>>) target(%dma_start3A_18 : memref<16x128xf32, #tpu.memory_space<vmem>>) target_semaphore(%run_scoped3A : memref<!tpu.dma_semaphore, #tpu.memory_space<semaphore_mem>>)
      %dma_wait3A = arith.constant 0 : i32
      %dma_wait3A_21 = arith.constant 0 : i32
      %dma_wait3A_22 = tpu.memref_slice %arg10[%dma_wait3A, %dma_wait3A_21] : memref<64x128xf32, #tpu.memory_space<vmem>> -> memref<16x128xf32, #tpu.memory_space<vmem>>
      %dma_wait3A_23 = arith.constant 0 : i32
      %dma_wait3A_24 = tpu.memref_slice %arg12[%mul3A_11, %dma_wait3A_23] : memref<256x128xf32, #tpu.memory_space<vmem_shared>> -> memref<16x128xf32, #tpu.memory_space<vmem_shared>>
      %dma_wait3A_25 = arith.constant 0 : i32
      %dma_wait3A_26 = arith.constant 0 : i32
      %dma_wait3A_27 = tpu.memref_slice %arg10[%dma_wait3A_25, %dma_wait3A_26] : memref<64x128xf32, #tpu.memory_space<vmem>> -> memref<16x128xf32, #tpu.memory_space<vmem>>
      %dma_wait3A_28 = arith.constant 0 : i32
      %dma_wait3A_29 = tpu.memref_slice %arg12[%mul3A_11, %dma_wait3A_28] : memref<256x128xf32, #tpu.memory_space<vmem_shared>> -> memref<16x128xf32, #tpu.memory_space<vmem_shared>>
      tpu.wait_dma2 semaphore(%run_scoped3A : memref<!tpu.dma_semaphore, #tpu.memory_space<semaphore_mem>>) src(%dma_wait3A_29 : memref<16x128xf32, #tpu.memory_space<vmem_shared>>) dst(%dma_wait3A_27 : memref<16x128xf32, #tpu.memory_space<vmem>>)
      tpu.yield
    }) : () -> ()
    "tpu.region"() ({
      %run_scoped3A = tpu.sem_alloc : memref<!tpu.dma_semaphore, #tpu.memory_space<semaphore_mem>>
      %dma_start3A = arith.constant 0 : i32
      %dma_start3A_12 = arith.constant 0 : i32
      %dma_start3A_13 = tpu.memref_slice %arg10[%dma_start3A, %dma_start3A_12] : memref<64x128xf32, #tpu.memory_space<vmem>> -> memref<16x128xf32, #tpu.memory_space<vmem>>
      %dma_start3A_14 = arith.constant 0 : i32
      %dma_start3A_15 = tpu.memref_slice %arg7[%arg0, %mul3A_11, %dma_start3A_14] : memref<2x256x128xf32, #tpu.memory_space<hbm>> -> memref<1x16x128xf32, #tpu.memory_space<hbm>>
      %dma_start3A_16 = tpu.memref_squeeze %dma_start3A_15 : memref<1x16x128xf32, #tpu.memory_space<hbm>> -> memref<16x128xf32, #tpu.memory_space<hbm>>
      %dma_start3A_17 = arith.constant 0 : i32
      %dma_start3A_18 = tpu.memref_slice %arg7[%arg0, %mul3A_11, %dma_start3A_17] : memref<2x256x128xf32, #tpu.memory_space<hbm>> -> memref<1x16x128xf32, #tpu.memory_space<hbm>>
      %dma_start3A_19 = tpu.memref_squeeze %dma_start3A_18 : memref<1x16x128xf32, #tpu.memory_space<hbm>> -> memref<16x128xf32, #tpu.memory_space<hbm>>
      %dma_start3A_20 = arith.constant 0 : i32
      %dma_start3A_21 = arith.constant 0 : i32
      %dma_start3A_22 = tpu.memref_slice %arg10[%dma_start3A_20, %dma_start3A_21] : memref<64x128xf32, #tpu.memory_space<vmem>> -> memref<16x128xf32, #tpu.memory_space<vmem>>
      tpu.enqueue_dma source(%dma_start3A_22 : memref<16x128xf32, #tpu.memory_space<vmem>>) target(%dma_start3A_19 : memref<16x128xf32, #tpu.memory_space<hbm>>) target_semaphore(%run_scoped3A : memref<!tpu.dma_semaphore, #tpu.memory_space<semaphore_mem>>)
      %dma_wait3A = arith.constant 0 : i32
      %dma_wait3A_23 = arith.constant 0 : i32
      %dma_wait3A_24 = tpu.memref_slice %arg10[%dma_wait3A, %dma_wait3A_23] : memref<64x128xf32, #tpu.memory_space<vmem>> -> memref<16x128xf32, #tpu.memory_space<vmem>>
      %dma_wait3A_25 = arith.constant 0 : i32
      %dma_wait3A_26 = tpu.memref_slice %arg7[%arg0, %mul3A_11, %dma_wait3A_25] : memref<2x256x128xf32, #tpu.memory_space<hbm>> -> memref<1x16x128xf32, #tpu.memory_space<hbm>>
      %dma_wait3A_27 = tpu.memref_squeeze %dma_wait3A_26 : memref<1x16x128xf32, #tpu.memory_space<hbm>> -> memref<16x128xf32, #tpu.memory_space<hbm>>
      %dma_wait3A_28 = arith.constant 0 : i32
      %dma_wait3A_29 = tpu.memref_slice %arg7[%arg0, %mul3A_11, %dma_wait3A_28] : memref<2x256x128xf32, #tpu.memory_space<hbm>> -> memref<1x16x128xf32, #tpu.memory_space<hbm>>
      %dma_wait3A_30 = tpu.memref_squeeze %dma_wait3A_29 : memref<1x16x128xf32, #tpu.memory_space<hbm>> -> memref<16x128xf32, #tpu.memory_space<hbm>>
      %dma_wait3A_31 = arith.constant 0 : i32
      %dma_wait3A_32 = arith.constant 0 : i32
      %dma_wait3A_33 = tpu.memref_slice %arg10[%dma_wait3A_31, %dma_wait3A_32] : memref<64x128xf32, #tpu.memory_space<vmem>> -> memref<16x128xf32, #tpu.memory_space<vmem>>
      tpu.wait_dma2 semaphore(%run_scoped3A : memref<!tpu.dma_semaphore, #tpu.memory_space<semaphore_mem>>) src(%dma_wait3A_33 : memref<16x128xf32, #tpu.memory_space<vmem>>) dst(%dma_wait3A_30 : memref<16x128xf32, #tpu.memory_space<hbm>>)
      tpu.yield
    }) : () -> ()
    return
  }
}

#map = affine_map<(d0, d1) -> (0, 0)>
#map1 = affine_map<(d0, d1) -> (0, 0, 0)>
module attributes {stable_mosaic.version = 14 : i64} {
  func.func @msg_kernel(%arg0: i32, %arg1: i32, %arg2: memref<10240x128xf32, #tpu.memory_space<hbm>>, %arg3: memref<2560x128xi32, #tpu.memory_space<hbm>>, %arg4: memref<2560x128xi32, #tpu.memory_space<hbm>>, %arg5: memref<128x128xf32, #tpu.memory_space<hbm>>, %arg6: memref<2x10240x128xf32, #tpu.memory_space<hbm>>, %arg7: memref<40x128xi32, #tpu.memory_space<vmem>>, %arg8: memref<40x128xi32, #tpu.memory_space<vmem>>, %arg9: memref<128x128xf32, #tpu.memory_space<vmem>>, %arg10: memref<128x128xf32, #tpu.memory_space<vmem>>, %arg11: memref<10240x128xf32, #tpu.memory_space<vmem_shared>>, %arg12: memref<!tpu.dma_semaphore, #tpu.memory_space<semaphore_mem>>, %arg13: memref<!tpu.dma_semaphore, #tpu.memory_space<semaphore_mem>>) attributes {dimension_semantics = [#tpu.dimension_semantics<core_parallel>, #tpu.dimension_semantics<subcore_parallel>], iteration_bounds = array<i64: 2, 16>, scalar_prefetch = 0 : i64, scratch_operands = 7 : i64, tpu.core_type = #tpu.core_type<sc_vector_subcore>, window_params = [{transform_indices = #map}, {transform_indices = #map}, {transform_indices = #map}, {transform_indices = #map}, {transform_indices = #map1}]} {
    "tpu.region"() ({
      %run_scoped3A = tpu.sem_alloc : memref<!tpu.dma_semaphore, #tpu.memory_space<semaphore_mem>>
      tpu.enqueue_dma source(%arg5 : memref<128x128xf32, #tpu.memory_space<hbm>>) target(%arg9 : memref<128x128xf32, #tpu.memory_space<vmem>>) target_semaphore(%run_scoped3A : memref<!tpu.dma_semaphore, #tpu.memory_space<semaphore_mem>>)
      tpu.wait_dma2 semaphore(%run_scoped3A : memref<!tpu.dma_semaphore, #tpu.memory_space<semaphore_mem>>) src(%arg5 : memref<128x128xf32, #tpu.memory_space<hbm>>) dst(%arg9 : memref<128x128xf32, #tpu.memory_space<vmem>>)
      tpu.yield
    }) : () -> ()
    %mul3A = arith.constant 640 : i32
    %mul3A_0 = arith.muli %arg1, %mul3A : i32
    %add3A = arith.constant 0 : i32
    %add3A_1 = arith.addi %mul3A_0, %add3A : i32
    "tpu.region"() ({
      %run_scoped3A = tpu.sem_alloc : memref<!tpu.dma_semaphore, #tpu.memory_space<semaphore_mem>>
      %dma_start3A = arith.constant 0 : i32
      %dma_start3A_46 = tpu.memref_slice %arg11[%add3A_1, %dma_start3A] : memref<10240x128xf32, #tpu.memory_space<vmem_shared>> -> memref<128x128xf32, #tpu.memory_space<vmem_shared>>
      %dma_start3A_47 = arith.constant 0 : i32
      %dma_start3A_48 = tpu.memref_slice %arg11[%add3A_1, %dma_start3A_47] : memref<10240x128xf32, #tpu.memory_space<vmem_shared>> -> memref<128x128xf32, #tpu.memory_space<vmem_shared>>
      tpu.enqueue_dma source(%arg9 : memref<128x128xf32, #tpu.memory_space<vmem>>) target(%dma_start3A_48 : memref<128x128xf32, #tpu.memory_space<vmem_shared>>) target_semaphore(%run_scoped3A : memref<!tpu.dma_semaphore, #tpu.memory_space<semaphore_mem>>)
      %dma_wait3A = arith.constant 0 : i32
      %dma_wait3A_49 = tpu.memref_slice %arg11[%add3A_1, %dma_wait3A] : memref<10240x128xf32, #tpu.memory_space<vmem_shared>> -> memref<128x128xf32, #tpu.memory_space<vmem_shared>>
      %dma_wait3A_50 = arith.constant 0 : i32
      %dma_wait3A_51 = tpu.memref_slice %arg11[%add3A_1, %dma_wait3A_50] : memref<10240x128xf32, #tpu.memory_space<vmem_shared>> -> memref<128x128xf32, #tpu.memory_space<vmem_shared>>
      tpu.wait_dma2 semaphore(%run_scoped3A : memref<!tpu.dma_semaphore, #tpu.memory_space<semaphore_mem>>) src(%arg9 : memref<128x128xf32, #tpu.memory_space<vmem>>) dst(%dma_wait3A_51 : memref<128x128xf32, #tpu.memory_space<vmem_shared>>)
      tpu.yield
    }) : () -> ()
    %mul3A_2 = arith.constant 640 : i32
    %mul3A_3 = arith.muli %arg1, %mul3A_2 : i32
    %add3A_4 = arith.constant 128 : i32
    %add3A_5 = arith.addi %mul3A_3, %add3A_4 : i32
    "tpu.region"() ({
      %run_scoped3A = tpu.sem_alloc : memref<!tpu.dma_semaphore, #tpu.memory_space<semaphore_mem>>
      %dma_start3A = arith.constant 0 : i32
      %dma_start3A_46 = tpu.memref_slice %arg11[%add3A_5, %dma_start3A] : memref<10240x128xf32, #tpu.memory_space<vmem_shared>> -> memref<128x128xf32, #tpu.memory_space<vmem_shared>>
      %dma_start3A_47 = arith.constant 0 : i32
      %dma_start3A_48 = tpu.memref_slice %arg11[%add3A_5, %dma_start3A_47] : memref<10240x128xf32, #tpu.memory_space<vmem_shared>> -> memref<128x128xf32, #tpu.memory_space<vmem_shared>>
      tpu.enqueue_dma source(%arg9 : memref<128x128xf32, #tpu.memory_space<vmem>>) target(%dma_start3A_48 : memref<128x128xf32, #tpu.memory_space<vmem_shared>>) target_semaphore(%run_scoped3A : memref<!tpu.dma_semaphore, #tpu.memory_space<semaphore_mem>>)
      %dma_wait3A = arith.constant 0 : i32
      %dma_wait3A_49 = tpu.memref_slice %arg11[%add3A_5, %dma_wait3A] : memref<10240x128xf32, #tpu.memory_space<vmem_shared>> -> memref<128x128xf32, #tpu.memory_space<vmem_shared>>
      %dma_wait3A_50 = arith.constant 0 : i32
      %dma_wait3A_51 = tpu.memref_slice %arg11[%add3A_5, %dma_wait3A_50] : memref<10240x128xf32, #tpu.memory_space<vmem_shared>> -> memref<128x128xf32, #tpu.memory_space<vmem_shared>>
      tpu.wait_dma2 semaphore(%run_scoped3A : memref<!tpu.dma_semaphore, #tpu.memory_space<semaphore_mem>>) src(%arg9 : memref<128x128xf32, #tpu.memory_space<vmem>>) dst(%dma_wait3A_51 : memref<128x128xf32, #tpu.memory_space<vmem_shared>>)
      tpu.yield
    }) : () -> ()
    %mul3A_6 = arith.constant 640 : i32
    %mul3A_7 = arith.muli %arg1, %mul3A_6 : i32
    %add3A_8 = arith.constant 256 : i32
    %add3A_9 = arith.addi %mul3A_7, %add3A_8 : i32
    "tpu.region"() ({
      %run_scoped3A = tpu.sem_alloc : memref<!tpu.dma_semaphore, #tpu.memory_space<semaphore_mem>>
      %dma_start3A = arith.constant 0 : i32
      %dma_start3A_46 = tpu.memref_slice %arg11[%add3A_9, %dma_start3A] : memref<10240x128xf32, #tpu.memory_space<vmem_shared>> -> memref<128x128xf32, #tpu.memory_space<vmem_shared>>
      %dma_start3A_47 = arith.constant 0 : i32
      %dma_start3A_48 = tpu.memref_slice %arg11[%add3A_9, %dma_start3A_47] : memref<10240x128xf32, #tpu.memory_space<vmem_shared>> -> memref<128x128xf32, #tpu.memory_space<vmem_shared>>
      tpu.enqueue_dma source(%arg9 : memref<128x128xf32, #tpu.memory_space<vmem>>) target(%dma_start3A_48 : memref<128x128xf32, #tpu.memory_space<vmem_shared>>) target_semaphore(%run_scoped3A : memref<!tpu.dma_semaphore, #tpu.memory_space<semaphore_mem>>)
      %dma_wait3A = arith.constant 0 : i32
      %dma_wait3A_49 = tpu.memref_slice %arg11[%add3A_9, %dma_wait3A] : memref<10240x128xf32, #tpu.memory_space<vmem_shared>> -> memref<128x128xf32, #tpu.memory_space<vmem_shared>>
      %dma_wait3A_50 = arith.constant 0 : i32
      %dma_wait3A_51 = tpu.memref_slice %arg11[%add3A_9, %dma_wait3A_50] : memref<10240x128xf32, #tpu.memory_space<vmem_shared>> -> memref<128x128xf32, #tpu.memory_space<vmem_shared>>
      tpu.wait_dma2 semaphore(%run_scoped3A : memref<!tpu.dma_semaphore, #tpu.memory_space<semaphore_mem>>) src(%arg9 : memref<128x128xf32, #tpu.memory_space<vmem>>) dst(%dma_wait3A_51 : memref<128x128xf32, #tpu.memory_space<vmem_shared>>)
      tpu.yield
    }) : () -> ()
    %mul3A_10 = arith.constant 640 : i32
    %mul3A_11 = arith.muli %arg1, %mul3A_10 : i32
    %add3A_12 = arith.constant 384 : i32
    %add3A_13 = arith.addi %mul3A_11, %add3A_12 : i32
    "tpu.region"() ({
      %run_scoped3A = tpu.sem_alloc : memref<!tpu.dma_semaphore, #tpu.memory_space<semaphore_mem>>
      %dma_start3A = arith.constant 0 : i32
      %dma_start3A_46 = tpu.memref_slice %arg11[%add3A_13, %dma_start3A] : memref<10240x128xf32, #tpu.memory_space<vmem_shared>> -> memref<128x128xf32, #tpu.memory_space<vmem_shared>>
      %dma_start3A_47 = arith.constant 0 : i32
      %dma_start3A_48 = tpu.memref_slice %arg11[%add3A_13, %dma_start3A_47] : memref<10240x128xf32, #tpu.memory_space<vmem_shared>> -> memref<128x128xf32, #tpu.memory_space<vmem_shared>>
      tpu.enqueue_dma source(%arg9 : memref<128x128xf32, #tpu.memory_space<vmem>>) target(%dma_start3A_48 : memref<128x128xf32, #tpu.memory_space<vmem_shared>>) target_semaphore(%run_scoped3A : memref<!tpu.dma_semaphore, #tpu.memory_space<semaphore_mem>>)
      %dma_wait3A = arith.constant 0 : i32
      %dma_wait3A_49 = tpu.memref_slice %arg11[%add3A_13, %dma_wait3A] : memref<10240x128xf32, #tpu.memory_space<vmem_shared>> -> memref<128x128xf32, #tpu.memory_space<vmem_shared>>
      %dma_wait3A_50 = arith.constant 0 : i32
      %dma_wait3A_51 = tpu.memref_slice %arg11[%add3A_13, %dma_wait3A_50] : memref<10240x128xf32, #tpu.memory_space<vmem_shared>> -> memref<128x128xf32, #tpu.memory_space<vmem_shared>>
      tpu.wait_dma2 semaphore(%run_scoped3A : memref<!tpu.dma_semaphore, #tpu.memory_space<semaphore_mem>>) src(%arg9 : memref<128x128xf32, #tpu.memory_space<vmem>>) dst(%dma_wait3A_51 : memref<128x128xf32, #tpu.memory_space<vmem_shared>>)
      tpu.yield
    }) : () -> ()
    %mul3A_14 = arith.constant 640 : i32
    %mul3A_15 = arith.muli %arg1, %mul3A_14 : i32
    %add3A_16 = arith.constant 512 : i32
    %add3A_17 = arith.addi %mul3A_15, %add3A_16 : i32
    "tpu.region"() ({
      %run_scoped3A = tpu.sem_alloc : memref<!tpu.dma_semaphore, #tpu.memory_space<semaphore_mem>>
      %dma_start3A = arith.constant 0 : i32
      %dma_start3A_46 = tpu.memref_slice %arg11[%add3A_17, %dma_start3A] : memref<10240x128xf32, #tpu.memory_space<vmem_shared>> -> memref<128x128xf32, #tpu.memory_space<vmem_shared>>
      %dma_start3A_47 = arith.constant 0 : i32
      %dma_start3A_48 = tpu.memref_slice %arg11[%add3A_17, %dma_start3A_47] : memref<10240x128xf32, #tpu.memory_space<vmem_shared>> -> memref<128x128xf32, #tpu.memory_space<vmem_shared>>
      tpu.enqueue_dma source(%arg9 : memref<128x128xf32, #tpu.memory_space<vmem>>) target(%dma_start3A_48 : memref<128x128xf32, #tpu.memory_space<vmem_shared>>) target_semaphore(%run_scoped3A : memref<!tpu.dma_semaphore, #tpu.memory_space<semaphore_mem>>)
      %dma_wait3A = arith.constant 0 : i32
      %dma_wait3A_49 = tpu.memref_slice %arg11[%add3A_17, %dma_wait3A] : memref<10240x128xf32, #tpu.memory_space<vmem_shared>> -> memref<128x128xf32, #tpu.memory_space<vmem_shared>>
      %dma_wait3A_50 = arith.constant 0 : i32
      %dma_wait3A_51 = tpu.memref_slice %arg11[%add3A_17, %dma_wait3A_50] : memref<10240x128xf32, #tpu.memory_space<vmem_shared>> -> memref<128x128xf32, #tpu.memory_space<vmem_shared>>
      tpu.wait_dma2 semaphore(%run_scoped3A : memref<!tpu.dma_semaphore, #tpu.memory_space<semaphore_mem>>) src(%arg9 : memref<128x128xf32, #tpu.memory_space<vmem>>) dst(%dma_wait3A_51 : memref<128x128xf32, #tpu.memory_space<vmem_shared>>)
      tpu.yield
    }) : () -> ()
    %barrier3A = arith.constant 0 : index
    tpu.barrier barrier_id(%barrier3A)
    %eq3A = arith.constant 0 : i32
    %eq3A_18 = arith.cmpi eq, %arg0, %eq3A : i32
    %convert_element_type3A = arith.extui %eq3A_18 : i1 to i32
    %cond3A = arith.constant 0 : i32
    %cond3A_19 = arith.cmpi ne, %convert_element_type3A, %cond3A : i32
    scf.if %cond3A_19 {
      %mul3A_46 = arith.constant 144 : i32
      %mul3A_47 = arith.muli %arg1, %mul3A_46 : i32
      %add3A_48 = arith.constant 0 : i32
      %add3A_49 = arith.addi %mul3A_47, %add3A_48 : i32
      "tpu.region"() ({
        %run_scoped3A = tpu.sem_alloc : memref<!tpu.dma_semaphore, #tpu.memory_space<semaphore_mem>>
        %dma_start3A = arith.constant 0 : i32
        %dma_start3A_83 = arith.constant 0 : i32
        %dma_start3A_84 = tpu.memref_slice %arg7[%dma_start3A, %dma_start3A_83] : memref<40x128xi32, #tpu.memory_space<vmem>> -> memref<40x128xi32, #tpu.memory_space<vmem>>
        %dma_start3A_85 = arith.constant 0 : i32
        %dma_start3A_86 = tpu.memref_slice %arg3[%add3A_49, %dma_start3A_85] : memref<2560x128xi32, #tpu.memory_space<hbm>> -> memref<40x128xi32, #tpu.memory_space<hbm>>
        %dma_start3A_87 = arith.constant 0 : i32
        %dma_start3A_88 = arith.constant 0 : i32
        %dma_start3A_89 = tpu.memref_slice %arg7[%dma_start3A_87, %dma_start3A_88] : memref<40x128xi32, #tpu.memory_space<vmem>> -> memref<40x128xi32, #tpu.memory_space<vmem>>
        %dma_start3A_90 = arith.constant 0 : i32
        %dma_start3A_91 = tpu.memref_slice %arg3[%add3A_49, %dma_start3A_90] : memref<2560x128xi32, #tpu.memory_space<hbm>> -> memref<40x128xi32, #tpu.memory_space<hbm>>
        tpu.enqueue_dma source(%dma_start3A_91 : memref<40x128xi32, #tpu.memory_space<hbm>>) target(%dma_start3A_89 : memref<40x128xi32, #tpu.memory_space<vmem>>) target_semaphore(%run_scoped3A : memref<!tpu.dma_semaphore, #tpu.memory_space<semaphore_mem>>)
        %dma_wait3A = arith.constant 0 : i32
        %dma_wait3A_92 = arith.constant 0 : i32
        %dma_wait3A_93 = tpu.memref_slice %arg7[%dma_wait3A, %dma_wait3A_92] : memref<40x128xi32, #tpu.memory_space<vmem>> -> memref<40x128xi32, #tpu.memory_space<vmem>>
        %dma_wait3A_94 = arith.constant 0 : i32
        %dma_wait3A_95 = tpu.memref_slice %arg3[%add3A_49, %dma_wait3A_94] : memref<2560x128xi32, #tpu.memory_space<hbm>> -> memref<40x128xi32, #tpu.memory_space<hbm>>
        %dma_wait3A_96 = arith.constant 0 : i32
        %dma_wait3A_97 = arith.constant 0 : i32
        %dma_wait3A_98 = tpu.memref_slice %arg7[%dma_wait3A_96, %dma_wait3A_97] : memref<40x128xi32, #tpu.memory_space<vmem>> -> memref<40x128xi32, #tpu.memory_space<vmem>>
        %dma_wait3A_99 = arith.constant 0 : i32
        %dma_wait3A_100 = tpu.memref_slice %arg3[%add3A_49, %dma_wait3A_99] : memref<2560x128xi32, #tpu.memory_space<hbm>> -> memref<40x128xi32, #tpu.memory_space<hbm>>
        tpu.wait_dma2 semaphore(%run_scoped3A : memref<!tpu.dma_semaphore, #tpu.memory_space<semaphore_mem>>) src(%dma_wait3A_100 : memref<40x128xi32, #tpu.memory_space<hbm>>) dst(%dma_wait3A_98 : memref<40x128xi32, #tpu.memory_space<vmem>>)
        tpu.yield
      }) : () -> ()
      %add3A_50 = arith.constant 0 : i32
      %add3A_51 = arith.addi %mul3A_47, %add3A_50 : i32
      "tpu.region"() ({
        %run_scoped3A = tpu.sem_alloc : memref<!tpu.dma_semaphore, #tpu.memory_space<semaphore_mem>>
        %dma_start3A = arith.constant 0 : i32
        %dma_start3A_83 = arith.constant 0 : i32
        %dma_start3A_84 = tpu.memref_slice %arg8[%dma_start3A, %dma_start3A_83] : memref<40x128xi32, #tpu.memory_space<vmem>> -> memref<40x128xi32, #tpu.memory_space<vmem>>
        %dma_start3A_85 = arith.constant 0 : i32
        %dma_start3A_86 = tpu.memref_slice %arg4[%add3A_51, %dma_start3A_85] : memref<2560x128xi32, #tpu.memory_space<hbm>> -> memref<40x128xi32, #tpu.memory_space<hbm>>
        %dma_start3A_87 = arith.constant 0 : i32
        %dma_start3A_88 = arith.constant 0 : i32
        %dma_start3A_89 = tpu.memref_slice %arg8[%dma_start3A_87, %dma_start3A_88] : memref<40x128xi32, #tpu.memory_space<vmem>> -> memref<40x128xi32, #tpu.memory_space<vmem>>
        %dma_start3A_90 = arith.constant 0 : i32
        %dma_start3A_91 = tpu.memref_slice %arg4[%add3A_51, %dma_start3A_90] : memref<2560x128xi32, #tpu.memory_space<hbm>> -> memref<40x128xi32, #tpu.memory_space<hbm>>
        tpu.enqueue_dma source(%dma_start3A_91 : memref<40x128xi32, #tpu.memory_space<hbm>>) target(%dma_start3A_89 : memref<40x128xi32, #tpu.memory_space<vmem>>) target_semaphore(%run_scoped3A : memref<!tpu.dma_semaphore, #tpu.memory_space<semaphore_mem>>)
        %dma_wait3A = arith.constant 0 : i32
        %dma_wait3A_92 = arith.constant 0 : i32
        %dma_wait3A_93 = tpu.memref_slice %arg8[%dma_wait3A, %dma_wait3A_92] : memref<40x128xi32, #tpu.memory_space<vmem>> -> memref<40x128xi32, #tpu.memory_space<vmem>>
        %dma_wait3A_94 = arith.constant 0 : i32
        %dma_wait3A_95 = tpu.memref_slice %arg4[%add3A_51, %dma_wait3A_94] : memref<2560x128xi32, #tpu.memory_space<hbm>> -> memref<40x128xi32, #tpu.memory_space<hbm>>
        %dma_wait3A_96 = arith.constant 0 : i32
        %dma_wait3A_97 = arith.constant 0 : i32
        %dma_wait3A_98 = tpu.memref_slice %arg8[%dma_wait3A_96, %dma_wait3A_97] : memref<40x128xi32, #tpu.memory_space<vmem>> -> memref<40x128xi32, #tpu.memory_space<vmem>>
        %dma_wait3A_99 = arith.constant 0 : i32
        %dma_wait3A_100 = tpu.memref_slice %arg4[%add3A_51, %dma_wait3A_99] : memref<2560x128xi32, #tpu.memory_space<hbm>> -> memref<40x128xi32, #tpu.memory_space<hbm>>
        tpu.wait_dma2 semaphore(%run_scoped3A : memref<!tpu.dma_semaphore, #tpu.memory_space<semaphore_mem>>) src(%dma_wait3A_100 : memref<40x128xi32, #tpu.memory_space<hbm>>) dst(%dma_wait3A_98 : memref<40x128xi32, #tpu.memory_space<vmem>>)
        tpu.yield
      }) : () -> ()
      %scan3A = arith.constant 0 : i32
      %scan3A_52 = arith.constant 20 : i32
      %scan3A_53 = arith.addi %scan3A, %scan3A_52 : i32
      %scan3A_54 = arith.constant 1 : i32
      scf.for %scan3A_83 = %scan3A to %scan3A_53 step %scan3A_54  : i32 {
        %mul3A_84 = arith.constant 1 : i32
        %mul3A_85 = arith.muli %scan3A_83, %mul3A_84 : i32
        %add3A_86 = arith.constant 0 : i32
        %add3A_87 = arith.addi %add3A_86, %mul3A_85 : i32
        %mul3A_88 = arith.constant 2 : i32
        %mul3A_89 = arith.muli %mul3A_88, %add3A_87 : i32
        %add3A_90 = arith.constant 1 : i32
        %add3A_91 = arith.addi %mul3A_89, %add3A_90 : i32
        %dma_start3A = arith.constant 0 : i32
        %dma_start3A_92 = tpu.memref_slice %arg7[%mul3A_89, %dma_start3A] : memref<40x128xi32, #tpu.memory_space<vmem>> -> memref<1x128xi32, #tpu.memory_space<vmem>>
        %dma_start3A_93 = tpu.memref_squeeze %dma_start3A_92 : memref<1x128xi32, #tpu.memory_space<vmem>> -> memref<128xi32, #tpu.memory_space<vmem>>
        %dma_start3A_94 = arith.constant 0 : i32
        %dma_start3A_95 = arith.constant 0 : i32
        %dma_start3A_96 = tpu.memref_slice %arg2[%dma_start3A_94, %dma_start3A_95] : memref<10240x128xf32, #tpu.memory_space<hbm>> -> memref<10240x128xf32, #tpu.memory_space<hbm>>
        tpu.enqueue_indirect_dma source(%dma_start3A_96 : memref<10240x128xf32, #tpu.memory_space<hbm>>) target(%arg9 : memref<128x128xf32, #tpu.memory_space<vmem>>) offsets(%dma_start3A_93 : memref<128xi32, #tpu.memory_space<vmem>>) semaphore(%arg12 : memref<!tpu.dma_semaphore, #tpu.memory_space<semaphore_mem>>)
        %dma_start3A_97 = arith.constant 0 : i32
        %dma_start3A_98 = tpu.memref_slice %arg7[%add3A_91, %dma_start3A_97] : memref<40x128xi32, #tpu.memory_space<vmem>> -> memref<1x128xi32, #tpu.memory_space<vmem>>
        %dma_start3A_99 = tpu.memref_squeeze %dma_start3A_98 : memref<1x128xi32, #tpu.memory_space<vmem>> -> memref<128xi32, #tpu.memory_space<vmem>>
        %dma_start3A_100 = arith.constant 0 : i32
        %dma_start3A_101 = arith.constant 0 : i32
        %dma_start3A_102 = tpu.memref_slice %arg2[%dma_start3A_100, %dma_start3A_101] : memref<10240x128xf32, #tpu.memory_space<hbm>> -> memref<10240x128xf32, #tpu.memory_space<hbm>>
        tpu.enqueue_indirect_dma source(%dma_start3A_102 : memref<10240x128xf32, #tpu.memory_space<hbm>>) target(%arg10 : memref<128x128xf32, #tpu.memory_space<vmem>>) offsets(%dma_start3A_99 : memref<128xi32, #tpu.memory_space<vmem>>) semaphore(%arg13 : memref<!tpu.dma_semaphore, #tpu.memory_space<semaphore_mem>>)
        %dma_wait3A = arith.constant 0 : i32
        %dma_wait3A_103 = tpu.memref_slice %arg7[%mul3A_89, %dma_wait3A] : memref<40x128xi32, #tpu.memory_space<vmem>> -> memref<1x128xi32, #tpu.memory_space<vmem>>
        %dma_wait3A_104 = tpu.memref_squeeze %dma_wait3A_103 : memref<1x128xi32, #tpu.memory_space<vmem>> -> memref<128xi32, #tpu.memory_space<vmem>>
        %dma_wait3A_105 = arith.constant 0 : i32
        %dma_wait3A_106 = arith.constant 0 : i32
        %dma_wait3A_107 = tpu.memref_slice %arg2[%dma_wait3A_105, %dma_wait3A_106] : memref<10240x128xf32, #tpu.memory_space<hbm>> -> memref<10240x128xf32, #tpu.memory_space<hbm>>
        tpu.wait_indirect_dma semaphore(%arg12 : memref<!tpu.dma_semaphore, #tpu.memory_space<semaphore_mem>>) src(%dma_wait3A_107 : memref<10240x128xf32, #tpu.memory_space<hbm>>) dst(%arg9 : memref<128x128xf32, #tpu.memory_space<vmem>>)
        "tpu.region"() ({
          %run_scoped3A = tpu.sem_alloc : memref<!tpu.dma_semaphore, #tpu.memory_space<semaphore_mem>>
          %dma_start3A_114 = arith.constant 0 : i32
          %dma_start3A_115 = tpu.memref_slice %arg8[%mul3A_89, %dma_start3A_114] : memref<40x128xi32, #tpu.memory_space<vmem>> -> memref<1x128xi32, #tpu.memory_space<vmem>>
          %dma_start3A_116 = tpu.memref_squeeze %dma_start3A_115 : memref<1x128xi32, #tpu.memory_space<vmem>> -> memref<128xi32, #tpu.memory_space<vmem>>
          %dma_start3A_117 = arith.constant 0 : i32
          %dma_start3A_118 = arith.constant 0 : i32
          %dma_start3A_119 = tpu.memref_slice %arg11[%dma_start3A_117, %dma_start3A_118] : memref<10240x128xf32, #tpu.memory_space<vmem_shared>> -> memref<10240x128xf32, #tpu.memory_space<vmem_shared>>
          tpu.enqueue_indirect_dma source(%arg9 : memref<128x128xf32, #tpu.memory_space<vmem>>) target(%dma_start3A_119 : memref<10240x128xf32, #tpu.memory_space<vmem_shared>>) offsets(%dma_start3A_116 : memref<128xi32, #tpu.memory_space<vmem>>) semaphore(%run_scoped3A : memref<!tpu.dma_semaphore, #tpu.memory_space<semaphore_mem>>) {add = true}
          %dma_wait3A_120 = arith.constant 0 : i32
          %dma_wait3A_121 = tpu.memref_slice %arg8[%mul3A_89, %dma_wait3A_120] : memref<40x128xi32, #tpu.memory_space<vmem>> -> memref<1x128xi32, #tpu.memory_space<vmem>>
          %dma_wait3A_122 = tpu.memref_squeeze %dma_wait3A_121 : memref<1x128xi32, #tpu.memory_space<vmem>> -> memref<128xi32, #tpu.memory_space<vmem>>
          %dma_wait3A_123 = arith.constant 0 : i32
          %dma_wait3A_124 = arith.constant 0 : i32
          %dma_wait3A_125 = tpu.memref_slice %arg11[%dma_wait3A_123, %dma_wait3A_124] : memref<10240x128xf32, #tpu.memory_space<vmem_shared>> -> memref<10240x128xf32, #tpu.memory_space<vmem_shared>>
          tpu.wait_indirect_dma semaphore(%run_scoped3A : memref<!tpu.dma_semaphore, #tpu.memory_space<semaphore_mem>>) src(%arg9 : memref<128x128xf32, #tpu.memory_space<vmem>>) dst(%dma_wait3A_125 : memref<10240x128xf32, #tpu.memory_space<vmem_shared>>)
          tpu.yield
        }) : () -> ()
        %dma_wait3A_108 = arith.constant 0 : i32
        %dma_wait3A_109 = tpu.memref_slice %arg7[%add3A_91, %dma_wait3A_108] : memref<40x128xi32, #tpu.memory_space<vmem>> -> memref<1x128xi32, #tpu.memory_space<vmem>>
        %dma_wait3A_110 = tpu.memref_squeeze %dma_wait3A_109 : memref<1x128xi32, #tpu.memory_space<vmem>> -> memref<128xi32, #tpu.memory_space<vmem>>
        %dma_wait3A_111 = arith.constant 0 : i32
        %dma_wait3A_112 = arith.constant 0 : i32
        %dma_wait3A_113 = tpu.memref_slice %arg2[%dma_wait3A_111, %dma_wait3A_112] : memref<10240x128xf32, #tpu.memory_space<hbm>> -> memref<10240x128xf32, #tpu.memory_space<hbm>>
        tpu.wait_indirect_dma semaphore(%arg13 : memref<!tpu.dma_semaphore, #tpu.memory_space<semaphore_mem>>) src(%dma_wait3A_113 : memref<10240x128xf32, #tpu.memory_space<hbm>>) dst(%arg10 : memref<128x128xf32, #tpu.memory_space<vmem>>)
        "tpu.region"() ({
          %run_scoped3A = tpu.sem_alloc : memref<!tpu.dma_semaphore, #tpu.memory_space<semaphore_mem>>
          %dma_start3A_114 = arith.constant 0 : i32
          %dma_start3A_115 = tpu.memref_slice %arg8[%add3A_91, %dma_start3A_114] : memref<40x128xi32, #tpu.memory_space<vmem>> -> memref<1x128xi32, #tpu.memory_space<vmem>>
          %dma_start3A_116 = tpu.memref_squeeze %dma_start3A_115 : memref<1x128xi32, #tpu.memory_space<vmem>> -> memref<128xi32, #tpu.memory_space<vmem>>
          %dma_start3A_117 = arith.constant 0 : i32
          %dma_start3A_118 = arith.constant 0 : i32
          %dma_start3A_119 = tpu.memref_slice %arg11[%dma_start3A_117, %dma_start3A_118] : memref<10240x128xf32, #tpu.memory_space<vmem_shared>> -> memref<10240x128xf32, #tpu.memory_space<vmem_shared>>
          tpu.enqueue_indirect_dma source(%arg10 : memref<128x128xf32, #tpu.memory_space<vmem>>) target(%dma_start3A_119 : memref<10240x128xf32, #tpu.memory_space<vmem_shared>>) offsets(%dma_start3A_116 : memref<128xi32, #tpu.memory_space<vmem>>) semaphore(%run_scoped3A : memref<!tpu.dma_semaphore, #tpu.memory_space<semaphore_mem>>) {add = true}
          %dma_wait3A_120 = arith.constant 0 : i32
          %dma_wait3A_121 = tpu.memref_slice %arg8[%add3A_91, %dma_wait3A_120] : memref<40x128xi32, #tpu.memory_space<vmem>> -> memref<1x128xi32, #tpu.memory_space<vmem>>
          %dma_wait3A_122 = tpu.memref_squeeze %dma_wait3A_121 : memref<1x128xi32, #tpu.memory_space<vmem>> -> memref<128xi32, #tpu.memory_space<vmem>>
          %dma_wait3A_123 = arith.constant 0 : i32
          %dma_wait3A_124 = arith.constant 0 : i32
          %dma_wait3A_125 = tpu.memref_slice %arg11[%dma_wait3A_123, %dma_wait3A_124] : memref<10240x128xf32, #tpu.memory_space<vmem_shared>> -> memref<10240x128xf32, #tpu.memory_space<vmem_shared>>
          tpu.wait_indirect_dma semaphore(%run_scoped3A : memref<!tpu.dma_semaphore, #tpu.memory_space<semaphore_mem>>) src(%arg10 : memref<128x128xf32, #tpu.memory_space<vmem>>) dst(%dma_wait3A_125 : memref<10240x128xf32, #tpu.memory_space<vmem_shared>>)
          tpu.yield
        }) : () -> ()
      }
      %scan3A_55 = arith.constant 20 : i32
      %add3A_56 = arith.constant 40 : i32
      %add3A_57 = arith.addi %mul3A_47, %add3A_56 : i32
      "tpu.region"() ({
        %run_scoped3A = tpu.sem_alloc : memref<!tpu.dma_semaphore, #tpu.memory_space<semaphore_mem>>
        %dma_start3A = arith.constant 0 : i32
        %dma_start3A_83 = arith.constant 0 : i32
        %dma_start3A_84 = tpu.memref_slice %arg7[%dma_start3A, %dma_start3A_83] : memref<40x128xi32, #tpu.memory_space<vmem>> -> memref<40x128xi32, #tpu.memory_space<vmem>>
        %dma_start3A_85 = arith.constant 0 : i32
        %dma_start3A_86 = tpu.memref_slice %arg3[%add3A_57, %dma_start3A_85] : memref<2560x128xi32, #tpu.memory_space<hbm>> -> memref<40x128xi32, #tpu.memory_space<hbm>>
        %dma_start3A_87 = arith.constant 0 : i32
        %dma_start3A_88 = arith.constant 0 : i32
        %dma_start3A_89 = tpu.memref_slice %arg7[%dma_start3A_87, %dma_start3A_88] : memref<40x128xi32, #tpu.memory_space<vmem>> -> memref<40x128xi32, #tpu.memory_space<vmem>>
        %dma_start3A_90 = arith.constant 0 : i32
        %dma_start3A_91 = tpu.memref_slice %arg3[%add3A_57, %dma_start3A_90] : memref<2560x128xi32, #tpu.memory_space<hbm>> -> memref<40x128xi32, #tpu.memory_space<hbm>>
        tpu.enqueue_dma source(%dma_start3A_91 : memref<40x128xi32, #tpu.memory_space<hbm>>) target(%dma_start3A_89 : memref<40x128xi32, #tpu.memory_space<vmem>>) target_semaphore(%run_scoped3A : memref<!tpu.dma_semaphore, #tpu.memory_space<semaphore_mem>>)
        %dma_wait3A = arith.constant 0 : i32
        %dma_wait3A_92 = arith.constant 0 : i32
        %dma_wait3A_93 = tpu.memref_slice %arg7[%dma_wait3A, %dma_wait3A_92] : memref<40x128xi32, #tpu.memory_space<vmem>> -> memref<40x128xi32, #tpu.memory_space<vmem>>
        %dma_wait3A_94 = arith.constant 0 : i32
        %dma_wait3A_95 = tpu.memref_slice %arg3[%add3A_57, %dma_wait3A_94] : memref<2560x128xi32, #tpu.memory_space<hbm>> -> memref<40x128xi32, #tpu.memory_space<hbm>>
        %dma_wait3A_96 = arith.constant 0 : i32
        %dma_wait3A_97 = arith.constant 0 : i32
        %dma_wait3A_98 = tpu.memref_slice %arg7[%dma_wait3A_96, %dma_wait3A_97] : memref<40x128xi32, #tpu.memory_space<vmem>> -> memref<40x128xi32, #tpu.memory_space<vmem>>
        %dma_wait3A_99 = arith.constant 0 : i32
        %dma_wait3A_100 = tpu.memref_slice %arg3[%add3A_57, %dma_wait3A_99] : memref<2560x128xi32, #tpu.memory_space<hbm>> -> memref<40x128xi32, #tpu.memory_space<hbm>>
        tpu.wait_dma2 semaphore(%run_scoped3A : memref<!tpu.dma_semaphore, #tpu.memory_space<semaphore_mem>>) src(%dma_wait3A_100 : memref<40x128xi32, #tpu.memory_space<hbm>>) dst(%dma_wait3A_98 : memref<40x128xi32, #tpu.memory_space<vmem>>)
        tpu.yield
      }) : () -> ()
      %add3A_58 = arith.constant 40 : i32
      %add3A_59 = arith.addi %mul3A_47, %add3A_58 : i32
      "tpu.region"() ({
        %run_scoped3A = tpu.sem_alloc : memref<!tpu.dma_semaphore, #tpu.memory_space<semaphore_mem>>
        %dma_start3A = arith.constant 0 : i32
        %dma_start3A_83 = arith.constant 0 : i32
        %dma_start3A_84 = tpu.memref_slice %arg8[%dma_start3A, %dma_start3A_83] : memref<40x128xi32, #tpu.memory_space<vmem>> -> memref<40x128xi32, #tpu.memory_space<vmem>>
        %dma_start3A_85 = arith.constant 0 : i32
        %dma_start3A_86 = tpu.memref_slice %arg4[%add3A_59, %dma_start3A_85] : memref<2560x128xi32, #tpu.memory_space<hbm>> -> memref<40x128xi32, #tpu.memory_space<hbm>>
        %dma_start3A_87 = arith.constant 0 : i32
        %dma_start3A_88 = arith.constant 0 : i32
        %dma_start3A_89 = tpu.memref_slice %arg8[%dma_start3A_87, %dma_start3A_88] : memref<40x128xi32, #tpu.memory_space<vmem>> -> memref<40x128xi32, #tpu.memory_space<vmem>>
        %dma_start3A_90 = arith.constant 0 : i32
        %dma_start3A_91 = tpu.memref_slice %arg4[%add3A_59, %dma_start3A_90] : memref<2560x128xi32, #tpu.memory_space<hbm>> -> memref<40x128xi32, #tpu.memory_space<hbm>>
        tpu.enqueue_dma source(%dma_start3A_91 : memref<40x128xi32, #tpu.memory_space<hbm>>) target(%dma_start3A_89 : memref<40x128xi32, #tpu.memory_space<vmem>>) target_semaphore(%run_scoped3A : memref<!tpu.dma_semaphore, #tpu.memory_space<semaphore_mem>>)
        %dma_wait3A = arith.constant 0 : i32
        %dma_wait3A_92 = arith.constant 0 : i32
        %dma_wait3A_93 = tpu.memref_slice %arg8[%dma_wait3A, %dma_wait3A_92] : memref<40x128xi32, #tpu.memory_space<vmem>> -> memref<40x128xi32, #tpu.memory_space<vmem>>
        %dma_wait3A_94 = arith.constant 0 : i32
        %dma_wait3A_95 = tpu.memref_slice %arg4[%add3A_59, %dma_wait3A_94] : memref<2560x128xi32, #tpu.memory_space<hbm>> -> memref<40x128xi32, #tpu.memory_space<hbm>>
        %dma_wait3A_96 = arith.constant 0 : i32
        %dma_wait3A_97 = arith.constant 0 : i32
        %dma_wait3A_98 = tpu.memref_slice %arg8[%dma_wait3A_96, %dma_wait3A_97] : memref<40x128xi32, #tpu.memory_space<vmem>> -> memref<40x128xi32, #tpu.memory_space<vmem>>
        %dma_wait3A_99 = arith.constant 0 : i32
        %dma_wait3A_100 = tpu.memref_slice %arg4[%add3A_59, %dma_wait3A_99] : memref<2560x128xi32, #tpu.memory_space<hbm>> -> memref<40x128xi32, #tpu.memory_space<hbm>>
        tpu.wait_dma2 semaphore(%run_scoped3A : memref<!tpu.dma_semaphore, #tpu.memory_space<semaphore_mem>>) src(%dma_wait3A_100 : memref<40x128xi32, #tpu.memory_space<hbm>>) dst(%dma_wait3A_98 : memref<40x128xi32, #tpu.memory_space<vmem>>)
        tpu.yield
      }) : () -> ()
      %scan3A_60 = arith.constant 0 : i32
      %scan3A_61 = arith.constant 20 : i32
      %scan3A_62 = arith.addi %scan3A_60, %scan3A_61 : i32
      %scan3A_63 = arith.constant 1 : i32
      scf.for %scan3A_83 = %scan3A_60 to %scan3A_62 step %scan3A_63  : i32 {
        %mul3A_84 = arith.constant 1 : i32
        %mul3A_85 = arith.muli %scan3A_83, %mul3A_84 : i32
        %add3A_86 = arith.constant 0 : i32
        %add3A_87 = arith.addi %add3A_86, %mul3A_85 : i32
        %mul3A_88 = arith.constant 2 : i32
        %mul3A_89 = arith.muli %mul3A_88, %add3A_87 : i32
        %add3A_90 = arith.constant 1 : i32
        %add3A_91 = arith.addi %mul3A_89, %add3A_90 : i32
        %dma_start3A = arith.constant 0 : i32
        %dma_start3A_92 = tpu.memref_slice %arg7[%mul3A_89, %dma_start3A] : memref<40x128xi32, #tpu.memory_space<vmem>> -> memref<1x128xi32, #tpu.memory_space<vmem>>
        %dma_start3A_93 = tpu.memref_squeeze %dma_start3A_92 : memref<1x128xi32, #tpu.memory_space<vmem>> -> memref<128xi32, #tpu.memory_space<vmem>>
        %dma_start3A_94 = arith.constant 0 : i32
        %dma_start3A_95 = arith.constant 0 : i32
        %dma_start3A_96 = tpu.memref_slice %arg2[%dma_start3A_94, %dma_start3A_95] : memref<10240x128xf32, #tpu.memory_space<hbm>> -> memref<10240x128xf32, #tpu.memory_space<hbm>>
        tpu.enqueue_indirect_dma source(%dma_start3A_96 : memref<10240x128xf32, #tpu.memory_space<hbm>>) target(%arg9 : memref<128x128xf32, #tpu.memory_space<vmem>>) offsets(%dma_start3A_93 : memref<128xi32, #tpu.memory_space<vmem>>) semaphore(%arg12 : memref<!tpu.dma_semaphore, #tpu.memory_space<semaphore_mem>>)
        %dma_start3A_97 = arith.constant 0 : i32
        %dma_start3A_98 = tpu.memref_slice %arg7[%add3A_91, %dma_start3A_97] : memref<40x128xi32, #tpu.memory_space<vmem>> -> memref<1x128xi32, #tpu.memory_space<vmem>>
        %dma_start3A_99 = tpu.memref_squeeze %dma_start3A_98 : memref<1x128xi32, #tpu.memory_space<vmem>> -> memref<128xi32, #tpu.memory_space<vmem>>
        %dma_start3A_100 = arith.constant 0 : i32
        %dma_start3A_101 = arith.constant 0 : i32
        %dma_start3A_102 = tpu.memref_slice %arg2[%dma_start3A_100, %dma_start3A_101] : memref<10240x128xf32, #tpu.memory_space<hbm>> -> memref<10240x128xf32, #tpu.memory_space<hbm>>
        tpu.enqueue_indirect_dma source(%dma_start3A_102 : memref<10240x128xf32, #tpu.memory_space<hbm>>) target(%arg10 : memref<128x128xf32, #tpu.memory_space<vmem>>) offsets(%dma_start3A_99 : memref<128xi32, #tpu.memory_space<vmem>>) semaphore(%arg13 : memref<!tpu.dma_semaphore, #tpu.memory_space<semaphore_mem>>)
        %dma_wait3A = arith.constant 0 : i32
        %dma_wait3A_103 = tpu.memref_slice %arg7[%mul3A_89, %dma_wait3A] : memref<40x128xi32, #tpu.memory_space<vmem>> -> memref<1x128xi32, #tpu.memory_space<vmem>>
        %dma_wait3A_104 = tpu.memref_squeeze %dma_wait3A_103 : memref<1x128xi32, #tpu.memory_space<vmem>> -> memref<128xi32, #tpu.memory_space<vmem>>
        %dma_wait3A_105 = arith.constant 0 : i32
        %dma_wait3A_106 = arith.constant 0 : i32
        %dma_wait3A_107 = tpu.memref_slice %arg2[%dma_wait3A_105, %dma_wait3A_106] : memref<10240x128xf32, #tpu.memory_space<hbm>> -> memref<10240x128xf32, #tpu.memory_space<hbm>>
        tpu.wait_indirect_dma semaphore(%arg12 : memref<!tpu.dma_semaphore, #tpu.memory_space<semaphore_mem>>) src(%dma_wait3A_107 : memref<10240x128xf32, #tpu.memory_space<hbm>>) dst(%arg9 : memref<128x128xf32, #tpu.memory_space<vmem>>)
        "tpu.region"() ({
          %run_scoped3A = tpu.sem_alloc : memref<!tpu.dma_semaphore, #tpu.memory_space<semaphore_mem>>
          %dma_start3A_114 = arith.constant 0 : i32
          %dma_start3A_115 = tpu.memref_slice %arg8[%mul3A_89, %dma_start3A_114] : memref<40x128xi32, #tpu.memory_space<vmem>> -> memref<1x128xi32, #tpu.memory_space<vmem>>
          %dma_start3A_116 = tpu.memref_squeeze %dma_start3A_115 : memref<1x128xi32, #tpu.memory_space<vmem>> -> memref<128xi32, #tpu.memory_space<vmem>>
          %dma_start3A_117 = arith.constant 0 : i32
          %dma_start3A_118 = arith.constant 0 : i32
          %dma_start3A_119 = tpu.memref_slice %arg11[%dma_start3A_117, %dma_start3A_118] : memref<10240x128xf32, #tpu.memory_space<vmem_shared>> -> memref<10240x128xf32, #tpu.memory_space<vmem_shared>>
          tpu.enqueue_indirect_dma source(%arg9 : memref<128x128xf32, #tpu.memory_space<vmem>>) target(%dma_start3A_119 : memref<10240x128xf32, #tpu.memory_space<vmem_shared>>) offsets(%dma_start3A_116 : memref<128xi32, #tpu.memory_space<vmem>>) semaphore(%run_scoped3A : memref<!tpu.dma_semaphore, #tpu.memory_space<semaphore_mem>>) {add = true}
          %dma_wait3A_120 = arith.constant 0 : i32
          %dma_wait3A_121 = tpu.memref_slice %arg8[%mul3A_89, %dma_wait3A_120] : memref<40x128xi32, #tpu.memory_space<vmem>> -> memref<1x128xi32, #tpu.memory_space<vmem>>
          %dma_wait3A_122 = tpu.memref_squeeze %dma_wait3A_121 : memref<1x128xi32, #tpu.memory_space<vmem>> -> memref<128xi32, #tpu.memory_space<vmem>>
          %dma_wait3A_123 = arith.constant 0 : i32
          %dma_wait3A_124 = arith.constant 0 : i32
          %dma_wait3A_125 = tpu.memref_slice %arg11[%dma_wait3A_123, %dma_wait3A_124] : memref<10240x128xf32, #tpu.memory_space<vmem_shared>> -> memref<10240x128xf32, #tpu.memory_space<vmem_shared>>
          tpu.wait_indirect_dma semaphore(%run_scoped3A : memref<!tpu.dma_semaphore, #tpu.memory_space<semaphore_mem>>) src(%arg9 : memref<128x128xf32, #tpu.memory_space<vmem>>) dst(%dma_wait3A_125 : memref<10240x128xf32, #tpu.memory_space<vmem_shared>>)
          tpu.yield
        }) : () -> ()
        %dma_wait3A_108 = arith.constant 0 : i32
        %dma_wait3A_109 = tpu.memref_slice %arg7[%add3A_91, %dma_wait3A_108] : memref<40x128xi32, #tpu.memory_space<vmem>> -> memref<1x128xi32, #tpu.memory_space<vmem>>
        %dma_wait3A_110 = tpu.memref_squeeze %dma_wait3A_109 : memref<1x128xi32, #tpu.memory_space<vmem>> -> memref<128xi32, #tpu.memory_space<vmem>>
        %dma_wait3A_111 = arith.constant 0 : i32
        %dma_wait3A_112 = arith.constant 0 : i32
        %dma_wait3A_113 = tpu.memref_slice %arg2[%dma_wait3A_111, %dma_wait3A_112] : memref<10240x128xf32, #tpu.memory_space<hbm>> -> memref<10240x128xf32, #tpu.memory_space<hbm>>
        tpu.wait_indirect_dma semaphore(%arg13 : memref<!tpu.dma_semaphore, #tpu.memory_space<semaphore_mem>>) src(%dma_wait3A_113 : memref<10240x128xf32, #tpu.memory_space<hbm>>) dst(%arg10 : memref<128x128xf32, #tpu.memory_space<vmem>>)
        "tpu.region"() ({
          %run_scoped3A = tpu.sem_alloc : memref<!tpu.dma_semaphore, #tpu.memory_space<semaphore_mem>>
          %dma_start3A_114 = arith.constant 0 : i32
          %dma_start3A_115 = tpu.memref_slice %arg8[%add3A_91, %dma_start3A_114] : memref<40x128xi32, #tpu.memory_space<vmem>> -> memref<1x128xi32, #tpu.memory_space<vmem>>
          %dma_start3A_116 = tpu.memref_squeeze %dma_start3A_115 : memref<1x128xi32, #tpu.memory_space<vmem>> -> memref<128xi32, #tpu.memory_space<vmem>>
          %dma_start3A_117 = arith.constant 0 : i32
          %dma_start3A_118 = arith.constant 0 : i32
          %dma_start3A_119 = tpu.memref_slice %arg11[%dma_start3A_117, %dma_start3A_118] : memref<10240x128xf32, #tpu.memory_space<vmem_shared>> -> memref<10240x128xf32, #tpu.memory_space<vmem_shared>>
          tpu.enqueue_indirect_dma source(%arg10 : memref<128x128xf32, #tpu.memory_space<vmem>>) target(%dma_start3A_119 : memref<10240x128xf32, #tpu.memory_space<vmem_shared>>) offsets(%dma_start3A_116 : memref<128xi32, #tpu.memory_space<vmem>>) semaphore(%run_scoped3A : memref<!tpu.dma_semaphore, #tpu.memory_space<semaphore_mem>>) {add = true}
          %dma_wait3A_120 = arith.constant 0 : i32
          %dma_wait3A_121 = tpu.memref_slice %arg8[%add3A_91, %dma_wait3A_120] : memref<40x128xi32, #tpu.memory_space<vmem>> -> memref<1x128xi32, #tpu.memory_space<vmem>>
          %dma_wait3A_122 = tpu.memref_squeeze %dma_wait3A_121 : memref<1x128xi32, #tpu.memory_space<vmem>> -> memref<128xi32, #tpu.memory_space<vmem>>
          %dma_wait3A_123 = arith.constant 0 : i32
          %dma_wait3A_124 = arith.constant 0 : i32
          %dma_wait3A_125 = tpu.memref_slice %arg11[%dma_wait3A_123, %dma_wait3A_124] : memref<10240x128xf32, #tpu.memory_space<vmem_shared>> -> memref<10240x128xf32, #tpu.memory_space<vmem_shared>>
          tpu.wait_indirect_dma semaphore(%run_scoped3A : memref<!tpu.dma_semaphore, #tpu.memory_space<semaphore_mem>>) src(%arg10 : memref<128x128xf32, #tpu.memory_space<vmem>>) dst(%dma_wait3A_125 : memref<10240x128xf32, #tpu.memory_space<vmem_shared>>)
          tpu.yield
        }) : () -> ()
      }
      %scan3A_64 = arith.constant 20 : i32
      %add3A_65 = arith.constant 80 : i32
      %add3A_66 = arith.addi %mul3A_47, %add3A_65 : i32
      "tpu.region"() ({
        %run_scoped3A = tpu.sem_alloc : memref<!tpu.dma_semaphore, #tpu.memory_space<semaphore_mem>>
        %dma_start3A = arith.constant 0 : i32
        %dma_start3A_83 = arith.constant 0 : i32
        %dma_start3A_84 = tpu.memref_slice %arg7[%dma_start3A, %dma_start3A_83] : memref<40x128xi32, #tpu.memory_space<vmem>> -> memref<40x128xi32, #tpu.memory_space<vmem>>
        %dma_start3A_85 = arith.constant 0 : i32
        %dma_start3A_86 = tpu.memref_slice %arg3[%add3A_66, %dma_start3A_85] : memref<2560x128xi32, #tpu.memory_space<hbm>> -> memref<40x128xi32, #tpu.memory_space<hbm>>
        %dma_start3A_87 = arith.constant 0 : i32
        %dma_start3A_88 = arith.constant 0 : i32
        %dma_start3A_89 = tpu.memref_slice %arg7[%dma_start3A_87, %dma_start3A_88] : memref<40x128xi32, #tpu.memory_space<vmem>> -> memref<40x128xi32, #tpu.memory_space<vmem>>
        %dma_start3A_90 = arith.constant 0 : i32
        %dma_start3A_91 = tpu.memref_slice %arg3[%add3A_66, %dma_start3A_90] : memref<2560x128xi32, #tpu.memory_space<hbm>> -> memref<40x128xi32, #tpu.memory_space<hbm>>
        tpu.enqueue_dma source(%dma_start3A_91 : memref<40x128xi32, #tpu.memory_space<hbm>>) target(%dma_start3A_89 : memref<40x128xi32, #tpu.memory_space<vmem>>) target_semaphore(%run_scoped3A : memref<!tpu.dma_semaphore, #tpu.memory_space<semaphore_mem>>)
        %dma_wait3A = arith.constant 0 : i32
        %dma_wait3A_92 = arith.constant 0 : i32
        %dma_wait3A_93 = tpu.memref_slice %arg7[%dma_wait3A, %dma_wait3A_92] : memref<40x128xi32, #tpu.memory_space<vmem>> -> memref<40x128xi32, #tpu.memory_space<vmem>>
        %dma_wait3A_94 = arith.constant 0 : i32
        %dma_wait3A_95 = tpu.memref_slice %arg3[%add3A_66, %dma_wait3A_94] : memref<2560x128xi32, #tpu.memory_space<hbm>> -> memref<40x128xi32, #tpu.memory_space<hbm>>
        %dma_wait3A_96 = arith.constant 0 : i32
        %dma_wait3A_97 = arith.constant 0 : i32
        %dma_wait3A_98 = tpu.memref_slice %arg7[%dma_wait3A_96, %dma_wait3A_97] : memref<40x128xi32, #tpu.memory_space<vmem>> -> memref<40x128xi32, #tpu.memory_space<vmem>>
        %dma_wait3A_99 = arith.constant 0 : i32
        %dma_wait3A_100 = tpu.memref_slice %arg3[%add3A_66, %dma_wait3A_99] : memref<2560x128xi32, #tpu.memory_space<hbm>> -> memref<40x128xi32, #tpu.memory_space<hbm>>
        tpu.wait_dma2 semaphore(%run_scoped3A : memref<!tpu.dma_semaphore, #tpu.memory_space<semaphore_mem>>) src(%dma_wait3A_100 : memref<40x128xi32, #tpu.memory_space<hbm>>) dst(%dma_wait3A_98 : memref<40x128xi32, #tpu.memory_space<vmem>>)
        tpu.yield
      }) : () -> ()
      %add3A_67 = arith.constant 80 : i32
      %add3A_68 = arith.addi %mul3A_47, %add3A_67 : i32
      "tpu.region"() ({
        %run_scoped3A = tpu.sem_alloc : memref<!tpu.dma_semaphore, #tpu.memory_space<semaphore_mem>>
        %dma_start3A = arith.constant 0 : i32
        %dma_start3A_83 = arith.constant 0 : i32
        %dma_start3A_84 = tpu.memref_slice %arg8[%dma_start3A, %dma_start3A_83] : memref<40x128xi32, #tpu.memory_space<vmem>> -> memref<40x128xi32, #tpu.memory_space<vmem>>
        %dma_start3A_85 = arith.constant 0 : i32
        %dma_start3A_86 = tpu.memref_slice %arg4[%add3A_68, %dma_start3A_85] : memref<2560x128xi32, #tpu.memory_space<hbm>> -> memref<40x128xi32, #tpu.memory_space<hbm>>
        %dma_start3A_87 = arith.constant 0 : i32
        %dma_start3A_88 = arith.constant 0 : i32
        %dma_start3A_89 = tpu.memref_slice %arg8[%dma_start3A_87, %dma_start3A_88] : memref<40x128xi32, #tpu.memory_space<vmem>> -> memref<40x128xi32, #tpu.memory_space<vmem>>
        %dma_start3A_90 = arith.constant 0 : i32
        %dma_start3A_91 = tpu.memref_slice %arg4[%add3A_68, %dma_start3A_90] : memref<2560x128xi32, #tpu.memory_space<hbm>> -> memref<40x128xi32, #tpu.memory_space<hbm>>
        tpu.enqueue_dma source(%dma_start3A_91 : memref<40x128xi32, #tpu.memory_space<hbm>>) target(%dma_start3A_89 : memref<40x128xi32, #tpu.memory_space<vmem>>) target_semaphore(%run_scoped3A : memref<!tpu.dma_semaphore, #tpu.memory_space<semaphore_mem>>)
        %dma_wait3A = arith.constant 0 : i32
        %dma_wait3A_92 = arith.constant 0 : i32
        %dma_wait3A_93 = tpu.memref_slice %arg8[%dma_wait3A, %dma_wait3A_92] : memref<40x128xi32, #tpu.memory_space<vmem>> -> memref<40x128xi32, #tpu.memory_space<vmem>>
        %dma_wait3A_94 = arith.constant 0 : i32
        %dma_wait3A_95 = tpu.memref_slice %arg4[%add3A_68, %dma_wait3A_94] : memref<2560x128xi32, #tpu.memory_space<hbm>> -> memref<40x128xi32, #tpu.memory_space<hbm>>
        %dma_wait3A_96 = arith.constant 0 : i32
        %dma_wait3A_97 = arith.constant 0 : i32
        %dma_wait3A_98 = tpu.memref_slice %arg8[%dma_wait3A_96, %dma_wait3A_97] : memref<40x128xi32, #tpu.memory_space<vmem>> -> memref<40x128xi32, #tpu.memory_space<vmem>>
        %dma_wait3A_99 = arith.constant 0 : i32
        %dma_wait3A_100 = tpu.memref_slice %arg4[%add3A_68, %dma_wait3A_99] : memref<2560x128xi32, #tpu.memory_space<hbm>> -> memref<40x128xi32, #tpu.memory_space<hbm>>
        tpu.wait_dma2 semaphore(%run_scoped3A : memref<!tpu.dma_semaphore, #tpu.memory_space<semaphore_mem>>) src(%dma_wait3A_100 : memref<40x128xi32, #tpu.memory_space<hbm>>) dst(%dma_wait3A_98 : memref<40x128xi32, #tpu.memory_space<vmem>>)
        tpu.yield
      }) : () -> ()
      %scan3A_69 = arith.constant 0 : i32
      %scan3A_70 = arith.constant 20 : i32
      %scan3A_71 = arith.addi %scan3A_69, %scan3A_70 : i32
      %scan3A_72 = arith.constant 1 : i32
      scf.for %scan3A_83 = %scan3A_69 to %scan3A_71 step %scan3A_72  : i32 {
        %mul3A_84 = arith.constant 1 : i32
        %mul3A_85 = arith.muli %scan3A_83, %mul3A_84 : i32
        %add3A_86 = arith.constant 0 : i32
        %add3A_87 = arith.addi %add3A_86, %mul3A_85 : i32
        %mul3A_88 = arith.constant 2 : i32
        %mul3A_89 = arith.muli %mul3A_88, %add3A_87 : i32
        %add3A_90 = arith.constant 1 : i32
        %add3A_91 = arith.addi %mul3A_89, %add3A_90 : i32
        %dma_start3A = arith.constant 0 : i32
        %dma_start3A_92 = tpu.memref_slice %arg7[%mul3A_89, %dma_start3A] : memref<40x128xi32, #tpu.memory_space<vmem>> -> memref<1x128xi32, #tpu.memory_space<vmem>>
        %dma_start3A_93 = tpu.memref_squeeze %dma_start3A_92 : memref<1x128xi32, #tpu.memory_space<vmem>> -> memref<128xi32, #tpu.memory_space<vmem>>
        %dma_start3A_94 = arith.constant 0 : i32
        %dma_start3A_95 = arith.constant 0 : i32
        %dma_start3A_96 = tpu.memref_slice %arg2[%dma_start3A_94, %dma_start3A_95] : memref<10240x128xf32, #tpu.memory_space<hbm>> -> memref<10240x128xf32, #tpu.memory_space<hbm>>
        tpu.enqueue_indirect_dma source(%dma_start3A_96 : memref<10240x128xf32, #tpu.memory_space<hbm>>) target(%arg9 : memref<128x128xf32, #tpu.memory_space<vmem>>) offsets(%dma_start3A_93 : memref<128xi32, #tpu.memory_space<vmem>>) semaphore(%arg12 : memref<!tpu.dma_semaphore, #tpu.memory_space<semaphore_mem>>)
        %dma_start3A_97 = arith.constant 0 : i32
        %dma_start3A_98 = tpu.memref_slice %arg7[%add3A_91, %dma_start3A_97] : memref<40x128xi32, #tpu.memory_space<vmem>> -> memref<1x128xi32, #tpu.memory_space<vmem>>
        %dma_start3A_99 = tpu.memref_squeeze %dma_start3A_98 : memref<1x128xi32, #tpu.memory_space<vmem>> -> memref<128xi32, #tpu.memory_space<vmem>>
        %dma_start3A_100 = arith.constant 0 : i32
        %dma_start3A_101 = arith.constant 0 : i32
        %dma_start3A_102 = tpu.memref_slice %arg2[%dma_start3A_100, %dma_start3A_101] : memref<10240x128xf32, #tpu.memory_space<hbm>> -> memref<10240x128xf32, #tpu.memory_space<hbm>>
        tpu.enqueue_indirect_dma source(%dma_start3A_102 : memref<10240x128xf32, #tpu.memory_space<hbm>>) target(%arg10 : memref<128x128xf32, #tpu.memory_space<vmem>>) offsets(%dma_start3A_99 : memref<128xi32, #tpu.memory_space<vmem>>) semaphore(%arg13 : memref<!tpu.dma_semaphore, #tpu.memory_space<semaphore_mem>>)
        %dma_wait3A = arith.constant 0 : i32
        %dma_wait3A_103 = tpu.memref_slice %arg7[%mul3A_89, %dma_wait3A] : memref<40x128xi32, #tpu.memory_space<vmem>> -> memref<1x128xi32, #tpu.memory_space<vmem>>
        %dma_wait3A_104 = tpu.memref_squeeze %dma_wait3A_103 : memref<1x128xi32, #tpu.memory_space<vmem>> -> memref<128xi32, #tpu.memory_space<vmem>>
        %dma_wait3A_105 = arith.constant 0 : i32
        %dma_wait3A_106 = arith.constant 0 : i32
        %dma_wait3A_107 = tpu.memref_slice %arg2[%dma_wait3A_105, %dma_wait3A_106] : memref<10240x128xf32, #tpu.memory_space<hbm>> -> memref<10240x128xf32, #tpu.memory_space<hbm>>
        tpu.wait_indirect_dma semaphore(%arg12 : memref<!tpu.dma_semaphore, #tpu.memory_space<semaphore_mem>>) src(%dma_wait3A_107 : memref<10240x128xf32, #tpu.memory_space<hbm>>) dst(%arg9 : memref<128x128xf32, #tpu.memory_space<vmem>>)
        "tpu.region"() ({
          %run_scoped3A = tpu.sem_alloc : memref<!tpu.dma_semaphore, #tpu.memory_space<semaphore_mem>>
          %dma_start3A_114 = arith.constant 0 : i32
          %dma_start3A_115 = tpu.memref_slice %arg8[%mul3A_89, %dma_start3A_114] : memref<40x128xi32, #tpu.memory_space<vmem>> -> memref<1x128xi32, #tpu.memory_space<vmem>>
          %dma_start3A_116 = tpu.memref_squeeze %dma_start3A_115 : memref<1x128xi32, #tpu.memory_space<vmem>> -> memref<128xi32, #tpu.memory_space<vmem>>
          %dma_start3A_117 = arith.constant 0 : i32
          %dma_start3A_118 = arith.constant 0 : i32
          %dma_start3A_119 = tpu.memref_slice %arg11[%dma_start3A_117, %dma_start3A_118] : memref<10240x128xf32, #tpu.memory_space<vmem_shared>> -> memref<10240x128xf32, #tpu.memory_space<vmem_shared>>
          tpu.enqueue_indirect_dma source(%arg9 : memref<128x128xf32, #tpu.memory_space<vmem>>) target(%dma_start3A_119 : memref<10240x128xf32, #tpu.memory_space<vmem_shared>>) offsets(%dma_start3A_116 : memref<128xi32, #tpu.memory_space<vmem>>) semaphore(%run_scoped3A : memref<!tpu.dma_semaphore, #tpu.memory_space<semaphore_mem>>) {add = true}
          %dma_wait3A_120 = arith.constant 0 : i32
          %dma_wait3A_121 = tpu.memref_slice %arg8[%mul3A_89, %dma_wait3A_120] : memref<40x128xi32, #tpu.memory_space<vmem>> -> memref<1x128xi32, #tpu.memory_space<vmem>>
          %dma_wait3A_122 = tpu.memref_squeeze %dma_wait3A_121 : memref<1x128xi32, #tpu.memory_space<vmem>> -> memref<128xi32, #tpu.memory_space<vmem>>
          %dma_wait3A_123 = arith.constant 0 : i32
          %dma_wait3A_124 = arith.constant 0 : i32
          %dma_wait3A_125 = tpu.memref_slice %arg11[%dma_wait3A_123, %dma_wait3A_124] : memref<10240x128xf32, #tpu.memory_space<vmem_shared>> -> memref<10240x128xf32, #tpu.memory_space<vmem_shared>>
          tpu.wait_indirect_dma semaphore(%run_scoped3A : memref<!tpu.dma_semaphore, #tpu.memory_space<semaphore_mem>>) src(%arg9 : memref<128x128xf32, #tpu.memory_space<vmem>>) dst(%dma_wait3A_125 : memref<10240x128xf32, #tpu.memory_space<vmem_shared>>)
          tpu.yield
        }) : () -> ()
        %dma_wait3A_108 = arith.constant 0 : i32
        %dma_wait3A_109 = tpu.memref_slice %arg7[%add3A_91, %dma_wait3A_108] : memref<40x128xi32, #tpu.memory_space<vmem>> -> memref<1x128xi32, #tpu.memory_space<vmem>>
        %dma_wait3A_110 = tpu.memref_squeeze %dma_wait3A_109 : memref<1x128xi32, #tpu.memory_space<vmem>> -> memref<128xi32, #tpu.memory_space<vmem>>
        %dma_wait3A_111 = arith.constant 0 : i32
        %dma_wait3A_112 = arith.constant 0 : i32
        %dma_wait3A_113 = tpu.memref_slice %arg2[%dma_wait3A_111, %dma_wait3A_112] : memref<10240x128xf32, #tpu.memory_space<hbm>> -> memref<10240x128xf32, #tpu.memory_space<hbm>>
        tpu.wait_indirect_dma semaphore(%arg13 : memref<!tpu.dma_semaphore, #tpu.memory_space<semaphore_mem>>) src(%dma_wait3A_113 : memref<10240x128xf32, #tpu.memory_space<hbm>>) dst(%arg10 : memref<128x128xf32, #tpu.memory_space<vmem>>)
        "tpu.region"() ({
          %run_scoped3A = tpu.sem_alloc : memref<!tpu.dma_semaphore, #tpu.memory_space<semaphore_mem>>
          %dma_start3A_114 = arith.constant 0 : i32
          %dma_start3A_115 = tpu.memref_slice %arg8[%add3A_91, %dma_start3A_114] : memref<40x128xi32, #tpu.memory_space<vmem>> -> memref<1x128xi32, #tpu.memory_space<vmem>>
          %dma_start3A_116 = tpu.memref_squeeze %dma_start3A_115 : memref<1x128xi32, #tpu.memory_space<vmem>> -> memref<128xi32, #tpu.memory_space<vmem>>
          %dma_start3A_117 = arith.constant 0 : i32
          %dma_start3A_118 = arith.constant 0 : i32
          %dma_start3A_119 = tpu.memref_slice %arg11[%dma_start3A_117, %dma_start3A_118] : memref<10240x128xf32, #tpu.memory_space<vmem_shared>> -> memref<10240x128xf32, #tpu.memory_space<vmem_shared>>
          tpu.enqueue_indirect_dma source(%arg10 : memref<128x128xf32, #tpu.memory_space<vmem>>) target(%dma_start3A_119 : memref<10240x128xf32, #tpu.memory_space<vmem_shared>>) offsets(%dma_start3A_116 : memref<128xi32, #tpu.memory_space<vmem>>) semaphore(%run_scoped3A : memref<!tpu.dma_semaphore, #tpu.memory_space<semaphore_mem>>) {add = true}
          %dma_wait3A_120 = arith.constant 0 : i32
          %dma_wait3A_121 = tpu.memref_slice %arg8[%add3A_91, %dma_wait3A_120] : memref<40x128xi32, #tpu.memory_space<vmem>> -> memref<1x128xi32, #tpu.memory_space<vmem>>
          %dma_wait3A_122 = tpu.memref_squeeze %dma_wait3A_121 : memref<1x128xi32, #tpu.memory_space<vmem>> -> memref<128xi32, #tpu.memory_space<vmem>>
          %dma_wait3A_123 = arith.constant 0 : i32
          %dma_wait3A_124 = arith.constant 0 : i32
          %dma_wait3A_125 = tpu.memref_slice %arg11[%dma_wait3A_123, %dma_wait3A_124] : memref<10240x128xf32, #tpu.memory_space<vmem_shared>> -> memref<10240x128xf32, #tpu.memory_space<vmem_shared>>
          tpu.wait_indirect_dma semaphore(%run_scoped3A : memref<!tpu.dma_semaphore, #tpu.memory_space<semaphore_mem>>) src(%arg10 : memref<128x128xf32, #tpu.memory_space<vmem>>) dst(%dma_wait3A_125 : memref<10240x128xf32, #tpu.memory_space<vmem_shared>>)
          tpu.yield
        }) : () -> ()
      }
      %scan3A_73 = arith.constant 20 : i32
      %add3A_74 = arith.constant 120 : i32
      %add3A_75 = arith.addi %mul3A_47, %add3A_74 : i32
      "tpu.region"() ({
        %run_scoped3A = tpu.sem_alloc : memref<!tpu.dma_semaphore, #tpu.memory_space<semaphore_mem>>
        %dma_start3A = arith.constant 0 : i32
        %dma_start3A_83 = arith.constant 0 : i32
        %dma_start3A_84 = tpu.memref_slice %arg7[%dma_start3A, %dma_start3A_83] : memref<40x128xi32, #tpu.memory_space<vmem>> -> memref<24x128xi32, #tpu.memory_space<vmem>>
        %dma_start3A_85 = arith.constant 0 : i32
        %dma_start3A_86 = tpu.memref_slice %arg3[%add3A_75, %dma_start3A_85] : memref<2560x128xi32, #tpu.memory_space<hbm>> -> memref<24x128xi32, #tpu.memory_space<hbm>>
        %dma_start3A_87 = arith.constant 0 : i32
        %dma_start3A_88 = arith.constant 0 : i32
        %dma_start3A_89 = tpu.memref_slice %arg7[%dma_start3A_87, %dma_start3A_88] : memref<40x128xi32, #tpu.memory_space<vmem>> -> memref<24x128xi32, #tpu.memory_space<vmem>>
        %dma_start3A_90 = arith.constant 0 : i32
        %dma_start3A_91 = tpu.memref_slice %arg3[%add3A_75, %dma_start3A_90] : memref<2560x128xi32, #tpu.memory_space<hbm>> -> memref<24x128xi32, #tpu.memory_space<hbm>>
        tpu.enqueue_dma source(%dma_start3A_91 : memref<24x128xi32, #tpu.memory_space<hbm>>) target(%dma_start3A_89 : memref<24x128xi32, #tpu.memory_space<vmem>>) target_semaphore(%run_scoped3A : memref<!tpu.dma_semaphore, #tpu.memory_space<semaphore_mem>>)
        %dma_wait3A = arith.constant 0 : i32
        %dma_wait3A_92 = arith.constant 0 : i32
        %dma_wait3A_93 = tpu.memref_slice %arg7[%dma_wait3A, %dma_wait3A_92] : memref<40x128xi32, #tpu.memory_space<vmem>> -> memref<24x128xi32, #tpu.memory_space<vmem>>
        %dma_wait3A_94 = arith.constant 0 : i32
        %dma_wait3A_95 = tpu.memref_slice %arg3[%add3A_75, %dma_wait3A_94] : memref<2560x128xi32, #tpu.memory_space<hbm>> -> memref<24x128xi32, #tpu.memory_space<hbm>>
        %dma_wait3A_96 = arith.constant 0 : i32
        %dma_wait3A_97 = arith.constant 0 : i32
        %dma_wait3A_98 = tpu.memref_slice %arg7[%dma_wait3A_96, %dma_wait3A_97] : memref<40x128xi32, #tpu.memory_space<vmem>> -> memref<24x128xi32, #tpu.memory_space<vmem>>
        %dma_wait3A_99 = arith.constant 0 : i32
        %dma_wait3A_100 = tpu.memref_slice %arg3[%add3A_75, %dma_wait3A_99] : memref<2560x128xi32, #tpu.memory_space<hbm>> -> memref<24x128xi32, #tpu.memory_space<hbm>>
        tpu.wait_dma2 semaphore(%run_scoped3A : memref<!tpu.dma_semaphore, #tpu.memory_space<semaphore_mem>>) src(%dma_wait3A_100 : memref<24x128xi32, #tpu.memory_space<hbm>>) dst(%dma_wait3A_98 : memref<24x128xi32, #tpu.memory_space<vmem>>)
        tpu.yield
      }) : () -> ()
      %add3A_76 = arith.constant 120 : i32
      %add3A_77 = arith.addi %mul3A_47, %add3A_76 : i32
      "tpu.region"() ({
        %run_scoped3A = tpu.sem_alloc : memref<!tpu.dma_semaphore, #tpu.memory_space<semaphore_mem>>
        %dma_start3A = arith.constant 0 : i32
        %dma_start3A_83 = arith.constant 0 : i32
        %dma_start3A_84 = tpu.memref_slice %arg8[%dma_start3A, %dma_start3A_83] : memref<40x128xi32, #tpu.memory_space<vmem>> -> memref<24x128xi32, #tpu.memory_space<vmem>>
        %dma_start3A_85 = arith.constant 0 : i32
        %dma_start3A_86 = tpu.memref_slice %arg4[%add3A_77, %dma_start3A_85] : memref<2560x128xi32, #tpu.memory_space<hbm>> -> memref<24x128xi32, #tpu.memory_space<hbm>>
        %dma_start3A_87 = arith.constant 0 : i32
        %dma_start3A_88 = arith.constant 0 : i32
        %dma_start3A_89 = tpu.memref_slice %arg8[%dma_start3A_87, %dma_start3A_88] : memref<40x128xi32, #tpu.memory_space<vmem>> -> memref<24x128xi32, #tpu.memory_space<vmem>>
        %dma_start3A_90 = arith.constant 0 : i32
        %dma_start3A_91 = tpu.memref_slice %arg4[%add3A_77, %dma_start3A_90] : memref<2560x128xi32, #tpu.memory_space<hbm>> -> memref<24x128xi32, #tpu.memory_space<hbm>>
        tpu.enqueue_dma source(%dma_start3A_91 : memref<24x128xi32, #tpu.memory_space<hbm>>) target(%dma_start3A_89 : memref<24x128xi32, #tpu.memory_space<vmem>>) target_semaphore(%run_scoped3A : memref<!tpu.dma_semaphore, #tpu.memory_space<semaphore_mem>>)
        %dma_wait3A = arith.constant 0 : i32
        %dma_wait3A_92 = arith.constant 0 : i32
        %dma_wait3A_93 = tpu.memref_slice %arg8[%dma_wait3A, %dma_wait3A_92] : memref<40x128xi32, #tpu.memory_space<vmem>> -> memref<24x128xi32, #tpu.memory_space<vmem>>
        %dma_wait3A_94 = arith.constant 0 : i32
        %dma_wait3A_95 = tpu.memref_slice %arg4[%add3A_77, %dma_wait3A_94] : memref<2560x128xi32, #tpu.memory_space<hbm>> -> memref<24x128xi32, #tpu.memory_space<hbm>>
        %dma_wait3A_96 = arith.constant 0 : i32
        %dma_wait3A_97 = arith.constant 0 : i32
        %dma_wait3A_98 = tpu.memref_slice %arg8[%dma_wait3A_96, %dma_wait3A_97] : memref<40x128xi32, #tpu.memory_space<vmem>> -> memref<24x128xi32, #tpu.memory_space<vmem>>
        %dma_wait3A_99 = arith.constant 0 : i32
        %dma_wait3A_100 = tpu.memref_slice %arg4[%add3A_77, %dma_wait3A_99] : memref<2560x128xi32, #tpu.memory_space<hbm>> -> memref<24x128xi32, #tpu.memory_space<hbm>>
        tpu.wait_dma2 semaphore(%run_scoped3A : memref<!tpu.dma_semaphore, #tpu.memory_space<semaphore_mem>>) src(%dma_wait3A_100 : memref<24x128xi32, #tpu.memory_space<hbm>>) dst(%dma_wait3A_98 : memref<24x128xi32, #tpu.memory_space<vmem>>)
        tpu.yield
      }) : () -> ()
      %scan3A_78 = arith.constant 0 : i32
      %scan3A_79 = arith.constant 12 : i32
      %scan3A_80 = arith.addi %scan3A_78, %scan3A_79 : i32
      %scan3A_81 = arith.constant 1 : i32
      scf.for %scan3A_83 = %scan3A_78 to %scan3A_80 step %scan3A_81  : i32 {
        %mul3A_84 = arith.constant 1 : i32
        %mul3A_85 = arith.muli %scan3A_83, %mul3A_84 : i32
        %add3A_86 = arith.constant 0 : i32
        %add3A_87 = arith.addi %add3A_86, %mul3A_85 : i32
        %mul3A_88 = arith.constant 2 : i32
        %mul3A_89 = arith.muli %mul3A_88, %add3A_87 : i32
        %add3A_90 = arith.constant 1 : i32
        %add3A_91 = arith.addi %mul3A_89, %add3A_90 : i32
        %dma_start3A = arith.constant 0 : i32
        %dma_start3A_92 = tpu.memref_slice %arg7[%mul3A_89, %dma_start3A] : memref<40x128xi32, #tpu.memory_space<vmem>> -> memref<1x128xi32, #tpu.memory_space<vmem>>
        %dma_start3A_93 = tpu.memref_squeeze %dma_start3A_92 : memref<1x128xi32, #tpu.memory_space<vmem>> -> memref<128xi32, #tpu.memory_space<vmem>>
        %dma_start3A_94 = arith.constant 0 : i32
        %dma_start3A_95 = arith.constant 0 : i32
        %dma_start3A_96 = tpu.memref_slice %arg2[%dma_start3A_94, %dma_start3A_95] : memref<10240x128xf32, #tpu.memory_space<hbm>> -> memref<10240x128xf32, #tpu.memory_space<hbm>>
        tpu.enqueue_indirect_dma source(%dma_start3A_96 : memref<10240x128xf32, #tpu.memory_space<hbm>>) target(%arg9 : memref<128x128xf32, #tpu.memory_space<vmem>>) offsets(%dma_start3A_93 : memref<128xi32, #tpu.memory_space<vmem>>) semaphore(%arg12 : memref<!tpu.dma_semaphore, #tpu.memory_space<semaphore_mem>>)
        %dma_start3A_97 = arith.constant 0 : i32
        %dma_start3A_98 = tpu.memref_slice %arg7[%add3A_91, %dma_start3A_97] : memref<40x128xi32, #tpu.memory_space<vmem>> -> memref<1x128xi32, #tpu.memory_space<vmem>>
        %dma_start3A_99 = tpu.memref_squeeze %dma_start3A_98 : memref<1x128xi32, #tpu.memory_space<vmem>> -> memref<128xi32, #tpu.memory_space<vmem>>
        %dma_start3A_100 = arith.constant 0 : i32
        %dma_start3A_101 = arith.constant 0 : i32
        %dma_start3A_102 = tpu.memref_slice %arg2[%dma_start3A_100, %dma_start3A_101] : memref<10240x128xf32, #tpu.memory_space<hbm>> -> memref<10240x128xf32, #tpu.memory_space<hbm>>
        tpu.enqueue_indirect_dma source(%dma_start3A_102 : memref<10240x128xf32, #tpu.memory_space<hbm>>) target(%arg10 : memref<128x128xf32, #tpu.memory_space<vmem>>) offsets(%dma_start3A_99 : memref<128xi32, #tpu.memory_space<vmem>>) semaphore(%arg13 : memref<!tpu.dma_semaphore, #tpu.memory_space<semaphore_mem>>)
        %dma_wait3A = arith.constant 0 : i32
        %dma_wait3A_103 = tpu.memref_slice %arg7[%mul3A_89, %dma_wait3A] : memref<40x128xi32, #tpu.memory_space<vmem>> -> memref<1x128xi32, #tpu.memory_space<vmem>>
        %dma_wait3A_104 = tpu.memref_squeeze %dma_wait3A_103 : memref<1x128xi32, #tpu.memory_space<vmem>> -> memref<128xi32, #tpu.memory_space<vmem>>
        %dma_wait3A_105 = arith.constant 0 : i32
        %dma_wait3A_106 = arith.constant 0 : i32
        %dma_wait3A_107 = tpu.memref_slice %arg2[%dma_wait3A_105, %dma_wait3A_106] : memref<10240x128xf32, #tpu.memory_space<hbm>> -> memref<10240x128xf32, #tpu.memory_space<hbm>>
        tpu.wait_indirect_dma semaphore(%arg12 : memref<!tpu.dma_semaphore, #tpu.memory_space<semaphore_mem>>) src(%dma_wait3A_107 : memref<10240x128xf32, #tpu.memory_space<hbm>>) dst(%arg9 : memref<128x128xf32, #tpu.memory_space<vmem>>)
        "tpu.region"() ({
          %run_scoped3A = tpu.sem_alloc : memref<!tpu.dma_semaphore, #tpu.memory_space<semaphore_mem>>
          %dma_start3A_114 = arith.constant 0 : i32
          %dma_start3A_115 = tpu.memref_slice %arg8[%mul3A_89, %dma_start3A_114] : memref<40x128xi32, #tpu.memory_space<vmem>> -> memref<1x128xi32, #tpu.memory_space<vmem>>
          %dma_start3A_116 = tpu.memref_squeeze %dma_start3A_115 : memref<1x128xi32, #tpu.memory_space<vmem>> -> memref<128xi32, #tpu.memory_space<vmem>>
          %dma_start3A_117 = arith.constant 0 : i32
          %dma_start3A_118 = arith.constant 0 : i32
          %dma_start3A_119 = tpu.memref_slice %arg11[%dma_start3A_117, %dma_start3A_118] : memref<10240x128xf32, #tpu.memory_space<vmem_shared>> -> memref<10240x128xf32, #tpu.memory_space<vmem_shared>>
          tpu.enqueue_indirect_dma source(%arg9 : memref<128x128xf32, #tpu.memory_space<vmem>>) target(%dma_start3A_119 : memref<10240x128xf32, #tpu.memory_space<vmem_shared>>) offsets(%dma_start3A_116 : memref<128xi32, #tpu.memory_space<vmem>>) semaphore(%run_scoped3A : memref<!tpu.dma_semaphore, #tpu.memory_space<semaphore_mem>>) {add = true}
          %dma_wait3A_120 = arith.constant 0 : i32
          %dma_wait3A_121 = tpu.memref_slice %arg8[%mul3A_89, %dma_wait3A_120] : memref<40x128xi32, #tpu.memory_space<vmem>> -> memref<1x128xi32, #tpu.memory_space<vmem>>
          %dma_wait3A_122 = tpu.memref_squeeze %dma_wait3A_121 : memref<1x128xi32, #tpu.memory_space<vmem>> -> memref<128xi32, #tpu.memory_space<vmem>>
          %dma_wait3A_123 = arith.constant 0 : i32
          %dma_wait3A_124 = arith.constant 0 : i32
          %dma_wait3A_125 = tpu.memref_slice %arg11[%dma_wait3A_123, %dma_wait3A_124] : memref<10240x128xf32, #tpu.memory_space<vmem_shared>> -> memref<10240x128xf32, #tpu.memory_space<vmem_shared>>
          tpu.wait_indirect_dma semaphore(%run_scoped3A : memref<!tpu.dma_semaphore, #tpu.memory_space<semaphore_mem>>) src(%arg9 : memref<128x128xf32, #tpu.memory_space<vmem>>) dst(%dma_wait3A_125 : memref<10240x128xf32, #tpu.memory_space<vmem_shared>>)
          tpu.yield
        }) : () -> ()
        %dma_wait3A_108 = arith.constant 0 : i32
        %dma_wait3A_109 = tpu.memref_slice %arg7[%add3A_91, %dma_wait3A_108] : memref<40x128xi32, #tpu.memory_space<vmem>> -> memref<1x128xi32, #tpu.memory_space<vmem>>
        %dma_wait3A_110 = tpu.memref_squeeze %dma_wait3A_109 : memref<1x128xi32, #tpu.memory_space<vmem>> -> memref<128xi32, #tpu.memory_space<vmem>>
        %dma_wait3A_111 = arith.constant 0 : i32
        %dma_wait3A_112 = arith.constant 0 : i32
        %dma_wait3A_113 = tpu.memref_slice %arg2[%dma_wait3A_111, %dma_wait3A_112] : memref<10240x128xf32, #tpu.memory_space<hbm>> -> memref<10240x128xf32, #tpu.memory_space<hbm>>
        tpu.wait_indirect_dma semaphore(%arg13 : memref<!tpu.dma_semaphore, #tpu.memory_space<semaphore_mem>>) src(%dma_wait3A_113 : memref<10240x128xf32, #tpu.memory_space<hbm>>) dst(%arg10 : memref<128x128xf32, #tpu.memory_space<vmem>>)
        "tpu.region"() ({
          %run_scoped3A = tpu.sem_alloc : memref<!tpu.dma_semaphore, #tpu.memory_space<semaphore_mem>>
          %dma_start3A_114 = arith.constant 0 : i32
          %dma_start3A_115 = tpu.memref_slice %arg8[%add3A_91, %dma_start3A_114] : memref<40x128xi32, #tpu.memory_space<vmem>> -> memref<1x128xi32, #tpu.memory_space<vmem>>
          %dma_start3A_116 = tpu.memref_squeeze %dma_start3A_115 : memref<1x128xi32, #tpu.memory_space<vmem>> -> memref<128xi32, #tpu.memory_space<vmem>>
          %dma_start3A_117 = arith.constant 0 : i32
          %dma_start3A_118 = arith.constant 0 : i32
          %dma_start3A_119 = tpu.memref_slice %arg11[%dma_start3A_117, %dma_start3A_118] : memref<10240x128xf32, #tpu.memory_space<vmem_shared>> -> memref<10240x128xf32, #tpu.memory_space<vmem_shared>>
          tpu.enqueue_indirect_dma source(%arg10 : memref<128x128xf32, #tpu.memory_space<vmem>>) target(%dma_start3A_119 : memref<10240x128xf32, #tpu.memory_space<vmem_shared>>) offsets(%dma_start3A_116 : memref<128xi32, #tpu.memory_space<vmem>>) semaphore(%run_scoped3A : memref<!tpu.dma_semaphore, #tpu.memory_space<semaphore_mem>>) {add = true}
          %dma_wait3A_120 = arith.constant 0 : i32
          %dma_wait3A_121 = tpu.memref_slice %arg8[%add3A_91, %dma_wait3A_120] : memref<40x128xi32, #tpu.memory_space<vmem>> -> memref<1x128xi32, #tpu.memory_space<vmem>>
          %dma_wait3A_122 = tpu.memref_squeeze %dma_wait3A_121 : memref<1x128xi32, #tpu.memory_space<vmem>> -> memref<128xi32, #tpu.memory_space<vmem>>
          %dma_wait3A_123 = arith.constant 0 : i32
          %dma_wait3A_124 = arith.constant 0 : i32
          %dma_wait3A_125 = tpu.memref_slice %arg11[%dma_wait3A_123, %dma_wait3A_124] : memref<10240x128xf32, #tpu.memory_space<vmem_shared>> -> memref<10240x128xf32, #tpu.memory_space<vmem_shared>>
          tpu.wait_indirect_dma semaphore(%run_scoped3A : memref<!tpu.dma_semaphore, #tpu.memory_space<semaphore_mem>>) src(%arg10 : memref<128x128xf32, #tpu.memory_space<vmem>>) dst(%dma_wait3A_125 : memref<10240x128xf32, #tpu.memory_space<vmem_shared>>)
          tpu.yield
        }) : () -> ()
      }
      %scan3A_82 = arith.constant 12 : i32
    } else {
    }
    %eq3A_20 = arith.constant 1 : i32
    %eq3A_21 = arith.cmpi eq, %arg0, %eq3A_20 : i32
    %convert_element_type3A_22 = arith.extui %eq3A_21 : i1 to i32
    %cond3A_23 = arith.constant 0 : i32
    %cond3A_24 = arith.cmpi ne, %convert_element_type3A_22, %cond3A_23 : i32
    scf.if %cond3A_24 {
      %mul3A_46 = arith.constant 16 : i32
      %mul3A_47 = arith.muli %arg1, %mul3A_46 : i32
      %add3A_48 = arith.constant 2304 : i32
      %add3A_49 = arith.addi %add3A_48, %mul3A_47 : i32
      %add3A_50 = arith.constant 0 : i32
      %add3A_51 = arith.addi %add3A_49, %add3A_50 : i32
      "tpu.region"() ({
        %run_scoped3A = tpu.sem_alloc : memref<!tpu.dma_semaphore, #tpu.memory_space<semaphore_mem>>
        %dma_start3A = arith.constant 0 : i32
        %dma_start3A_58 = arith.constant 0 : i32
        %dma_start3A_59 = tpu.memref_slice %arg7[%dma_start3A, %dma_start3A_58] : memref<40x128xi32, #tpu.memory_space<vmem>> -> memref<16x128xi32, #tpu.memory_space<vmem>>
        %dma_start3A_60 = arith.constant 0 : i32
        %dma_start3A_61 = tpu.memref_slice %arg3[%add3A_51, %dma_start3A_60] : memref<2560x128xi32, #tpu.memory_space<hbm>> -> memref<16x128xi32, #tpu.memory_space<hbm>>
        %dma_start3A_62 = arith.constant 0 : i32
        %dma_start3A_63 = arith.constant 0 : i32
        %dma_start3A_64 = tpu.memref_slice %arg7[%dma_start3A_62, %dma_start3A_63] : memref<40x128xi32, #tpu.memory_space<vmem>> -> memref<16x128xi32, #tpu.memory_space<vmem>>
        %dma_start3A_65 = arith.constant 0 : i32
        %dma_start3A_66 = tpu.memref_slice %arg3[%add3A_51, %dma_start3A_65] : memref<2560x128xi32, #tpu.memory_space<hbm>> -> memref<16x128xi32, #tpu.memory_space<hbm>>
        tpu.enqueue_dma source(%dma_start3A_66 : memref<16x128xi32, #tpu.memory_space<hbm>>) target(%dma_start3A_64 : memref<16x128xi32, #tpu.memory_space<vmem>>) target_semaphore(%run_scoped3A : memref<!tpu.dma_semaphore, #tpu.memory_space<semaphore_mem>>)
        %dma_wait3A = arith.constant 0 : i32
        %dma_wait3A_67 = arith.constant 0 : i32
        %dma_wait3A_68 = tpu.memref_slice %arg7[%dma_wait3A, %dma_wait3A_67] : memref<40x128xi32, #tpu.memory_space<vmem>> -> memref<16x128xi32, #tpu.memory_space<vmem>>
        %dma_wait3A_69 = arith.constant 0 : i32
        %dma_wait3A_70 = tpu.memref_slice %arg3[%add3A_51, %dma_wait3A_69] : memref<2560x128xi32, #tpu.memory_space<hbm>> -> memref<16x128xi32, #tpu.memory_space<hbm>>
        %dma_wait3A_71 = arith.constant 0 : i32
        %dma_wait3A_72 = arith.constant 0 : i32
        %dma_wait3A_73 = tpu.memref_slice %arg7[%dma_wait3A_71, %dma_wait3A_72] : memref<40x128xi32, #tpu.memory_space<vmem>> -> memref<16x128xi32, #tpu.memory_space<vmem>>
        %dma_wait3A_74 = arith.constant 0 : i32
        %dma_wait3A_75 = tpu.memref_slice %arg3[%add3A_51, %dma_wait3A_74] : memref<2560x128xi32, #tpu.memory_space<hbm>> -> memref<16x128xi32, #tpu.memory_space<hbm>>
        tpu.wait_dma2 semaphore(%run_scoped3A : memref<!tpu.dma_semaphore, #tpu.memory_space<semaphore_mem>>) src(%dma_wait3A_75 : memref<16x128xi32, #tpu.memory_space<hbm>>) dst(%dma_wait3A_73 : memref<16x128xi32, #tpu.memory_space<vmem>>)
        tpu.yield
      }) : () -> ()
      %add3A_52 = arith.constant 0 : i32
      %add3A_53 = arith.addi %add3A_49, %add3A_52 : i32
      "tpu.region"() ({
        %run_scoped3A = tpu.sem_alloc : memref<!tpu.dma_semaphore, #tpu.memory_space<semaphore_mem>>
        %dma_start3A = arith.constant 0 : i32
        %dma_start3A_58 = arith.constant 0 : i32
        %dma_start3A_59 = tpu.memref_slice %arg8[%dma_start3A, %dma_start3A_58] : memref<40x128xi32, #tpu.memory_space<vmem>> -> memref<16x128xi32, #tpu.memory_space<vmem>>
        %dma_start3A_60 = arith.constant 0 : i32
        %dma_start3A_61 = tpu.memref_slice %arg4[%add3A_53, %dma_start3A_60] : memref<2560x128xi32, #tpu.memory_space<hbm>> -> memref<16x128xi32, #tpu.memory_space<hbm>>
        %dma_start3A_62 = arith.constant 0 : i32
        %dma_start3A_63 = arith.constant 0 : i32
        %dma_start3A_64 = tpu.memref_slice %arg8[%dma_start3A_62, %dma_start3A_63] : memref<40x128xi32, #tpu.memory_space<vmem>> -> memref<16x128xi32, #tpu.memory_space<vmem>>
        %dma_start3A_65 = arith.constant 0 : i32
        %dma_start3A_66 = tpu.memref_slice %arg4[%add3A_53, %dma_start3A_65] : memref<2560x128xi32, #tpu.memory_space<hbm>> -> memref<16x128xi32, #tpu.memory_space<hbm>>
        tpu.enqueue_dma source(%dma_start3A_66 : memref<16x128xi32, #tpu.memory_space<hbm>>) target(%dma_start3A_64 : memref<16x128xi32, #tpu.memory_space<vmem>>) target_semaphore(%run_scoped3A : memref<!tpu.dma_semaphore, #tpu.memory_space<semaphore_mem>>)
        %dma_wait3A = arith.constant 0 : i32
        %dma_wait3A_67 = arith.constant 0 : i32
        %dma_wait3A_68 = tpu.memref_slice %arg8[%dma_wait3A, %dma_wait3A_67] : memref<40x128xi32, #tpu.memory_space<vmem>> -> memref<16x128xi32, #tpu.memory_space<vmem>>
        %dma_wait3A_69 = arith.constant 0 : i32
        %dma_wait3A_70 = tpu.memref_slice %arg4[%add3A_53, %dma_wait3A_69] : memref<2560x128xi32, #tpu.memory_space<hbm>> -> memref<16x128xi32, #tpu.memory_space<hbm>>
        %dma_wait3A_71 = arith.constant 0 : i32
        %dma_wait3A_72 = arith.constant 0 : i32
        %dma_wait3A_73 = tpu.memref_slice %arg8[%dma_wait3A_71, %dma_wait3A_72] : memref<40x128xi32, #tpu.memory_space<vmem>> -> memref<16x128xi32, #tpu.memory_space<vmem>>
        %dma_wait3A_74 = arith.constant 0 : i32
        %dma_wait3A_75 = tpu.memref_slice %arg4[%add3A_53, %dma_wait3A_74] : memref<2560x128xi32, #tpu.memory_space<hbm>> -> memref<16x128xi32, #tpu.memory_space<hbm>>
        tpu.wait_dma2 semaphore(%run_scoped3A : memref<!tpu.dma_semaphore, #tpu.memory_space<semaphore_mem>>) src(%dma_wait3A_75 : memref<16x128xi32, #tpu.memory_space<hbm>>) dst(%dma_wait3A_73 : memref<16x128xi32, #tpu.memory_space<vmem>>)
        tpu.yield
      }) : () -> ()
      %scan3A = arith.constant 0 : i32
      %scan3A_54 = arith.constant 8 : i32
      %scan3A_55 = arith.addi %scan3A, %scan3A_54 : i32
      %scan3A_56 = arith.constant 1 : i32
      scf.for %scan3A_58 = %scan3A to %scan3A_55 step %scan3A_56  : i32 {
        %mul3A_59 = arith.constant 1 : i32
        %mul3A_60 = arith.muli %scan3A_58, %mul3A_59 : i32
        %add3A_61 = arith.constant 0 : i32
        %add3A_62 = arith.addi %add3A_61, %mul3A_60 : i32
        %mul3A_63 = arith.constant 2 : i32
        %mul3A_64 = arith.muli %mul3A_63, %add3A_62 : i32
        %add3A_65 = arith.constant 1 : i32
        %add3A_66 = arith.addi %mul3A_64, %add3A_65 : i32
        %dma_start3A = arith.constant 0 : i32
        %dma_start3A_67 = tpu.memref_slice %arg7[%mul3A_64, %dma_start3A] : memref<40x128xi32, #tpu.memory_space<vmem>> -> memref<1x128xi32, #tpu.memory_space<vmem>>
        %dma_start3A_68 = tpu.memref_squeeze %dma_start3A_67 : memref<1x128xi32, #tpu.memory_space<vmem>> -> memref<128xi32, #tpu.memory_space<vmem>>
        %dma_start3A_69 = arith.constant 0 : i32
        %dma_start3A_70 = arith.constant 0 : i32
        %dma_start3A_71 = tpu.memref_slice %arg2[%dma_start3A_69, %dma_start3A_70] : memref<10240x128xf32, #tpu.memory_space<hbm>> -> memref<10240x128xf32, #tpu.memory_space<hbm>>
        tpu.enqueue_indirect_dma source(%dma_start3A_71 : memref<10240x128xf32, #tpu.memory_space<hbm>>) target(%arg9 : memref<128x128xf32, #tpu.memory_space<vmem>>) offsets(%dma_start3A_68 : memref<128xi32, #tpu.memory_space<vmem>>) semaphore(%arg12 : memref<!tpu.dma_semaphore, #tpu.memory_space<semaphore_mem>>)
        %dma_start3A_72 = arith.constant 0 : i32
        %dma_start3A_73 = tpu.memref_slice %arg7[%add3A_66, %dma_start3A_72] : memref<40x128xi32, #tpu.memory_space<vmem>> -> memref<1x128xi32, #tpu.memory_space<vmem>>
        %dma_start3A_74 = tpu.memref_squeeze %dma_start3A_73 : memref<1x128xi32, #tpu.memory_space<vmem>> -> memref<128xi32, #tpu.memory_space<vmem>>
        %dma_start3A_75 = arith.constant 0 : i32
        %dma_start3A_76 = arith.constant 0 : i32
        %dma_start3A_77 = tpu.memref_slice %arg2[%dma_start3A_75, %dma_start3A_76] : memref<10240x128xf32, #tpu.memory_space<hbm>> -> memref<10240x128xf32, #tpu.memory_space<hbm>>
        tpu.enqueue_indirect_dma source(%dma_start3A_77 : memref<10240x128xf32, #tpu.memory_space<hbm>>) target(%arg10 : memref<128x128xf32, #tpu.memory_space<vmem>>) offsets(%dma_start3A_74 : memref<128xi32, #tpu.memory_space<vmem>>) semaphore(%arg13 : memref<!tpu.dma_semaphore, #tpu.memory_space<semaphore_mem>>)
        %dma_wait3A = arith.constant 0 : i32
        %dma_wait3A_78 = tpu.memref_slice %arg7[%mul3A_64, %dma_wait3A] : memref<40x128xi32, #tpu.memory_space<vmem>> -> memref<1x128xi32, #tpu.memory_space<vmem>>
        %dma_wait3A_79 = tpu.memref_squeeze %dma_wait3A_78 : memref<1x128xi32, #tpu.memory_space<vmem>> -> memref<128xi32, #tpu.memory_space<vmem>>
        %dma_wait3A_80 = arith.constant 0 : i32
        %dma_wait3A_81 = arith.constant 0 : i32
        %dma_wait3A_82 = tpu.memref_slice %arg2[%dma_wait3A_80, %dma_wait3A_81] : memref<10240x128xf32, #tpu.memory_space<hbm>> -> memref<10240x128xf32, #tpu.memory_space<hbm>>
        tpu.wait_indirect_dma semaphore(%arg12 : memref<!tpu.dma_semaphore, #tpu.memory_space<semaphore_mem>>) src(%dma_wait3A_82 : memref<10240x128xf32, #tpu.memory_space<hbm>>) dst(%arg9 : memref<128x128xf32, #tpu.memory_space<vmem>>)
        "tpu.region"() ({
          %run_scoped3A = tpu.sem_alloc : memref<!tpu.dma_semaphore, #tpu.memory_space<semaphore_mem>>
          %dma_start3A_89 = arith.constant 0 : i32
          %dma_start3A_90 = tpu.memref_slice %arg8[%mul3A_64, %dma_start3A_89] : memref<40x128xi32, #tpu.memory_space<vmem>> -> memref<1x128xi32, #tpu.memory_space<vmem>>
          %dma_start3A_91 = tpu.memref_squeeze %dma_start3A_90 : memref<1x128xi32, #tpu.memory_space<vmem>> -> memref<128xi32, #tpu.memory_space<vmem>>
          %dma_start3A_92 = arith.constant 0 : i32
          %dma_start3A_93 = arith.constant 0 : i32
          %dma_start3A_94 = tpu.memref_slice %arg11[%dma_start3A_92, %dma_start3A_93] : memref<10240x128xf32, #tpu.memory_space<vmem_shared>> -> memref<10240x128xf32, #tpu.memory_space<vmem_shared>>
          tpu.enqueue_indirect_dma source(%arg9 : memref<128x128xf32, #tpu.memory_space<vmem>>) target(%dma_start3A_94 : memref<10240x128xf32, #tpu.memory_space<vmem_shared>>) offsets(%dma_start3A_91 : memref<128xi32, #tpu.memory_space<vmem>>) semaphore(%run_scoped3A : memref<!tpu.dma_semaphore, #tpu.memory_space<semaphore_mem>>) {add = true}
          %dma_wait3A_95 = arith.constant 0 : i32
          %dma_wait3A_96 = tpu.memref_slice %arg8[%mul3A_64, %dma_wait3A_95] : memref<40x128xi32, #tpu.memory_space<vmem>> -> memref<1x128xi32, #tpu.memory_space<vmem>>
          %dma_wait3A_97 = tpu.memref_squeeze %dma_wait3A_96 : memref<1x128xi32, #tpu.memory_space<vmem>> -> memref<128xi32, #tpu.memory_space<vmem>>
          %dma_wait3A_98 = arith.constant 0 : i32
          %dma_wait3A_99 = arith.constant 0 : i32
          %dma_wait3A_100 = tpu.memref_slice %arg11[%dma_wait3A_98, %dma_wait3A_99] : memref<10240x128xf32, #tpu.memory_space<vmem_shared>> -> memref<10240x128xf32, #tpu.memory_space<vmem_shared>>
          tpu.wait_indirect_dma semaphore(%run_scoped3A : memref<!tpu.dma_semaphore, #tpu.memory_space<semaphore_mem>>) src(%arg9 : memref<128x128xf32, #tpu.memory_space<vmem>>) dst(%dma_wait3A_100 : memref<10240x128xf32, #tpu.memory_space<vmem_shared>>)
          tpu.yield
        }) : () -> ()
        %dma_wait3A_83 = arith.constant 0 : i32
        %dma_wait3A_84 = tpu.memref_slice %arg7[%add3A_66, %dma_wait3A_83] : memref<40x128xi32, #tpu.memory_space<vmem>> -> memref<1x128xi32, #tpu.memory_space<vmem>>
        %dma_wait3A_85 = tpu.memref_squeeze %dma_wait3A_84 : memref<1x128xi32, #tpu.memory_space<vmem>> -> memref<128xi32, #tpu.memory_space<vmem>>
        %dma_wait3A_86 = arith.constant 0 : i32
        %dma_wait3A_87 = arith.constant 0 : i32
        %dma_wait3A_88 = tpu.memref_slice %arg2[%dma_wait3A_86, %dma_wait3A_87] : memref<10240x128xf32, #tpu.memory_space<hbm>> -> memref<10240x128xf32, #tpu.memory_space<hbm>>
        tpu.wait_indirect_dma semaphore(%arg13 : memref<!tpu.dma_semaphore, #tpu.memory_space<semaphore_mem>>) src(%dma_wait3A_88 : memref<10240x128xf32, #tpu.memory_space<hbm>>) dst(%arg10 : memref<128x128xf32, #tpu.memory_space<vmem>>)
        "tpu.region"() ({
          %run_scoped3A = tpu.sem_alloc : memref<!tpu.dma_semaphore, #tpu.memory_space<semaphore_mem>>
          %dma_start3A_89 = arith.constant 0 : i32
          %dma_start3A_90 = tpu.memref_slice %arg8[%add3A_66, %dma_start3A_89] : memref<40x128xi32, #tpu.memory_space<vmem>> -> memref<1x128xi32, #tpu.memory_space<vmem>>
          %dma_start3A_91 = tpu.memref_squeeze %dma_start3A_90 : memref<1x128xi32, #tpu.memory_space<vmem>> -> memref<128xi32, #tpu.memory_space<vmem>>
          %dma_start3A_92 = arith.constant 0 : i32
          %dma_start3A_93 = arith.constant 0 : i32
          %dma_start3A_94 = tpu.memref_slice %arg11[%dma_start3A_92, %dma_start3A_93] : memref<10240x128xf32, #tpu.memory_space<vmem_shared>> -> memref<10240x128xf32, #tpu.memory_space<vmem_shared>>
          tpu.enqueue_indirect_dma source(%arg10 : memref<128x128xf32, #tpu.memory_space<vmem>>) target(%dma_start3A_94 : memref<10240x128xf32, #tpu.memory_space<vmem_shared>>) offsets(%dma_start3A_91 : memref<128xi32, #tpu.memory_space<vmem>>) semaphore(%run_scoped3A : memref<!tpu.dma_semaphore, #tpu.memory_space<semaphore_mem>>) {add = true}
          %dma_wait3A_95 = arith.constant 0 : i32
          %dma_wait3A_96 = tpu.memref_slice %arg8[%add3A_66, %dma_wait3A_95] : memref<40x128xi32, #tpu.memory_space<vmem>> -> memref<1x128xi32, #tpu.memory_space<vmem>>
          %dma_wait3A_97 = tpu.memref_squeeze %dma_wait3A_96 : memref<1x128xi32, #tpu.memory_space<vmem>> -> memref<128xi32, #tpu.memory_space<vmem>>
          %dma_wait3A_98 = arith.constant 0 : i32
          %dma_wait3A_99 = arith.constant 0 : i32
          %dma_wait3A_100 = tpu.memref_slice %arg11[%dma_wait3A_98, %dma_wait3A_99] : memref<10240x128xf32, #tpu.memory_space<vmem_shared>> -> memref<10240x128xf32, #tpu.memory_space<vmem_shared>>
          tpu.wait_indirect_dma semaphore(%run_scoped3A : memref<!tpu.dma_semaphore, #tpu.memory_space<semaphore_mem>>) src(%arg10 : memref<128x128xf32, #tpu.memory_space<vmem>>) dst(%dma_wait3A_100 : memref<10240x128xf32, #tpu.memory_space<vmem_shared>>)
          tpu.yield
        }) : () -> ()
      }
      %scan3A_57 = arith.constant 8 : i32
    } else {
    }
    %barrier3A_25 = arith.constant 0 : index
    tpu.barrier barrier_id(%barrier3A_25)
    %mul3A_26 = arith.constant 640 : i32
    %mul3A_27 = arith.muli %arg1, %mul3A_26 : i32
    %add3A_28 = arith.constant 0 : i32
    %add3A_29 = arith.addi %mul3A_27, %add3A_28 : i32
    "tpu.region"() ({
      %run_scoped3A = tpu.sem_alloc : memref<!tpu.dma_semaphore, #tpu.memory_space<semaphore_mem>>
      %dma_start3A = arith.constant 0 : i32
      %dma_start3A_46 = tpu.memref_slice %arg11[%add3A_29, %dma_start3A] : memref<10240x128xf32, #tpu.memory_space<vmem_shared>> -> memref<128x128xf32, #tpu.memory_space<vmem_shared>>
      %dma_start3A_47 = arith.constant 0 : i32
      %dma_start3A_48 = tpu.memref_slice %arg11[%add3A_29, %dma_start3A_47] : memref<10240x128xf32, #tpu.memory_space<vmem_shared>> -> memref<128x128xf32, #tpu.memory_space<vmem_shared>>
      tpu.enqueue_dma source(%dma_start3A_48 : memref<128x128xf32, #tpu.memory_space<vmem_shared>>) target(%arg9 : memref<128x128xf32, #tpu.memory_space<vmem>>) target_semaphore(%run_scoped3A : memref<!tpu.dma_semaphore, #tpu.memory_space<semaphore_mem>>)
      %dma_wait3A = arith.constant 0 : i32
      %dma_wait3A_49 = tpu.memref_slice %arg11[%add3A_29, %dma_wait3A] : memref<10240x128xf32, #tpu.memory_space<vmem_shared>> -> memref<128x128xf32, #tpu.memory_space<vmem_shared>>
      %dma_wait3A_50 = arith.constant 0 : i32
      %dma_wait3A_51 = tpu.memref_slice %arg11[%add3A_29, %dma_wait3A_50] : memref<10240x128xf32, #tpu.memory_space<vmem_shared>> -> memref<128x128xf32, #tpu.memory_space<vmem_shared>>
      tpu.wait_dma2 semaphore(%run_scoped3A : memref<!tpu.dma_semaphore, #tpu.memory_space<semaphore_mem>>) src(%dma_wait3A_51 : memref<128x128xf32, #tpu.memory_space<vmem_shared>>) dst(%arg9 : memref<128x128xf32, #tpu.memory_space<vmem>>)
      tpu.yield
    }) : () -> ()
    "tpu.region"() ({
      %run_scoped3A = tpu.sem_alloc : memref<!tpu.dma_semaphore, #tpu.memory_space<semaphore_mem>>
      %dma_start3A = arith.constant 0 : i32
      %dma_start3A_46 = tpu.memref_slice %arg6[%arg0, %add3A_29, %dma_start3A] : memref<2x10240x128xf32, #tpu.memory_space<hbm>> -> memref<1x128x128xf32, #tpu.memory_space<hbm>>
      %dma_start3A_47 = tpu.memref_squeeze %dma_start3A_46 : memref<1x128x128xf32, #tpu.memory_space<hbm>> -> memref<128x128xf32, #tpu.memory_space<hbm>>
      %dma_start3A_48 = arith.constant 0 : i32
      %dma_start3A_49 = tpu.memref_slice %arg6[%arg0, %add3A_29, %dma_start3A_48] : memref<2x10240x128xf32, #tpu.memory_space<hbm>> -> memref<1x128x128xf32, #tpu.memory_space<hbm>>
      %dma_start3A_50 = tpu.memref_squeeze %dma_start3A_49 : memref<1x128x128xf32, #tpu.memory_space<hbm>> -> memref<128x128xf32, #tpu.memory_space<hbm>>
      tpu.enqueue_dma source(%arg9 : memref<128x128xf32, #tpu.memory_space<vmem>>) target(%dma_start3A_50 : memref<128x128xf32, #tpu.memory_space<hbm>>) target_semaphore(%run_scoped3A : memref<!tpu.dma_semaphore, #tpu.memory_space<semaphore_mem>>)
      %dma_wait3A = arith.constant 0 : i32
      %dma_wait3A_51 = tpu.memref_slice %arg6[%arg0, %add3A_29, %dma_wait3A] : memref<2x10240x128xf32, #tpu.memory_space<hbm>> -> memref<1x128x128xf32, #tpu.memory_space<hbm>>
      %dma_wait3A_52 = tpu.memref_squeeze %dma_wait3A_51 : memref<1x128x128xf32, #tpu.memory_space<hbm>> -> memref<128x128xf32, #tpu.memory_space<hbm>>
      %dma_wait3A_53 = arith.constant 0 : i32
      %dma_wait3A_54 = tpu.memref_slice %arg6[%arg0, %add3A_29, %dma_wait3A_53] : memref<2x10240x128xf32, #tpu.memory_space<hbm>> -> memref<1x128x128xf32, #tpu.memory_space<hbm>>
      %dma_wait3A_55 = tpu.memref_squeeze %dma_wait3A_54 : memref<1x128x128xf32, #tpu.memory_space<hbm>> -> memref<128x128xf32, #tpu.memory_space<hbm>>
      tpu.wait_dma2 semaphore(%run_scoped3A : memref<!tpu.dma_semaphore, #tpu.memory_space<semaphore_mem>>) src(%arg9 : memref<128x128xf32, #tpu.memory_space<vmem>>) dst(%dma_wait3A_55 : memref<128x128xf32, #tpu.memory_space<hbm>>)
      tpu.yield
    }) : () -> ()
    %mul3A_30 = arith.constant 640 : i32
    %mul3A_31 = arith.muli %arg1, %mul3A_30 : i32
    %add3A_32 = arith.constant 128 : i32
    %add3A_33 = arith.addi %mul3A_31, %add3A_32 : i32
    "tpu.region"() ({
      %run_scoped3A = tpu.sem_alloc : memref<!tpu.dma_semaphore, #tpu.memory_space<semaphore_mem>>
      %dma_start3A = arith.constant 0 : i32
      %dma_start3A_46 = tpu.memref_slice %arg11[%add3A_33, %dma_start3A] : memref<10240x128xf32, #tpu.memory_space<vmem_shared>> -> memref<128x128xf32, #tpu.memory_space<vmem_shared>>
      %dma_start3A_47 = arith.constant 0 : i32
      %dma_start3A_48 = tpu.memref_slice %arg11[%add3A_33, %dma_start3A_47] : memref<10240x128xf32, #tpu.memory_space<vmem_shared>> -> memref<128x128xf32, #tpu.memory_space<vmem_shared>>
      tpu.enqueue_dma source(%dma_start3A_48 : memref<128x128xf32, #tpu.memory_space<vmem_shared>>) target(%arg9 : memref<128x128xf32, #tpu.memory_space<vmem>>) target_semaphore(%run_scoped3A : memref<!tpu.dma_semaphore, #tpu.memory_space<semaphore_mem>>)
      %dma_wait3A = arith.constant 0 : i32
      %dma_wait3A_49 = tpu.memref_slice %arg11[%add3A_33, %dma_wait3A] : memref<10240x128xf32, #tpu.memory_space<vmem_shared>> -> memref<128x128xf32, #tpu.memory_space<vmem_shared>>
      %dma_wait3A_50 = arith.constant 0 : i32
      %dma_wait3A_51 = tpu.memref_slice %arg11[%add3A_33, %dma_wait3A_50] : memref<10240x128xf32, #tpu.memory_space<vmem_shared>> -> memref<128x128xf32, #tpu.memory_space<vmem_shared>>
      tpu.wait_dma2 semaphore(%run_scoped3A : memref<!tpu.dma_semaphore, #tpu.memory_space<semaphore_mem>>) src(%dma_wait3A_51 : memref<128x128xf32, #tpu.memory_space<vmem_shared>>) dst(%arg9 : memref<128x128xf32, #tpu.memory_space<vmem>>)
      tpu.yield
    }) : () -> ()
    "tpu.region"() ({
      %run_scoped3A = tpu.sem_alloc : memref<!tpu.dma_semaphore, #tpu.memory_space<semaphore_mem>>
      %dma_start3A = arith.constant 0 : i32
      %dma_start3A_46 = tpu.memref_slice %arg6[%arg0, %add3A_33, %dma_start3A] : memref<2x10240x128xf32, #tpu.memory_space<hbm>> -> memref<1x128x128xf32, #tpu.memory_space<hbm>>
      %dma_start3A_47 = tpu.memref_squeeze %dma_start3A_46 : memref<1x128x128xf32, #tpu.memory_space<hbm>> -> memref<128x128xf32, #tpu.memory_space<hbm>>
      %dma_start3A_48 = arith.constant 0 : i32
      %dma_start3A_49 = tpu.memref_slice %arg6[%arg0, %add3A_33, %dma_start3A_48] : memref<2x10240x128xf32, #tpu.memory_space<hbm>> -> memref<1x128x128xf32, #tpu.memory_space<hbm>>
      %dma_start3A_50 = tpu.memref_squeeze %dma_start3A_49 : memref<1x128x128xf32, #tpu.memory_space<hbm>> -> memref<128x128xf32, #tpu.memory_space<hbm>>
      tpu.enqueue_dma source(%arg9 : memref<128x128xf32, #tpu.memory_space<vmem>>) target(%dma_start3A_50 : memref<128x128xf32, #tpu.memory_space<hbm>>) target_semaphore(%run_scoped3A : memref<!tpu.dma_semaphore, #tpu.memory_space<semaphore_mem>>)
      %dma_wait3A = arith.constant 0 : i32
      %dma_wait3A_51 = tpu.memref_slice %arg6[%arg0, %add3A_33, %dma_wait3A] : memref<2x10240x128xf32, #tpu.memory_space<hbm>> -> memref<1x128x128xf32, #tpu.memory_space<hbm>>
      %dma_wait3A_52 = tpu.memref_squeeze %dma_wait3A_51 : memref<1x128x128xf32, #tpu.memory_space<hbm>> -> memref<128x128xf32, #tpu.memory_space<hbm>>
      %dma_wait3A_53 = arith.constant 0 : i32
      %dma_wait3A_54 = tpu.memref_slice %arg6[%arg0, %add3A_33, %dma_wait3A_53] : memref<2x10240x128xf32, #tpu.memory_space<hbm>> -> memref<1x128x128xf32, #tpu.memory_space<hbm>>
      %dma_wait3A_55 = tpu.memref_squeeze %dma_wait3A_54 : memref<1x128x128xf32, #tpu.memory_space<hbm>> -> memref<128x128xf32, #tpu.memory_space<hbm>>
      tpu.wait_dma2 semaphore(%run_scoped3A : memref<!tpu.dma_semaphore, #tpu.memory_space<semaphore_mem>>) src(%arg9 : memref<128x128xf32, #tpu.memory_space<vmem>>) dst(%dma_wait3A_55 : memref<128x128xf32, #tpu.memory_space<hbm>>)
      tpu.yield
    }) : () -> ()
    %mul3A_34 = arith.constant 640 : i32
    %mul3A_35 = arith.muli %arg1, %mul3A_34 : i32
    %add3A_36 = arith.constant 256 : i32
    %add3A_37 = arith.addi %mul3A_35, %add3A_36 : i32
    "tpu.region"() ({
      %run_scoped3A = tpu.sem_alloc : memref<!tpu.dma_semaphore, #tpu.memory_space<semaphore_mem>>
      %dma_start3A = arith.constant 0 : i32
      %dma_start3A_46 = tpu.memref_slice %arg11[%add3A_37, %dma_start3A] : memref<10240x128xf32, #tpu.memory_space<vmem_shared>> -> memref<128x128xf32, #tpu.memory_space<vmem_shared>>
      %dma_start3A_47 = arith.constant 0 : i32
      %dma_start3A_48 = tpu.memref_slice %arg11[%add3A_37, %dma_start3A_47] : memref<10240x128xf32, #tpu.memory_space<vmem_shared>> -> memref<128x128xf32, #tpu.memory_space<vmem_shared>>
      tpu.enqueue_dma source(%dma_start3A_48 : memref<128x128xf32, #tpu.memory_space<vmem_shared>>) target(%arg9 : memref<128x128xf32, #tpu.memory_space<vmem>>) target_semaphore(%run_scoped3A : memref<!tpu.dma_semaphore, #tpu.memory_space<semaphore_mem>>)
      %dma_wait3A = arith.constant 0 : i32
      %dma_wait3A_49 = tpu.memref_slice %arg11[%add3A_37, %dma_wait3A] : memref<10240x128xf32, #tpu.memory_space<vmem_shared>> -> memref<128x128xf32, #tpu.memory_space<vmem_shared>>
      %dma_wait3A_50 = arith.constant 0 : i32
      %dma_wait3A_51 = tpu.memref_slice %arg11[%add3A_37, %dma_wait3A_50] : memref<10240x128xf32, #tpu.memory_space<vmem_shared>> -> memref<128x128xf32, #tpu.memory_space<vmem_shared>>
      tpu.wait_dma2 semaphore(%run_scoped3A : memref<!tpu.dma_semaphore, #tpu.memory_space<semaphore_mem>>) src(%dma_wait3A_51 : memref<128x128xf32, #tpu.memory_space<vmem_shared>>) dst(%arg9 : memref<128x128xf32, #tpu.memory_space<vmem>>)
      tpu.yield
    }) : () -> ()
    "tpu.region"() ({
      %run_scoped3A = tpu.sem_alloc : memref<!tpu.dma_semaphore, #tpu.memory_space<semaphore_mem>>
      %dma_start3A = arith.constant 0 : i32
      %dma_start3A_46 = tpu.memref_slice %arg6[%arg0, %add3A_37, %dma_start3A] : memref<2x10240x128xf32, #tpu.memory_space<hbm>> -> memref<1x128x128xf32, #tpu.memory_space<hbm>>
      %dma_start3A_47 = tpu.memref_squeeze %dma_start3A_46 : memref<1x128x128xf32, #tpu.memory_space<hbm>> -> memref<128x128xf32, #tpu.memory_space<hbm>>
      %dma_start3A_48 = arith.constant 0 : i32
      %dma_start3A_49 = tpu.memref_slice %arg6[%arg0, %add3A_37, %dma_start3A_48] : memref<2x10240x128xf32, #tpu.memory_space<hbm>> -> memref<1x128x128xf32, #tpu.memory_space<hbm>>
      %dma_start3A_50 = tpu.memref_squeeze %dma_start3A_49 : memref<1x128x128xf32, #tpu.memory_space<hbm>> -> memref<128x128xf32, #tpu.memory_space<hbm>>
      tpu.enqueue_dma source(%arg9 : memref<128x128xf32, #tpu.memory_space<vmem>>) target(%dma_start3A_50 : memref<128x128xf32, #tpu.memory_space<hbm>>) target_semaphore(%run_scoped3A : memref<!tpu.dma_semaphore, #tpu.memory_space<semaphore_mem>>)
      %dma_wait3A = arith.constant 0 : i32
      %dma_wait3A_51 = tpu.memref_slice %arg6[%arg0, %add3A_37, %dma_wait3A] : memref<2x10240x128xf32, #tpu.memory_space<hbm>> -> memref<1x128x128xf32, #tpu.memory_space<hbm>>
      %dma_wait3A_52 = tpu.memref_squeeze %dma_wait3A_51 : memref<1x128x128xf32, #tpu.memory_space<hbm>> -> memref<128x128xf32, #tpu.memory_space<hbm>>
      %dma_wait3A_53 = arith.constant 0 : i32
      %dma_wait3A_54 = tpu.memref_slice %arg6[%arg0, %add3A_37, %dma_wait3A_53] : memref<2x10240x128xf32, #tpu.memory_space<hbm>> -> memref<1x128x128xf32, #tpu.memory_space<hbm>>
      %dma_wait3A_55 = tpu.memref_squeeze %dma_wait3A_54 : memref<1x128x128xf32, #tpu.memory_space<hbm>> -> memref<128x128xf32, #tpu.memory_space<hbm>>
      tpu.wait_dma2 semaphore(%run_scoped3A : memref<!tpu.dma_semaphore, #tpu.memory_space<semaphore_mem>>) src(%arg9 : memref<128x128xf32, #tpu.memory_space<vmem>>) dst(%dma_wait3A_55 : memref<128x128xf32, #tpu.memory_space<hbm>>)
      tpu.yield
    }) : () -> ()
    %mul3A_38 = arith.constant 640 : i32
    %mul3A_39 = arith.muli %arg1, %mul3A_38 : i32
    %add3A_40 = arith.constant 384 : i32
    %add3A_41 = arith.addi %mul3A_39, %add3A_40 : i32
    "tpu.region"() ({
      %run_scoped3A = tpu.sem_alloc : memref<!tpu.dma_semaphore, #tpu.memory_space<semaphore_mem>>
      %dma_start3A = arith.constant 0 : i32
      %dma_start3A_46 = tpu.memref_slice %arg11[%add3A_41, %dma_start3A] : memref<10240x128xf32, #tpu.memory_space<vmem_shared>> -> memref<128x128xf32, #tpu.memory_space<vmem_shared>>
      %dma_start3A_47 = arith.constant 0 : i32
      %dma_start3A_48 = tpu.memref_slice %arg11[%add3A_41, %dma_start3A_47] : memref<10240x128xf32, #tpu.memory_space<vmem_shared>> -> memref<128x128xf32, #tpu.memory_space<vmem_shared>>
      tpu.enqueue_dma source(%dma_start3A_48 : memref<128x128xf32, #tpu.memory_space<vmem_shared>>) target(%arg9 : memref<128x128xf32, #tpu.memory_space<vmem>>) target_semaphore(%run_scoped3A : memref<!tpu.dma_semaphore, #tpu.memory_space<semaphore_mem>>)
      %dma_wait3A = arith.constant 0 : i32
      %dma_wait3A_49 = tpu.memref_slice %arg11[%add3A_41, %dma_wait3A] : memref<10240x128xf32, #tpu.memory_space<vmem_shared>> -> memref<128x128xf32, #tpu.memory_space<vmem_shared>>
      %dma_wait3A_50 = arith.constant 0 : i32
      %dma_wait3A_51 = tpu.memref_slice %arg11[%add3A_41, %dma_wait3A_50] : memref<10240x128xf32, #tpu.memory_space<vmem_shared>> -> memref<128x128xf32, #tpu.memory_space<vmem_shared>>
      tpu.wait_dma2 semaphore(%run_scoped3A : memref<!tpu.dma_semaphore, #tpu.memory_space<semaphore_mem>>) src(%dma_wait3A_51 : memref<128x128xf32, #tpu.memory_space<vmem_shared>>) dst(%arg9 : memref<128x128xf32, #tpu.memory_space<vmem>>)
      tpu.yield
    }) : () -> ()
    "tpu.region"() ({
      %run_scoped3A = tpu.sem_alloc : memref<!tpu.dma_semaphore, #tpu.memory_space<semaphore_mem>>
      %dma_start3A = arith.constant 0 : i32
      %dma_start3A_46 = tpu.memref_slice %arg6[%arg0, %add3A_41, %dma_start3A] : memref<2x10240x128xf32, #tpu.memory_space<hbm>> -> memref<1x128x128xf32, #tpu.memory_space<hbm>>
      %dma_start3A_47 = tpu.memref_squeeze %dma_start3A_46 : memref<1x128x128xf32, #tpu.memory_space<hbm>> -> memref<128x128xf32, #tpu.memory_space<hbm>>
      %dma_start3A_48 = arith.constant 0 : i32
      %dma_start3A_49 = tpu.memref_slice %arg6[%arg0, %add3A_41, %dma_start3A_48] : memref<2x10240x128xf32, #tpu.memory_space<hbm>> -> memref<1x128x128xf32, #tpu.memory_space<hbm>>
      %dma_start3A_50 = tpu.memref_squeeze %dma_start3A_49 : memref<1x128x128xf32, #tpu.memory_space<hbm>> -> memref<128x128xf32, #tpu.memory_space<hbm>>
      tpu.enqueue_dma source(%arg9 : memref<128x128xf32, #tpu.memory_space<vmem>>) target(%dma_start3A_50 : memref<128x128xf32, #tpu.memory_space<hbm>>) target_semaphore(%run_scoped3A : memref<!tpu.dma_semaphore, #tpu.memory_space<semaphore_mem>>)
      %dma_wait3A = arith.constant 0 : i32
      %dma_wait3A_51 = tpu.memref_slice %arg6[%arg0, %add3A_41, %dma_wait3A] : memref<2x10240x128xf32, #tpu.memory_space<hbm>> -> memref<1x128x128xf32, #tpu.memory_space<hbm>>
      %dma_wait3A_52 = tpu.memref_squeeze %dma_wait3A_51 : memref<1x128x128xf32, #tpu.memory_space<hbm>> -> memref<128x128xf32, #tpu.memory_space<hbm>>
      %dma_wait3A_53 = arith.constant 0 : i32
      %dma_wait3A_54 = tpu.memref_slice %arg6[%arg0, %add3A_41, %dma_wait3A_53] : memref<2x10240x128xf32, #tpu.memory_space<hbm>> -> memref<1x128x128xf32, #tpu.memory_space<hbm>>
      %dma_wait3A_55 = tpu.memref_squeeze %dma_wait3A_54 : memref<1x128x128xf32, #tpu.memory_space<hbm>> -> memref<128x128xf32, #tpu.memory_space<hbm>>
      tpu.wait_dma2 semaphore(%run_scoped3A : memref<!tpu.dma_semaphore, #tpu.memory_space<semaphore_mem>>) src(%arg9 : memref<128x128xf32, #tpu.memory_space<vmem>>) dst(%dma_wait3A_55 : memref<128x128xf32, #tpu.memory_space<hbm>>)
      tpu.yield
    }) : () -> ()
    %mul3A_42 = arith.constant 640 : i32
    %mul3A_43 = arith.muli %arg1, %mul3A_42 : i32
    %add3A_44 = arith.constant 512 : i32
    %add3A_45 = arith.addi %mul3A_43, %add3A_44 : i32
    "tpu.region"() ({
      %run_scoped3A = tpu.sem_alloc : memref<!tpu.dma_semaphore, #tpu.memory_space<semaphore_mem>>
      %dma_start3A = arith.constant 0 : i32
      %dma_start3A_46 = tpu.memref_slice %arg11[%add3A_45, %dma_start3A] : memref<10240x128xf32, #tpu.memory_space<vmem_shared>> -> memref<128x128xf32, #tpu.memory_space<vmem_shared>>
      %dma_start3A_47 = arith.constant 0 : i32
      %dma_start3A_48 = tpu.memref_slice %arg11[%add3A_45, %dma_start3A_47] : memref<10240x128xf32, #tpu.memory_space<vmem_shared>> -> memref<128x128xf32, #tpu.memory_space<vmem_shared>>
      tpu.enqueue_dma source(%dma_start3A_48 : memref<128x128xf32, #tpu.memory_space<vmem_shared>>) target(%arg9 : memref<128x128xf32, #tpu.memory_space<vmem>>) target_semaphore(%run_scoped3A : memref<!tpu.dma_semaphore, #tpu.memory_space<semaphore_mem>>)
      %dma_wait3A = arith.constant 0 : i32
      %dma_wait3A_49 = tpu.memref_slice %arg11[%add3A_45, %dma_wait3A] : memref<10240x128xf32, #tpu.memory_space<vmem_shared>> -> memref<128x128xf32, #tpu.memory_space<vmem_shared>>
      %dma_wait3A_50 = arith.constant 0 : i32
      %dma_wait3A_51 = tpu.memref_slice %arg11[%add3A_45, %dma_wait3A_50] : memref<10240x128xf32, #tpu.memory_space<vmem_shared>> -> memref<128x128xf32, #tpu.memory_space<vmem_shared>>
      tpu.wait_dma2 semaphore(%run_scoped3A : memref<!tpu.dma_semaphore, #tpu.memory_space<semaphore_mem>>) src(%dma_wait3A_51 : memref<128x128xf32, #tpu.memory_space<vmem_shared>>) dst(%arg9 : memref<128x128xf32, #tpu.memory_space<vmem>>)
      tpu.yield
    }) : () -> ()
    "tpu.region"() ({
      %run_scoped3A = tpu.sem_alloc : memref<!tpu.dma_semaphore, #tpu.memory_space<semaphore_mem>>
      %dma_start3A = arith.constant 0 : i32
      %dma_start3A_46 = tpu.memref_slice %arg6[%arg0, %add3A_45, %dma_start3A] : memref<2x10240x128xf32, #tpu.memory_space<hbm>> -> memref<1x128x128xf32, #tpu.memory_space<hbm>>
      %dma_start3A_47 = tpu.memref_squeeze %dma_start3A_46 : memref<1x128x128xf32, #tpu.memory_space<hbm>> -> memref<128x128xf32, #tpu.memory_space<hbm>>
      %dma_start3A_48 = arith.constant 0 : i32
      %dma_start3A_49 = tpu.memref_slice %arg6[%arg0, %add3A_45, %dma_start3A_48] : memref<2x10240x128xf32, #tpu.memory_space<hbm>> -> memref<1x128x128xf32, #tpu.memory_space<hbm>>
      %dma_start3A_50 = tpu.memref_squeeze %dma_start3A_49 : memref<1x128x128xf32, #tpu.memory_space<hbm>> -> memref<128x128xf32, #tpu.memory_space<hbm>>
      tpu.enqueue_dma source(%arg9 : memref<128x128xf32, #tpu.memory_space<vmem>>) target(%dma_start3A_50 : memref<128x128xf32, #tpu.memory_space<hbm>>) target_semaphore(%run_scoped3A : memref<!tpu.dma_semaphore, #tpu.memory_space<semaphore_mem>>)
      %dma_wait3A = arith.constant 0 : i32
      %dma_wait3A_51 = tpu.memref_slice %arg6[%arg0, %add3A_45, %dma_wait3A] : memref<2x10240x128xf32, #tpu.memory_space<hbm>> -> memref<1x128x128xf32, #tpu.memory_space<hbm>>
      %dma_wait3A_52 = tpu.memref_squeeze %dma_wait3A_51 : memref<1x128x128xf32, #tpu.memory_space<hbm>> -> memref<128x128xf32, #tpu.memory_space<hbm>>
      %dma_wait3A_53 = arith.constant 0 : i32
      %dma_wait3A_54 = tpu.memref_slice %arg6[%arg0, %add3A_45, %dma_wait3A_53] : memref<2x10240x128xf32, #tpu.memory_space<hbm>> -> memref<1x128x128xf32, #tpu.memory_space<hbm>>
      %dma_wait3A_55 = tpu.memref_squeeze %dma_wait3A_54 : memref<1x128x128xf32, #tpu.memory_space<hbm>> -> memref<128x128xf32, #tpu.memory_space<hbm>>
      tpu.wait_dma2 semaphore(%run_scoped3A : memref<!tpu.dma_semaphore, #tpu.memory_space<semaphore_mem>>) src(%arg9 : memref<128x128xf32, #tpu.memory_space<vmem>>) dst(%dma_wait3A_55 : memref<128x128xf32, #tpu.memory_space<hbm>>)
      tpu.yield
    }) : () -> ()
    return
  }
}

module attributes {stable_mosaic.version = 14 : i64} {
  func.func @_tc_a_body(%arg0: i32, %arg1: memref<512x128xf32, #tpu.memory_space<vmem>>, %arg2: memref<2x512x128xf32, #tpu.memory_space<vmem>>, %arg3: memref<128x128xf32, #tpu.memory_space<vmem>>, %arg4: memref<512x128xf32, #tpu.memory_space<vmem>>) attributes {dimension_semantics = [#tpu.dimension_semantics<arbitrary>], iteration_bounds = array<i64: 20>, scalar_prefetch = 0 : i64, scratch_operands = 0 : i64, tpu.core_type = #tpu.core_type<tc>, window_params = [{transform_indices = @transform_0, window_bounds = array<i64: 512, 128>}, {transform_indices = @transform_1, window_bounds = array<i64: 2, 512, 128>}, {pipeline_mode = #tpu.pipeline_mode<synchronous>, transform_indices = @transform_2, window_bounds = array<i64: 128, 128>}, {transform_indices = @transform_3, window_bounds = array<i64: 512, 128>}]} {
    %get3A = arith.constant 0 : index
    %get3A_0 = arith.constant 0 : index
    %get3A_1 = arith.constant 0 : index
    %get3A_2 = vector.load %arg2[%get3A, %get3A_0, %get3A_1] : memref<2x512x128xf32, #tpu.memory_space<vmem>>, vector<2x512x128xf32>
    %slice3A = vector.extract_strided_slice %get3A_2 {offsets = [0, 0, 0], sizes = [1, 512, 1], strides = [1, 1, 1]} : vector<2x512x128xf32> to vector<1x512x1xf32>
    %squeeze3A = vector.shape_cast %slice3A : vector<1x512x1xf32> to vector<512x1xf32>
    %slice3A_3 = vector.extract_strided_slice %get3A_2 {offsets = [1, 0, 0], sizes = [1, 512, 1], strides = [1, 1, 1]} : vector<2x512x128xf32> to vector<1x512x1xf32>
    %squeeze3A_4 = vector.shape_cast %slice3A_3 : vector<1x512x1xf32> to vector<512x1xf32>
    %add3A = arith.addf %squeeze3A, %squeeze3A_4 : vector<512x1xf32>
    %add3A_5 = arith.constant 1.000000e+00 : f32
    %add3A_6 = vector.broadcast %add3A_5 : f32 to vector<512x1xf32>
    %add3A_7 = arith.addf %add3A, %add3A_6 : vector<512x1xf32>
    %rsqrt3A = math.rsqrt %add3A_7 : vector<512x1xf32>
    %get3A_8 = arith.constant 0 : index
    %get3A_9 = arith.constant 0 : index
    %get3A_10 = vector.load %arg1[%get3A_8, %get3A_9] : memref<512x128xf32, #tpu.memory_space<vmem>>, vector<512x128xf32>
    %get3A_11 = arith.constant 0 : index
    %get3A_12 = arith.constant 0 : index
    %get3A_13 = vector.load %arg3[%get3A_11, %get3A_12] : memref<128x128xf32, #tpu.memory_space<vmem>>, vector<128x128xf32>
    %dot_general3A = arith.constant dense<0.000000e+00> : vector<512x128xf32>
    %dot_general3A_14 = tpu.matmul %get3A_10, %get3A_13, %dot_general3A {dimension_numbers = #tpu.dot_dimension_numbers<[1], [0], [0], [1], [0, 0, 1, 1], [], []>, precision = #tpu.contract_precision<fp32>, transpose_lhs_hint = false} : vector<512x128xf32>, vector<128x128xf32>, vector<512x128xf32> -> vector<512x128xf32>
    %mul3A = vector.broadcast %rsqrt3A : vector<512x1xf32> to vector<512x128xf32>
    %mul3A_15 = arith.mulf %dot_general3A_14, %mul3A : vector<512x128xf32>
    %swap3A = arith.constant 0 : index
    %swap3A_16 = arith.constant 0 : index
    %swap3A_17 = vector.load %arg4[%swap3A, %swap3A_16] : memref<512x128xf32, #tpu.memory_space<vmem>>, vector<512x128xf32>
    tpu.vector_store %arg4[%swap3A, %swap3A_16], %mul3A_15 {strides = array<i32>} : memref<512x128xf32, #tpu.memory_space<vmem>>, vector<512x128xf32>,
    return
  }
  func.func @transform_0(%arg0: i32) -> (i32, i32) {
    %c0_i32 = arith.constant 0 : i32
    %c0_i32_0 = arith.constant 0 : i32
    return %arg0, %c0_i32 : i32, i32
  }
  func.func @transform_1(%arg0: i32) -> (i32, i32, i32) {
    %c0_i32 = arith.constant 0 : i32
    %c0_i32_0 = arith.constant 0 : i32
    %c0_i32_1 = arith.constant 0 : i32
    return %c0_i32, %arg0, %c0_i32_0 : i32, i32, i32
  }
  func.func @transform_2(%arg0: i32) -> (i32, i32) {
    %c0_i32 = arith.constant 0 : i32
    %c0_i32_0 = arith.constant 0 : i32
    %c0_i32_1 = arith.constant 0 : i32
    return %c0_i32, %c0_i32_0 : i32, i32
  }
  func.func @transform_3(%arg0: i32) -> (i32, i32) {
    %c0_i32 = arith.constant 0 : i32
    %c0_i32_0 = arith.constant 0 : i32
    return %arg0, %c0_i32 : i32, i32
  }
}

module attributes {stable_mosaic.version = 14 : i64} {
  func.func @_tc_b_body(%arg0: i32, %arg1: memref<2x512x128xf32, #tpu.memory_space<vmem>>, %arg2: memref<512x128xf32, #tpu.memory_space<vmem>>, %arg3: memref<2x512x128xf32, #tpu.memory_space<vmem>>, %arg4: memref<1x128xf32, #tpu.memory_space<vmem>>, %arg5: memref<128x128xf32, #tpu.memory_space<vmem>>, %arg6: memref<512x128xf32, #tpu.memory_space<vmem>>) attributes {dimension_semantics = [#tpu.dimension_semantics<arbitrary>], iteration_bounds = array<i64: 20>, scalar_prefetch = 0 : i64, scratch_operands = 0 : i64, tpu.core_type = #tpu.core_type<tc>, window_params = [{transform_indices = @transform_0, window_bounds = array<i64: 2, 512, 128>}, {transform_indices = @transform_1, window_bounds = array<i64: 512, 128>}, {transform_indices = @transform_2, window_bounds = array<i64: 2, 512, 128>}, {pipeline_mode = #tpu.pipeline_mode<synchronous>, transform_indices = @transform_3, window_bounds = array<i64: 1, 128>}, {pipeline_mode = #tpu.pipeline_mode<synchronous>, transform_indices = @transform_4, window_bounds = array<i64: 128, 128>}, {transform_indices = @transform_5, window_bounds = array<i64: 512, 128>}]} {
    %get3A = arith.constant 0 : index
    %get3A_0 = arith.constant 0 : index
    %get3A_1 = arith.constant 0 : index
    %get3A_2 = vector.load %arg3[%get3A, %get3A_0, %get3A_1] : memref<2x512x128xf32, #tpu.memory_space<vmem>>, vector<2x512x128xf32>
    %slice3A = vector.extract_strided_slice %get3A_2 {offsets = [0, 0, 0], sizes = [1, 512, 1], strides = [1, 1, 1]} : vector<2x512x128xf32> to vector<1x512x1xf32>
    %squeeze3A = vector.shape_cast %slice3A : vector<1x512x1xf32> to vector<512x1xf32>
    %slice3A_3 = vector.extract_strided_slice %get3A_2 {offsets = [1, 0, 0], sizes = [1, 512, 1], strides = [1, 1, 1]} : vector<2x512x128xf32> to vector<1x512x1xf32>
    %squeeze3A_4 = vector.shape_cast %slice3A_3 : vector<1x512x1xf32> to vector<512x1xf32>
    %add3A = arith.addf %squeeze3A, %squeeze3A_4 : vector<512x1xf32>
    %add3A_5 = arith.constant 1.000000e+00 : f32
    %add3A_6 = vector.broadcast %add3A_5 : f32 to vector<512x1xf32>
    %add3A_7 = arith.addf %add3A, %add3A_6 : vector<512x1xf32>
    %rsqrt3A = math.rsqrt %add3A_7 : vector<512x1xf32>
    %get3A_8 = arith.constant 0 : index
    %get3A_9 = arith.constant 0 : index
    %get3A_10 = arith.constant 0 : index
    %get3A_11 = vector.load %arg1[%get3A_8, %get3A_9, %get3A_10] : memref<2x512x128xf32, #tpu.memory_space<vmem>>, vector<1x512x128xf32>
    %get3A_12 = vector.shape_cast %get3A_11 : vector<1x512x128xf32> to vector<512x128xf32>
    %get3A_13 = arith.constant 1 : index
    %get3A_14 = arith.constant 0 : index
    %get3A_15 = arith.constant 0 : index
    %get3A_16 = vector.load %arg1[%get3A_13, %get3A_14, %get3A_15] : memref<2x512x128xf32, #tpu.memory_space<vmem>>, vector<1x512x128xf32>
    %get3A_17 = vector.shape_cast %get3A_16 : vector<1x512x128xf32> to vector<512x128xf32>
    %add3A_18 = arith.addf %get3A_12, %get3A_17 : vector<512x128xf32>
    %get3A_19 = arith.constant 0 : index
    %get3A_20 = arith.constant 0 : index
    %get3A_21 = vector.load %arg2[%get3A_19, %get3A_20] : memref<512x128xf32, #tpu.memory_space<vmem>>, vector<512x128xf32>
    %add3A_22 = arith.addf %add3A_18, %get3A_21 : vector<512x128xf32>
    %mul3A = vector.broadcast %rsqrt3A : vector<512x1xf32> to vector<512x128xf32>
    %mul3A_23 = arith.mulf %add3A_22, %mul3A : vector<512x128xf32>
    %get3A_24 = arith.constant 0 : index
    %get3A_25 = arith.constant 0 : index
    %get3A_26 = vector.load %arg4[%get3A_24, %get3A_25] : memref<1x128xf32, #tpu.memory_space<vmem>>, vector<1x128xf32>
    %add3A_27 = vector.broadcast %get3A_26 : vector<1x128xf32> to vector<512x128xf32>
    %add3A_28 = arith.addf %mul3A_23, %add3A_27 : vector<512x128xf32>
    %max3A = arith.constant 0.000000e+00 : f32
    %max3A_29 = vector.broadcast %max3A : f32 to vector<512x128xf32>
    %max3A_30 = arith.maximumf %add3A_28, %max3A_29 : vector<512x128xf32>
    %get3A_31 = arith.constant 0 : index
    %get3A_32 = arith.constant 0 : index
    %get3A_33 = vector.load %arg5[%get3A_31, %get3A_32] : memref<128x128xf32, #tpu.memory_space<vmem>>, vector<128x128xf32>
    %dot_general3A = arith.constant dense<0.000000e+00> : vector<512x128xf32>
    %dot_general3A_34 = tpu.matmul %max3A_30, %get3A_33, %dot_general3A {dimension_numbers = #tpu.dot_dimension_numbers<[1], [0], [0], [1], [0, 0, 1, 1], [], []>, precision = #tpu.contract_precision<fp32>, transpose_lhs_hint = false} : vector<512x128xf32>, vector<128x128xf32>, vector<512x128xf32> -> vector<512x128xf32>
    %mul3A_35 = vector.broadcast %rsqrt3A : vector<512x1xf32> to vector<512x128xf32>
    %mul3A_36 = arith.mulf %dot_general3A_34, %mul3A_35 : vector<512x128xf32>
    %swap3A = arith.constant 0 : index
    %swap3A_37 = arith.constant 0 : index
    %swap3A_38 = vector.load %arg6[%swap3A, %swap3A_37] : memref<512x128xf32, #tpu.memory_space<vmem>>, vector<512x128xf32>
    tpu.vector_store %arg6[%swap3A, %swap3A_37], %mul3A_36 {strides = array<i32>} : memref<512x128xf32, #tpu.memory_space<vmem>>, vector<512x128xf32>,
    return
  }
  func.func @transform_0(%arg0: i32) -> (i32, i32, i32) {
    %c0_i32 = arith.constant 0 : i32
    %c0_i32_0 = arith.constant 0 : i32
    %c0_i32_1 = arith.constant 0 : i32
    return %c0_i32, %arg0, %c0_i32_0 : i32, i32, i32
  }
  func.func @transform_1(%arg0: i32) -> (i32, i32) {
    %c0_i32 = arith.constant 0 : i32
    %c0_i32_0 = arith.constant 0 : i32
    return %arg0, %c0_i32 : i32, i32
  }
  func.func @transform_2(%arg0: i32) -> (i32, i32, i32) {
    %c0_i32 = arith.constant 0 : i32
    %c0_i32_0 = arith.constant 0 : i32
    %c0_i32_1 = arith.constant 0 : i32
    return %c0_i32, %arg0, %c0_i32_0 : i32, i32, i32
  }
  func.func @transform_3(%arg0: i32) -> (i32, i32) {
    %c0_i32 = arith.constant 0 : i32
    %c0_i32_0 = arith.constant 0 : i32
    %c0_i32_1 = arith.constant 0 : i32
    return %c0_i32, %c0_i32_0 : i32, i32
  }
  func.func @transform_4(%arg0: i32) -> (i32, i32) {
    %c0_i32 = arith.constant 0 : i32
    %c0_i32_0 = arith.constant 0 : i32
    %c0_i32_1 = arith.constant 0 : i32
    return %c0_i32, %c0_i32_0 : i32, i32
  }
  func.func @transform_5(%arg0: i32) -> (i32, i32) {
    %c0_i32 = arith.constant 0 : i32
    %c0_i32_0 = arith.constant 0 : i32
    return %arg0, %c0_i32 : i32, i32
  }
}

module attributes {stable_mosaic.version = 14 : i64} {
  func.func @_tc_c_body(%arg0: i32, %arg1: memref<2x512x128xf32, #tpu.memory_space<vmem>>, %arg2: memref<512x128xf32, #tpu.memory_space<vmem>>, %arg3: memref<2x512x128xf32, #tpu.memory_space<vmem>>, %arg4: memref<1x128xf32, #tpu.memory_space<vmem>>, %arg5: memref<512x128xf32, #tpu.memory_space<vmem>>) attributes {dimension_semantics = [#tpu.dimension_semantics<arbitrary>], iteration_bounds = array<i64: 20>, scalar_prefetch = 0 : i64, scratch_operands = 0 : i64, tpu.core_type = #tpu.core_type<tc>, window_params = [{transform_indices = @transform_0, window_bounds = array<i64: 2, 512, 128>}, {transform_indices = @transform_1, window_bounds = array<i64: 512, 128>}, {transform_indices = @transform_2, window_bounds = array<i64: 2, 512, 128>}, {pipeline_mode = #tpu.pipeline_mode<synchronous>, transform_indices = @transform_3, window_bounds = array<i64: 1, 128>}, {transform_indices = @transform_4, window_bounds = array<i64: 512, 128>}]} {
    %get3A = arith.constant 0 : index
    %get3A_0 = arith.constant 0 : index
    %get3A_1 = arith.constant 0 : index
    %get3A_2 = vector.load %arg3[%get3A, %get3A_0, %get3A_1] : memref<2x512x128xf32, #tpu.memory_space<vmem>>, vector<2x512x128xf32>
    %slice3A = vector.extract_strided_slice %get3A_2 {offsets = [0, 0, 0], sizes = [1, 512, 1], strides = [1, 1, 1]} : vector<2x512x128xf32> to vector<1x512x1xf32>
    %squeeze3A = vector.shape_cast %slice3A : vector<1x512x1xf32> to vector<512x1xf32>
    %slice3A_3 = vector.extract_strided_slice %get3A_2 {offsets = [1, 0, 0], sizes = [1, 512, 1], strides = [1, 1, 1]} : vector<2x512x128xf32> to vector<1x512x1xf32>
    %squeeze3A_4 = vector.shape_cast %slice3A_3 : vector<1x512x1xf32> to vector<512x1xf32>
    %add3A = arith.addf %squeeze3A, %squeeze3A_4 : vector<512x1xf32>
    %add3A_5 = arith.constant 1.000000e+00 : f32
    %add3A_6 = vector.broadcast %add3A_5 : f32 to vector<512x1xf32>
    %add3A_7 = arith.addf %add3A, %add3A_6 : vector<512x1xf32>
    %rsqrt3A = math.rsqrt %add3A_7 : vector<512x1xf32>
    %get3A_8 = arith.constant 0 : index
    %get3A_9 = arith.constant 0 : index
    %get3A_10 = arith.constant 0 : index
    %get3A_11 = vector.load %arg1[%get3A_8, %get3A_9, %get3A_10] : memref<2x512x128xf32, #tpu.memory_space<vmem>>, vector<1x512x128xf32>
    %get3A_12 = vector.shape_cast %get3A_11 : vector<1x512x128xf32> to vector<512x128xf32>
    %get3A_13 = arith.constant 1 : index
    %get3A_14 = arith.constant 0 : index
    %get3A_15 = arith.constant 0 : index
    %get3A_16 = vector.load %arg1[%get3A_13, %get3A_14, %get3A_15] : memref<2x512x128xf32, #tpu.memory_space<vmem>>, vector<1x512x128xf32>
    %get3A_17 = vector.shape_cast %get3A_16 : vector<1x512x128xf32> to vector<512x128xf32>
    %add3A_18 = arith.addf %get3A_12, %get3A_17 : vector<512x128xf32>
    %get3A_19 = arith.constant 0 : index
    %get3A_20 = arith.constant 0 : index
    %get3A_21 = vector.load %arg2[%get3A_19, %get3A_20] : memref<512x128xf32, #tpu.memory_space<vmem>>, vector<512x128xf32>
    %add3A_22 = arith.addf %add3A_18, %get3A_21 : vector<512x128xf32>
    %mul3A = vector.broadcast %rsqrt3A : vector<512x1xf32> to vector<512x128xf32>
    %mul3A_23 = arith.mulf %add3A_22, %mul3A : vector<512x128xf32>
    %get3A_24 = arith.constant 0 : index
    %get3A_25 = arith.constant 0 : index
    %get3A_26 = vector.load %arg4[%get3A_24, %get3A_25] : memref<1x128xf32, #tpu.memory_space<vmem>>, vector<1x128xf32>
    %add3A_27 = vector.broadcast %get3A_26 : vector<1x128xf32> to vector<512x128xf32>
    %add3A_28 = arith.addf %mul3A_23, %add3A_27 : vector<512x128xf32>
    %max3A = arith.constant 0.000000e+00 : f32
    %max3A_29 = vector.broadcast %max3A : f32 to vector<512x128xf32>
    %max3A_30 = arith.maximumf %add3A_28, %max3A_29 : vector<512x128xf32>
    %swap3A = arith.constant 0 : index
    %swap3A_31 = arith.constant 0 : index
    %swap3A_32 = vector.load %arg5[%swap3A, %swap3A_31] : memref<512x128xf32, #tpu.memory_space<vmem>>, vector<512x128xf32>
    tpu.vector_store %arg5[%swap3A, %swap3A_31], %max3A_30 {strides = array<i32>} : memref<512x128xf32, #tpu.memory_space<vmem>>, vector<512x128xf32>,
    return
  }
  func.func @transform_0(%arg0: i32) -> (i32, i32, i32) {
    %c0_i32 = arith.constant 0 : i32
    %c0_i32_0 = arith.constant 0 : i32
    %c0_i32_1 = arith.constant 0 : i32
    return %c0_i32, %arg0, %c0_i32_0 : i32, i32, i32
  }
  func.func @transform_1(%arg0: i32) -> (i32, i32) {
    %c0_i32 = arith.constant 0 : i32
    %c0_i32_0 = arith.constant 0 : i32
    return %arg0, %c0_i32 : i32, i32
  }
  func.func @transform_2(%arg0: i32) -> (i32, i32, i32) {
    %c0_i32 = arith.constant 0 : i32
    %c0_i32_0 = arith.constant 0 : i32
    %c0_i32_1 = arith.constant 0 : i32
    return %c0_i32, %arg0, %c0_i32_0 : i32, i32, i32
  }
  func.func @transform_3(%arg0: i32) -> (i32, i32) {
    %c0_i32 = arith.constant 0 : i32
    %c0_i32_0 = arith.constant 0 : i32
    %c0_i32_1 = arith.constant 0 : i32
    return %c0_i32, %c0_i32_0 : i32, i32
  }
  func.func @transform_4(%arg0: i32) -> (i32, i32) {
    %c0_i32 = arith.constant 0 : i32
    %c0_i32_0 = arith.constant 0 : i32
    return %arg0, %c0_i32 : i32, i32
  }
}

module attributes {stable_mosaic.version = 14 : i64} {
  func.func @_tc_d_body(%arg0: memref<2x256x128xf32, #tpu.memory_space<vmem>>, %arg1: memref<2x256x128xf32, #tpu.memory_space<vmem>>, %arg2: memref<1x128xf32, #tpu.memory_space<vmem>>, %arg3: memref<1x1xf32, #tpu.memory_space<vmem>>, %arg4: memref<256x1xf32, #tpu.memory_space<vmem>>) attributes {dimension_semantics = [], scalar_prefetch = 0 : i64, scratch_operands = 0 : i64, tpu.core_type = #tpu.core_type<tc>} {
    %get3A = arith.constant 0 : index
    %get3A_0 = arith.constant 0 : index
    %get3A_1 = arith.constant 0 : index
    %get3A_2 = vector.load %arg0[%get3A, %get3A_0, %get3A_1] : memref<2x256x128xf32, #tpu.memory_space<vmem>>, vector<1x256x128xf32>
    %get3A_3 = vector.shape_cast %get3A_2 : vector<1x256x128xf32> to vector<256x128xf32>
    %get3A_4 = arith.constant 1 : index
    %get3A_5 = arith.constant 0 : index
    %get3A_6 = arith.constant 0 : index
    %get3A_7 = vector.load %arg0[%get3A_4, %get3A_5, %get3A_6] : memref<2x256x128xf32, #tpu.memory_space<vmem>>, vector<1x256x128xf32>
    %get3A_8 = vector.shape_cast %get3A_7 : vector<1x256x128xf32> to vector<256x128xf32>
    %add3A = arith.addf %get3A_3, %get3A_8 : vector<256x128xf32>
    %get3A_9 = arith.constant 0 : index
    %get3A_10 = arith.constant 0 : index
    %get3A_11 = arith.constant 0 : index
    %get3A_12 = vector.load %arg1[%get3A_9, %get3A_10, %get3A_11] : memref<2x256x128xf32, #tpu.memory_space<vmem>>, vector<1x256x1xf32>
    %get3A_13 = vector.shape_cast %get3A_12 : vector<1x256x1xf32> to vector<256x1xf32>
    %get3A_14 = arith.constant 1 : index
    %get3A_15 = arith.constant 0 : index
    %get3A_16 = arith.constant 0 : index
    %get3A_17 = vector.load %arg1[%get3A_14, %get3A_15, %get3A_16] : memref<2x256x128xf32, #tpu.memory_space<vmem>>, vector<1x256x1xf32>
    %get3A_18 = vector.shape_cast %get3A_17 : vector<1x256x1xf32> to vector<256x1xf32>
    %add3A_19 = arith.addf %get3A_13, %get3A_18 : vector<256x1xf32>
    %max3A = arith.constant 1.000000e+00 : f32
    %max3A_20 = vector.broadcast %max3A : f32 to vector<256x1xf32>
    %max3A_21 = arith.maximumf %add3A_19, %max3A_20 : vector<256x1xf32>
    %div3A = vector.broadcast %max3A_21 : vector<256x1xf32> to vector<256x128xf32>
    %div3A_22 = arith.divf %add3A, %div3A : vector<256x128xf32>
    %get3A_23 = arith.constant 0 : index
    %get3A_24 = arith.constant 0 : index
    %get3A_25 = vector.load %arg2[%get3A_23, %get3A_24] : memref<1x128xf32, #tpu.memory_space<vmem>>, vector<1x128xf32>
    %mul3A = vector.broadcast %get3A_25 : vector<1x128xf32> to vector<256x128xf32>
    %mul3A_26 = arith.mulf %div3A_22, %mul3A : vector<256x128xf32>
    %reduce_sum3A = arith.constant dense<0.000000e+00> : vector<256xf32>
    %reduce_sum3A_27 = vector.multi_reduction <add>, %mul3A_26, %reduce_sum3A [1] : vector<256x128xf32> to vector<256xf32>
    %broadcast_in_dim3A = vector.shape_cast %reduce_sum3A_27 : vector<256xf32> to vector<256x1xf32>
    %get3A_28 = arith.constant 0 : index
    %get3A_29 = arith.constant 0 : index
    %get3A_30 = vector.load %arg3[%get3A_28, %get3A_29] : memref<1x1xf32, #tpu.memory_space<vmem>>, vector<1x1xf32>
    %add3A_31 = vector.broadcast %get3A_30 : vector<1x1xf32> to vector<256x1xf32>
    %add3A_32 = arith.addf %broadcast_in_dim3A, %add3A_31 : vector<256x1xf32>
    %logistic3A = arith.negf %add3A_32 : vector<256x1xf32>
    %logistic3A_33 = math.exp %logistic3A : vector<256x1xf32>
    %logistic3A_34 = arith.constant 1.000000e+00 : f32
    %logistic3A_35 = vector.broadcast %logistic3A_34 : f32 to vector<256x1xf32>
    %logistic3A_36 = arith.addf %logistic3A_35, %logistic3A_33 : vector<256x1xf32>
    %logistic3A_37 = arith.divf %logistic3A_35, %logistic3A_36 : vector<256x1xf32>
    %swap3A = arith.constant 0 : index
    %swap3A_38 = arith.constant 0 : index
    %swap3A_39 = vector.load %arg4[%swap3A, %swap3A_38] : memref<256x1xf32, #tpu.memory_space<vmem>>, vector<256x1xf32>
    tpu.vector_store %arg4[%swap3A, %swap3A_38], %logistic3A_37 {strides = array<i32>} : memref<256x1xf32, #tpu.memory_space<vmem>>, vector<256x1xf32>,
    return
  }
}

</mosaic_0001>

<sc_bundles>
// kernel: kernel.10.cloned.1.call-start
scs
__scs_entry_jumppad:
0x0: {  	(pc) =	sbr.rel $0x88, $3  }
0x1: {  	(tag) =	ssettag $0x0;
	lr =	simm.s32 $0x1  }
0x2: {  	[smem:$0x3F98] =	sst lr;
	_ =	strace $0xD0000000  }
0x3: {  	_ = 	snop  }
0x4: {  	_ = 	snop  }
0x5: {  	_ = 	snop  }
0x6: {  	_ = 	snop  }
0x7: {  	_ = 	snop  }
__scs_overlays_trampoline_lowered:
0x8: {  	[smem:$0x3FA7] =	sst s0  }
0x9: {  	[smem:$0x3FA8] =	sst s1  }
0xa: {  	[smem:$0x3FA9] =	sst s2  }
0xb: {  	[smem:$0x3FAA] =	sst s3  }
0xc: {  	[smem:$0x3FAB] =	sst s4  }
0xd: {  	[smem:$0x3FAC] =	sst s5  }
0xe: {  	[smem:$0x3FAD] =	sst s6  }
0xf: {  	[smem:$0x3FAE] =	sst s7  }
0x10: {  	[smem:$0x3FAF] =	sst s8  }
0x11: {  	[smem:$0x3FB0] =	sst s9;
	s0 =	simm.s32 @!p0 $0x0  }
0x12: {  	s1 =	sld [smem:$0x3F96];
	s0 =	simm.s32 @p0 $0x1  }
0x13: {  	[smem:$0x3FB1] =	sst s0;
	s0 =	simm.s32 @!p1 $0x0  }
0x14: {  	s2 =	sld [smem:$0x3F95];
	s0 =	simm.s32 @p1 $0x1  }
0x15: {  	[smem:$0x3FB2] =	sst s0;
	s0 =	simm.s32 @!p2 $0x0  }
0x16: {  	s3 =	sld [smem:$0x3FDB];
	s0 =	simm.s32 @p2 $0x1  }
0x17: {  	s4 =	simm.s32 $0x1BF5;
	[smem:$0x3FB4] =	sst s0  }
0x18: {  	s0 =	sld [smem:$0x3F97];
	_ =	swait.ge [sflag:s4], $0x0  }
0x19: {  	s7 =	sld [smem:$0x3F98]  }
0x1a: {  	s8 =	sadd.s32 $0xFFFFE003, lr  }
0x1b: {  	s9 =	sadd.s32 $0xFFFFFEF7, lr;
	s5 =	simm.s32 $0xFFFFFFFF;
	p2 =	slt.u32 s8, $0xFFFFF086  }
0x1c: {  	p1 =	slt.u32 s9, $0xF7A;
	s5 =	simm.s32 @!p2 $0x0  }
0x1d: {  	s5 =	simm.s32 @p1 $0x1;
	p0 =	seq.s32 s7, s2  }
0x1e: {  	s7 =	smul.u32 @!p0 $0xF7A, s2;
	p2 =	seq.s32 @!p0 s5, $0x0  }
0x1f: {  	s9 =	smul.u32 $0xF7A, s1;
	s8 =	simm.s32 @!p0 $0x1BF5;
	p2 =	por !p2, p0  }
0x20: {  	[sflag:s8] =	ssyncset.s32 @!p0 $0xFFFFF086;
	s6 =	sadd.s32 @!p0 s3, s7;
	s7 =	simm.s32 @!p0 $0x108  }
0x21: {  	s3 =	sadd.s32 s3, s9;
	s6 =	sadd.s32 @!p0 $0x88, s6;
	s7 =	simm.s32 @p2 $0x1082  }
0x22: {  	[simem:s7], [sflag:s8] =	dma.local @!p0 [hbm:s6], $0xF7A  }
0x23: {  	s9 =	sor.u32 $0xD0000000, s2;
	s6 =	simm.s32 $0x108;
	_ =	swait.ge @!p0 [sflag:s8], $0x0  }
0x24: {  	s3 =	sadd.s32 $0x88, s3;
	s6 =	simm.s32 @!p1 $0x1082;
	[sflag:s4] =	ssyncset.s32 $0xFFFFF086  }
0x25: {  	[simem:s6], [sflag:s4] =	dma.local [hbm:s3], $0xF7A  }
0x26: {  	[smem:$0x3F98] =	sst s1;
	(tag) =	ssettag s2;
	_ =	strace s9  }
0x27: {  	s1 =	sld [smem:$0x3FA8]  }
0x28: {  	s2 =	sld [smem:$0x3FA9]  }
0x29: {  	s4 =	sld [smem:$0x3FAB]  }
0x2a: {  	p0 =	seq.s32 s5, $0x0;
	s5 =	sld [smem:$0x3FAC]  }
0x2b: {  	s6 =	sld [smem:$0x3FAD]  }
0x2c: {  	s7 =	sld [smem:$0x3FAE]  }
0x2d: {  	s3 =	simm.s32 $0x108;
	s8 =	sld [smem:$0x3FAF]  }
0x2e: {  	s3 =	simm.s32 @!p0 $0x1082;
	s9 =	sld [smem:$0x3FB0]  }
0x2f: {  	lr =	sadd.s32 s0, s3;
	s0 =	sld [smem:$0x3FA7]  }
0x30: {  	s3 =	sld [smem:$0x3FAA]  }
0x31: {  	[smem:$0x3FB3] =	sst s10  }
0x32: {  	s10 =	sld [smem:$0x3FB1];
	_ =	sdelay $0x3  }
0x33: {  	p0 =	seq.s32 s10, $0x1;
	s10 =	sld [smem:$0x3FB3];
	_ =	sdelay $0x3  }
0x34: {  	[smem:$0x3FB3] =	sst s10  }
0x35: {  	s10 =	sld [smem:$0x3FB2];
	_ =	sdelay $0x3  }
0x36: {  	p1 =	seq.s32 s10, $0x1;
	s10 =	sld [smem:$0x3FB3];
	_ =	sdelay $0x3  }
0x37: {  	[smem:$0x3FB3] =	sst s10  }
0x38: {  	s10 =	sld [smem:$0x3FB4]  }
0x39: {  	_ = 	snop;
	(pc) =	sbr.ind lr, $3  }
0x3a: {  	_ = 	snop  }
0x3b: {  	_ = 	snop  }
0x3c: {  	p2 =	seq.s32 s10, $0x1;
	s10 =	sld [smem:$0x3FB3]  }
0x3d: {  	_ =	shalt  }
0x3e: {  	_ =	shalt  }
0x3f: {  	_ =	shalt  }
0x40: {  	_ =	shalt  }
0x41: {  	_ =	shalt  }
0x42: {  	_ =	shalt  }
0x43: {  	_ =	shalt  }
0x44: {  	_ =	shalt  }
0x45: {  	_ =	shalt  }
0x46: {  	_ =	shalt  }
0x47: {  	_ =	shalt  }
0x48: {  	_ =	shalt  }
0x49: {  	_ =	shalt  }
0x4a: {  	_ =	shalt  }
0x4b: {  	_ =	shalt  }
0x4c: {  	_ =	shalt  }
0x4d: {  	_ =	shalt  }
0x4e: {  	_ =	shalt  }
0x4f: {  	_ =	shalt  }
0x50: {  	_ =	shalt  }
0x51: {  	_ =	shalt  }
0x52: {  	_ =	shalt  }
0x53: {  	_ =	shalt  }
0x54: {  	_ =	shalt  }
0x55: {  	_ =	shalt  }
0x56: {  	_ =	shalt  }
0x57: {  	_ =	shalt  }
0x58: {  	_ =	shalt  }
0x59: {  	_ =	shalt  }
0x5a: {  	_ =	shalt  }
0x5b: {  	_ =	shalt  }
0x5c: {  	_ =	shalt  }
0x5d: {  	_ =	shalt  }
0x5e: {  	_ =	shalt  }
0x5f: {  	_ =	shalt  }
0x60: {  	_ =	shalt  }
0x61: {  	_ =	shalt  }
0x62: {  	_ =	shalt  }
0x63: {  	_ =	shalt  }
0x64: {  	_ =	shalt  }
0x65: {  	_ =	shalt  }
0x66: {  	_ =	shalt  }
0x67: {  	_ =	shalt  }
0x68: {  	_ =	shalt  }
0x69: {  	_ =	shalt  }
0x6a: {  	_ =	shalt  }
0x6b: {  	_ =	shalt  }
0x6c: {  	_ =	shalt  }
0x6d: {  	_ =	shalt  }
0x6e: {  	_ =	shalt  }
0x6f: {  	_ =	shalt  }
0x70: {  	_ =	shalt  }
0x71: {  	_ =	shalt  }
0x72: {  	_ =	shalt  }
0x73: {  	_ =	shalt  }
0x74: {  	_ =	shalt  }
0x75: {  	_ =	shalt  }
0x76: {  	_ =	shalt  }
0x77: {  	_ =	shalt  }
0x78: {  	_ =	shalt  }
0x79: {  	_ =	shalt  }
0x7a: {  	_ =	shalt  }
0x7b: {  	_ =	shalt  }
0x7c: {  	_ =	shalt  }
0x7d: {  	_ =	shalt  }
0x7e: {  	_ =	shalt  }
0x7f: {  	_ =	shalt  }
0x80: {  	_ =	shalt  }
0x81: {  	_ =	shalt  }
0x82: {  	_ =	shalt  }
0x83: {  	_ =	shalt  }
0x84: {  	_ =	shalt  }
0x85: {  	_ =	shalt  }
0x86: {  	_ =	shalt  }
0x87: {  	_ =	shalt  }
.Lfunc_end0:
.L_simem_size_0:
called_computation_lowered:
.L_overlay_start_0:
0x88: {  	s2 =	sld [smem:$0x3FD9]  }
0x89: {  	s3 =	sld [smem:$0x3FFE];
	_ =	sdelay $0x1  }
0x8a: {  	s1 =	srdreg.scid  }
0x8b: {  	s0 =	sand.u32 $0x1, s1  }
0x8c: {  	s16 =	sshll.u32 s0, $0xA;
	s2 =	sadd.s32 s3, s2  }
0x8d: {  	s2 =	sadd.s32 s2, s16  }
0x8e: {  	[smem:$0x3FBF] =	sst s2  }
0x8f: {  	_ = 	snop  }
0x90: {  	(tm) =	ssettm $0x1  }
0x91: {  	s17 =	sld [smem:$0x3FFB];
	_ =	sdelay $0x3  }
0x92: {  	_ =	strace s17  }
0x93: {  	s2 =	sld [smem:$0x3FFC];
	_ =	sdelay $0x3  }
0x94: {  	_ =	strace s2  }
0x95: {  	s2 =	sld [smem:$0x3FFD];
	_ =	sdelay $0x3  }
0x96: {  	_ =	strace s2  }
0x97: {  	_ =	strace $0x8FFFFFFF  }
0x98: {  	s18 =	sld [smem:$0x3FDB];
	_ =	sdelay $0x1  }
0x99: {  	s19 =	simm.s32 $_scs_section_size  }
0x9a: {  	s4 =	simm.s32 $_size__tile_overlayer_lowered;
	s5 =	simm.s32 $_tile_overlayer_lowered  }
0x9b: {  	s22 =	simm.s32 $0x1BFF;
	s21 =	sshll.u32 s5, $0x1;
	s2 =	sadd.s32 s19, s18  }
0x9c: {  	s6 =	simm.s32 $0x0;
	s20 =	sshll.u32 s4, $0x1;
	s4 =	sadd.s32 s21, s2  }
0x9d: {  	[timem:s6], [sflag:s22] =	dma.local [hbm:s4], s20  }
0x9e: {  	_ =	swait.ge [sflag:s22], s20  }
0x9f: {  	s3 =	ssub.s32 $0x0, s20;
	[sflag:s22] =	ssyncset.done $0x0  }
0xa0: {  	[sflag:s22] =	ssyncadd.s32 s3;
	_ =	sdelay $0x1  }
0xa1: {  	s23 =	simm.s32 $0x1B8B  }
0xa2: {  	_ =	swait.ge [sflag:s23], $0x1  }
0xa3: {  	[sflag:s23] =	ssyncset.done $0x0  }
0xa4: {  	s25 =	simm.s32 $0x1B8E;
	s24 =	sld [smem:$0x3FFE];
	[sflag:s23] =	ssyncadd.s32 $0xFFFFFFFF  }
0xa5: {  	s26 =	simm.s32 $execute0_lowered;
	[smem:$0x3FD2] =	sst s25  }
0xa6: {  	s4 =	sshll.u32 s26, $0x1;
	_ =	strace $0x80000046;
	[dreg:$0x1] =	wrdreg $0xFFFFFFFF  }
0xa7: {  	s28 =	simm.s32 $_size_execute0_lowered;
	s2 =	sadd.s32 s2, s4;
	[dreg:$0x0] =	wrdreg $0x0  }
0xa8: {  	s4 =	sshll.u32 s28, $0x1;
	[dreg:$0x2] =	wrdreg s2  }
0xa9: {  	[dreg:$0x3] =	wrdreg s4  }
0xaa: {  	[dreg:$0x4] =	wrdreg $0xC0  }
0xab: {  	_ =	task [dreg:s6], $0x5FFFF  }
0xac: {  	[dreg:$0x1] =	wrdreg $0xFFFFFFFF  }
0xad: {  	[dreg:$0x0] =	wrdreg $0x60  }
0xae: {  	[dreg:$0x2] =	wrdreg s24  }
0xaf: {  	[dreg:$0x3] =	wrdreg $0xA8000  }
0xb0: {  	[dreg:$0x4] =	wrdreg $0x9  }
0xb1: {  	_ =	task.clear_ibuf [dreg:s6], $0x5FFFF;
	_ =	strace $0x90000046  }
0xb2: {  	s29 =	simm.s32 $0x9;
	_ =	strace $0x80000048  }
0xb3: {  	_ =	swait.ge [sflag:s29], $0x1  }
0xb4: {  	[sflag:s29] =	ssyncadd.s32 $0xFFFFFFFF  }
0xb5: {  	_ =	strace $0x90000048  }
0xb6: {  	_ =	sfence  }
0xb7: {  	s30 =	sld [smem:$0x0];
	_ =	sdelay $0x2  }
0xb8: {  	s31 =	sshll.u32 s1, $0xD;
	s1 =	sshrl.u32 s1, $0x2  }
0xb9: {  	s3 =	sand.u32 $0x4000, s31;
	s1 =	sadd.s32 s1, s30  }
0xba: {  	s0 =	sor.u32 s3, s0;
	s1 =	sshll.u32 s1, $0x11  }
0xbb: {  	s0 =	sor.u32 s1, s0  }
0xbc: {  	s0 =	sadd.s32 $0x8F2B, s0  }
0xbd: {  	[sflag:s0] =	ssyncadd.remote.s32 $0x1  }
0xbe: {  	_ =	sfence.sel $0xFFFF  }
0xbf: {  	[dreg:$0x0] =	wrdreg $0xFFFFFFFF;
	(pc) =	sbr.abs _section_cstart, $3  }
0xc0: {  	[dreg:$0x1] =	wrdreg $0xFFFFFFFF  }
0xc1: {  	_ =	task.clear_ibuf [dreg:s6], $0x2FFFF;
	_ =	strace $0x9FFFFFFF  }
0xc2: {  	(tm) =	ssettm $0x7FFFFFFF  }
0xc3: {  	_ =	shalt  }
tec
execute0_lowered:
.L_overlay_start_1:
0x0: {  	(tag) =	ssettag $0x1  }
0x1: {  	s6 =	rddreg [dreg:$0x0]  }
0x2: {  	s0 =	srdreg.scid;
	s2 =	rddreg [dreg:$0x1]  }
0x3: {  	s1 =	stileid.u32;
	s3 =	simm.s32 $0x0;
	s21 =	simm.s32 $0x80  }
0x4: {  	s22 =	simm.s32 $0x0;
	s8 =	sand.u32 $0x1, s0;
	s0 =	rddreg [dreg:$0x2]  }
0x5: {  	[smem:$0x7FF] =	sst s3;
	s9 =	smul.u32 $0x50000, s1;
	s5 =	sadd.s32 $0x17600, s6  }
0x6: {  	s16 =	sadd.s32 $0x18600, s6;
	s11 =	smul.u32 $0x14000, s1;
	s4 =	sshll.u32 s8, $0x4  }
0x7: {  	_ =	strace $0x80000047;
	s31 =	ssub.s32 $0x2, s8;
	s15 =	smul.u32 $0x140000, s8  }
0x8: {  	s4 =	sor.u32 s1, s4;
	s10 =	sshrl.u32 s31, $0x1;
	s9 =	sshrl.u32 s9, $0x2  }
0x9: {  	s12 =	sadd.s32 $0x4000, s11;
	s14 =	sadd.s32 $0x8000, s11;
	s18 =	sadd.s32 $0xC000, s11  }
0xa: {  	s19 =	sadd.s32 $0x10000, s11;
	s4 =	smul.u32 $0x500, s4;
	s17 =	ssub.s32 s31, s10  }
0xb: {  	s8 =	sadd.s32 s12, s2;
	s10 =	sadd.s32 s18, s2;
	s13 =	sadd.s32 s11, s15  }
0xc: {  	s12 =	sadd.s32 s15, s12;
	s11 =	sadd.s32 s19, s2;
	s18 =	sadd.s32 s15, s18  }
0xd: {  	s13 =	sshrl.u32 s13, $0x3;
	s20 =	sshrl.u32 s12, $0x3;
	s18 =	sshrl.u32 s18, $0x3  }
0xe: {  	s17 =	smax.u32 s17, $0x1;
	s7 =	sadd.s32 s4, s6;
	s4 =	sadd.s32 $0x17E00, s6  }
0xf: {  	s12 =	sadd.s32 s16, s13;
	s13 =	sadd.s32 s16, s20;
	s6 =	sadd.s32 $0xD600, s7  }
0x10: {  	s7 =	sadd.s32 s9, s2;
	s9 =	sadd.s32 s14, s2;
	s14 =	sadd.s32 s15, s14  }
0x11: {  	s20 =	simm.s32 $0x6800;
	s15 =	sadd.s32 s15, s19;
	s14 =	sshrl.u32 s14, $0x3  }
0x12: {  	s19 =	sshrl.u32 s15, $0x3;
	s15 =	sadd.s32 s16, s18;
	s18 =	simm.s32 $0x1  }
0x13: {  	s14 =	sadd.s32 s16, s14;
	s16 =	sadd.s32 s16, s19;
	s19 =	simm.s32 $0x2800  }
.LBB2_1:
0x14: {  	[tilespmem:s3], [sflag:$0x1] =	stream.linear.gather [hbm4b:s6+s3], $0x2800, $0x38;
	[tilespmem:$0x1E800] =	vst v63  }
0x15: {  	_ =	swait.ge [sflag:s18], $0x2800  }
0x16: {  	[sflag:s18] =	ssyncset.done $0x0  }
0x17: {  	[sflag:s18] =	ssyncadd.s32 $0xFFFFD800  }
0x18: {  	[tilespmem:s19], [sflag:$0x1] =	stream.linear.gather [hbm4b:s4+s3], $0x4000, $0x38;
	[tilespmem:$0x1E800] =	vst v63  }
0x19: {  	_ =	swait.ge [sflag:s18], $0x4000  }
0x1a: {  	[sflag:s18] =	ssyncset.done $0x0  }
0x1b: {  	[sflag:s18] =	ssyncadd.s32 $0xFFFFC000  }
0x1c: {  	[tilespmem:s20], [sflag:$0x1] =	stream.linear.gather [hbm4b:s5+s3], $0x4000, $0x38;
	[tilespmem:$0x1E800] =	vst v63  }
0x1d: {  	_ =	swait.ge [sflag:s18], $0x4000  }
0x1e: {  	[sflag:s18] =	ssyncset.done $0x0  }
0x1f: {  	[sflag:s18] =	ssyncadd.s32 $0xFFFFC000  }
0x20: {  	[spmem:s7] =	stream.linear.scatter [tilespmem:s20], [sflag:$0x1], $0x4000, $0x38;
	[tilespmem:$0x1E800] =	vst v63  }
0x21: {  	_ =	swait.ge [sflag:s18], $0x4000  }
0x22: {  	[sflag:s18] =	ssyncset.done $0x0  }
0x23: {  	[sflag:s18] =	ssyncadd.s32 $0xFFFFC000  }
0x24: {  	[spmem:s8] =	stream.linear.scatter [tilespmem:s20], [sflag:$0x1], $0x4000, $0x38;
	[tilespmem:$0x1E800] =	vst v63  }
0x25: {  	_ =	swait.ge [sflag:s18], $0x4000  }
0x26: {  	[sflag:s18] =	ssyncset.done $0x0  }
0x27: {  	[sflag:s18] =	ssyncadd.s32 $0xFFFFC000  }
0x28: {  	[spmem:s9] =	stream.linear.scatter [tilespmem:s20], [sflag:$0x1], $0x4000, $0x38;
	[tilespmem:$0x1E800] =	vst v63  }
0x29: {  	_ =	swait.ge [sflag:s18], $0x4000  }
0x2a: {  	[sflag:s18] =	ssyncset.done $0x0  }
0x2b: {  	[sflag:s18] =	ssyncadd.s32 $0xFFFFC000  }
0x2c: {  	[spmem:s10] =	stream.linear.scatter [tilespmem:s20], [sflag:$0x1], $0x4000, $0x38;
	[tilespmem:$0x1E800] =	vst v63  }
0x2d: {  	_ =	swait.ge [sflag:s18], $0x4000  }
0x2e: {  	[sflag:s18] =	ssyncset.done $0x0  }
0x2f: {  	[sflag:s18] =	ssyncadd.s32 $0xFFFFC000  }
0x30: {  	[spmem:s11] =	stream.linear.scatter [tilespmem:s20], [sflag:$0x1], $0x4000, $0x38;
	[tilespmem:$0x1E800] =	vst v63  }
0x31: {  	_ =	swait.ge [sflag:s18], $0x4000  }
0x32: {  	[sflag:s18] =	ssyncset.done $0x0  }
0x33: {  	[sflag:s18] =	ssyncadd.s32 $0xFFFFC000  }
0x34: {  	s23 =	simm.s32 $0x0;
	[bflag:$0x0] =	sbarrier.arrive $0xFFFF  }
0x35: {  	[spmem:s2] =	stream.indirect.scatter.add.f32 [tilespmem:s19], [sflag:$0x1], $0x80, s23, s21, $0xb8;
	[tilespmem:$0x1E800] =	vst v63  }
0x36: {  	_ =	swait.ge [sflag:s18], $0x4000  }
0x37: {  	s23 =	simm.s32 $0x200;
	[sflag:s18] =	ssyncset.done $0x0  }
.LBB2_2:
0x38: {  	s24 =	sshra.s32 s23, $0x2;
	[sflag:s18] =	ssyncadd.s32 $0xFFFFC000;
	p0 =	sne.s32 s23, $0x9E00  }
0x39: {  	[spmem:s2] =	stream.indirect.scatter.add.f32 [tilespmem:s19], [sflag:$0x1], $0x80, s24, s21, $0xb8;
	[tilespmem:$0x1E800] =	vst v63  }
.Ltmp0:
0x3a: {  	_ = 	snop;
	(pc) =	sbr.rel @p0 .LBB2_2-.Ltmp0, $4  }
0x3b: {  	_ = 	snop  }
0x3c: {  	s23 =	sadd.s32 $0x200, s23  }
0x3d: {  	_ =	swait.ge [sflag:s18], $0x4000  }
0x3e: {  	[sflag:s18] =	ssyncset.done $0x0  }
0x3f: {  	[sflag:s18] =	ssyncadd.s32 $0xFFFFC000  }
0x40: {  	[bflag:$0x0] =	sbarrier.arrive $0xFFFF  }
0x41: {  	[tilespmem:s20], [sflag:$0x1] =	stream.linear.gather [spmem:s7], $0x4000, $0x38;
	[tilespmem:$0x1E800] =	vst v63  }
0x42: {  	_ =	swait.ge [sflag:s18], $0x4000  }
0x43: {  	[sflag:s18] =	ssyncset.done $0x0  }
0x44: {  	[sflag:s18] =	ssyncadd.s32 $0xFFFFC000  }
0x45: {  	[hbm4b:s12+s3] =	stream.linear.scatter [tilespmem:s20], [sflag:$0x1], $0x4000, $0x38;
	[tilespmem:$0x1E800] =	vst v63  }
0x46: {  	_ =	swait.ge [sflag:s18], $0x4000  }
0x47: {  	[sflag:s18] =	ssyncset.done $0x0  }
0x48: {  	[sflag:s18] =	ssyncadd.s32 $0xFFFFC000  }
0x49: {  	[tilespmem:s20], [sflag:$0x1] =	stream.linear.gather [spmem:s8], $0x4000, $0x38;
	[tilespmem:$0x1E800] =	vst v63  }
0x4a: {  	_ =	swait.ge [sflag:s18], $0x4000  }
0x4b: {  	[sflag:s18] =	ssyncset.done $0x0  }
0x4c: {  	[sflag:s18] =	ssyncadd.s32 $0xFFFFC000  }
0x4d: {  	[hbm4b:s13+s3] =	stream.linear.scatter [tilespmem:s20], [sflag:$0x1], $0x4000, $0x38;
	[tilespmem:$0x1E800] =	vst v63  }
0x4e: {  	_ =	swait.ge [sflag:s18], $0x4000  }
0x4f: {  	[sflag:s18] =	ssyncset.done $0x0  }
0x50: {  	[sflag:s18] =	ssyncadd.s32 $0xFFFFC000  }
0x51: {  	[tilespmem:s20], [sflag:$0x1] =	stream.linear.gather [spmem:s9], $0x4000, $0x38;
	[tilespmem:$0x1E800] =	vst v63  }
0x52: {  	_ =	swait.ge [sflag:s18], $0x4000  }
0x53: {  	[sflag:s18] =	ssyncset.done $0x0  }
0x54: {  	[sflag:s18] =	ssyncadd.s32 $0xFFFFC000  }
0x55: {  	[hbm4b:s14+s3] =	stream.linear.scatter [tilespmem:s20], [sflag:$0x1], $0x4000, $0x38;
	[tilespmem:$0x1E800] =	vst v63  }
0x56: {  	_ =	swait.ge [sflag:s18], $0x4000  }
0x57: {  	[sflag:s18] =	ssyncset.done $0x0  }
0x58: {  	[sflag:s18] =	ssyncadd.s32 $0xFFFFC000  }
0x59: {  	[tilespmem:s20], [sflag:$0x1] =	stream.linear.gather [spmem:s10], $0x4000, $0x38;
	[tilespmem:$0x1E800] =	vst v63  }
0x5a: {  	_ =	swait.ge [sflag:s18], $0x4000  }
0x5b: {  	[sflag:s18] =	ssyncset.done $0x0  }
0x5c: {  	[sflag:s18] =	ssyncadd.s32 $0xFFFFC000  }
0x5d: {  	[hbm4b:s15+s3] =	stream.linear.scatter [tilespmem:s20], [sflag:$0x1], $0x4000, $0x38;
	[tilespmem:$0x1E800] =	vst v63  }
0x5e: {  	_ =	swait.ge [sflag:s18], $0x4000  }
0x5f: {  	[sflag:s18] =	ssyncset.done $0x0  }
0x60: {  	[sflag:s18] =	ssyncadd.s32 $0xFFFFC000  }
0x61: {  	[tilespmem:s20], [sflag:$0x1] =	stream.linear.gather [spmem:s11], $0x4000, $0x38;
	[tilespmem:$0x1E800] =	vst v63  }
0x62: {  	s22 =	sadd.s32 $0x1, s22;
	_ =	swait.ge [sflag:s18], $0x4000  }
0x63: {  	p0 =	sne.s32 s22, s17;
	[sflag:s18] =	ssyncset.done $0x0  }
.Ltmp1:
0x64: {  	[sflag:s18] =	ssyncadd.s32 $0xFFFFC000;
	(pc) =	sbr.rel @p0 .LBB2_1-.Ltmp1, $4  }
0x65: {  	[hbm4b:s16+s3] =	stream.linear.scatter [tilespmem:s20], [sflag:$0x1], $0x4000, $0x38;
	[tilespmem:$0x1E800] =	vst v63  }
0x66: {  	_ =	swait.ge [sflag:s18], $0x4000  }
0x67: {  	[sflag:s18] =	ssyncset.done $0x0  }
0x68: {  	[sflag:s18] =	ssyncadd.s32 $0xFFFFC000  }
0x69: {  	_ =	sfence.sel $0x180000  }
0x6a: {  	[bflag:$0x0] =	sbarrier.arrive $0xFFFF  }
0x6b: {  	p0 =	sne.s32 s1, $0x0;
	_ =	strace $0x90000047  }
0x6c: {  	s0 =	sadd.s32 @!p0 $0x100000, s0;
	[bflag:$0x2] =	sbarrier.arrive $0xFFFF  }
0x6d: {  	[sflag:s0] =	ssyncadd.tile.s32 @!p0 $0x1;
	_ =	shalt  }
.Lfunc_end2:
_tile_overlayer_lowered:
.L_overlay_start_2:
0x6e: {  	(tag) =	ssettag $0x2  }
0x6f: {  	s0 =	rddreg [dreg:$0x0];
	s2 =	stileid.u32  }
0x70: {  	s1 =	rddreg [dreg:$0x1];
	p0 =	sne.s32 s2, $0x0  }
0x71: {  	s3 =	rddreg [dreg:$0x2];
	[bflag:$0x3] =	sbarrier.arrive $0xFFFF;
	s2 =	simm.s32 @!p0 $0x1C01  }
0x72: {  	[timem:s3], [sflag:s2] =	dma.local @!p0 [hbm:s0], s1  }
0x73: {  	s0 =	simm.s32 @!p0 $0x1  }
0x74: {  	_ =	swait.ge @!p0 [sflag:s0], s1  }
0x75: {  	s1 =	ssub.s32 @!p0 $0x0, s1;
	[sflag:s0] =	ssyncset.done @!p0 $0x0  }
0x76: {  	[sflag:s0] =	ssyncadd.s32 @!p0 s1  }
0x77: {  	[bflag:$0x3] =	sbarrier.arrive $0xFFFF  }
0x78: {  	_ =	shalt  }

// kernel: kernel.13.cloned.1.call-start
scs
__scs_entry_jumppad:
0x0: {  	(pc) =	sbr.rel $0x88, $3  }
0x1: {  	(tag) =	ssettag $0x0;
	lr =	simm.s32 $0x1  }
0x2: {  	[smem:$0x3F98] =	sst lr;
	_ =	strace $0xD0000000  }
0x3: {  	_ = 	snop  }
0x4: {  	_ = 	snop  }
0x5: {  	_ = 	snop  }
0x6: {  	_ = 	snop  }
0x7: {  	_ = 	snop  }
__scs_overlays_trampoline_lowered:
0x8: {  	[smem:$0x3FA7] =	sst s0  }
0x9: {  	[smem:$0x3FA8] =	sst s1  }
0xa: {  	[smem:$0x3FA9] =	sst s2  }
0xb: {  	[smem:$0x3FAA] =	sst s3  }
0xc: {  	[smem:$0x3FAB] =	sst s4  }
0xd: {  	[smem:$0x3FAC] =	sst s5  }
0xe: {  	[smem:$0x3FAD] =	sst s6  }
0xf: {  	[smem:$0x3FAE] =	sst s7  }
0x10: {  	[smem:$0x3FAF] =	sst s8  }
0x11: {  	[smem:$0x3FB0] =	sst s9;
	s0 =	simm.s32 @!p0 $0x0  }
0x12: {  	s1 =	sld [smem:$0x3F96];
	s0 =	simm.s32 @p0 $0x1  }
0x13: {  	[smem:$0x3FB1] =	sst s0;
	s0 =	simm.s32 @!p1 $0x0  }
0x14: {  	s2 =	sld [smem:$0x3F95];
	s0 =	simm.s32 @p1 $0x1  }
0x15: {  	[smem:$0x3FB2] =	sst s0;
	s0 =	simm.s32 @!p2 $0x0  }
0x16: {  	s3 =	sld [smem:$0x3FDB];
	s0 =	simm.s32 @p2 $0x1  }
0x17: {  	s4 =	simm.s32 $0x1BF5;
	[smem:$0x3FB4] =	sst s0  }
0x18: {  	s0 =	sld [smem:$0x3F97];
	_ =	swait.ge [sflag:s4], $0x0  }
0x19: {  	s7 =	sld [smem:$0x3F98]  }
0x1a: {  	s8 =	sadd.s32 $0xFFFFE003, lr  }
0x1b: {  	s9 =	sadd.s32 $0xFFFFFEF7, lr;
	s5 =	simm.s32 $0xFFFFFFFF;
	p2 =	slt.u32 s8, $0xFFFFF086  }
0x1c: {  	p1 =	slt.u32 s9, $0xF7A;
	s5 =	simm.s32 @!p2 $0x0  }
0x1d: {  	s5 =	simm.s32 @p1 $0x1;
	p0 =	seq.s32 s7, s2  }
0x1e: {  	s7 =	smul.u32 @!p0 $0xF7A, s2;
	p2 =	seq.s32 @!p0 s5, $0x0  }
0x1f: {  	s9 =	smul.u32 $0xF7A, s1;
	s8 =	simm.s32 @!p0 $0x1BF5;
	p2 =	por !p2, p0  }
0x20: {  	[sflag:s8] =	ssyncset.s32 @!p0 $0xFFFFF086;
	s6 =	sadd.s32 @!p0 s3, s7;
	s7 =	simm.s32 @!p0 $0x108  }
0x21: {  	s3 =	sadd.s32 s3, s9;
	s6 =	sadd.s32 @!p0 $0x88, s6;
	s7 =	simm.s32 @p2 $0x1082  }
0x22: {  	[simem:s7], [sflag:s8] =	dma.local @!p0 [hbm:s6], $0xF7A  }
0x23: {  	s9 =	sor.u32 $0xD0000000, s2;
	s6 =	simm.s32 $0x108;
	_ =	swait.ge @!p0 [sflag:s8], $0x0  }
0x24: {  	s3 =	sadd.s32 $0x88, s3;
	s6 =	simm.s32 @!p1 $0x1082;
	[sflag:s4] =	ssyncset.s32 $0xFFFFF086  }
0x25: {  	[simem:s6], [sflag:s4] =	dma.local [hbm:s3], $0xF7A  }
0x26: {  	[smem:$0x3F98] =	sst s1;
	(tag) =	ssettag s2;
	_ =	strace s9  }
0x27: {  	s1 =	sld [smem:$0x3FA8]  }
0x28: {  	s2 =	sld [smem:$0x3FA9]  }
0x29: {  	s4 =	sld [smem:$0x3FAB]  }
0x2a: {  	p0 =	seq.s32 s5, $0x0;
	s5 =	sld [smem:$0x3FAC]  }
0x2b: {  	s6 =	sld [smem:$0x3FAD]  }
0x2c: {  	s7 =	sld [smem:$0x3FAE]  }
0x2d: {  	s3 =	simm.s32 $0x108;
	s8 =	sld [smem:$0x3FAF]  }
0x2e: {  	s3 =	simm.s32 @!p0 $0x1082;
	s9 =	sld [smem:$0x3FB0]  }
0x2f: {  	lr =	sadd.s32 s0, s3;
	s0 =	sld [smem:$0x3FA7]  }
0x30: {  	s3 =	sld [smem:$0x3FAA]  }
0x31: {  	[smem:$0x3FB3] =	sst s10  }
0x32: {  	s10 =	sld [smem:$0x3FB1];
	_ =	sdelay $0x3  }
0x33: {  	p0 =	seq.s32 s10, $0x1;
	s10 =	sld [smem:$0x3FB3];
	_ =	sdelay $0x3  }
0x34: {  	[smem:$0x3FB3] =	sst s10  }
0x35: {  	s10 =	sld [smem:$0x3FB2];
	_ =	sdelay $0x3  }
0x36: {  	p1 =	seq.s32 s10, $0x1;
	s10 =	sld [smem:$0x3FB3];
	_ =	sdelay $0x3  }
0x37: {  	[smem:$0x3FB3] =	sst s10  }
0x38: {  	s10 =	sld [smem:$0x3FB4]  }
0x39: {  	_ = 	snop;
	(pc) =	sbr.ind lr, $3  }
0x3a: {  	_ = 	snop  }
0x3b: {  	_ = 	snop  }
0x3c: {  	p2 =	seq.s32 s10, $0x1;
	s10 =	sld [smem:$0x3FB3]  }
0x3d: {  	_ =	shalt  }
0x3e: {  	_ =	shalt  }
0x3f: {  	_ =	shalt  }
0x40: {  	_ =	shalt  }
0x41: {  	_ =	shalt  }
0x42: {  	_ =	shalt  }
0x43: {  	_ =	shalt  }
0x44: {  	_ =	shalt  }
0x45: {  	_ =	shalt  }
0x46: {  	_ =	shalt  }
0x47: {  	_ =	shalt  }
0x48: {  	_ =	shalt  }
0x49: {  	_ =	shalt  }
0x4a: {  	_ =	shalt  }
0x4b: {  	_ =	shalt  }
0x4c: {  	_ =	shalt  }
0x4d: {  	_ =	shalt  }
0x4e: {  	_ =	shalt  }
0x4f: {  	_ =	shalt  }
0x50: {  	_ =	shalt  }
0x51: {  	_ =	shalt  }
0x52: {  	_ =	shalt  }
0x53: {  	_ =	shalt  }
0x54: {  	_ =	shalt  }
0x55: {  	_ =	shalt  }
0x56: {  	_ =	shalt  }
0x57: {  	_ =	shalt  }
0x58: {  	_ =	shalt  }
0x59: {  	_ =	shalt  }
0x5a: {  	_ =	shalt  }
0x5b: {  	_ =	shalt  }
0x5c: {  	_ =	shalt  }
0x5d: {  	_ =	shalt  }
0x5e: {  	_ =	shalt  }
0x5f: {  	_ =	shalt  }
0x60: {  	_ =	shalt  }
0x61: {  	_ =	shalt  }
0x62: {  	_ =	shalt  }
0x63: {  	_ =	shalt  }
0x64: {  	_ =	shalt  }
0x65: {  	_ =	shalt  }
0x66: {  	_ =	shalt  }
0x67: {  	_ =	shalt  }
0x68: {  	_ =	shalt  }
0x69: {  	_ =	shalt  }
0x6a: {  	_ =	shalt  }
0x6b: {  	_ =	shalt  }
0x6c: {  	_ =	shalt  }
0x6d: {  	_ =	shalt  }
0x6e: {  	_ =	shalt  }
0x6f: {  	_ =	shalt  }
0x70: {  	_ =	shalt  }
0x71: {  	_ =	shalt  }
0x72: {  	_ =	shalt  }
0x73: {  	_ =	shalt  }
0x74: {  	_ =	shalt  }
0x75: {  	_ =	shalt  }
0x76: {  	_ =	shalt  }
0x77: {  	_ =	shalt  }
0x78: {  	_ =	shalt  }
0x79: {  	_ =	shalt  }
0x7a: {  	_ =	shalt  }
0x7b: {  	_ =	shalt  }
0x7c: {  	_ =	shalt  }
0x7d: {  	_ =	shalt  }
0x7e: {  	_ =	shalt  }
0x7f: {  	_ =	shalt  }
0x80: {  	_ =	shalt  }
0x81: {  	_ =	shalt  }
0x82: {  	_ =	shalt  }
0x83: {  	_ =	shalt  }
0x84: {  	_ =	shalt  }
0x85: {  	_ =	shalt  }
0x86: {  	_ =	shalt  }
0x87: {  	_ =	shalt  }
.Lfunc_end0:
.L_simem_size_0:
called_computation.1_lowered:
.L_overlay_start_0:
0x88: {  	s2 =	sld [smem:$0x3FD9]  }
0x89: {  	s3 =	sld [smem:$0x3FFE];
	_ =	sdelay $0x1  }
0x8a: {  	s1 =	srdreg.scid  }
0x8b: {  	s0 =	sand.u32 $0x1, s1  }
0x8c: {  	s16 =	sshll.u32 s0, $0xA;
	s2 =	sadd.s32 s3, s2  }
0x8d: {  	s2 =	sadd.s32 s2, s16  }
0x8e: {  	[smem:$0x3FBF] =	sst s2  }
0x8f: {  	_ = 	snop  }
0x90: {  	(tm) =	ssettm $0x1  }
0x91: {  	s17 =	sld [smem:$0x3FFB];
	_ =	sdelay $0x3  }
0x92: {  	_ =	strace s17  }
0x93: {  	s2 =	sld [smem:$0x3FFC];
	_ =	sdelay $0x3  }
0x94: {  	_ =	strace s2  }
0x95: {  	s2 =	sld [smem:$0x3FFD];
	_ =	sdelay $0x3  }
0x96: {  	_ =	strace s2  }
0x97: {  	_ =	strace $0x8FFFFFFF  }
0x98: {  	s18 =	sld [smem:$0x3FDB];
	_ =	sdelay $0x1  }
0x99: {  	s19 =	simm.s32 $_scs_section_size  }
0x9a: {  	s4 =	simm.s32 $_size__tile_overlayer_lowered;
	s5 =	simm.s32 $_tile_overlayer_lowered  }
0x9b: {  	s22 =	simm.s32 $0x1BFF;
	s21 =	sshll.u32 s5, $0x1;
	s2 =	sadd.s32 s19, s18  }
0x9c: {  	s6 =	simm.s32 $0x0;
	s20 =	sshll.u32 s4, $0x1;
	s4 =	sadd.s32 s21, s2  }
0x9d: {  	[timem:s6], [sflag:s22] =	dma.local [hbm:s4], s20  }
0x9e: {  	_ =	swait.ge [sflag:s22], s20  }
0x9f: {  	s3 =	ssub.s32 $0x0, s20;
	[sflag:s22] =	ssyncset.done $0x0  }
0xa0: {  	[sflag:s22] =	ssyncadd.s32 s3;
	_ =	sdelay $0x1  }
0xa1: {  	s23 =	simm.s32 $0x1B8B  }
0xa2: {  	_ =	swait.ge [sflag:s23], $0x1  }
0xa3: {  	[sflag:s23] =	ssyncset.done $0x0  }
0xa4: {  	s25 =	simm.s32 $0x1B8E;
	s24 =	sld [smem:$0x3FFE];
	[sflag:s23] =	ssyncadd.s32 $0xFFFFFFFF  }
0xa5: {  	s26 =	simm.s32 $execute0_lowered;
	[smem:$0x3FD2] =	sst s25  }
0xa6: {  	s4 =	sshll.u32 s26, $0x1;
	_ =	strace $0x80000049;
	[dreg:$0x1] =	wrdreg $0xFFFFFFFF  }
0xa7: {  	s28 =	simm.s32 $_size_execute0_lowered;
	s2 =	sadd.s32 s2, s4;
	[dreg:$0x0] =	wrdreg $0x0  }
0xa8: {  	s4 =	sshll.u32 s28, $0x1;
	[dreg:$0x2] =	wrdreg s2  }
0xa9: {  	[dreg:$0x3] =	wrdreg s4  }
0xaa: {  	[dreg:$0x4] =	wrdreg $0xC0  }
0xab: {  	_ =	task [dreg:s6], $0x5FFFF  }
0xac: {  	[dreg:$0x1] =	wrdreg $0xFFFFFFFF  }
0xad: {  	[dreg:$0x0] =	wrdreg $0x60  }
0xae: {  	[dreg:$0x2] =	wrdreg s24  }
0xaf: {  	[dreg:$0x3] =	wrdreg $0xA8000  }
0xb0: {  	[dreg:$0x4] =	wrdreg $0x9  }
0xb1: {  	_ =	task.clear_ibuf [dreg:s6], $0x5FFFF;
	_ =	strace $0x90000049  }
0xb2: {  	s29 =	simm.s32 $0x9;
	_ =	strace $0x8000004B  }
0xb3: {  	_ =	swait.ge [sflag:s29], $0x1  }
0xb4: {  	[sflag:s29] =	ssyncadd.s32 $0xFFFFFFFF  }
0xb5: {  	_ =	strace $0x9000004B  }
0xb6: {  	_ =	sfence  }
0xb7: {  	s30 =	sld [smem:$0x0];
	_ =	sdelay $0x2  }
0xb8: {  	s31 =	sshll.u32 s1, $0xD;
	s1 =	sshrl.u32 s1, $0x2  }
0xb9: {  	s3 =	sand.u32 $0x4000, s31;
	s1 =	sadd.s32 s1, s30  }
0xba: {  	s0 =	sor.u32 s3, s0;
	s1 =	sshll.u32 s1, $0x11  }
0xbb: {  	s0 =	sor.u32 s1, s0  }
0xbc: {  	s0 =	sadd.s32 $0x8F2B, s0  }
0xbd: {  	[sflag:s0] =	ssyncadd.remote.s32 $0x1  }
0xbe: {  	_ =	sfence.sel $0xFFFF  }
0xbf: {  	[dreg:$0x0] =	wrdreg $0xFFFFFFFF;
	(pc) =	sbr.abs _section_cstart, $3  }
0xc0: {  	[dreg:$0x1] =	wrdreg $0xFFFFFFFF  }
0xc1: {  	_ =	task.clear_ibuf [dreg:s6], $0x2FFFF;
	_ =	strace $0x9FFFFFFF  }
0xc2: {  	(tm) =	ssettm $0x7FFFFFFF  }
0xc3: {  	_ =	shalt  }
tec
execute0_lowered:
.L_overlay_start_1:
0x0: {  	(tag) =	ssettag $0x1  }
0x1: {  	s0 =	rddreg [dreg:$0x0]  }
0x2: {  	s1 =	rddreg [dreg:$0x1];
	s2 =	simm.s32 $0x0;
	s3 =	srdreg.scid  }
0x3: {  	s11 =	stileid.u32;
	s28 =	simm.s32 $0x2800;
	s29 =	simm.s32 $0x3  }
0x4: {  	s30 =	simm.s32 $0x1400;
	s31 =	simm.s32 $0x80;
	s5 =	smul.u32 $0x50000, s11  }
0x5: {  	[smem:$0x7FF] =	sst s2;
	s4 =	sadd.s32 $0x3600, s0;
	s12 =	smul.u32 $0x14000, s11  }
0x6: {  	s3 =	sand.u32 $0x1, s3;
	s6 =	sadd.s32 $0xD600, s0;
	s9 =	smul.u32 $0x900, s11  }
0x7: {  	s15 =	sadd.s32 $0x90600, s0;
	s10 =	smul.u32 $0x4800, s11;
	s11 =	sshll.u32 s11, $0x8  }
0x8: {  	s7 =	ssub.s32 $0x2, s3;
	p0 =	seq.s32 s3, $0x1;
	s3 =	smul.u32 $0x140000, s3  }
0x9: {  	s8 =	sshrl.u32 s7, $0x1;
	s22 =	sadd.s32 $0x4000, s12;
	s23 =	sadd.s32 $0x8000, s12  }
0xa: {  	s24 =	sadd.s32 $0xC000, s12;
	s25 =	sadd.s32 $0x10000, s12;
	s13 =	sadd.s32 s4, s9  }
0xb: {  	s14 =	sshrl.u32 s10, $0x3;
	s16 =	sadd.s32 s6, s9;
	[dreg:$0x3] =	wrdreg s13  }
0xc: {  	s26 =	ssub.s32 s7, s8;
	[dreg:$0x4] =	wrdreg s16;
	s17 =	sadd.s32 $0x280, s14  }
0xd: {  	s18 =	sadd.s32 $0x500, s14;
	s20 =	sadd.s32 $0x780, s14;
	s13 =	sor.u32 $0x9000, s11  }
0xe: {  	s8 =	sadd.s32 s12, s3;
	s14 =	sadd.s32 s3, s22;
	s22 =	sadd.s32 s22, s1  }
0xf: {  	s10 =	sadd.s32 s4, s17;
	s7 =	sadd.s32 s6, s17;
	s19 =	sadd.s32 s4, s18  }
0x10: {  	s21 =	sadd.s32 s6, s18;
	s9 =	sadd.s32 s4, s20;
	s11 =	sadd.s32 s4, s13  }
0x11: {  	s12 =	sadd.s32 s6, s13;
	s4 =	sshrl.u32 s8, $0x3;
	[dreg:$0x5] =	wrdreg s10  }
0x12: {  	s16 =	sshrl.u32 s14, $0x3;
	s17 =	sadd.s32 s3, s23;
	[dreg:$0x6] =	wrdreg s7  }
0x13: {  	s23 =	sadd.s32 s23, s1;
	s26 =	smax.u32 s26, $0x1;
	[dreg:$0x7] =	wrdreg s19  }
0x14: {  	[dreg:$0x8] =	wrdreg s21;
	s10 =	sadd.s32 s6, s20;
	s13 =	sadd.s32 s15, s4  }
0x15: {  	s14 =	sadd.s32 s15, s16;
	s18 =	sshrl.u32 s17, $0x3;
	s19 =	sadd.s32 s3, s24  }
0x16: {  	s3 =	sadd.s32 s3, s25;
	s21 =	sshrl.u32 s5, $0x2;
	s24 =	sadd.s32 s24, s1  }
.Ltmp0:
0x17: {  	s25 =	sadd.s32 s25, s1;
	s4 =	simm.s32 $0x0;
	(pc) =	sbr.rel .LBB2_1-.Ltmp0, $4  }
0x18: {  	s16 =	sadd.s32 s15, s18;
	s20 =	sshrl.u32 s19, $0x3;
	s3 =	sshrl.u32 s3, $0x3  }
0x19: {  	_ =	strace $0x8000004A;
	s19 =	sadd.s32 $0x68600, s0;
	s21 =	sadd.s32 s21, s1  }
0x1a: {  	s17 =	sadd.s32 s15, s20;
	s18 =	sadd.s32 s15, s3;
	s20 =	sadd.s32 $0x17600, s0  }
0x1b: {  	s15 =	simm.s32 $0x6800;
	s0 =	simm.s32 $0x1;
	s3 =	simm.s32 $0x2  }
.LBB2_11:
0x1c: {  	[tilespmem:s2], [sflag:$0x3] =	stream.linear.gather [hbm4b:s11+s2], $0x800, $0x38;
	[tilespmem:$0x1E800] =	vst v63  }
0x1d: {  	_ =	swait.ge [sflag:s29], $0x800  }
0x1e: {  	[sflag:s29] =	ssyncset.done $0x0  }
0x1f: {  	[sflag:s29] =	ssyncadd.s32 $0xFFFFF800  }
0x20: {  	[tilespmem:s30], [sflag:$0x3] =	stream.linear.gather [hbm4b:s12+s2], $0x800, $0x38;
	[tilespmem:$0x1E800] =	vst v63  }
0x21: {  	_ =	swait.ge [sflag:s29], $0x800  }
0x22: {  	[sflag:s29] =	ssyncset.done $0x0  }
0x23: {  	[sflag:s29] =	ssyncadd.s32 $0xFFFFF800  }
0x24: {  	[tilespmem:s28], [sflag:$0x1] =	stream.indirect.gather [hbm4b:s19+s31], $0x80, s2, s31, $0xb8;
	[tilespmem:$0x1E800] =	vst v63  }
0x25: {  	_ = 	snop  }
0x26: {  	[tilespmem:s15], [sflag:$0x2] =	stream.indirect.gather [hbm4b:s19+s31], $0x80, s31, s31, $0xb8;
	[tilespmem:$0x1E800] =	vst v63  }
0x27: {  	_ =	swait.ge [sflag:s0], $0x4000  }
0x28: {  	[sflag:s0] =	ssyncset.done $0x0  }
0x29: {  	[sflag:s0] =	ssyncadd.s32 $0xFFFFC000  }
0x2a: {  	[spmem:s1] =	stream.indirect.scatter.add.f32 [tilespmem:s28], [sflag:$0x3], $0x80, s30, s31, $0xb8;
	[tilespmem:$0x1E800] =	vst v63  }
0x2b: {  	_ =	swait.ge [sflag:s29], $0x4000  }
0x2c: {  	[sflag:s29] =	ssyncset.done $0x0  }
0x2d: {  	[sflag:s29] =	ssyncadd.s32 $0xFFFFC000  }
0x2e: {  	_ =	swait.ge [sflag:s3], $0x4000  }
0x2f: {  	[sflag:s3] =	ssyncset.done $0x0  }
0x30: {  	s5 =	simm.s32 $0x1480;
	[sflag:s3] =	ssyncadd.s32 $0xFFFFC000  }
0x31: {  	[spmem:s1] =	stream.indirect.scatter.add.f32 [tilespmem:s15], [sflag:$0x3], $0x80, s5, s31, $0xb8;
	[tilespmem:$0x1E800] =	vst v63  }
0x32: {  	_ =	swait.ge [sflag:s29], $0x4000  }
0x33: {  	[sflag:s29] =	ssyncset.done $0x0  }
0x34: {  	s8 =	simm.s32 $0x100;
	[sflag:s29] =	ssyncadd.s32 $0xFFFFC000  }
0x35: {  	[tilespmem:s28], [sflag:$0x1] =	stream.indirect.gather [hbm4b:s19+s31], $0x80, s8, s31, $0xb8;
	[tilespmem:$0x1E800] =	vst v63  }
0x36: {  	s6 =	simm.s32 $0x180  }
0x37: {  	[tilespmem:s15], [sflag:$0x2] =	stream.indirect.gather [hbm4b:s19+s31], $0x80, s6, s31, $0xb8;
	[tilespmem:$0x1E800] =	vst v63  }
0x38: {  	_ =	swait.ge [sflag:s0], $0x4000  }
0x39: {  	[sflag:s0] =	ssyncset.done $0x0  }
0x3a: {  	s7 =	simm.s32 $0x1500;
	[sflag:s0] =	ssyncadd.s32 $0xFFFFC000  }
0x3b: {  	[spmem:s1] =	stream.indirect.scatter.add.f32 [tilespmem:s28], [sflag:$0x3], $0x80, s7, s31, $0xb8;
	[tilespmem:$0x1E800] =	vst v63  }
0x3c: {  	_ =	swait.ge [sflag:s29], $0x4000  }
0x3d: {  	[sflag:s29] =	ssyncset.done $0x0  }
0x3e: {  	[sflag:s29] =	ssyncadd.s32 $0xFFFFC000  }
0x3f: {  	_ =	swait.ge [sflag:s3], $0x4000  }
0x40: {  	[sflag:s3] =	ssyncset.done $0x0  }
0x41: {  	s8 =	simm.s32 $0x1580;
	[sflag:s3] =	ssyncadd.s32 $0xFFFFC000  }
0x42: {  	[spmem:s1] =	stream.indirect.scatter.add.f32 [tilespmem:s15], [sflag:$0x3], $0x80, s8, s31, $0xb8;
	[tilespmem:$0x1E800] =	vst v63  }
0x43: {  	_ =	swait.ge [sflag:s29], $0x4000  }
0x44: {  	[sflag:s29] =	ssyncset.done $0x0  }
0x45: {  	s6 =	simm.s32 $0x200;
	[sflag:s29] =	ssyncadd.s32 $0xFFFFC000  }
0x46: {  	[tilespmem:s28], [sflag:$0x1] =	stream.indirect.gather [hbm4b:s19+s31], $0x80, s6, s31, $0xb8;
	[tilespmem:$0x1E800] =	vst v63  }
0x47: {  	s7 =	simm.s32 $0x280  }
0x48: {  	[tilespmem:s15], [sflag:$0x2] =	stream.indirect.gather [hbm4b:s19+s31], $0x80, s7, s31, $0xb8;
	[tilespmem:$0x1E800] =	vst v63  }
0x49: {  	_ =	swait.ge [sflag:s0], $0x4000  }
0x4a: {  	[sflag:s0] =	ssyncset.done $0x0  }
0x4b: {  	s8 =	simm.s32 $0x1600;
	[sflag:s0] =	ssyncadd.s32 $0xFFFFC000  }
0x4c: {  	[spmem:s1] =	stream.indirect.scatter.add.f32 [tilespmem:s28], [sflag:$0x3], $0x80, s8, s31, $0xb8;
	[tilespmem:$0x1E800] =	vst v63  }
0x4d: {  	_ =	swait.ge [sflag:s29], $0x4000  }
0x4e: {  	[sflag:s29] =	ssyncset.done $0x0  }
0x4f: {  	[sflag:s29] =	ssyncadd.s32 $0xFFFFC000  }
0x50: {  	_ =	swait.ge [sflag:s3], $0x4000  }
0x51: {  	[sflag:s3] =	ssyncset.done $0x0  }
0x52: {  	s6 =	simm.s32 $0x1680;
	[sflag:s3] =	ssyncadd.s32 $0xFFFFC000  }
0x53: {  	[spmem:s1] =	stream.indirect.scatter.add.f32 [tilespmem:s15], [sflag:$0x3], $0x80, s6, s31, $0xb8;
	[tilespmem:$0x1E800] =	vst v63  }
0x54: {  	_ =	swait.ge [sflag:s29], $0x4000  }
0x55: {  	[sflag:s29] =	ssyncset.done $0x0  }
0x56: {  	s7 =	simm.s32 $0x300;
	[sflag:s29] =	ssyncadd.s32 $0xFFFFC000  }
0x57: {  	[tilespmem:s28], [sflag:$0x1] =	stream.indirect.gather [hbm4b:s19+s31], $0x80, s7, s31, $0xb8;
	[tilespmem:$0x1E800] =	vst v63  }
0x58: {  	s8 =	simm.s32 $0x380  }
0x59: {  	[tilespmem:s15], [sflag:$0x2] =	stream.indirect.gather [hbm4b:s19+s31], $0x80, s8, s31, $0xb8;
	[tilespmem:$0x1E800] =	vst v63  }
0x5a: {  	_ =	swait.ge [sflag:s0], $0x4000  }
0x5b: {  	[sflag:s0] =	ssyncset.done $0x0  }
0x5c: {  	s6 =	simm.s32 $0x1700;
	[sflag:s0] =	ssyncadd.s32 $0xFFFFC000  }
0x5d: {  	[spmem:s1] =	stream.indirect.scatter.add.f32 [tilespmem:s28], [sflag:$0x3], $0x80, s6, s31, $0xb8;
	[tilespmem:$0x1E800] =	vst v63  }
0x5e: {  	_ =	swait.ge [sflag:s29], $0x4000  }
0x5f: {  	[sflag:s29] =	ssyncset.done $0x0  }
0x60: {  	[sflag:s29] =	ssyncadd.s32 $0xFFFFC000  }
0x61: {  	_ =	swait.ge [sflag:s3], $0x4000  }
0x62: {  	[sflag:s3] =	ssyncset.done $0x0  }
0x63: {  	s7 =	simm.s32 $0x1780;
	[sflag:s3] =	ssyncadd.s32 $0xFFFFC000  }
0x64: {  	[spmem:s1] =	stream.indirect.scatter.add.f32 [tilespmem:s15], [sflag:$0x3], $0x80, s7, s31, $0xb8;
	[tilespmem:$0x1E800] =	vst v63  }
0x65: {  	_ =	swait.ge [sflag:s29], $0x4000  }
0x66: {  	[sflag:s29] =	ssyncset.done $0x0  }
0x67: {  	s8 =	simm.s32 $0x400;
	[sflag:s29] =	ssyncadd.s32 $0xFFFFC000  }
0x68: {  	[tilespmem:s28], [sflag:$0x1] =	stream.indirect.gather [hbm4b:s19+s31], $0x80, s8, s31, $0xb8;
	[tilespmem:$0x1E800] =	vst v63  }
0x69: {  	s6 =	simm.s32 $0x480  }
0x6a: {  	[tilespmem:s15], [sflag:$0x2] =	stream.indirect.gather [hbm4b:s19+s31], $0x80, s6, s31, $0xb8;
	[tilespmem:$0x1E800] =	vst v63  }
0x6b: {  	_ =	swait.ge [sflag:s0], $0x4000  }
0x6c: {  	[sflag:s0] =	ssyncset.done $0x0  }
0x6d: {  	s7 =	simm.s32 $0x1800;
	[sflag:s0] =	ssyncadd.s32 $0xFFFFC000  }
0x6e: {  	[spmem:s1] =	stream.indirect.scatter.add.f32 [tilespmem:s28], [sflag:$0x3], $0x80, s7, s31, $0xb8;
	[tilespmem:$0x1E800] =	vst v63  }
0x6f: {  	_ =	swait.ge [sflag:s29], $0x4000  }
0x70: {  	[sflag:s29] =	ssyncset.done $0x0  }
0x71: {  	[sflag:s29] =	ssyncadd.s32 $0xFFFFC000  }
0x72: {  	_ =	swait.ge [sflag:s3], $0x4000  }
0x73: {  	[sflag:s3] =	ssyncset.done $0x0  }
0x74: {  	s8 =	simm.s32 $0x1880;
	[sflag:s3] =	ssyncadd.s32 $0xFFFFC000  }
0x75: {  	[spmem:s1] =	stream.indirect.scatter.add.f32 [tilespmem:s15], [sflag:$0x3], $0x80, s8, s31, $0xb8;
	[tilespmem:$0x1E800] =	vst v63  }
0x76: {  	_ =	swait.ge [sflag:s29], $0x4000  }
0x77: {  	[sflag:s29] =	ssyncset.done $0x0  }
0x78: {  	s6 =	simm.s32 $0x500;
	[sflag:s29] =	ssyncadd.s32 $0xFFFFC000  }
0x79: {  	[tilespmem:s28], [sflag:$0x1] =	stream.indirect.gather [hbm4b:s19+s31], $0x80, s6, s31, $0xb8;
	[tilespmem:$0x1E800] =	vst v63  }
0x7a: {  	s7 =	simm.s32 $0x580  }
0x7b: {  	[tilespmem:s15], [sflag:$0x2] =	stream.indirect.gather [hbm4b:s19+s31], $0x80, s7, s31, $0xb8;
	[tilespmem:$0x1E800] =	vst v63  }
0x7c: {  	_ =	swait.ge [sflag:s0], $0x4000  }
0x7d: {  	[sflag:s0] =	ssyncset.done $0x0  }
0x7e: {  	s8 =	simm.s32 $0x1900;
	[sflag:s0] =	ssyncadd.s32 $0xFFFFC000  }
0x7f: {  	[spmem:s1] =	stream.indirect.scatter.add.f32 [tilespmem:s28], [sflag:$0x3], $0x80, s8, s31, $0xb8;
	[tilespmem:$0x1E800] =	vst v63  }
0x80: {  	_ =	swait.ge [sflag:s29], $0x4000  }
0x81: {  	[sflag:s29] =	ssyncset.done $0x0  }
0x82: {  	[sflag:s29] =	ssyncadd.s32 $0xFFFFC000  }
0x83: {  	_ =	swait.ge [sflag:s3], $0x4000  }
0x84: {  	[sflag:s3] =	ssyncset.done $0x0  }
0x85: {  	s6 =	simm.s32 $0x1980;
	[sflag:s3] =	ssyncadd.s32 $0xFFFFC000  }
0x86: {  	[spmem:s1] =	stream.indirect.scatter.add.f32 [tilespmem:s15], [sflag:$0x3], $0x80, s6, s31, $0xb8;
	[tilespmem:$0x1E800] =	vst v63  }
0x87: {  	_ =	swait.ge [sflag:s29], $0x4000  }
0x88: {  	[sflag:s29] =	ssyncset.done $0x0  }
0x89: {  	s7 =	simm.s32 $0x600;
	[sflag:s29] =	ssyncadd.s32 $0xFFFFC000  }
0x8a: {  	[tilespmem:s28], [sflag:$0x1] =	stream.indirect.gather [hbm4b:s19+s31], $0x80, s7, s31, $0xb8;
	[tilespmem:$0x1E800] =	vst v63  }
0x8b: {  	s8 =	simm.s32 $0x680  }
0x8c: {  	[tilespmem:s15], [sflag:$0x2] =	stream.indirect.gather [hbm4b:s19+s31], $0x80, s8, s31, $0xb8;
	[tilespmem:$0x1E800] =	vst v63  }
0x8d: {  	_ =	swait.ge [sflag:s0], $0x4000  }
0x8e: {  	[sflag:s0] =	ssyncset.done $0x0  }
0x8f: {  	s6 =	simm.s32 $0x1A00;
	[sflag:s0] =	ssyncadd.s32 $0xFFFFC000  }
0x90: {  	[spmem:s1] =	stream.indirect.scatter.add.f32 [tilespmem:s28], [sflag:$0x3], $0x80, s6, s31, $0xb8;
	[tilespmem:$0x1E800] =	vst v63  }
0x91: {  	_ =	swait.ge [sflag:s29], $0x4000  }
0x92: {  	[sflag:s29] =	ssyncset.done $0x0  }
0x93: {  	[sflag:s29] =	ssyncadd.s32 $0xFFFFC000  }
0x94: {  	_ =	swait.ge [sflag:s3], $0x4000  }
0x95: {  	[sflag:s3] =	ssyncset.done $0x0  }
0x96: {  	s7 =	simm.s32 $0x1A80;
	[sflag:s3] =	ssyncadd.s32 $0xFFFFC000  }
0x97: {  	[spmem:s1] =	stream.indirect.scatter.add.f32 [tilespmem:s15], [sflag:$0x3], $0x80, s7, s31, $0xb8;
	[tilespmem:$0x1E800] =	vst v63  }
0x98: {  	_ =	swait.ge [sflag:s29], $0x4000  }
0x99: {  	[sflag:s29] =	ssyncset.done $0x0  }
0x9a: {  	s8 =	simm.s32 $0x700;
	[sflag:s29] =	ssyncadd.s32 $0xFFFFC000  }
0x9b: {  	[tilespmem:s28], [sflag:$0x1] =	stream.indirect.gather [hbm4b:s19+s31], $0x80, s8, s31, $0xb8;
	[tilespmem:$0x1E800] =	vst v63  }
0x9c: {  	s6 =	simm.s32 $0x780  }
0x9d: {  	[tilespmem:s15], [sflag:$0x2] =	stream.indirect.gather [hbm4b:s19+s31], $0x80, s6, s31, $0xb8;
	[tilespmem:$0x1E800] =	vst v63  }
0x9e: {  	_ =	swait.ge [sflag:s0], $0x4000  }
0x9f: {  	[sflag:s0] =	ssyncset.done $0x0  }
0xa0: {  	s7 =	simm.s32 $0x1B00;
	[sflag:s0] =	ssyncadd.s32 $0xFFFFC000  }
0xa1: {  	[spmem:s1] =	stream.indirect.scatter.add.f32 [tilespmem:s28], [sflag:$0x3], $0x80, s7, s31, $0xb8;
	[tilespmem:$0x1E800] =	vst v63  }
0xa2: {  	_ =	swait.ge [sflag:s29], $0x4000  }
0xa3: {  	[sflag:s29] =	ssyncset.done $0x0  }
0xa4: {  	[sflag:s29] =	ssyncadd.s32 $0xFFFFC000  }
0xa5: {  	_ =	swait.ge [sflag:s3], $0x4000  }
0xa6: {  	[sflag:s3] =	ssyncset.done $0x0  }
0xa7: {  	s8 =	simm.s32 $0x1B80;
	[sflag:s3] =	ssyncadd.s32 $0xFFFFC000  }
0xa8: {  	[spmem:s1] =	stream.indirect.scatter.add.f32 [tilespmem:s15], [sflag:$0x3], $0x80, s8, s31, $0xb8;
	[tilespmem:$0x1E800] =	vst v63  }
0xa9: {  	_ =	swait.ge [sflag:s29], $0x4000  }
0xaa: {  	[sflag:s29] =	ssyncset.done $0x0  }
0xab: {  	[sflag:s29] =	ssyncadd.s32 $0xFFFFC000  }
.LBB2_12:
0xac: {  	[bflag:$0x0] =	sbarrier.arrive $0xFFFF  }
0xad: {  	[tilespmem:s28], [sflag:$0x3] =	stream.linear.gather [spmem:s21], $0x4000, $0x38;
	[tilespmem:$0x1E800] =	vst v63  }
0xae: {  	_ =	swait.ge [sflag:s29], $0x4000  }
0xaf: {  	[sflag:s29] =	ssyncset.done $0x0  }
0xb0: {  	[sflag:s29] =	ssyncadd.s32 $0xFFFFC000  }
0xb1: {  	[hbm4b:s13+s2] =	stream.linear.scatter [tilespmem:s28], [sflag:$0x3], $0x4000, $0x38;
	[tilespmem:$0x1E800] =	vst v63  }
0xb2: {  	_ =	swait.ge [sflag:s29], $0x4000  }
0xb3: {  	[sflag:s29] =	ssyncset.done $0x0  }
0xb4: {  	[sflag:s29] =	ssyncadd.s32 $0xFFFFC000  }
0xb5: {  	[tilespmem:s28], [sflag:$0x3] =	stream.linear.gather [spmem:s22], $0x4000, $0x38;
	[tilespmem:$0x1E800] =	vst v63  }
0xb6: {  	_ =	swait.ge [sflag:s29], $0x4000  }
0xb7: {  	[sflag:s29] =	ssyncset.done $0x0  }
0xb8: {  	[sflag:s29] =	ssyncadd.s32 $0xFFFFC000  }
0xb9: {  	[hbm4b:s14+s2] =	stream.linear.scatter [tilespmem:s28], [sflag:$0x3], $0x4000, $0x38;
	[tilespmem:$0x1E800] =	vst v63  }
0xba: {  	_ =	swait.ge [sflag:s29], $0x4000  }
0xbb: {  	[sflag:s29] =	ssyncset.done $0x0  }
0xbc: {  	[sflag:s29] =	ssyncadd.s32 $0xFFFFC000  }
0xbd: {  	[tilespmem:s28], [sflag:$0x3] =	stream.linear.gather [spmem:s23], $0x4000, $0x38;
	[tilespmem:$0x1E800] =	vst v63  }
0xbe: {  	_ =	swait.ge [sflag:s29], $0x4000  }
0xbf: {  	[sflag:s29] =	ssyncset.done $0x0  }
0xc0: {  	[sflag:s29] =	ssyncadd.s32 $0xFFFFC000  }
0xc1: {  	[hbm4b:s16+s2] =	stream.linear.scatter [tilespmem:s28], [sflag:$0x3], $0x4000, $0x38;
	[tilespmem:$0x1E800] =	vst v63  }
0xc2: {  	_ =	swait.ge [sflag:s29], $0x4000  }
0xc3: {  	[sflag:s29] =	ssyncset.done $0x0  }
0xc4: {  	[sflag:s29] =	ssyncadd.s32 $0xFFFFC000  }
0xc5: {  	[tilespmem:s28], [sflag:$0x3] =	stream.linear.gather [spmem:s24], $0x4000, $0x38;
	[tilespmem:$0x1E800] =	vst v63  }
0xc6: {  	_ =	swait.ge [sflag:s29], $0x4000  }
0xc7: {  	[sflag:s29] =	ssyncset.done $0x0  }
0xc8: {  	[sflag:s29] =	ssyncadd.s32 $0xFFFFC000  }
0xc9: {  	[hbm4b:s17+s2] =	stream.linear.scatter [tilespmem:s28], [sflag:$0x3], $0x4000, $0x38;
	[tilespmem:$0x1E800] =	vst v63  }
0xca: {  	_ =	swait.ge [sflag:s29], $0x4000  }
0xcb: {  	[sflag:s29] =	ssyncset.done $0x0  }
0xcc: {  	[sflag:s29] =	ssyncadd.s32 $0xFFFFC000  }
0xcd: {  	[tilespmem:s28], [sflag:$0x3] =	stream.linear.gather [spmem:s25], $0x4000, $0x38;
	[tilespmem:$0x1E800] =	vst v63  }
0xce: {  	s4 =	sadd.s32 $0x1, s4;
	_ =	swait.ge [sflag:s29], $0x4000  }
0xcf: {  	p1 =	sne.s32 s4, s26;
	[sflag:s29] =	ssyncset.done $0x0  }
.Ltmp1:
0xd0: {  	[sflag:s29] =	ssyncadd.s32 $0xFFFFC000;
	(pc) =	sbr.rel @!p1 .LBB2_13-.Ltmp1, $4  }
0xd1: {  	[hbm4b:s18+s2] =	stream.linear.scatter [tilespmem:s28], [sflag:$0x3], $0x4000, $0x38;
	[tilespmem:$0x1E800] =	vst v63  }
0xd2: {  	_ =	swait.ge [sflag:s29], $0x4000  }
0xd3: {  	[sflag:s29] =	ssyncset.done $0x0  }
0xd4: {  	[sflag:s29] =	ssyncadd.s32 $0xFFFFC000  }
.LBB2_1:
0xd5: {  	[tilespmem:s28], [sflag:$0x3] =	stream.linear.gather [hbm4b:s20+s2], $0x4000, $0x38;
	[tilespmem:$0x1E800] =	vst v63  }
0xd6: {  	_ =	swait.ge [sflag:s29], $0x4000  }
0xd7: {  	[sflag:s29] =	ssyncset.done $0x0  }
0xd8: {  	[sflag:s29] =	ssyncadd.s32 $0xFFFFC000  }
0xd9: {  	[spmem:s21] =	stream.linear.scatter [tilespmem:s28], [sflag:$0x3], $0x4000, $0x38;
	[tilespmem:$0x1E800] =	vst v63  }
0xda: {  	_ =	swait.ge [sflag:s29], $0x4000  }
0xdb: {  	[sflag:s29] =	ssyncset.done $0x0  }
0xdc: {  	[sflag:s29] =	ssyncadd.s32 $0xFFFFC000  }
0xdd: {  	[spmem:s22] =	stream.linear.scatter [tilespmem:s28], [sflag:$0x3], $0x4000, $0x38;
	[tilespmem:$0x1E800] =	vst v63  }
0xde: {  	_ =	swait.ge [sflag:s29], $0x4000  }
0xdf: {  	[sflag:s29] =	ssyncset.done $0x0  }
0xe0: {  	[sflag:s29] =	ssyncadd.s32 $0xFFFFC000  }
0xe1: {  	[spmem:s23] =	stream.linear.scatter [tilespmem:s28], [sflag:$0x3], $0x4000, $0x38;
	[tilespmem:$0x1E800] =	vst v63  }
0xe2: {  	_ =	swait.ge [sflag:s29], $0x4000  }
0xe3: {  	[sflag:s29] =	ssyncset.done $0x0  }
0xe4: {  	[sflag:s29] =	ssyncadd.s32 $0xFFFFC000  }
0xe5: {  	[spmem:s24] =	stream.linear.scatter [tilespmem:s28], [sflag:$0x3], $0x4000, $0x38;
	[tilespmem:$0x1E800] =	vst v63  }
0xe6: {  	_ =	swait.ge [sflag:s29], $0x4000  }
0xe7: {  	[sflag:s29] =	ssyncset.done $0x0  }
0xe8: {  	[sflag:s29] =	ssyncadd.s32 $0xFFFFC000  }
0xe9: {  	[spmem:s25] =	stream.linear.scatter [tilespmem:s28], [sflag:$0x3], $0x4000, $0x38;
	[tilespmem:$0x1E800] =	vst v63  }
.Ltmp2:
0xea: {  	_ =	swait.ge [sflag:s29], $0x4000;
	(pc) =	sbr.rel @p0 .LBB2_11-.Ltmp2, $3  }
0xeb: {  	[sflag:s29] =	ssyncset.done $0x0  }
0xec: {  	[sflag:s29] =	ssyncadd.s32 $0xFFFFC000  }
0xed: {  	[bflag:$0x0] =	sbarrier.arrive $0xFFFF;
	_ =	sdelay $0x1  }
0xee: {  	s5 =	simm.s32 $0x0;
	s6 =	rddreg [dreg:$0x3]  }
0xef: {  	[tilespmem:s5], [sflag:$0x3] =	stream.linear.gather [hbm4b:s6+s5], $0x1400, $0x38;
	[tilespmem:$0x1E800] =	vst v63  }
0xf0: {  	_ =	swait.ge [sflag:s29], $0x1400  }
0xf1: {  	[sflag:s29] =	ssyncset.done $0x0  }
0xf2: {  	s7 =	rddreg [dreg:$0x4];
	[sflag:s29] =	ssyncadd.s32 $0xFFFFEC00  }
0xf3: {  	[tilespmem:s30], [sflag:$0x3] =	stream.linear.gather [hbm4b:s7+s5], $0x1400, $0x38;
	[tilespmem:$0x1E800] =	vst v63  }
0xf4: {  	_ =	swait.ge [sflag:s29], $0x1400  }
0xf5: {  	[sflag:s29] =	ssyncset.done $0x0  }
0xf6: {  	s8 =	simm.s32 $0x0;
	[sflag:s29] =	ssyncadd.s32 $0xFFFFEC00  }
0xf7: {  	[tilespmem:s28], [sflag:$0x1] =	stream.indirect.gather [hbm4b:s19+s31], $0x80, s8, s31, $0xb8;
	[tilespmem:$0x1E800] =	vst v63  }
0xf8: {  	s6 =	simm.s32 $0x80  }
0xf9: {  	[tilespmem:s15], [sflag:$0x2] =	stream.indirect.gather [hbm4b:s19+s31], $0x80, s6, s31, $0xb8;
	[tilespmem:$0x1E800] =	vst v63  }
0xfa: {  	_ =	swait.ge [sflag:s0], $0x4000  }
0xfb: {  	[sflag:s0] =	ssyncset.done $0x0  }
0xfc: {  	s7 =	simm.s32 $0x1400;
	[sflag:s0] =	ssyncadd.s32 $0xFFFFC000  }
0xfd: {  	[spmem:s1] =	stream.indirect.scatter.add.f32 [tilespmem:s28], [sflag:$0x3], $0x80, s7, s31, $0xb8;
	[tilespmem:$0x1E800] =	vst v63  }
0xfe: {  	_ =	swait.ge [sflag:s29], $0x4000  }
0xff: {  	[sflag:s29] =	ssyncset.done $0x0  }
0x100: {  	[sflag:s29] =	ssyncadd.s32 $0xFFFFC000  }
0x101: {  	_ =	swait.ge [sflag:s3], $0x4000  }
0x102: {  	[sflag:s3] =	ssyncset.done $0x0  }
0x103: {  	s8 =	simm.s32 $0x1480;
	[sflag:s3] =	ssyncadd.s32 $0xFFFFC000  }
0x104: {  	[spmem:s1] =	stream.indirect.scatter.add.f32 [tilespmem:s15], [sflag:$0x3], $0x80, s8, s31, $0xb8;
	[tilespmem:$0x1E800] =	vst v63  }
0x105: {  	_ =	swait.ge [sflag:s29], $0x4000  }
0x106: {  	s5 =	simm.s32 $0x400;
	s6 =	simm.s32 $0x800;
	[sflag:s29] =	ssyncset.done $0x0  }
.LBB2_3:
0x107: {  	s7 =	sshra.s32 s5, $0x2  }
0x108: {  	[sflag:s29] =	ssyncadd.s32 $0xFFFFC000;
	s5 =	smov.u32 s6;
	s8 =	sadd.s32 $0x400, s6  }
0x109: {  	[tilespmem:s28], [sflag:$0x1] =	stream.indirect.gather [hbm4b:s19+s31], $0x80, s7, s31, $0xb8;
	[tilespmem:$0x1E800] =	vst v63  }
0x10a: {  	p1 =	sne.s32 s6, $0x4C00;
	s6 =	sadd.s32 $0x80, s7  }
0x10b: {  	[tilespmem:s15], [sflag:$0x2] =	stream.indirect.gather [hbm4b:s19+s31], $0x80, s6, s31, $0xb8;
	[tilespmem:$0x1E800] =	vst v63  }
0x10c: {  	_ =	swait.ge [sflag:s0], $0x4000  }
0x10d: {  	[sflag:s0] =	ssyncset.done $0x0  }
0x10e: {  	s6 =	sadd.s32 $0x1400, s7;
	[sflag:s0] =	ssyncadd.s32 $0xFFFFC000  }
0x10f: {  	[spmem:s1] =	stream.indirect.scatter.add.f32 [tilespmem:s28], [sflag:$0x3], $0x80, s6, s31, $0xb8;
	[tilespmem:$0x1E800] =	vst v63  }
0x110: {  	_ =	swait.ge [sflag:s29], $0x4000  }
0x111: {  	[sflag:s29] =	ssyncset.done $0x0  }
0x112: {  	[sflag:s29] =	ssyncadd.s32 $0xFFFFC000  }
0x113: {  	_ =	swait.ge [sflag:s3], $0x4000  }
.Ltmp3:
0x114: {  	[sflag:s3] =	ssyncset.done $0x0;
	(pc) =	sbr.rel @p1 .LBB2_3-.Ltmp3, $4  }
0x115: {  	s6 =	sadd.s32 $0x1480, s7;
	[sflag:s3] =	ssyncadd.s32 $0xFFFFC000  }
0x116: {  	[spmem:s1] =	stream.indirect.scatter.add.f32 [tilespmem:s15], [sflag:$0x3], $0x80, s6, s31, $0xb8;
	[tilespmem:$0x1E800] =	vst v63  }
0x117: {  	_ =	swait.ge [sflag:s29], $0x4000  }
0x118: {  	s6 =	smov.u32 s8;
	[sflag:s29] =	ssyncset.done $0x0  }
0x119: {  	s5 =	sshra.s32 s5, $0x2;
	[sflag:s29] =	ssyncadd.s32 $0xFFFFC000  }
0x11a: {  	[tilespmem:s28], [sflag:$0x1] =	stream.indirect.gather [hbm4b:s19+s31], $0x80, s5, s31, $0xb8;
	[tilespmem:$0x1E800] =	vst v63  }
0x11b: {  	s6 =	sadd.s32 $0x80, s5  }
0x11c: {  	[tilespmem:s15], [sflag:$0x2] =	stream.indirect.gather [hbm4b:s19+s31], $0x80, s6, s31, $0xb8;
	[tilespmem:$0x1E800] =	vst v63  }
0x11d: {  	_ =	swait.ge [sflag:s0], $0x4000  }
0x11e: {  	[sflag:s0] =	ssyncset.done $0x0  }
0x11f: {  	s7 =	sadd.s32 $0x1400, s5;
	[sflag:s0] =	ssyncadd.s32 $0xFFFFC000  }
0x120: {  	[spmem:s1] =	stream.indirect.scatter.add.f32 [tilespmem:s28], [sflag:$0x3], $0x80, s7, s31, $0xb8;
	[tilespmem:$0x1E800] =	vst v63  }
0x121: {  	_ =	swait.ge [sflag:s29], $0x4000  }
0x122: {  	[sflag:s29] =	ssyncset.done $0x0  }
0x123: {  	[sflag:s29] =	ssyncadd.s32 $0xFFFFC000  }
0x124: {  	_ =	swait.ge [sflag:s3], $0x4000  }
0x125: {  	[sflag:s3] =	ssyncset.done $0x0  }
0x126: {  	s5 =	sadd.s32 $0x1480, s5;
	[sflag:s3] =	ssyncadd.s32 $0xFFFFC000  }
0x127: {  	[spmem:s1] =	stream.indirect.scatter.add.f32 [tilespmem:s15], [sflag:$0x3], $0x80, s5, s31, $0xb8;
	[tilespmem:$0x1E800] =	vst v63  }
0x128: {  	_ =	swait.ge [sflag:s29], $0x4000  }
0x129: {  	[sflag:s29] =	ssyncset.done $0x0  }
0x12a: {  	s5 =	simm.s32 $0x0;
	s8 =	rddreg [dreg:$0x5];
	[sflag:s29] =	ssyncadd.s32 $0xFFFFC000  }
0x12b: {  	[tilespmem:s5], [sflag:$0x3] =	stream.linear.gather [hbm4b:s8+s5], $0x1400, $0x38;
	[tilespmem:$0x1E800] =	vst v63  }
0x12c: {  	_ =	swait.ge [sflag:s29], $0x1400  }
0x12d: {  	[sflag:s29] =	ssyncset.done $0x0  }
0x12e: {  	s7 =	rddreg [dreg:$0x6];
	[sflag:s29] =	ssyncadd.s32 $0xFFFFEC00  }
0x12f: {  	[tilespmem:s30], [sflag:$0x3] =	stream.linear.gather [hbm4b:s7+s5], $0x1400, $0x38;
	[tilespmem:$0x1E800] =	vst v63  }
0x130: {  	_ =	swait.ge [sflag:s29], $0x1400  }
0x131: {  	[sflag:s29] =	ssyncset.done $0x0  }
0x132: {  	s8 =	simm.s32 $0x0;
	[sflag:s29] =	ssyncadd.s32 $0xFFFFEC00  }
0x133: {  	[tilespmem:s28], [sflag:$0x1] =	stream.indirect.gather [hbm4b:s19+s31], $0x80, s8, s31, $0xb8;
	[tilespmem:$0x1E800] =	vst v63  }
0x134: {  	s6 =	simm.s32 $0x80  }
0x135: {  	[tilespmem:s15], [sflag:$0x2] =	stream.indirect.gather [hbm4b:s19+s31], $0x80, s6, s31, $0xb8;
	[tilespmem:$0x1E800] =	vst v63  }
0x136: {  	_ =	swait.ge [sflag:s0], $0x4000  }
0x137: {  	[sflag:s0] =	ssyncset.done $0x0  }
0x138: {  	s7 =	simm.s32 $0x1400;
	[sflag:s0] =	ssyncadd.s32 $0xFFFFC000  }
0x139: {  	[spmem:s1] =	stream.indirect.scatter.add.f32 [tilespmem:s28], [sflag:$0x3], $0x80, s7, s31, $0xb8;
	[tilespmem:$0x1E800] =	vst v63  }
0x13a: {  	_ =	swait.ge [sflag:s29], $0x4000  }
0x13b: {  	[sflag:s29] =	ssyncset.done $0x0  }
0x13c: {  	[sflag:s29] =	ssyncadd.s32 $0xFFFFC000  }
0x13d: {  	_ =	swait.ge [sflag:s3], $0x4000  }
0x13e: {  	[sflag:s3] =	ssyncset.done $0x0  }
0x13f: {  	s8 =	simm.s32 $0x1480;
	[sflag:s3] =	ssyncadd.s32 $0xFFFFC000  }
0x140: {  	[spmem:s1] =	stream.indirect.scatter.add.f32 [tilespmem:s15], [sflag:$0x3], $0x80, s8, s31, $0xb8;
	[tilespmem:$0x1E800] =	vst v63  }
0x141: {  	_ =	swait.ge [sflag:s29], $0x4000  }
0x142: {  	s5 =	simm.s32 $0x400;
	s6 =	simm.s32 $0x800;
	[sflag:s29] =	ssyncset.done $0x0  }
.LBB2_5:
0x143: {  	s7 =	sshra.s32 s5, $0x2  }
0x144: {  	[sflag:s29] =	ssyncadd.s32 $0xFFFFC000;
	s5 =	smov.u32 s6;
	s8 =	sadd.s32 $0x400, s6  }
0x145: {  	[tilespmem:s28], [sflag:$0x1] =	stream.indirect.gather [hbm4b:s19+s31], $0x80, s7, s31, $0xb8;
	[tilespmem:$0x1E800] =	vst v63  }
0x146: {  	p1 =	sne.s32 s6, $0x4C00;
	s6 =	sadd.s32 $0x80, s7  }
0x147: {  	[tilespmem:s15], [sflag:$0x2] =	stream.indirect.gather [hbm4b:s19+s31], $0x80, s6, s31, $0xb8;
	[tilespmem:$0x1E800] =	vst v63  }
0x148: {  	_ =	swait.ge [sflag:s0], $0x4000  }
0x149: {  	[sflag:s0] =	ssyncset.done $0x0  }
0x14a: {  	s6 =	sadd.s32 $0x1400, s7;
	[sflag:s0] =	ssyncadd.s32 $0xFFFFC000  }
0x14b: {  	[spmem:s1] =	stream.indirect.scatter.add.f32 [tilespmem:s28], [sflag:$0x3], $0x80, s6, s31, $0xb8;
	[tilespmem:$0x1E800] =	vst v63  }
0x14c: {  	_ =	swait.ge [sflag:s29], $0x4000  }
0x14d: {  	[sflag:s29] =	ssyncset.done $0x0  }
0x14e: {  	[sflag:s29] =	ssyncadd.s32 $0xFFFFC000  }
0x14f: {  	_ =	swait.ge [sflag:s3], $0x4000  }
.Ltmp4:
0x150: {  	[sflag:s3] =	ssyncset.done $0x0;
	(pc) =	sbr.rel @p1 .LBB2_5-.Ltmp4, $4  }
0x151: {  	s6 =	sadd.s32 $0x1480, s7;
	[sflag:s3] =	ssyncadd.s32 $0xFFFFC000  }
0x152: {  	[spmem:s1] =	stream.indirect.scatter.add.f32 [tilespmem:s15], [sflag:$0x3], $0x80, s6, s31, $0xb8;
	[tilespmem:$0x1E800] =	vst v63  }
0x153: {  	_ =	swait.ge [sflag:s29], $0x4000  }
0x154: {  	s6 =	smov.u32 s8;
	[sflag:s29] =	ssyncset.done $0x0  }
0x155: {  	s5 =	sshra.s32 s5, $0x2;
	[sflag:s29] =	ssyncadd.s32 $0xFFFFC000  }
0x156: {  	[tilespmem:s28], [sflag:$0x1] =	stream.indirect.gather [hbm4b:s19+s31], $0x80, s5, s31, $0xb8;
	[tilespmem:$0x1E800] =	vst v63  }
0x157: {  	s6 =	sadd.s32 $0x80, s5  }
0x158: {  	[tilespmem:s15], [sflag:$0x2] =	stream.indirect.gather [hbm4b:s19+s31], $0x80, s6, s31, $0xb8;
	[tilespmem:$0x1E800] =	vst v63  }
0x159: {  	_ =	swait.ge [sflag:s0], $0x4000  }
0x15a: {  	[sflag:s0] =	ssyncset.done $0x0  }
0x15b: {  	s7 =	sadd.s32 $0x1400, s5;
	[sflag:s0] =	ssyncadd.s32 $0xFFFFC000  }
0x15c: {  	[spmem:s1] =	stream.indirect.scatter.add.f32 [tilespmem:s28], [sflag:$0x3], $0x80, s7, s31, $0xb8;
	[tilespmem:$0x1E800] =	vst v63  }
0x15d: {  	_ =	swait.ge [sflag:s29], $0x4000  }
0x15e: {  	[sflag:s29] =	ssyncset.done $0x0  }
0x15f: {  	[sflag:s29] =	ssyncadd.s32 $0xFFFFC000  }
0x160: {  	_ =	swait.ge [sflag:s3], $0x4000  }
0x161: {  	[sflag:s3] =	ssyncset.done $0x0  }
0x162: {  	s5 =	sadd.s32 $0x1480, s5;
	[sflag:s3] =	ssyncadd.s32 $0xFFFFC000  }
0x163: {  	[spmem:s1] =	stream.indirect.scatter.add.f32 [tilespmem:s15], [sflag:$0x3], $0x80, s5, s31, $0xb8;
	[tilespmem:$0x1E800] =	vst v63  }
0x164: {  	_ =	swait.ge [sflag:s29], $0x4000  }
0x165: {  	[sflag:s29] =	ssyncset.done $0x0  }
0x166: {  	s5 =	simm.s32 $0x0;
	s8 =	rddreg [dreg:$0x7];
	[sflag:s29] =	ssyncadd.s32 $0xFFFFC000  }
0x167: {  	[tilespmem:s5], [sflag:$0x3] =	stream.linear.gather [hbm4b:s8+s5], $0x1400, $0x38;
	[tilespmem:$0x1E800] =	vst v63  }
0x168: {  	_ =	swait.ge [sflag:s29], $0x1400  }
0x169: {  	[sflag:s29] =	ssyncset.done $0x0  }
0x16a: {  	s7 =	rddreg [dreg:$0x8];
	[sflag:s29] =	ssyncadd.s32 $0xFFFFEC00  }
0x16b: {  	[tilespmem:s30], [sflag:$0x3] =	stream.linear.gather [hbm4b:s7+s5], $0x1400, $0x38;
	[tilespmem:$0x1E800] =	vst v63  }
0x16c: {  	_ =	swait.ge [sflag:s29], $0x1400  }
0x16d: {  	[sflag:s29] =	ssyncset.done $0x0  }
0x16e: {  	s8 =	simm.s32 $0x0;
	[sflag:s29] =	ssyncadd.s32 $0xFFFFEC00  }
0x16f: {  	[tilespmem:s28], [sflag:$0x1] =	stream.indirect.gather [hbm4b:s19+s31], $0x80, s8, s31, $0xb8;
	[tilespmem:$0x1E800] =	vst v63  }
0x170: {  	s6 =	simm.s32 $0x80  }
0x171: {  	[tilespmem:s15], [sflag:$0x2] =	stream.indirect.gather [hbm4b:s19+s31], $0x80, s6, s31, $0xb8;
	[tilespmem:$0x1E800] =	vst v63  }
0x172: {  	_ =	swait.ge [sflag:s0], $0x4000  }
0x173: {  	[sflag:s0] =	ssyncset.done $0x0  }
0x174: {  	s7 =	simm.s32 $0x1400;
	[sflag:s0] =	ssyncadd.s32 $0xFFFFC000  }
0x175: {  	[spmem:s1] =	stream.indirect.scatter.add.f32 [tilespmem:s28], [sflag:$0x3], $0x80, s7, s31, $0xb8;
	[tilespmem:$0x1E800] =	vst v63  }
0x176: {  	_ =	swait.ge [sflag:s29], $0x4000  }
0x177: {  	[sflag:s29] =	ssyncset.done $0x0  }
0x178: {  	[sflag:s29] =	ssyncadd.s32 $0xFFFFC000  }
0x179: {  	_ =	swait.ge [sflag:s3], $0x4000  }
0x17a: {  	[sflag:s3] =	ssyncset.done $0x0  }
0x17b: {  	s8 =	simm.s32 $0x1480;
	[sflag:s3] =	ssyncadd.s32 $0xFFFFC000  }
0x17c: {  	[spmem:s1] =	stream.indirect.scatter.add.f32 [tilespmem:s15], [sflag:$0x3], $0x80, s8, s31, $0xb8;
	[tilespmem:$0x1E800] =	vst v63  }
0x17d: {  	_ =	swait.ge [sflag:s29], $0x4000  }
0x17e: {  	s5 =	simm.s32 $0x400;
	s6 =	simm.s32 $0x800;
	[sflag:s29] =	ssyncset.done $0x0  }
.LBB2_7:
0x17f: {  	s7 =	sshra.s32 s5, $0x2  }
0x180: {  	[sflag:s29] =	ssyncadd.s32 $0xFFFFC000;
	s5 =	smov.u32 s6;
	s8 =	sadd.s32 $0x400, s6  }
0x181: {  	[tilespmem:s28], [sflag:$0x1] =	stream.indirect.gather [hbm4b:s19+s31], $0x80, s7, s31, $0xb8;
	[tilespmem:$0x1E800] =	vst v63  }
0x182: {  	p1 =	sne.s32 s6, $0x4C00;
	s6 =	sadd.s32 $0x80, s7  }
0x183: {  	[tilespmem:s15], [sflag:$0x2] =	stream.indirect.gather [hbm4b:s19+s31], $0x80, s6, s31, $0xb8;
	[tilespmem:$0x1E800] =	vst v63  }
0x184: {  	_ =	swait.ge [sflag:s0], $0x4000  }
0x185: {  	[sflag:s0] =	ssyncset.done $0x0  }
0x186: {  	s6 =	sadd.s32 $0x1400, s7;
	[sflag:s0] =	ssyncadd.s32 $0xFFFFC000  }
0x187: {  	[spmem:s1] =	stream.indirect.scatter.add.f32 [tilespmem:s28], [sflag:$0x3], $0x80, s6, s31, $0xb8;
	[tilespmem:$0x1E800] =	vst v63  }
0x188: {  	_ =	swait.ge [sflag:s29], $0x4000  }
0x189: {  	[sflag:s29] =	ssyncset.done $0x0  }
0x18a: {  	[sflag:s29] =	ssyncadd.s32 $0xFFFFC000  }
0x18b: {  	_ =	swait.ge [sflag:s3], $0x4000  }
.Ltmp5:
0x18c: {  	[sflag:s3] =	ssyncset.done $0x0;
	(pc) =	sbr.rel @p1 .LBB2_7-.Ltmp5, $4  }
0x18d: {  	s6 =	sadd.s32 $0x1480, s7;
	[sflag:s3] =	ssyncadd.s32 $0xFFFFC000  }
0x18e: {  	[spmem:s1] =	stream.indirect.scatter.add.f32 [tilespmem:s15], [sflag:$0x3], $0x80, s6, s31, $0xb8;
	[tilespmem:$0x1E800] =	vst v63  }
0x18f: {  	_ =	swait.ge [sflag:s29], $0x4000  }
0x190: {  	s6 =	smov.u32 s8;
	[sflag:s29] =	ssyncset.done $0x0  }
0x191: {  	s5 =	sshra.s32 s5, $0x2;
	[sflag:s29] =	ssyncadd.s32 $0xFFFFC000  }
0x192: {  	[tilespmem:s28], [sflag:$0x1] =	stream.indirect.gather [hbm4b:s19+s31], $0x80, s5, s31, $0xb8;
	[tilespmem:$0x1E800] =	vst v63  }
0x193: {  	s6 =	sadd.s32 $0x80, s5  }
0x194: {  	[tilespmem:s15], [sflag:$0x2] =	stream.indirect.gather [hbm4b:s19+s31], $0x80, s6, s31, $0xb8;
	[tilespmem:$0x1E800] =	vst v63  }
0x195: {  	_ =	swait.ge [sflag:s0], $0x4000  }
0x196: {  	[sflag:s0] =	ssyncset.done $0x0  }
0x197: {  	s8 =	sadd.s32 $0x1400, s5;
	[sflag:s0] =	ssyncadd.s32 $0xFFFFC000  }
0x198: {  	[spmem:s1] =	stream.indirect.scatter.add.f32 [tilespmem:s28], [sflag:$0x3], $0x80, s8, s31, $0xb8;
	[tilespmem:$0x1E800] =	vst v63  }
0x199: {  	_ =	swait.ge [sflag:s29], $0x4000  }
0x19a: {  	[sflag:s29] =	ssyncset.done $0x0  }
0x19b: {  	[sflag:s29] =	ssyncadd.s32 $0xFFFFC000  }
0x19c: {  	_ =	swait.ge [sflag:s3], $0x4000  }
0x19d: {  	[sflag:s3] =	ssyncset.done $0x0  }
0x19e: {  	s5 =	sadd.s32 $0x1480, s5;
	[sflag:s3] =	ssyncadd.s32 $0xFFFFC000  }
0x19f: {  	[spmem:s1] =	stream.indirect.scatter.add.f32 [tilespmem:s15], [sflag:$0x3], $0x80, s5, s31, $0xb8;
	[tilespmem:$0x1E800] =	vst v63  }
0x1a0: {  	_ =	swait.ge [sflag:s29], $0x4000  }
0x1a1: {  	[sflag:s29] =	ssyncset.done $0x0  }
0x1a2: {  	s7 =	simm.s32 $0x0;
	[sflag:s29] =	ssyncadd.s32 $0xFFFFC000  }
0x1a3: {  	[tilespmem:s7], [sflag:$0x3] =	stream.linear.gather [hbm4b:s9+s7], $0xC00, $0x38;
	[tilespmem:$0x1E800] =	vst v63  }
0x1a4: {  	_ =	swait.ge [sflag:s29], $0xC00  }
0x1a5: {  	[sflag:s29] =	ssyncset.done $0x0  }
0x1a6: {  	[sflag:s29] =	ssyncadd.s32 $0xFFFFF400  }
0x1a7: {  	[tilespmem:s30], [sflag:$0x3] =	stream.linear.gather [hbm4b:s10+s7], $0xC00, $0x38;
	[tilespmem:$0x1E800] =	vst v63  }
0x1a8: {  	_ =	swait.ge [sflag:s29], $0xC00  }
0x1a9: {  	[sflag:s29] =	ssyncset.done $0x0  }
0x1aa: {  	s8 =	simm.s32 $0x0;
	[sflag:s29] =	ssyncadd.s32 $0xFFFFF400  }
0x1ab: {  	[tilespmem:s28], [sflag:$0x1] =	stream.indirect.gather [hbm4b:s19+s31], $0x80, s8, s31, $0xb8;
	[tilespmem:$0x1E800] =	vst v63  }
0x1ac: {  	s6 =	simm.s32 $0x80  }
0x1ad: {  	[tilespmem:s15], [sflag:$0x2] =	stream.indirect.gather [hbm4b:s19+s31], $0x80, s6, s31, $0xb8;
	[tilespmem:$0x1E800] =	vst v63  }
0x1ae: {  	_ =	swait.ge [sflag:s0], $0x4000  }
0x1af: {  	[sflag:s0] =	ssyncset.done $0x0  }
0x1b0: {  	s7 =	simm.s32 $0x1400;
	[sflag:s0] =	ssyncadd.s32 $0xFFFFC000  }
0x1b1: {  	[spmem:s1] =	stream.indirect.scatter.add.f32 [tilespmem:s28], [sflag:$0x3], $0x80, s7, s31, $0xb8;
	[tilespmem:$0x1E800] =	vst v63  }
0x1b2: {  	_ =	swait.ge [sflag:s29], $0x4000  }
0x1b3: {  	[sflag:s29] =	ssyncset.done $0x0  }
0x1b4: {  	[sflag:s29] =	ssyncadd.s32 $0xFFFFC000  }
0x1b5: {  	_ =	swait.ge [sflag:s3], $0x4000  }
0x1b6: {  	[sflag:s3] =	ssyncset.done $0x0  }
0x1b7: {  	s8 =	simm.s32 $0x1480;
	[sflag:s3] =	ssyncadd.s32 $0xFFFFC000  }
0x1b8: {  	[spmem:s1] =	stream.indirect.scatter.add.f32 [tilespmem:s15], [sflag:$0x3], $0x80, s8, s31, $0xb8;
	[tilespmem:$0x1E800] =	vst v63  }
0x1b9: {  	_ =	swait.ge [sflag:s29], $0x4000  }
0x1ba: {  	s5 =	simm.s32 $0x400;
	s6 =	simm.s32 $0x800;
	[sflag:s29] =	ssyncset.done $0x0  }
.LBB2_9:
0x1bb: {  	s7 =	sshra.s32 s5, $0x2  }
0x1bc: {  	[sflag:s29] =	ssyncadd.s32 $0xFFFFC000;
	s5 =	smov.u32 s6;
	s8 =	sadd.s32 $0x400, s6  }
0x1bd: {  	[tilespmem:s28], [sflag:$0x1] =	stream.indirect.gather [hbm4b:s19+s31], $0x80, s7, s31, $0xb8;
	[tilespmem:$0x1E800] =	vst v63  }
0x1be: {  	p1 =	seq.s32 s6, $0x2C00;
	s6 =	sadd.s32 $0x80, s7  }
0x1bf: {  	[tilespmem:s15], [sflag:$0x2] =	stream.indirect.gather [hbm4b:s19+s31], $0x80, s6, s31, $0xb8;
	[tilespmem:$0x1E800] =	vst v63  }
0x1c0: {  	_ =	swait.ge [sflag:s0], $0x4000  }
0x1c1: {  	[sflag:s0] =	ssyncset.done $0x0  }
0x1c2: {  	s6 =	sadd.s32 $0x1400, s7;
	[sflag:s0] =	ssyncadd.s32 $0xFFFFC000  }
0x1c3: {  	[spmem:s1] =	stream.indirect.scatter.add.f32 [tilespmem:s28], [sflag:$0x3], $0x80, s6, s31, $0xb8;
	[tilespmem:$0x1E800] =	vst v63  }
0x1c4: {  	_ =	swait.ge [sflag:s29], $0x4000  }
0x1c5: {  	[sflag:s29] =	ssyncset.done $0x0  }
0x1c6: {  	[sflag:s29] =	ssyncadd.s32 $0xFFFFC000  }
0x1c7: {  	_ =	swait.ge [sflag:s3], $0x4000  }
.Ltmp6:
0x1c8: {  	[sflag:s3] =	ssyncset.done $0x0;
	(pc) =	sbr.rel @!p1 .LBB2_9-.Ltmp6, $4  }
0x1c9: {  	s6 =	sadd.s32 $0x1480, s7;
	[sflag:s3] =	ssyncadd.s32 $0xFFFFC000  }
0x1ca: {  	[spmem:s1] =	stream.indirect.scatter.add.f32 [tilespmem:s15], [sflag:$0x3], $0x80, s6, s31, $0xb8;
	[tilespmem:$0x1E800] =	vst v63  }
0x1cb: {  	_ =	swait.ge [sflag:s29], $0x4000  }
0x1cc: {  	s6 =	smov.u32 s8;
	[sflag:s29] =	ssyncset.done $0x0  }
0x1cd: {  	s5 =	sshra.s32 s5, $0x2;
	[sflag:s29] =	ssyncadd.s32 $0xFFFFC000  }
0x1ce: {  	[tilespmem:s28], [sflag:$0x1] =	stream.indirect.gather [hbm4b:s19+s31], $0x80, s5, s31, $0xb8;
	[tilespmem:$0x1E800] =	vst v63  }
0x1cf: {  	s6 =	sadd.s32 $0x80, s5  }
0x1d0: {  	[tilespmem:s15], [sflag:$0x2] =	stream.indirect.gather [hbm4b:s19+s31], $0x80, s6, s31, $0xb8;
	[tilespmem:$0x1E800] =	vst v63  }
0x1d1: {  	_ =	swait.ge [sflag:s0], $0x4000  }
0x1d2: {  	[sflag:s0] =	ssyncset.done $0x0  }
0x1d3: {  	s8 =	sadd.s32 $0x1400, s5;
	[sflag:s0] =	ssyncadd.s32 $0xFFFFC000  }
0x1d4: {  	[spmem:s1] =	stream.indirect.scatter.add.f32 [tilespmem:s28], [sflag:$0x3], $0x80, s8, s31, $0xb8;
	[tilespmem:$0x1E800] =	vst v63  }
0x1d5: {  	_ =	swait.ge [sflag:s29], $0x4000  }
0x1d6: {  	[sflag:s29] =	ssyncset.done $0x0  }
0x1d7: {  	[sflag:s29] =	ssyncadd.s32 $0xFFFFC000  }
0x1d8: {  	_ =	swait.ge [sflag:s3], $0x4000  }
0x1d9: {  	[sflag:s3] =	ssyncset.done $0x0  }
.Ltmp7:
0x1da: {  	s5 =	sadd.s32 $0x1480, s5;
	[sflag:s3] =	ssyncadd.s32 $0xFFFFC000;
	(pc) =	sbr.rel .LBB2_12-.Ltmp7, $4  }
0x1db: {  	[spmem:s1] =	stream.indirect.scatter.add.f32 [tilespmem:s15], [sflag:$0x3], $0x80, s5, s31, $0xb8;
	[tilespmem:$0x1E800] =	vst v63  }
0x1dc: {  	_ =	swait.ge [sflag:s29], $0x4000  }
0x1dd: {  	[sflag:s29] =	ssyncset.done $0x0  }
0x1de: {  	[sflag:s29] =	ssyncadd.s32 $0xFFFFC000  }
.LBB2_13:
0x1df: {  	_ =	sfence.sel $0x180000  }
0x1e0: {  	[bflag:$0x0] =	sbarrier.arrive $0xFFFF  }
0x1e1: {  	_ =	strace $0x9000004A  }
0x1e2: {  	s0 =	stileid.u32;
	[bflag:$0x2] =	sbarrier.arrive $0xFFFF  }
0x1e3: {  	p0 =	sne.s32 s0, $0x0;
	s0 =	rddreg [dreg:$0x2]  }
0x1e4: {  	s0 =	sadd.s32 @!p0 $0x100000, s0  }
0x1e5: {  	[sflag:s0] =	ssyncadd.tile.s32 @!p0 $0x1;
	_ =	shalt  }
.Lfunc_end2:
_tile_overlayer_lowered:
.L_overlay_start_2:
0x1e6: {  	(tag) =	ssettag $0x2  }
0x1e7: {  	s0 =	rddreg [dreg:$0x0];
	s2 =	stileid.u32  }
0x1e8: {  	s1 =	rddreg [dreg:$0x1];
	p0 =	sne.s32 s2, $0x0  }
0x1e9: {  	s3 =	rddreg [dreg:$0x2];
	[bflag:$0x3] =	sbarrier.arrive $0xFFFF;
	s2 =	simm.s32 @!p0 $0x1C03  }
0x1ea: {  	[timem:s3], [sflag:s2] =	dma.local @!p0 [hbm:s0], s1  }
0x1eb: {  	s0 =	simm.s32 @!p0 $0x3  }
0x1ec: {  	_ =	swait.ge @!p0 [sflag:s0], s1  }
0x1ed: {  	s1 =	ssub.s32 @!p0 $0x0, s1;
	[sflag:s0] =	ssyncset.done @!p0 $0x0  }
0x1ee: {  	[sflag:s0] =	ssyncadd.s32 @!p0 s1  }
0x1ef: {  	[bflag:$0x3] =	sbarrier.arrive $0xFFFF  }
0x1f0: {  	_ =	shalt  }

// kernel: kernel.16.cloned.1.call-start
scs
__scs_entry_jumppad:
0x0: {  	(pc) =	sbr.rel $0x88, $3  }
0x1: {  	(tag) =	ssettag $0x0;
	lr =	simm.s32 $0x1  }
0x2: {  	[smem:$0x3F98] =	sst lr;
	_ =	strace $0xD0000000  }
0x3: {  	_ = 	snop  }
0x4: {  	_ = 	snop  }
0x5: {  	_ = 	snop  }
0x6: {  	_ = 	snop  }
0x7: {  	_ = 	snop  }
__scs_overlays_trampoline_lowered:
0x8: {  	[smem:$0x3FA7] =	sst s0  }
0x9: {  	[smem:$0x3FA8] =	sst s1  }
0xa: {  	[smem:$0x3FA9] =	sst s2  }
0xb: {  	[smem:$0x3FAA] =	sst s3  }
0xc: {  	[smem:$0x3FAB] =	sst s4  }
0xd: {  	[smem:$0x3FAC] =	sst s5  }
0xe: {  	[smem:$0x3FAD] =	sst s6  }
0xf: {  	[smem:$0x3FAE] =	sst s7  }
0x10: {  	[smem:$0x3FAF] =	sst s8  }
0x11: {  	[smem:$0x3FB0] =	sst s9;
	s0 =	simm.s32 @!p0 $0x0  }
0x12: {  	s1 =	sld [smem:$0x3F96];
	s0 =	simm.s32 @p0 $0x1  }
0x13: {  	[smem:$0x3FB1] =	sst s0;
	s0 =	simm.s32 @!p1 $0x0  }
0x14: {  	s2 =	sld [smem:$0x3F95];
	s0 =	simm.s32 @p1 $0x1  }
0x15: {  	[smem:$0x3FB2] =	sst s0;
	s0 =	simm.s32 @!p2 $0x0  }
0x16: {  	s3 =	sld [smem:$0x3FDB];
	s0 =	simm.s32 @p2 $0x1  }
0x17: {  	s4 =	simm.s32 $0x1BF5;
	[smem:$0x3FB4] =	sst s0  }
0x18: {  	s0 =	sld [smem:$0x3F97];
	_ =	swait.ge [sflag:s4], $0x0  }
0x19: {  	s7 =	sld [smem:$0x3F98]  }
0x1a: {  	s8 =	sadd.s32 $0xFFFFE003, lr  }
0x1b: {  	s9 =	sadd.s32 $0xFFFFFEF7, lr;
	s5 =	simm.s32 $0xFFFFFFFF;
	p2 =	slt.u32 s8, $0xFFFFF086  }
0x1c: {  	p1 =	slt.u32 s9, $0xF7A;
	s5 =	simm.s32 @!p2 $0x0  }
0x1d: {  	s5 =	simm.s32 @p1 $0x1;
	p0 =	seq.s32 s7, s2  }
0x1e: {  	s7 =	smul.u32 @!p0 $0xF7A, s2;
	p2 =	seq.s32 @!p0 s5, $0x0  }
0x1f: {  	s9 =	smul.u32 $0xF7A, s1;
	s8 =	simm.s32 @!p0 $0x1BF5;
	p2 =	por !p2, p0  }
0x20: {  	[sflag:s8] =	ssyncset.s32 @!p0 $0xFFFFF086;
	s6 =	sadd.s32 @!p0 s3, s7;
	s7 =	simm.s32 @!p0 $0x108  }
0x21: {  	s3 =	sadd.s32 s3, s9;
	s6 =	sadd.s32 @!p0 $0x88, s6;
	s7 =	simm.s32 @p2 $0x1082  }
0x22: {  	[simem:s7], [sflag:s8] =	dma.local @!p0 [hbm:s6], $0xF7A  }
0x23: {  	s9 =	sor.u32 $0xD0000000, s2;
	s6 =	simm.s32 $0x108;
	_ =	swait.ge @!p0 [sflag:s8], $0x0  }
0x24: {  	s3 =	sadd.s32 $0x88, s3;
	s6 =	simm.s32 @!p1 $0x1082;
	[sflag:s4] =	ssyncset.s32 $0xFFFFF086  }
0x25: {  	[simem:s6], [sflag:s4] =	dma.local [hbm:s3], $0xF7A  }
0x26: {  	[smem:$0x3F98] =	sst s1;
	(tag) =	ssettag s2;
	_ =	strace s9  }
0x27: {  	s1 =	sld [smem:$0x3FA8]  }
0x28: {  	s2 =	sld [smem:$0x3FA9]  }
0x29: {  	s4 =	sld [smem:$0x3FAB]  }
0x2a: {  	p0 =	seq.s32 s5, $0x0;
	s5 =	sld [smem:$0x3FAC]  }
0x2b: {  	s6 =	sld [smem:$0x3FAD]  }
0x2c: {  	s7 =	sld [smem:$0x3FAE]  }
0x2d: {  	s3 =	simm.s32 $0x108;
	s8 =	sld [smem:$0x3FAF]  }
0x2e: {  	s3 =	simm.s32 @!p0 $0x1082;
	s9 =	sld [smem:$0x3FB0]  }
0x2f: {  	lr =	sadd.s32 s0, s3;
	s0 =	sld [smem:$0x3FA7]  }
0x30: {  	s3 =	sld [smem:$0x3FAA]  }
0x31: {  	[smem:$0x3FB3] =	sst s10  }
0x32: {  	s10 =	sld [smem:$0x3FB1];
	_ =	sdelay $0x3  }
0x33: {  	p0 =	seq.s32 s10, $0x1;
	s10 =	sld [smem:$0x3FB3];
	_ =	sdelay $0x3  }
0x34: {  	[smem:$0x3FB3] =	sst s10  }
0x35: {  	s10 =	sld [smem:$0x3FB2];
	_ =	sdelay $0x3  }
0x36: {  	p1 =	seq.s32 s10, $0x1;
	s10 =	sld [smem:$0x3FB3];
	_ =	sdelay $0x3  }
0x37: {  	[smem:$0x3FB3] =	sst s10  }
0x38: {  	s10 =	sld [smem:$0x3FB4]  }
0x39: {  	_ = 	snop;
	(pc) =	sbr.ind lr, $3  }
0x3a: {  	_ = 	snop  }
0x3b: {  	_ = 	snop  }
0x3c: {  	p2 =	seq.s32 s10, $0x1;
	s10 =	sld [smem:$0x3FB3]  }
0x3d: {  	_ =	shalt  }
0x3e: {  	_ =	shalt  }
0x3f: {  	_ =	shalt  }
0x40: {  	_ =	shalt  }
0x41: {  	_ =	shalt  }
0x42: {  	_ =	shalt  }
0x43: {  	_ =	shalt  }
0x44: {  	_ =	shalt  }
0x45: {  	_ =	shalt  }
0x46: {  	_ =	shalt  }
0x47: {  	_ =	shalt  }
0x48: {  	_ =	shalt  }
0x49: {  	_ =	shalt  }
0x4a: {  	_ =	shalt  }
0x4b: {  	_ =	shalt  }
0x4c: {  	_ =	shalt  }
0x4d: {  	_ =	shalt  }
0x4e: {  	_ =	shalt  }
0x4f: {  	_ =	shalt  }
0x50: {  	_ =	shalt  }
0x51: {  	_ =	shalt  }
0x52: {  	_ =	shalt  }
0x53: {  	_ =	shalt  }
0x54: {  	_ =	shalt  }
0x55: {  	_ =	shalt  }
0x56: {  	_ =	shalt  }
0x57: {  	_ =	shalt  }
0x58: {  	_ =	shalt  }
0x59: {  	_ =	shalt  }
0x5a: {  	_ =	shalt  }
0x5b: {  	_ =	shalt  }
0x5c: {  	_ =	shalt  }
0x5d: {  	_ =	shalt  }
0x5e: {  	_ =	shalt  }
0x5f: {  	_ =	shalt  }
0x60: {  	_ =	shalt  }
0x61: {  	_ =	shalt  }
0x62: {  	_ =	shalt  }
0x63: {  	_ =	shalt  }
0x64: {  	_ =	shalt  }
0x65: {  	_ =	shalt  }
0x66: {  	_ =	shalt  }
0x67: {  	_ =	shalt  }
0x68: {  	_ =	shalt  }
0x69: {  	_ =	shalt  }
0x6a: {  	_ =	shalt  }
0x6b: {  	_ =	shalt  }
0x6c: {  	_ =	shalt  }
0x6d: {  	_ =	shalt  }
0x6e: {  	_ =	shalt  }
0x6f: {  	_ =	shalt  }
0x70: {  	_ =	shalt  }
0x71: {  	_ =	shalt  }
0x72: {  	_ =	shalt  }
0x73: {  	_ =	shalt  }
0x74: {  	_ =	shalt  }
0x75: {  	_ =	shalt  }
0x76: {  	_ =	shalt  }
0x77: {  	_ =	shalt  }
0x78: {  	_ =	shalt  }
0x79: {  	_ =	shalt  }
0x7a: {  	_ =	shalt  }
0x7b: {  	_ =	shalt  }
0x7c: {  	_ =	shalt  }
0x7d: {  	_ =	shalt  }
0x7e: {  	_ =	shalt  }
0x7f: {  	_ =	shalt  }
0x80: {  	_ =	shalt  }
0x81: {  	_ =	shalt  }
0x82: {  	_ =	shalt  }
0x83: {  	_ =	shalt  }
0x84: {  	_ =	shalt  }
0x85: {  	_ =	shalt  }
0x86: {  	_ =	shalt  }
0x87: {  	_ =	shalt  }
.Lfunc_end0:
.L_simem_size_0:
called_computation.2_lowered:
.L_overlay_start_0:
0x88: {  	s2 =	sld [smem:$0x3FD9]  }
0x89: {  	s3 =	sld [smem:$0x3FFE];
	_ =	sdelay $0x1  }
0x8a: {  	s1 =	srdreg.scid  }
0x8b: {  	s0 =	sand.u32 $0x1, s1  }
0x8c: {  	s16 =	sshll.u32 s0, $0xA;
	s2 =	sadd.s32 s3, s2  }
0x8d: {  	s2 =	sadd.s32 s2, s16  }
0x8e: {  	[smem:$0x3FBF] =	sst s2  }
0x8f: {  	_ = 	snop  }
0x90: {  	(tm) =	ssettm $0x1  }
0x91: {  	s17 =	sld [smem:$0x3FFB];
	_ =	sdelay $0x3  }
0x92: {  	_ =	strace s17  }
0x93: {  	s2 =	sld [smem:$0x3FFC];
	_ =	sdelay $0x3  }
0x94: {  	_ =	strace s2  }
0x95: {  	s2 =	sld [smem:$0x3FFD];
	_ =	sdelay $0x3  }
0x96: {  	_ =	strace s2  }
0x97: {  	_ =	strace $0x8FFFFFFF  }
0x98: {  	s18 =	sld [smem:$0x3FDB];
	_ =	sdelay $0x1  }
0x99: {  	s19 =	simm.s32 $_scs_section_size  }
0x9a: {  	s4 =	simm.s32 $_size__tile_overlayer_lowered;
	s5 =	simm.s32 $_tile_overlayer_lowered  }
0x9b: {  	s22 =	simm.s32 $0x1BFF;
	s21 =	sshll.u32 s5, $0x1;
	s2 =	sadd.s32 s19, s18  }
0x9c: {  	s6 =	simm.s32 $0x0;
	s20 =	sshll.u32 s4, $0x1;
	s4 =	sadd.s32 s21, s2  }
0x9d: {  	[timem:s6], [sflag:s22] =	dma.local [hbm:s4], s20  }
0x9e: {  	_ =	swait.ge [sflag:s22], s20  }
0x9f: {  	s3 =	ssub.s32 $0x0, s20;
	[sflag:s22] =	ssyncset.done $0x0  }
0xa0: {  	[sflag:s22] =	ssyncadd.s32 s3;
	_ =	sdelay $0x1  }
0xa1: {  	s23 =	simm.s32 $0x1B8B  }
0xa2: {  	_ =	swait.ge [sflag:s23], $0x1  }
0xa3: {  	[sflag:s23] =	ssyncset.done $0x0  }
0xa4: {  	s25 =	simm.s32 $0x1B8E;
	s24 =	sld [smem:$0x3FFE];
	[sflag:s23] =	ssyncadd.s32 $0xFFFFFFFF  }
0xa5: {  	s26 =	simm.s32 $execute0_lowered;
	[smem:$0x3FD2] =	sst s25  }
0xa6: {  	s4 =	sshll.u32 s26, $0x1;
	_ =	strace $0x8000004C;
	[dreg:$0x1] =	wrdreg $0xFFFFFFFF  }
0xa7: {  	s28 =	simm.s32 $_size_execute0_lowered;
	s2 =	sadd.s32 s2, s4;
	[dreg:$0x0] =	wrdreg $0x0  }
0xa8: {  	s4 =	sshll.u32 s28, $0x1;
	[dreg:$0x2] =	wrdreg s2  }
0xa9: {  	[dreg:$0x3] =	wrdreg s4  }
0xaa: {  	[dreg:$0x4] =	wrdreg $0xC0  }
0xab: {  	_ =	task [dreg:s6], $0x5FFFF  }
0xac: {  	[dreg:$0x1] =	wrdreg $0xFFFFFFFF  }
0xad: {  	[dreg:$0x0] =	wrdreg $0x60  }
0xae: {  	[dreg:$0x2] =	wrdreg s24  }
0xaf: {  	[dreg:$0x3] =	wrdreg $0xA8000  }
0xb0: {  	[dreg:$0x4] =	wrdreg $0x9  }
0xb1: {  	_ =	task.clear_ibuf [dreg:s6], $0x5FFFF;
	_ =	strace $0x9000004C  }
0xb2: {  	s29 =	simm.s32 $0x9;
	_ =	strace $0x8000004E  }
0xb3: {  	_ =	swait.ge [sflag:s29], $0x1  }
0xb4: {  	[sflag:s29] =	ssyncadd.s32 $0xFFFFFFFF  }
0xb5: {  	_ =	strace $0x9000004E  }
0xb6: {  	_ =	sfence  }
0xb7: {  	s30 =	sld [smem:$0x0];
	_ =	sdelay $0x2  }
0xb8: {  	s31 =	sshll.u32 s1, $0xD;
	s1 =	sshrl.u32 s1, $0x2  }
0xb9: {  	s3 =	sand.u32 $0x4000, s31;
	s1 =	sadd.s32 s1, s30  }
0xba: {  	s0 =	sor.u32 s3, s0;
	s1 =	sshll.u32 s1, $0x11  }
0xbb: {  	s0 =	sor.u32 s1, s0  }
0xbc: {  	s0 =	sadd.s32 $0x8F2B, s0  }
0xbd: {  	[sflag:s0] =	ssyncadd.remote.s32 $0x1  }
0xbe: {  	_ =	sfence.sel $0xFFFF  }
0xbf: {  	[dreg:$0x0] =	wrdreg $0xFFFFFFFF;
	(pc) =	sbr.abs _section_cstart, $3  }
0xc0: {  	[dreg:$0x1] =	wrdreg $0xFFFFFFFF  }
0xc1: {  	_ =	task.clear_ibuf [dreg:s6], $0x2FFFF;
	_ =	strace $0x9FFFFFFF  }
0xc2: {  	(tm) =	ssettm $0x7FFFFFFF  }
0xc3: {  	_ =	shalt  }
tec
execute0_lowered:
.L_overlay_start_1:
0x0: {  	(tag) =	ssettag $0x1  }
0x1: {  	s0 =	rddreg [dreg:$0x0]  }
0x2: {  	s1 =	rddreg [dreg:$0x1];
	s2 =	simm.s32 $0x0;
	s3 =	srdreg.scid  }
0x3: {  	s11 =	stileid.u32;
	s28 =	simm.s32 $0x2800;
	s29 =	simm.s32 $0x3  }
0x4: {  	s30 =	simm.s32 $0x1400;
	s31 =	simm.s32 $0x80;
	s5 =	smul.u32 $0x50000, s11  }
0x5: {  	[smem:$0x7FF] =	sst s2;
	s4 =	sadd.s32 $0x3600, s0;
	s12 =	smul.u32 $0x14000, s11  }
0x6: {  	s3 =	sand.u32 $0x1, s3;
	s6 =	sadd.s32 $0xD600, s0;
	s9 =	smul.u32 $0x900, s11  }
0x7: {  	s15 =	sadd.s32 $0x90600, s0;
	s10 =	smul.u32 $0x4800, s11;
	s11 =	sshll.u32 s11, $0x8  }
0x8: {  	s7 =	ssub.s32 $0x2, s3;
	p0 =	seq.s32 s3, $0x1;
	s3 =	smul.u32 $0x140000, s3  }
0x9: {  	s8 =	sshrl.u32 s7, $0x1;
	s22 =	sadd.s32 $0x4000, s12;
	s23 =	sadd.s32 $0x8000, s12  }
0xa: {  	s24 =	sadd.s32 $0xC000, s12;
	s25 =	sadd.s32 $0x10000, s12;
	s13 =	sadd.s32 s4, s9  }
0xb: {  	s14 =	sshrl.u32 s10, $0x3;
	s16 =	sadd.s32 s6, s9;
	[dreg:$0x3] =	wrdreg s13  }
0xc: {  	s26 =	ssub.s32 s7, s8;
	[dreg:$0x4] =	wrdreg s16;
	s17 =	sadd.s32 $0x280, s14  }
0xd: {  	s18 =	sadd.s32 $0x500, s14;
	s20 =	sadd.s32 $0x780, s14;
	s13 =	sor.u32 $0x9000, s11  }
0xe: {  	s8 =	sadd.s32 s12, s3;
	s14 =	sadd.s32 s3, s22;
	s22 =	sadd.s32 s22, s1  }
0xf: {  	s10 =	sadd.s32 s4, s17;
	s7 =	sadd.s32 s6, s17;
	s19 =	sadd.s32 s4, s18  }
0x10: {  	s21 =	sadd.s32 s6, s18;
	s9 =	sadd.s32 s4, s20;
	s11 =	sadd.s32 s4, s13  }
0x11: {  	s12 =	sadd.s32 s6, s13;
	s4 =	sshrl.u32 s8, $0x3;
	[dreg:$0x5] =	wrdreg s10  }
0x12: {  	s16 =	sshrl.u32 s14, $0x3;
	s17 =	sadd.s32 s3, s23;
	[dreg:$0x6] =	wrdreg s7  }
0x13: {  	s23 =	sadd.s32 s23, s1;
	s26 =	smax.u32 s26, $0x1;
	[dreg:$0x7] =	wrdreg s19  }
0x14: {  	[dreg:$0x8] =	wrdreg s21;
	s10 =	sadd.s32 s6, s20;
	s13 =	sadd.s32 s15, s4  }
0x15: {  	s14 =	sadd.s32 s15, s16;
	s18 =	sshrl.u32 s17, $0x3;
	s19 =	sadd.s32 s3, s24  }
0x16: {  	s3 =	sadd.s32 s3, s25;
	s21 =	sshrl.u32 s5, $0x2;
	s24 =	sadd.s32 s24, s1  }
.Ltmp0:
0x17: {  	s25 =	sadd.s32 s25, s1;
	s4 =	simm.s32 $0x0;
	(pc) =	sbr.rel .LBB2_1-.Ltmp0, $4  }
0x18: {  	s16 =	sadd.s32 s15, s18;
	s20 =	sshrl.u32 s19, $0x3;
	s3 =	sshrl.u32 s3, $0x3  }
0x19: {  	_ =	strace $0x8000004D;
	s19 =	sadd.s32 $0x68600, s0;
	s21 =	sadd.s32 s21, s1  }
0x1a: {  	s17 =	sadd.s32 s15, s20;
	s18 =	sadd.s32 s15, s3;
	s20 =	sadd.s32 $0x17600, s0  }
0x1b: {  	s15 =	simm.s32 $0x6800;
	s0 =	simm.s32 $0x1;
	s3 =	simm.s32 $0x2  }
.LBB2_11:
0x1c: {  	[tilespmem:s2], [sflag:$0x3] =	stream.linear.gather [hbm4b:s11+s2], $0x800, $0x38;
	[tilespmem:$0x1E800] =	vst v63  }
0x1d: {  	_ =	swait.ge [sflag:s29], $0x800  }
0x1e: {  	[sflag:s29] =	ssyncset.done $0x0  }
0x1f: {  	[sflag:s29] =	ssyncadd.s32 $0xFFFFF800  }
0x20: {  	[tilespmem:s30], [sflag:$0x3] =	stream.linear.gather [hbm4b:s12+s2], $0x800, $0x38;
	[tilespmem:$0x1E800] =	vst v63  }
0x21: {  	_ =	swait.ge [sflag:s29], $0x800  }
0x22: {  	[sflag:s29] =	ssyncset.done $0x0  }
0x23: {  	[sflag:s29] =	ssyncadd.s32 $0xFFFFF800  }
0x24: {  	[tilespmem:s28], [sflag:$0x1] =	stream.indirect.gather [hbm4b:s19+s31], $0x80, s2, s31, $0xb8;
	[tilespmem:$0x1E800] =	vst v63  }
0x25: {  	_ = 	snop  }
0x26: {  	[tilespmem:s15], [sflag:$0x2] =	stream.indirect.gather [hbm4b:s19+s31], $0x80, s31, s31, $0xb8;
	[tilespmem:$0x1E800] =	vst v63  }
0x27: {  	_ =	swait.ge [sflag:s0], $0x4000  }
0x28: {  	[sflag:s0] =	ssyncset.done $0x0  }
0x29: {  	[sflag:s0] =	ssyncadd.s32 $0xFFFFC000  }
0x2a: {  	[spmem:s1] =	stream.indirect.scatter.add.f32 [tilespmem:s28], [sflag:$0x3], $0x80, s30, s31, $0xb8;
	[tilespmem:$0x1E800] =	vst v63  }
0x2b: {  	_ =	swait.ge [sflag:s29], $0x4000  }
0x2c: {  	[sflag:s29] =	ssyncset.done $0x0  }
0x2d: {  	[sflag:s29] =	ssyncadd.s32 $0xFFFFC000  }
0x2e: {  	_ =	swait.ge [sflag:s3], $0x4000  }
0x2f: {  	[sflag:s3] =	ssyncset.done $0x0  }
0x30: {  	s5 =	simm.s32 $0x1480;
	[sflag:s3] =	ssyncadd.s32 $0xFFFFC000  }
0x31: {  	[spmem:s1] =	stream.indirect.scatter.add.f32 [tilespmem:s15], [sflag:$0x3], $0x80, s5, s31, $0xb8;
	[tilespmem:$0x1E800] =	vst v63  }
0x32: {  	_ =	swait.ge [sflag:s29], $0x4000  }
0x33: {  	[sflag:s29] =	ssyncset.done $0x0  }
0x34: {  	s8 =	simm.s32 $0x100;
	[sflag:s29] =	ssyncadd.s32 $0xFFFFC000  }
0x35: {  	[tilespmem:s28], [sflag:$0x1] =	stream.indirect.gather [hbm4b:s19+s31], $0x80, s8, s31, $0xb8;
	[tilespmem:$0x1E800] =	vst v63  }
0x36: {  	s6 =	simm.s32 $0x180  }
0x37: {  	[tilespmem:s15], [sflag:$0x2] =	stream.indirect.gather [hbm4b:s19+s31], $0x80, s6, s31, $0xb8;
	[tilespmem:$0x1E800] =	vst v63  }
0x38: {  	_ =	swait.ge [sflag:s0], $0x4000  }
0x39: {  	[sflag:s0] =	ssyncset.done $0x0  }
0x3a: {  	s7 =	simm.s32 $0x1500;
	[sflag:s0] =	ssyncadd.s32 $0xFFFFC000  }
0x3b: {  	[spmem:s1] =	stream.indirect.scatter.add.f32 [tilespmem:s28], [sflag:$0x3], $0x80, s7, s31, $0xb8;
	[tilespmem:$0x1E800] =	vst v63  }
0x3c: {  	_ =	swait.ge [sflag:s29], $0x4000  }
0x3d: {  	[sflag:s29] =	ssyncset.done $0x0  }
0x3e: {  	[sflag:s29] =	ssyncadd.s32 $0xFFFFC000  }
0x3f: {  	_ =	swait.ge [sflag:s3], $0x4000  }
0x40: {  	[sflag:s3] =	ssyncset.done $0x0  }
0x41: {  	s8 =	simm.s32 $0x1580;
	[sflag:s3] =	ssyncadd.s32 $0xFFFFC000  }
0x42: {  	[spmem:s1] =	stream.indirect.scatter.add.f32 [tilespmem:s15], [sflag:$0x3], $0x80, s8, s31, $0xb8;
	[tilespmem:$0x1E800] =	vst v63  }
0x43: {  	_ =	swait.ge [sflag:s29], $0x4000  }
0x44: {  	[sflag:s29] =	ssyncset.done $0x0  }
0x45: {  	s6 =	simm.s32 $0x200;
	[sflag:s29] =	ssyncadd.s32 $0xFFFFC000  }
0x46: {  	[tilespmem:s28], [sflag:$0x1] =	stream.indirect.gather [hbm4b:s19+s31], $0x80, s6, s31, $0xb8;
	[tilespmem:$0x1E800] =	vst v63  }
0x47: {  	s7 =	simm.s32 $0x280  }
0x48: {  	[tilespmem:s15], [sflag:$0x2] =	stream.indirect.gather [hbm4b:s19+s31], $0x80, s7, s31, $0xb8;
	[tilespmem:$0x1E800] =	vst v63  }
0x49: {  	_ =	swait.ge [sflag:s0], $0x4000  }
0x4a: {  	[sflag:s0] =	ssyncset.done $0x0  }
0x4b: {  	s8 =	simm.s32 $0x1600;
	[sflag:s0] =	ssyncadd.s32 $0xFFFFC000  }
0x4c: {  	[spmem:s1] =	stream.indirect.scatter.add.f32 [tilespmem:s28], [sflag:$0x3], $0x80, s8, s31, $0xb8;
	[tilespmem:$0x1E800] =	vst v63  }
0x4d: {  	_ =	swait.ge [sflag:s29], $0x4000  }
0x4e: {  	[sflag:s29] =	ssyncset.done $0x0  }
0x4f: {  	[sflag:s29] =	ssyncadd.s32 $0xFFFFC000  }
0x50: {  	_ =	swait.ge [sflag:s3], $0x4000  }
0x51: {  	[sflag:s3] =	ssyncset.done $0x0  }
0x52: {  	s6 =	simm.s32 $0x1680;
	[sflag:s3] =	ssyncadd.s32 $0xFFFFC000  }
0x53: {  	[spmem:s1] =	stream.indirect.scatter.add.f32 [tilespmem:s15], [sflag:$0x3], $0x80, s6, s31, $0xb8;
	[tilespmem:$0x1E800] =	vst v63  }
0x54: {  	_ =	swait.ge [sflag:s29], $0x4000  }
0x55: {  	[sflag:s29] =	ssyncset.done $0x0  }
0x56: {  	s7 =	simm.s32 $0x300;
	[sflag:s29] =	ssyncadd.s32 $0xFFFFC000  }
0x57: {  	[tilespmem:s28], [sflag:$0x1] =	stream.indirect.gather [hbm4b:s19+s31], $0x80, s7, s31, $0xb8;
	[tilespmem:$0x1E800] =	vst v63  }
0x58: {  	s8 =	simm.s32 $0x380  }
0x59: {  	[tilespmem:s15], [sflag:$0x2] =	stream.indirect.gather [hbm4b:s19+s31], $0x80, s8, s31, $0xb8;
	[tilespmem:$0x1E800] =	vst v63  }
0x5a: {  	_ =	swait.ge [sflag:s0], $0x4000  }
0x5b: {  	[sflag:s0] =	ssyncset.done $0x0  }
0x5c: {  	s6 =	simm.s32 $0x1700;
	[sflag:s0] =	ssyncadd.s32 $0xFFFFC000  }
0x5d: {  	[spmem:s1] =	stream.indirect.scatter.add.f32 [tilespmem:s28], [sflag:$0x3], $0x80, s6, s31, $0xb8;
	[tilespmem:$0x1E800] =	vst v63  }
0x5e: {  	_ =	swait.ge [sflag:s29], $0x4000  }
0x5f: {  	[sflag:s29] =	ssyncset.done $0x0  }
0x60: {  	[sflag:s29] =	ssyncadd.s32 $0xFFFFC000  }
0x61: {  	_ =	swait.ge [sflag:s3], $0x4000  }
0x62: {  	[sflag:s3] =	ssyncset.done $0x0  }
0x63: {  	s7 =	simm.s32 $0x1780;
	[sflag:s3] =	ssyncadd.s32 $0xFFFFC000  }
0x64: {  	[spmem:s1] =	stream.indirect.scatter.add.f32 [tilespmem:s15], [sflag:$0x3], $0x80, s7, s31, $0xb8;
	[tilespmem:$0x1E800] =	vst v63  }
0x65: {  	_ =	swait.ge [sflag:s29], $0x4000  }
0x66: {  	[sflag:s29] =	ssyncset.done $0x0  }
0x67: {  	s8 =	simm.s32 $0x400;
	[sflag:s29] =	ssyncadd.s32 $0xFFFFC000  }
0x68: {  	[tilespmem:s28], [sflag:$0x1] =	stream.indirect.gather [hbm4b:s19+s31], $0x80, s8, s31, $0xb8;
	[tilespmem:$0x1E800] =	vst v63  }
0x69: {  	s6 =	simm.s32 $0x480  }
0x6a: {  	[tilespmem:s15], [sflag:$0x2] =	stream.indirect.gather [hbm4b:s19+s31], $0x80, s6, s31, $0xb8;
	[tilespmem:$0x1E800] =	vst v63  }
0x6b: {  	_ =	swait.ge [sflag:s0], $0x4000  }
0x6c: {  	[sflag:s0] =	ssyncset.done $0x0  }
0x6d: {  	s7 =	simm.s32 $0x1800;
	[sflag:s0] =	ssyncadd.s32 $0xFFFFC000  }
0x6e: {  	[spmem:s1] =	stream.indirect.scatter.add.f32 [tilespmem:s28], [sflag:$0x3], $0x80, s7, s31, $0xb8;
	[tilespmem:$0x1E800] =	vst v63  }
0x6f: {  	_ =	swait.ge [sflag:s29], $0x4000  }
0x70: {  	[sflag:s29] =	ssyncset.done $0x0  }
0x71: {  	[sflag:s29] =	ssyncadd.s32 $0xFFFFC000  }
0x72: {  	_ =	swait.ge [sflag:s3], $0x4000  }
0x73: {  	[sflag:s3] =	ssyncset.done $0x0  }
0x74: {  	s8 =	simm.s32 $0x1880;
	[sflag:s3] =	ssyncadd.s32 $0xFFFFC000  }
0x75: {  	[spmem:s1] =	stream.indirect.scatter.add.f32 [tilespmem:s15], [sflag:$0x3], $0x80, s8, s31, $0xb8;
	[tilespmem:$0x1E800] =	vst v63  }
0x76: {  	_ =	swait.ge [sflag:s29], $0x4000  }
0x77: {  	[sflag:s29] =	ssyncset.done $0x0  }
0x78: {  	s6 =	simm.s32 $0x500;
	[sflag:s29] =	ssyncadd.s32 $0xFFFFC000  }
0x79: {  	[tilespmem:s28], [sflag:$0x1] =	stream.indirect.gather [hbm4b:s19+s31], $0x80, s6, s31, $0xb8;
	[tilespmem:$0x1E800] =	vst v63  }
0x7a: {  	s7 =	simm.s32 $0x580  }
0x7b: {  	[tilespmem:s15], [sflag:$0x2] =	stream.indirect.gather [hbm4b:s19+s31], $0x80, s7, s31, $0xb8;
	[tilespmem:$0x1E800] =	vst v63  }
0x7c: {  	_ =	swait.ge [sflag:s0], $0x4000  }
0x7d: {  	[sflag:s0] =	ssyncset.done $0x0  }
0x7e: {  	s8 =	simm.s32 $0x1900;
	[sflag:s0] =	ssyncadd.s32 $0xFFFFC000  }
0x7f: {  	[spmem:s1] =	stream.indirect.scatter.add.f32 [tilespmem:s28], [sflag:$0x3], $0x80, s8, s31, $0xb8;
	[tilespmem:$0x1E800] =	vst v63  }
0x80: {  	_ =	swait.ge [sflag:s29], $0x4000  }
0x81: {  	[sflag:s29] =	ssyncset.done $0x0  }
0x82: {  	[sflag:s29] =	ssyncadd.s32 $0xFFFFC000  }
0x83: {  	_ =	swait.ge [sflag:s3], $0x4000  }
0x84: {  	[sflag:s3] =	ssyncset.done $0x0  }
0x85: {  	s6 =	simm.s32 $0x1980;
	[sflag:s3] =	ssyncadd.s32 $0xFFFFC000  }
0x86: {  	[spmem:s1] =	stream.indirect.scatter.add.f32 [tilespmem:s15], [sflag:$0x3], $0x80, s6, s31, $0xb8;
	[tilespmem:$0x1E800] =	vst v63  }
0x87: {  	_ =	swait.ge [sflag:s29], $0x4000  }
0x88: {  	[sflag:s29] =	ssyncset.done $0x0  }
0x89: {  	s7 =	simm.s32 $0x600;
	[sflag:s29] =	ssyncadd.s32 $0xFFFFC000  }
0x8a: {  	[tilespmem:s28], [sflag:$0x1] =	stream.indirect.gather [hbm4b:s19+s31], $0x80, s7, s31, $0xb8;
	[tilespmem:$0x1E800] =	vst v63  }
0x8b: {  	s8 =	simm.s32 $0x680  }
0x8c: {  	[tilespmem:s15], [sflag:$0x2] =	stream.indirect.gather [hbm4b:s19+s31], $0x80, s8, s31, $0xb8;
	[tilespmem:$0x1E800] =	vst v63  }
0x8d: {  	_ =	swait.ge [sflag:s0], $0x4000  }
0x8e: {  	[sflag:s0] =	ssyncset.done $0x0  }
0x8f: {  	s6 =	simm.s32 $0x1A00;
	[sflag:s0] =	ssyncadd.s32 $0xFFFFC000  }
0x90: {  	[spmem:s1] =	stream.indirect.scatter.add.f32 [tilespmem:s28], [sflag:$0x3], $0x80, s6, s31, $0xb8;
	[tilespmem:$0x1E800] =	vst v63  }
0x91: {  	_ =	swait.ge [sflag:s29], $0x4000  }
0x92: {  	[sflag:s29] =	ssyncset.done $0x0  }
0x93: {  	[sflag:s29] =	ssyncadd.s32 $0xFFFFC000  }
0x94: {  	_ =	swait.ge [sflag:s3], $0x4000  }
0x95: {  	[sflag:s3] =	ssyncset.done $0x0  }
0x96: {  	s7 =	simm.s32 $0x1A80;
	[sflag:s3] =	ssyncadd.s32 $0xFFFFC000  }
0x97: {  	[spmem:s1] =	stream.indirect.scatter.add.f32 [tilespmem:s15], [sflag:$0x3], $0x80, s7, s31, $0xb8;
	[tilespmem:$0x1E800] =	vst v63  }
0x98: {  	_ =	swait.ge [sflag:s29], $0x4000  }
0x99: {  	[sflag:s29] =	ssyncset.done $0x0  }
0x9a: {  	s8 =	simm.s32 $0x700;
	[sflag:s29] =	ssyncadd.s32 $0xFFFFC000  }
0x9b: {  	[tilespmem:s28], [sflag:$0x1] =	stream.indirect.gather [hbm4b:s19+s31], $0x80, s8, s31, $0xb8;
	[tilespmem:$0x1E800] =	vst v63  }
0x9c: {  	s6 =	simm.s32 $0x780  }
0x9d: {  	[tilespmem:s15], [sflag:$0x2] =	stream.indirect.gather [hbm4b:s19+s31], $0x80, s6, s31, $0xb8;
	[tilespmem:$0x1E800] =	vst v63  }
0x9e: {  	_ =	swait.ge [sflag:s0], $0x4000  }
0x9f: {  	[sflag:s0] =	ssyncset.done $0x0  }
0xa0: {  	s7 =	simm.s32 $0x1B00;
	[sflag:s0] =	ssyncadd.s32 $0xFFFFC000  }
0xa1: {  	[spmem:s1] =	stream.indirect.scatter.add.f32 [tilespmem:s28], [sflag:$0x3], $0x80, s7, s31, $0xb8;
	[tilespmem:$0x1E800] =	vst v63  }
0xa2: {  	_ =	swait.ge [sflag:s29], $0x4000  }
0xa3: {  	[sflag:s29] =	ssyncset.done $0x0  }
0xa4: {  	[sflag:s29] =	ssyncadd.s32 $0xFFFFC000  }
0xa5: {  	_ =	swait.ge [sflag:s3], $0x4000  }
0xa6: {  	[sflag:s3] =	ssyncset.done $0x0  }
0xa7: {  	s8 =	simm.s32 $0x1B80;
	[sflag:s3] =	ssyncadd.s32 $0xFFFFC000  }
0xa8: {  	[spmem:s1] =	stream.indirect.scatter.add.f32 [tilespmem:s15], [sflag:$0x3], $0x80, s8, s31, $0xb8;
	[tilespmem:$0x1E800] =	vst v63  }
0xa9: {  	_ =	swait.ge [sflag:s29], $0x4000  }
0xaa: {  	[sflag:s29] =	ssyncset.done $0x0  }
0xab: {  	[sflag:s29] =	ssyncadd.s32 $0xFFFFC000  }
.LBB2_12:
0xac: {  	[bflag:$0x0] =	sbarrier.arrive $0xFFFF  }
0xad: {  	[tilespmem:s28], [sflag:$0x3] =	stream.linear.gather [spmem:s21], $0x4000, $0x38;
	[tilespmem:$0x1E800] =	vst v63  }
0xae: {  	_ =	swait.ge [sflag:s29], $0x4000  }
0xaf: {  	[sflag:s29] =	ssyncset.done $0x0  }
0xb0: {  	[sflag:s29] =	ssyncadd.s32 $0xFFFFC000  }
0xb1: {  	[hbm4b:s13+s2] =	stream.linear.scatter [tilespmem:s28], [sflag:$0x3], $0x4000, $0x38;
	[tilespmem:$0x1E800] =	vst v63  }
0xb2: {  	_ =	swait.ge [sflag:s29], $0x4000  }
0xb3: {  	[sflag:s29] =	ssyncset.done $0x0  }
0xb4: {  	[sflag:s29] =	ssyncadd.s32 $0xFFFFC000  }
0xb5: {  	[tilespmem:s28], [sflag:$0x3] =	stream.linear.gather [spmem:s22], $0x4000, $0x38;
	[tilespmem:$0x1E800] =	vst v63  }
0xb6: {  	_ =	swait.ge [sflag:s29], $0x4000  }
0xb7: {  	[sflag:s29] =	ssyncset.done $0x0  }
0xb8: {  	[sflag:s29] =	ssyncadd.s32 $0xFFFFC000  }
0xb9: {  	[hbm4b:s14+s2] =	stream.linear.scatter [tilespmem:s28], [sflag:$0x3], $0x4000, $0x38;
	[tilespmem:$0x1E800] =	vst v63  }
0xba: {  	_ =	swait.ge [sflag:s29], $0x4000  }
0xbb: {  	[sflag:s29] =	ssyncset.done $0x0  }
0xbc: {  	[sflag:s29] =	ssyncadd.s32 $0xFFFFC000  }
0xbd: {  	[tilespmem:s28], [sflag:$0x3] =	stream.linear.gather [spmem:s23], $0x4000, $0x38;
	[tilespmem:$0x1E800] =	vst v63  }
0xbe: {  	_ =	swait.ge [sflag:s29], $0x4000  }
0xbf: {  	[sflag:s29] =	ssyncset.done $0x0  }
0xc0: {  	[sflag:s29] =	ssyncadd.s32 $0xFFFFC000  }
0xc1: {  	[hbm4b:s16+s2] =	stream.linear.scatter [tilespmem:s28], [sflag:$0x3], $0x4000, $0x38;
	[tilespmem:$0x1E800] =	vst v63  }
0xc2: {  	_ =	swait.ge [sflag:s29], $0x4000  }
0xc3: {  	[sflag:s29] =	ssyncset.done $0x0  }
0xc4: {  	[sflag:s29] =	ssyncadd.s32 $0xFFFFC000  }
0xc5: {  	[tilespmem:s28], [sflag:$0x3] =	stream.linear.gather [spmem:s24], $0x4000, $0x38;
	[tilespmem:$0x1E800] =	vst v63  }
0xc6: {  	_ =	swait.ge [sflag:s29], $0x4000  }
0xc7: {  	[sflag:s29] =	ssyncset.done $0x0  }
0xc8: {  	[sflag:s29] =	ssyncadd.s32 $0xFFFFC000  }
0xc9: {  	[hbm4b:s17+s2] =	stream.linear.scatter [tilespmem:s28], [sflag:$0x3], $0x4000, $0x38;
	[tilespmem:$0x1E800] =	vst v63  }
0xca: {  	_ =	swait.ge [sflag:s29], $0x4000  }
0xcb: {  	[sflag:s29] =	ssyncset.done $0x0  }
0xcc: {  	[sflag:s29] =	ssyncadd.s32 $0xFFFFC000  }
0xcd: {  	[tilespmem:s28], [sflag:$0x3] =	stream.linear.gather [spmem:s25], $0x4000, $0x38;
	[tilespmem:$0x1E800] =	vst v63  }
0xce: {  	s4 =	sadd.s32 $0x1, s4;
	_ =	swait.ge [sflag:s29], $0x4000  }
0xcf: {  	p1 =	sne.s32 s4, s26;
	[sflag:s29] =	ssyncset.done $0x0  }
.Ltmp1:
0xd0: {  	[sflag:s29] =	ssyncadd.s32 $0xFFFFC000;
	(pc) =	sbr.rel @!p1 .LBB2_13-.Ltmp1, $4  }
0xd1: {  	[hbm4b:s18+s2] =	stream.linear.scatter [tilespmem:s28], [sflag:$0x3], $0x4000, $0x38;
	[tilespmem:$0x1E800] =	vst v63  }
0xd2: {  	_ =	swait.ge [sflag:s29], $0x4000  }
0xd3: {  	[sflag:s29] =	ssyncset.done $0x0  }
0xd4: {  	[sflag:s29] =	ssyncadd.s32 $0xFFFFC000  }
.LBB2_1:
0xd5: {  	[tilespmem:s28], [sflag:$0x3] =	stream.linear.gather [hbm4b:s20+s2], $0x4000, $0x38;
	[tilespmem:$0x1E800] =	vst v63  }
0xd6: {  	_ =	swait.ge [sflag:s29], $0x4000  }
0xd7: {  	[sflag:s29] =	ssyncset.done $0x0  }
0xd8: {  	[sflag:s29] =	ssyncadd.s32 $0xFFFFC000  }
0xd9: {  	[spmem:s21] =	stream.linear.scatter [tilespmem:s28], [sflag:$0x3], $0x4000, $0x38;
	[tilespmem:$0x1E800] =	vst v63  }
0xda: {  	_ =	swait.ge [sflag:s29], $0x4000  }
0xdb: {  	[sflag:s29] =	ssyncset.done $0x0  }
0xdc: {  	[sflag:s29] =	ssyncadd.s32 $0xFFFFC000  }
0xdd: {  	[spmem:s22] =	stream.linear.scatter [tilespmem:s28], [sflag:$0x3], $0x4000, $0x38;
	[tilespmem:$0x1E800] =	vst v63  }
0xde: {  	_ =	swait.ge [sflag:s29], $0x4000  }
0xdf: {  	[sflag:s29] =	ssyncset.done $0x0  }
0xe0: {  	[sflag:s29] =	ssyncadd.s32 $0xFFFFC000  }
0xe1: {  	[spmem:s23] =	stream.linear.scatter [tilespmem:s28], [sflag:$0x3], $0x4000, $0x38;
	[tilespmem:$0x1E800] =	vst v63  }
0xe2: {  	_ =	swait.ge [sflag:s29], $0x4000  }
0xe3: {  	[sflag:s29] =	ssyncset.done $0x0  }
0xe4: {  	[sflag:s29] =	ssyncadd.s32 $0xFFFFC000  }
0xe5: {  	[spmem:s24] =	stream.linear.scatter [tilespmem:s28], [sflag:$0x3], $0x4000, $0x38;
	[tilespmem:$0x1E800] =	vst v63  }
0xe6: {  	_ =	swait.ge [sflag:s29], $0x4000  }
0xe7: {  	[sflag:s29] =	ssyncset.done $0x0  }
0xe8: {  	[sflag:s29] =	ssyncadd.s32 $0xFFFFC000  }
0xe9: {  	[spmem:s25] =	stream.linear.scatter [tilespmem:s28], [sflag:$0x3], $0x4000, $0x38;
	[tilespmem:$0x1E800] =	vst v63  }
.Ltmp2:
0xea: {  	_ =	swait.ge [sflag:s29], $0x4000;
	(pc) =	sbr.rel @p0 .LBB2_11-.Ltmp2, $3  }
0xeb: {  	[sflag:s29] =	ssyncset.done $0x0  }
0xec: {  	[sflag:s29] =	ssyncadd.s32 $0xFFFFC000  }
0xed: {  	[bflag:$0x0] =	sbarrier.arrive $0xFFFF;
	_ =	sdelay $0x1  }
0xee: {  	s5 =	simm.s32 $0x0;
	s6 =	rddreg [dreg:$0x3]  }
0xef: {  	[tilespmem:s5], [sflag:$0x3] =	stream.linear.gather [hbm4b:s6+s5], $0x1400, $0x38;
	[tilespmem:$0x1E800] =	vst v63  }
0xf0: {  	_ =	swait.ge [sflag:s29], $0x1400  }
0xf1: {  	[sflag:s29] =	ssyncset.done $0x0  }
0xf2: {  	s7 =	rddreg [dreg:$0x4];
	[sflag:s29] =	ssyncadd.s32 $0xFFFFEC00  }
0xf3: {  	[tilespmem:s30], [sflag:$0x3] =	stream.linear.gather [hbm4b:s7+s5], $0x1400, $0x38;
	[tilespmem:$0x1E800] =	vst v63  }
0xf4: {  	_ =	swait.ge [sflag:s29], $0x1400  }
0xf5: {  	[sflag:s29] =	ssyncset.done $0x0  }
0xf6: {  	s8 =	simm.s32 $0x0;
	[sflag:s29] =	ssyncadd.s32 $0xFFFFEC00  }
0xf7: {  	[tilespmem:s28], [sflag:$0x1] =	stream.indirect.gather [hbm4b:s19+s31], $0x80, s8, s31, $0xb8;
	[tilespmem:$0x1E800] =	vst v63  }
0xf8: {  	s6 =	simm.s32 $0x80  }
0xf9: {  	[tilespmem:s15], [sflag:$0x2] =	stream.indirect.gather [hbm4b:s19+s31], $0x80, s6, s31, $0xb8;
	[tilespmem:$0x1E800] =	vst v63  }
0xfa: {  	_ =	swait.ge [sflag:s0], $0x4000  }
0xfb: {  	[sflag:s0] =	ssyncset.done $0x0  }
0xfc: {  	s7 =	simm.s32 $0x1400;
	[sflag:s0] =	ssyncadd.s32 $0xFFFFC000  }
0xfd: {  	[spmem:s1] =	stream.indirect.scatter.add.f32 [tilespmem:s28], [sflag:$0x3], $0x80, s7, s31, $0xb8;
	[tilespmem:$0x1E800] =	vst v63  }
0xfe: {  	_ =	swait.ge [sflag:s29], $0x4000  }
0xff: {  	[sflag:s29] =	ssyncset.done $0x0  }
0x100: {  	[sflag:s29] =	ssyncadd.s32 $0xFFFFC000  }
0x101: {  	_ =	swait.ge [sflag:s3], $0x4000  }
0x102: {  	[sflag:s3] =	ssyncset.done $0x0  }
0x103: {  	s8 =	simm.s32 $0x1480;
	[sflag:s3] =	ssyncadd.s32 $0xFFFFC000  }
0x104: {  	[spmem:s1] =	stream.indirect.scatter.add.f32 [tilespmem:s15], [sflag:$0x3], $0x80, s8, s31, $0xb8;
	[tilespmem:$0x1E800] =	vst v63  }
0x105: {  	_ =	swait.ge [sflag:s29], $0x4000  }
0x106: {  	s5 =	simm.s32 $0x400;
	s6 =	simm.s32 $0x800;
	[sflag:s29] =	ssyncset.done $0x0  }
.LBB2_3:
0x107: {  	s7 =	sshra.s32 s5, $0x2  }
0x108: {  	[sflag:s29] =	ssyncadd.s32 $0xFFFFC000;
	s5 =	smov.u32 s6;
	s8 =	sadd.s32 $0x400, s6  }
0x109: {  	[tilespmem:s28], [sflag:$0x1] =	stream.indirect.gather [hbm4b:s19+s31], $0x80, s7, s31, $0xb8;
	[tilespmem:$0x1E800] =	vst v63  }
0x10a: {  	p1 =	sne.s32 s6, $0x4C00;
	s6 =	sadd.s32 $0x80, s7  }
0x10b: {  	[tilespmem:s15], [sflag:$0x2] =	stream.indirect.gather [hbm4b:s19+s31], $0x80, s6, s31, $0xb8;
	[tilespmem:$0x1E800] =	vst v63  }
0x10c: {  	_ =	swait.ge [sflag:s0], $0x4000  }
0x10d: {  	[sflag:s0] =	ssyncset.done $0x0  }
0x10e: {  	s6 =	sadd.s32 $0x1400, s7;
	[sflag:s0] =	ssyncadd.s32 $0xFFFFC000  }
0x10f: {  	[spmem:s1] =	stream.indirect.scatter.add.f32 [tilespmem:s28], [sflag:$0x3], $0x80, s6, s31, $0xb8;
	[tilespmem:$0x1E800] =	vst v63  }
0x110: {  	_ =	swait.ge [sflag:s29], $0x4000  }
0x111: {  	[sflag:s29] =	ssyncset.done $0x0  }
0x112: {  	[sflag:s29] =	ssyncadd.s32 $0xFFFFC000  }
0x113: {  	_ =	swait.ge [sflag:s3], $0x4000  }
.Ltmp3:
0x114: {  	[sflag:s3] =	ssyncset.done $0x0;
	(pc) =	sbr.rel @p1 .LBB2_3-.Ltmp3, $4  }
0x115: {  	s6 =	sadd.s32 $0x1480, s7;
	[sflag:s3] =	ssyncadd.s32 $0xFFFFC000  }
0x116: {  	[spmem:s1] =	stream.indirect.scatter.add.f32 [tilespmem:s15], [sflag:$0x3], $0x80, s6, s31, $0xb8;
	[tilespmem:$0x1E800] =	vst v63  }
0x117: {  	_ =	swait.ge [sflag:s29], $0x4000  }
0x118: {  	s6 =	smov.u32 s8;
	[sflag:s29] =	ssyncset.done $0x0  }
0x119: {  	s5 =	sshra.s32 s5, $0x2;
	[sflag:s29] =	ssyncadd.s32 $0xFFFFC000  }
0x11a: {  	[tilespmem:s28], [sflag:$0x1] =	stream.indirect.gather [hbm4b:s19+s31], $0x80, s5, s31, $0xb8;
	[tilespmem:$0x1E800] =	vst v63  }
0x11b: {  	s6 =	sadd.s32 $0x80, s5  }
0x11c: {  	[tilespmem:s15], [sflag:$0x2] =	stream.indirect.gather [hbm4b:s19+s31], $0x80, s6, s31, $0xb8;
	[tilespmem:$0x1E800] =	vst v63  }
0x11d: {  	_ =	swait.ge [sflag:s0], $0x4000  }
0x11e: {  	[sflag:s0] =	ssyncset.done $0x0  }
0x11f: {  	s7 =	sadd.s32 $0x1400, s5;
	[sflag:s0] =	ssyncadd.s32 $0xFFFFC000  }
0x120: {  	[spmem:s1] =	stream.indirect.scatter.add.f32 [tilespmem:s28], [sflag:$0x3], $0x80, s7, s31, $0xb8;
	[tilespmem:$0x1E800] =	vst v63  }
0x121: {  	_ =	swait.ge [sflag:s29], $0x4000  }
0x122: {  	[sflag:s29] =	ssyncset.done $0x0  }
0x123: {  	[sflag:s29] =	ssyncadd.s32 $0xFFFFC000  }
0x124: {  	_ =	swait.ge [sflag:s3], $0x4000  }
0x125: {  	[sflag:s3] =	ssyncset.done $0x0  }
0x126: {  	s5 =	sadd.s32 $0x1480, s5;
	[sflag:s3] =	ssyncadd.s32 $0xFFFFC000  }
0x127: {  	[spmem:s1] =	stream.indirect.scatter.add.f32 [tilespmem:s15], [sflag:$0x3], $0x80, s5, s31, $0xb8;
	[tilespmem:$0x1E800] =	vst v63  }
0x128: {  	_ =	swait.ge [sflag:s29], $0x4000  }
0x129: {  	[sflag:s29] =	ssyncset.done $0x0  }
0x12a: {  	s5 =	simm.s32 $0x0;
	s8 =	rddreg [dreg:$0x5];
	[sflag:s29] =	ssyncadd.s32 $0xFFFFC000  }
0x12b: {  	[tilespmem:s5], [sflag:$0x3] =	stream.linear.gather [hbm4b:s8+s5], $0x1400, $0x38;
	[tilespmem:$0x1E800] =	vst v63  }
0x12c: {  	_ =	swait.ge [sflag:s29], $0x1400  }
0x12d: {  	[sflag:s29] =	ssyncset.done $0x0  }
0x12e: {  	s7 =	rddreg [dreg:$0x6];
	[sflag:s29] =	ssyncadd.s32 $0xFFFFEC00  }
0x12f: {  	[tilespmem:s30], [sflag:$0x3] =	stream.linear.gather [hbm4b:s7+s5], $0x1400, $0x38;
	[tilespmem:$0x1E800] =	vst v63  }
0x130: {  	_ =	swait.ge [sflag:s29], $0x1400  }
0x131: {  	[sflag:s29] =	ssyncset.done $0x0  }
0x132: {  	s8 =	simm.s32 $0x0;
	[sflag:s29] =	ssyncadd.s32 $0xFFFFEC00  }
0x133: {  	[tilespmem:s28], [sflag:$0x1] =	stream.indirect.gather [hbm4b:s19+s31], $0x80, s8, s31, $0xb8;
	[tilespmem:$0x1E800] =	vst v63  }
0x134: {  	s6 =	simm.s32 $0x80  }
0x135: {  	[tilespmem:s15], [sflag:$0x2] =	stream.indirect.gather [hbm4b:s19+s31], $0x80, s6, s31, $0xb8;
	[tilespmem:$0x1E800] =	vst v63  }
0x136: {  	_ =	swait.ge [sflag:s0], $0x4000  }
0x137: {  	[sflag:s0] =	ssyncset.done $0x0  }
0x138: {  	s7 =	simm.s32 $0x1400;
	[sflag:s0] =	ssyncadd.s32 $0xFFFFC000  }
0x139: {  	[spmem:s1] =	stream.indirect.scatter.add.f32 [tilespmem:s28], [sflag:$0x3], $0x80, s7, s31, $0xb8;
	[tilespmem:$0x1E800] =	vst v63  }
0x13a: {  	_ =	swait.ge [sflag:s29], $0x4000  }
0x13b: {  	[sflag:s29] =	ssyncset.done $0x0  }
0x13c: {  	[sflag:s29] =	ssyncadd.s32 $0xFFFFC000  }
0x13d: {  	_ =	swait.ge [sflag:s3], $0x4000  }
0x13e: {  	[sflag:s3] =	ssyncset.done $0x0  }
0x13f: {  	s8 =	simm.s32 $0x1480;
	[sflag:s3] =	ssyncadd.s32 $0xFFFFC000  }
0x140: {  	[spmem:s1] =	stream.indirect.scatter.add.f32 [tilespmem:s15], [sflag:$0x3], $0x80, s8, s31, $0xb8;
	[tilespmem:$0x1E800] =	vst v63  }
0x141: {  	_ =	swait.ge [sflag:s29], $0x4000  }
0x142: {  	s5 =	simm.s32 $0x400;
	s6 =	simm.s32 $0x800;
	[sflag:s29] =	ssyncset.done $0x0  }
.LBB2_5:
0x143: {  	s7 =	sshra.s32 s5, $0x2  }
0x144: {  	[sflag:s29] =	ssyncadd.s32 $0xFFFFC000;
	s5 =	smov.u32 s6;
	s8 =	sadd.s32 $0x400, s6  }
0x145: {  	[tilespmem:s28], [sflag:$0x1] =	stream.indirect.gather [hbm4b:s19+s31], $0x80, s7, s31, $0xb8;
	[tilespmem:$0x1E800] =	vst v63  }
0x146: {  	p1 =	sne.s32 s6, $0x4C00;
	s6 =	sadd.s32 $0x80, s7  }
0x147: {  	[tilespmem:s15], [sflag:$0x2] =	stream.indirect.gather [hbm4b:s19+s31], $0x80, s6, s31, $0xb8;
	[tilespmem:$0x1E800] =	vst v63  }
0x148: {  	_ =	swait.ge [sflag:s0], $0x4000  }
0x149: {  	[sflag:s0] =	ssyncset.done $0x0  }
0x14a: {  	s6 =	sadd.s32 $0x1400, s7;
	[sflag:s0] =	ssyncadd.s32 $0xFFFFC000  }
0x14b: {  	[spmem:s1] =	stream.indirect.scatter.add.f32 [tilespmem:s28], [sflag:$0x3], $0x80, s6, s31, $0xb8;
	[tilespmem:$0x1E800] =	vst v63  }
0x14c: {  	_ =	swait.ge [sflag:s29], $0x4000  }
0x14d: {  	[sflag:s29] =	ssyncset.done $0x0  }
0x14e: {  	[sflag:s29] =	ssyncadd.s32 $0xFFFFC000  }
0x14f: {  	_ =	swait.ge [sflag:s3], $0x4000  }
.Ltmp4:
0x150: {  	[sflag:s3] =	ssyncset.done $0x0;
	(pc) =	sbr.rel @p1 .LBB2_5-.Ltmp4, $4  }
0x151: {  	s6 =	sadd.s32 $0x1480, s7;
	[sflag:s3] =	ssyncadd.s32 $0xFFFFC000  }
0x152: {  	[spmem:s1] =	stream.indirect.scatter.add.f32 [tilespmem:s15], [sflag:$0x3], $0x80, s6, s31, $0xb8;
	[tilespmem:$0x1E800] =	vst v63  }
0x153: {  	_ =	swait.ge [sflag:s29], $0x4000  }
0x154: {  	s6 =	smov.u32 s8;
	[sflag:s29] =	ssyncset.done $0x0  }
0x155: {  	s5 =	sshra.s32 s5, $0x2;
	[sflag:s29] =	ssyncadd.s32 $0xFFFFC000  }
0x156: {  	[tilespmem:s28], [sflag:$0x1] =	stream.indirect.gather [hbm4b:s19+s31], $0x80, s5, s31, $0xb8;
	[tilespmem:$0x1E800] =	vst v63  }
0x157: {  	s6 =	sadd.s32 $0x80, s5  }
0x158: {  	[tilespmem:s15], [sflag:$0x2] =	stream.indirect.gather [hbm4b:s19+s31], $0x80, s6, s31, $0xb8;
	[tilespmem:$0x1E800] =	vst v63  }
0x159: {  	_ =	swait.ge [sflag:s0], $0x4000  }
0x15a: {  	[sflag:s0] =	ssyncset.done $0x0  }
0x15b: {  	s7 =	sadd.s32 $0x1400, s5;
	[sflag:s0] =	ssyncadd.s32 $0xFFFFC000  }
0x15c: {  	[spmem:s1] =	stream.indirect.scatter.add.f32 [tilespmem:s28], [sflag:$0x3], $0x80, s7, s31, $0xb8;
	[tilespmem:$0x1E800] =	vst v63  }
0x15d: {  	_ =	swait.ge [sflag:s29], $0x4000  }
0x15e: {  	[sflag:s29] =	ssyncset.done $0x0  }
0x15f: {  	[sflag:s29] =	ssyncadd.s32 $0xFFFFC000  }
0x160: {  	_ =	swait.ge [sflag:s3], $0x4000  }
0x161: {  	[sflag:s3] =	ssyncset.done $0x0  }
0x162: {  	s5 =	sadd.s32 $0x1480, s5;
	[sflag:s3] =	ssyncadd.s32 $0xFFFFC000  }
0x163: {  	[spmem:s1] =	stream.indirect.scatter.add.f32 [tilespmem:s15], [sflag:$0x3], $0x80, s5, s31, $0xb8;
	[tilespmem:$0x1E800] =	vst v63  }
0x164: {  	_ =	swait.ge [sflag:s29], $0x4000  }
0x165: {  	[sflag:s29] =	ssyncset.done $0x0  }
0x166: {  	s5 =	simm.s32 $0x0;
	s8 =	rddreg [dreg:$0x7];
	[sflag:s29] =	ssyncadd.s32 $0xFFFFC000  }
0x167: {  	[tilespmem:s5], [sflag:$0x3] =	stream.linear.gather [hbm4b:s8+s5], $0x1400, $0x38;
	[tilespmem:$0x1E800] =	vst v63  }
0x168: {  	_ =	swait.ge [sflag:s29], $0x1400  }
0x169: {  	[sflag:s29] =	ssyncset.done $0x0  }
0x16a: {  	s7 =	rddreg [dreg:$0x8];
	[sflag:s29] =	ssyncadd.s32 $0xFFFFEC00  }
0x16b: {  	[tilespmem:s30], [sflag:$0x3] =	stream.linear.gather [hbm4b:s7+s5], $0x1400, $0x38;
	[tilespmem:$0x1E800] =	vst v63  }
0x16c: {  	_ =	swait.ge [sflag:s29], $0x1400  }
0x16d: {  	[sflag:s29] =	ssyncset.done $0x0  }
0x16e: {  	s8 =	simm.s32 $0x0;
	[sflag:s29] =	ssyncadd.s32 $0xFFFFEC00  }
0x16f: {  	[tilespmem:s28], [sflag:$0x1] =	stream.indirect.gather [hbm4b:s19+s31], $0x80, s8, s31, $0xb8;
	[tilespmem:$0x1E800] =	vst v63  }
0x170: {  	s6 =	simm.s32 $0x80  }
0x171: {  	[tilespmem:s15], [sflag:$0x2] =	stream.indirect.gather [hbm4b:s19+s31], $0x80, s6, s31, $0xb8;
	[tilespmem:$0x1E800] =	vst v63  }
0x172: {  	_ =	swait.ge [sflag:s0], $0x4000  }
0x173: {  	[sflag:s0] =	ssyncset.done $0x0  }
0x174: {  	s7 =	simm.s32 $0x1400;
	[sflag:s0] =	ssyncadd.s32 $0xFFFFC000  }
0x175: {  	[spmem:s1] =	stream.indirect.scatter.add.f32 [tilespmem:s28], [sflag:$0x3], $0x80, s7, s31, $0xb8;
	[tilespmem:$0x1E800] =	vst v63  }
0x176: {  	_ =	swait.ge [sflag:s29], $0x4000  }
0x177: {  	[sflag:s29] =	ssyncset.done $0x0  }
0x178: {  	[sflag:s29] =	ssyncadd.s32 $0xFFFFC000  }
0x179: {  	_ =	swait.ge [sflag:s3], $0x4000  }
0x17a: {  	[sflag:s3] =	ssyncset.done $0x0  }
0x17b: {  	s8 =	simm.s32 $0x1480;
	[sflag:s3] =	ssyncadd.s32 $0xFFFFC000  }
0x17c: {  	[spmem:s1] =	stream.indirect.scatter.add.f32 [tilespmem:s15], [sflag:$0x3], $0x80, s8, s31, $0xb8;
	[tilespmem:$0x1E800] =	vst v63  }
0x17d: {  	_ =	swait.ge [sflag:s29], $0x4000  }
0x17e: {  	s5 =	simm.s32 $0x400;
	s6 =	simm.s32 $0x800;
	[sflag:s29] =	ssyncset.done $0x0  }
.LBB2_7:
0x17f: {  	s7 =	sshra.s32 s5, $0x2  }
0x180: {  	[sflag:s29] =	ssyncadd.s32 $0xFFFFC000;
	s5 =	smov.u32 s6;
	s8 =	sadd.s32 $0x400, s6  }
0x181: {  	[tilespmem:s28], [sflag:$0x1] =	stream.indirect.gather [hbm4b:s19+s31], $0x80, s7, s31, $0xb8;
	[tilespmem:$0x1E800] =	vst v63  }
0x182: {  	p1 =	sne.s32 s6, $0x4C00;
	s6 =	sadd.s32 $0x80, s7  }
0x183: {  	[tilespmem:s15], [sflag:$0x2] =	stream.indirect.gather [hbm4b:s19+s31], $0x80, s6, s31, $0xb8;
	[tilespmem:$0x1E800] =	vst v63  }
0x184: {  	_ =	swait.ge [sflag:s0], $0x4000  }
0x185: {  	[sflag:s0] =	ssyncset.done $0x0  }
0x186: {  	s6 =	sadd.s32 $0x1400, s7;
	[sflag:s0] =	ssyncadd.s32 $0xFFFFC000  }
0x187: {  	[spmem:s1] =	stream.indirect.scatter.add.f32 [tilespmem:s28], [sflag:$0x3], $0x80, s6, s31, $0xb8;
	[tilespmem:$0x1E800] =	vst v63  }
0x188: {  	_ =	swait.ge [sflag:s29], $0x4000  }
0x189: {  	[sflag:s29] =	ssyncset.done $0x0  }
0x18a: {  	[sflag:s29] =	ssyncadd.s32 $0xFFFFC000  }
0x18b: {  	_ =	swait.ge [sflag:s3], $0x4000  }
.Ltmp5:
0x18c: {  	[sflag:s3] =	ssyncset.done $0x0;
	(pc) =	sbr.rel @p1 .LBB2_7-.Ltmp5, $4  }
0x18d: {  	s6 =	sadd.s32 $0x1480, s7;
	[sflag:s3] =	ssyncadd.s32 $0xFFFFC000  }
0x18e: {  	[spmem:s1] =	stream.indirect.scatter.add.f32 [tilespmem:s15], [sflag:$0x3], $0x80, s6, s31, $0xb8;
	[tilespmem:$0x1E800] =	vst v63  }
0x18f: {  	_ =	swait.ge [sflag:s29], $0x4000  }
0x190: {  	s6 =	smov.u32 s8;
	[sflag:s29] =	ssyncset.done $0x0  }
0x191: {  	s5 =	sshra.s32 s5, $0x2;
	[sflag:s29] =	ssyncadd.s32 $0xFFFFC000  }
0x192: {  	[tilespmem:s28], [sflag:$0x1] =	stream.indirect.gather [hbm4b:s19+s31], $0x80, s5, s31, $0xb8;
	[tilespmem:$0x1E800] =	vst v63  }
0x193: {  	s6 =	sadd.s32 $0x80, s5  }
0x194: {  	[tilespmem:s15], [sflag:$0x2] =	stream.indirect.gather [hbm4b:s19+s31], $0x80, s6, s31, $0xb8;
	[tilespmem:$0x1E800] =	vst v63  }
0x195: {  	_ =	swait.ge [sflag:s0], $0x4000  }
0x196: {  	[sflag:s0] =	ssyncset.done $0x0  }
0x197: {  	s8 =	sadd.s32 $0x1400, s5;
	[sflag:s0] =	ssyncadd.s32 $0xFFFFC000  }
0x198: {  	[spmem:s1] =	stream.indirect.scatter.add.f32 [tilespmem:s28], [sflag:$0x3], $0x80, s8, s31, $0xb8;
	[tilespmem:$0x1E800] =	vst v63  }
0x199: {  	_ =	swait.ge [sflag:s29], $0x4000  }
0x19a: {  	[sflag:s29] =	ssyncset.done $0x0  }
0x19b: {  	[sflag:s29] =	ssyncadd.s32 $0xFFFFC000  }
0x19c: {  	_ =	swait.ge [sflag:s3], $0x4000  }
0x19d: {  	[sflag:s3] =	ssyncset.done $0x0  }
0x19e: {  	s5 =	sadd.s32 $0x1480, s5;
	[sflag:s3] =	ssyncadd.s32 $0xFFFFC000  }
0x19f: {  	[spmem:s1] =	stream.indirect.scatter.add.f32 [tilespmem:s15], [sflag:$0x3], $0x80, s5, s31, $0xb8;
	[tilespmem:$0x1E800] =	vst v63  }
0x1a0: {  	_ =	swait.ge [sflag:s29], $0x4000  }
0x1a1: {  	[sflag:s29] =	ssyncset.done $0x0  }
0x1a2: {  	s7 =	simm.s32 $0x0;
	[sflag:s29] =	ssyncadd.s32 $0xFFFFC000  }
0x1a3: {  	[tilespmem:s7], [sflag:$0x3] =	stream.linear.gather [hbm4b:s9+s7], $0xC00, $0x38;
	[tilespmem:$0x1E800] =	vst v63  }
0x1a4: {  	_ =	swait.ge [sflag:s29], $0xC00  }
0x1a5: {  	[sflag:s29] =	ssyncset.done $0x0  }
0x1a6: {  	[sflag:s29] =	ssyncadd.s32 $0xFFFFF400  }
0x1a7: {  	[tilespmem:s30], [sflag:$0x3] =	stream.linear.gather [hbm4b:s10+s7], $0xC00, $0x38;
	[tilespmem:$0x1E800] =	vst v63  }
0x1a8: {  	_ =	swait.ge [sflag:s29], $0xC00  }
0x1a9: {  	[sflag:s29] =	ssyncset.done $0x0  }
0x1aa: {  	s8 =	simm.s32 $0x0;
	[sflag:s29] =	ssyncadd.s32 $0xFFFFF400  }
0x1ab: {  	[tilespmem:s28], [sflag:$0x1] =	stream.indirect.gather [hbm4b:s19+s31], $0x80, s8, s31, $0xb8;
	[tilespmem:$0x1E800] =	vst v63  }
0x1ac: {  	s6 =	simm.s32 $0x80  }
0x1ad: {  	[tilespmem:s15], [sflag:$0x2] =	stream.indirect.gather [hbm4b:s19+s31], $0x80, s6, s31, $0xb8;
	[tilespmem:$0x1E800] =	vst v63  }
0x1ae: {  	_ =	swait.ge [sflag:s0], $0x4000  }
0x1af: {  	[sflag:s0] =	ssyncset.done $0x0  }
0x1b0: {  	s7 =	simm.s32 $0x1400;
	[sflag:s0] =	ssyncadd.s32 $0xFFFFC000  }
0x1b1: {  	[spmem:s1] =	stream.indirect.scatter.add.f32 [tilespmem:s28], [sflag:$0x3], $0x80, s7, s31, $0xb8;
	[tilespmem:$0x1E800] =	vst v63  }
0x1b2: {  	_ =	swait.ge [sflag:s29], $0x4000  }
0x1b3: {  	[sflag:s29] =	ssyncset.done $0x0  }
0x1b4: {  	[sflag:s29] =	ssyncadd.s32 $0xFFFFC000  }
0x1b5: {  	_ =	swait.ge [sflag:s3], $0x4000  }
0x1b6: {  	[sflag:s3] =	ssyncset.done $0x0  }
0x1b7: {  	s8 =	simm.s32 $0x1480;
	[sflag:s3] =	ssyncadd.s32 $0xFFFFC000  }
0x1b8: {  	[spmem:s1] =	stream.indirect.scatter.add.f32 [tilespmem:s15], [sflag:$0x3], $0x80, s8, s31, $0xb8;
	[tilespmem:$0x1E800] =	vst v63  }
0x1b9: {  	_ =	swait.ge [sflag:s29], $0x4000  }
0x1ba: {  	s5 =	simm.s32 $0x400;
	s6 =	simm.s32 $0x800;
	[sflag:s29] =	ssyncset.done $0x0  }
.LBB2_9:
0x1bb: {  	s7 =	sshra.s32 s5, $0x2  }
0x1bc: {  	[sflag:s29] =	ssyncadd.s32 $0xFFFFC000;
	s5 =	smov.u32 s6;
	s8 =	sadd.s32 $0x400, s6  }
0x1bd: {  	[tilespmem:s28], [sflag:$0x1] =	stream.indirect.gather [hbm4b:s19+s31], $0x80, s7, s31, $0xb8;
	[tilespmem:$0x1E800] =	vst v63  }
0x1be: {  	p1 =	seq.s32 s6, $0x2C00;
	s6 =	sadd.s32 $0x80, s7  }
0x1bf: {  	[tilespmem:s15], [sflag:$0x2] =	stream.indirect.gather [hbm4b:s19+s31], $0x80, s6, s31, $0xb8;
	[tilespmem:$0x1E800] =	vst v63  }
0x1c0: {  	_ =	swait.ge [sflag:s0], $0x4000  }
0x1c1: {  	[sflag:s0] =	ssyncset.done $0x0  }
0x1c2: {  	s6 =	sadd.s32 $0x1400, s7;
	[sflag:s0] =	ssyncadd.s32 $0xFFFFC000  }
0x1c3: {  	[spmem:s1] =	stream.indirect.scatter.add.f32 [tilespmem:s28], [sflag:$0x3], $0x80, s6, s31, $0xb8;
	[tilespmem:$0x1E800] =	vst v63  }
0x1c4: {  	_ =	swait.ge [sflag:s29], $0x4000  }
0x1c5: {  	[sflag:s29] =	ssyncset.done $0x0  }
0x1c6: {  	[sflag:s29] =	ssyncadd.s32 $0xFFFFC000  }
0x1c7: {  	_ =	swait.ge [sflag:s3], $0x4000  }
.Ltmp6:
0x1c8: {  	[sflag:s3] =	ssyncset.done $0x0;
	(pc) =	sbr.rel @!p1 .LBB2_9-.Ltmp6, $4  }
0x1c9: {  	s6 =	sadd.s32 $0x1480, s7;
	[sflag:s3] =	ssyncadd.s32 $0xFFFFC000  }
0x1ca: {  	[spmem:s1] =	stream.indirect.scatter.add.f32 [tilespmem:s15], [sflag:$0x3], $0x80, s6, s31, $0xb8;
	[tilespmem:$0x1E800] =	vst v63  }
0x1cb: {  	_ =	swait.ge [sflag:s29], $0x4000  }
0x1cc: {  	s6 =	smov.u32 s8;
	[sflag:s29] =	ssyncset.done $0x0  }
0x1cd: {  	s5 =	sshra.s32 s5, $0x2;
	[sflag:s29] =	ssyncadd.s32 $0xFFFFC000  }
0x1ce: {  	[tilespmem:s28], [sflag:$0x1] =	stream.indirect.gather [hbm4b:s19+s31], $0x80, s5, s31, $0xb8;
	[tilespmem:$0x1E800] =	vst v63  }
0x1cf: {  	s6 =	sadd.s32 $0x80, s5  }
0x1d0: {  	[tilespmem:s15], [sflag:$0x2] =	stream.indirect.gather [hbm4b:s19+s31], $0x80, s6, s31, $0xb8;
	[tilespmem:$0x1E800] =	vst v63  }
0x1d1: {  	_ =	swait.ge [sflag:s0], $0x4000  }
0x1d2: {  	[sflag:s0] =	ssyncset.done $0x0  }
0x1d3: {  	s8 =	sadd.s32 $0x1400, s5;
	[sflag:s0] =	ssyncadd.s32 $0xFFFFC000  }
0x1d4: {  	[spmem:s1] =	stream.indirect.scatter.add.f32 [tilespmem:s28], [sflag:$0x3], $0x80, s8, s31, $0xb8;
	[tilespmem:$0x1E800] =	vst v63  }
0x1d5: {  	_ =	swait.ge [sflag:s29], $0x4000  }
0x1d6: {  	[sflag:s29] =	ssyncset.done $0x0  }
0x1d7: {  	[sflag:s29] =	ssyncadd.s32 $0xFFFFC000  }
0x1d8: {  	_ =	swait.ge [sflag:s3], $0x4000  }
0x1d9: {  	[sflag:s3] =	ssyncset.done $0x0  }
.Ltmp7:
0x1da: {  	s5 =	sadd.s32 $0x1480, s5;
	[sflag:s3] =	ssyncadd.s32 $0xFFFFC000;
	(pc) =	sbr.rel .LBB2_12-.Ltmp7, $4  }
0x1db: {  	[spmem:s1] =	stream.indirect.scatter.add.f32 [tilespmem:s15], [sflag:$0x3], $0x80, s5, s31, $0xb8;
	[tilespmem:$0x1E800] =	vst v63  }
0x1dc: {  	_ =	swait.ge [sflag:s29], $0x4000  }
0x1dd: {  	[sflag:s29] =	ssyncset.done $0x0  }
0x1de: {  	[sflag:s29] =	ssyncadd.s32 $0xFFFFC000  }
.LBB2_13:
0x1df: {  	_ =	sfence.sel $0x180000  }
0x1e0: {  	[bflag:$0x0] =	sbarrier.arrive $0xFFFF  }
0x1e1: {  	_ =	strace $0x9000004D  }
0x1e2: {  	s0 =	stileid.u32;
	[bflag:$0x2] =	sbarrier.arrive $0xFFFF  }
0x1e3: {  	p0 =	sne.s32 s0, $0x0;
	s0 =	rddreg [dreg:$0x2]  }
0x1e4: {  	s0 =	sadd.s32 @!p0 $0x100000, s0  }
0x1e5: {  	[sflag:s0] =	ssyncadd.tile.s32 @!p0 $0x1;
	_ =	shalt  }
.Lfunc_end2:
_tile_overlayer_lowered:
.L_overlay_start_2:
0x1e6: {  	(tag) =	ssettag $0x2  }
0x1e7: {  	s0 =	rddreg [dreg:$0x0];
	s2 =	stileid.u32  }
0x1e8: {  	s1 =	rddreg [dreg:$0x1];
	p0 =	sne.s32 s2, $0x0  }
0x1e9: {  	s3 =	rddreg [dreg:$0x2];
	[bflag:$0x3] =	sbarrier.arrive $0xFFFF;
	s2 =	simm.s32 @!p0 $0x1C03  }
0x1ea: {  	[timem:s3], [sflag:s2] =	dma.local @!p0 [hbm:s0], s1  }
0x1eb: {  	s0 =	simm.s32 @!p0 $0x3  }
0x1ec: {  	_ =	swait.ge @!p0 [sflag:s0], s1  }
0x1ed: {  	s1 =	ssub.s32 @!p0 $0x0, s1;
	[sflag:s0] =	ssyncset.done @!p0 $0x0  }
0x1ee: {  	[sflag:s0] =	ssyncadd.s32 @!p0 s1  }
0x1ef: {  	[bflag:$0x3] =	sbarrier.arrive $0xFFFF  }
0x1f0: {  	_ =	shalt  }

// kernel: kernel.19.cloned.1.call-start
scs
__scs_entry_jumppad:
0x0: {  	(pc) =	sbr.rel $0x88, $3  }
0x1: {  	(tag) =	ssettag $0x0;
	lr =	simm.s32 $0x1  }
0x2: {  	[smem:$0x3F98] =	sst lr;
	_ =	strace $0xD0000000  }
0x3: {  	_ = 	snop  }
0x4: {  	_ = 	snop  }
0x5: {  	_ = 	snop  }
0x6: {  	_ = 	snop  }
0x7: {  	_ = 	snop  }
__scs_overlays_trampoline_lowered:
0x8: {  	[smem:$0x3FA7] =	sst s0  }
0x9: {  	[smem:$0x3FA8] =	sst s1  }
0xa: {  	[smem:$0x3FA9] =	sst s2  }
0xb: {  	[smem:$0x3FAA] =	sst s3  }
0xc: {  	[smem:$0x3FAB] =	sst s4  }
0xd: {  	[smem:$0x3FAC] =	sst s5  }
0xe: {  	[smem:$0x3FAD] =	sst s6  }
0xf: {  	[smem:$0x3FAE] =	sst s7  }
0x10: {  	[smem:$0x3FAF] =	sst s8  }
0x11: {  	[smem:$0x3FB0] =	sst s9;
	s0 =	simm.s32 @!p0 $0x0  }
0x12: {  	s1 =	sld [smem:$0x3F96];
	s0 =	simm.s32 @p0 $0x1  }
0x13: {  	[smem:$0x3FB1] =	sst s0;
	s0 =	simm.s32 @!p1 $0x0  }
0x14: {  	s2 =	sld [smem:$0x3F95];
	s0 =	simm.s32 @p1 $0x1  }
0x15: {  	[smem:$0x3FB2] =	sst s0;
	s0 =	simm.s32 @!p2 $0x0  }
0x16: {  	s3 =	sld [smem:$0x3FDB];
	s0 =	simm.s32 @p2 $0x1  }
0x17: {  	s4 =	simm.s32 $0x1BF5;
	[smem:$0x3FB4] =	sst s0  }
0x18: {  	s0 =	sld [smem:$0x3F97];
	_ =	swait.ge [sflag:s4], $0x0  }
0x19: {  	s7 =	sld [smem:$0x3F98]  }
0x1a: {  	s8 =	sadd.s32 $0xFFFFE003, lr  }
0x1b: {  	s9 =	sadd.s32 $0xFFFFFEF7, lr;
	s5 =	simm.s32 $0xFFFFFFFF;
	p2 =	slt.u32 s8, $0xFFFFF086  }
0x1c: {  	p1 =	slt.u32 s9, $0xF7A;
	s5 =	simm.s32 @!p2 $0x0  }
0x1d: {  	s5 =	simm.s32 @p1 $0x1;
	p0 =	seq.s32 s7, s2  }
0x1e: {  	s7 =	smul.u32 @!p0 $0xF7A, s2;
	p2 =	seq.s32 @!p0 s5, $0x0  }
0x1f: {  	s9 =	smul.u32 $0xF7A, s1;
	s8 =	simm.s32 @!p0 $0x1BF5;
	p2 =	por !p2, p0  }
0x20: {  	[sflag:s8] =	ssyncset.s32 @!p0 $0xFFFFF086;
	s6 =	sadd.s32 @!p0 s3, s7;
	s7 =	simm.s32 @!p0 $0x108  }
0x21: {  	s3 =	sadd.s32 s3, s9;
	s6 =	sadd.s32 @!p0 $0x88, s6;
	s7 =	simm.s32 @p2 $0x1082  }
0x22: {  	[simem:s7], [sflag:s8] =	dma.local @!p0 [hbm:s6], $0xF7A  }
0x23: {  	s9 =	sor.u32 $0xD0000000, s2;
	s6 =	simm.s32 $0x108;
	_ =	swait.ge @!p0 [sflag:s8], $0x0  }
0x24: {  	s3 =	sadd.s32 $0x88, s3;
	s6 =	simm.s32 @!p1 $0x1082;
	[sflag:s4] =	ssyncset.s32 $0xFFFFF086  }
0x25: {  	[simem:s6], [sflag:s4] =	dma.local [hbm:s3], $0xF7A  }
0x26: {  	[smem:$0x3F98] =	sst s1;
	(tag) =	ssettag s2;
	_ =	strace s9  }
0x27: {  	s1 =	sld [smem:$0x3FA8]  }
0x28: {  	s2 =	sld [smem:$0x3FA9]  }
0x29: {  	s4 =	sld [smem:$0x3FAB]  }
0x2a: {  	p0 =	seq.s32 s5, $0x0;
	s5 =	sld [smem:$0x3FAC]  }
0x2b: {  	s6 =	sld [smem:$0x3FAD]  }
0x2c: {  	s7 =	sld [smem:$0x3FAE]  }
0x2d: {  	s3 =	simm.s32 $0x108;
	s8 =	sld [smem:$0x3FAF]  }
0x2e: {  	s3 =	simm.s32 @!p0 $0x1082;
	s9 =	sld [smem:$0x3FB0]  }
0x2f: {  	lr =	sadd.s32 s0, s3;
	s0 =	sld [smem:$0x3FA7]  }
0x30: {  	s3 =	sld [smem:$0x3FAA]  }
0x31: {  	[smem:$0x3FB3] =	sst s10  }
0x32: {  	s10 =	sld [smem:$0x3FB1];
	_ =	sdelay $0x3  }
0x33: {  	p0 =	seq.s32 s10, $0x1;
	s10 =	sld [smem:$0x3FB3];
	_ =	sdelay $0x3  }
0x34: {  	[smem:$0x3FB3] =	sst s10  }
0x35: {  	s10 =	sld [smem:$0x3FB2];
	_ =	sdelay $0x3  }
0x36: {  	p1 =	seq.s32 s10, $0x1;
	s10 =	sld [smem:$0x3FB3];
	_ =	sdelay $0x3  }
0x37: {  	[smem:$0x3FB3] =	sst s10  }
0x38: {  	s10 =	sld [smem:$0x3FB4]  }
0x39: {  	_ = 	snop;
	(pc) =	sbr.ind lr, $3  }
0x3a: {  	_ = 	snop  }
0x3b: {  	_ = 	snop  }
0x3c: {  	p2 =	seq.s32 s10, $0x1;
	s10 =	sld [smem:$0x3FB3]  }
0x3d: {  	_ =	shalt  }
0x3e: {  	_ =	shalt  }
0x3f: {  	_ =	shalt  }
0x40: {  	_ =	shalt  }
0x41: {  	_ =	shalt  }
0x42: {  	_ =	shalt  }
0x43: {  	_ =	shalt  }
0x44: {  	_ =	shalt  }
0x45: {  	_ =	shalt  }
0x46: {  	_ =	shalt  }
0x47: {  	_ =	shalt  }
0x48: {  	_ =	shalt  }
0x49: {  	_ =	shalt  }
0x4a: {  	_ =	shalt  }
0x4b: {  	_ =	shalt  }
0x4c: {  	_ =	shalt  }
0x4d: {  	_ =	shalt  }
0x4e: {  	_ =	shalt  }
0x4f: {  	_ =	shalt  }
0x50: {  	_ =	shalt  }
0x51: {  	_ =	shalt  }
0x52: {  	_ =	shalt  }
0x53: {  	_ =	shalt  }
0x54: {  	_ =	shalt  }
0x55: {  	_ =	shalt  }
0x56: {  	_ =	shalt  }
0x57: {  	_ =	shalt  }
0x58: {  	_ =	shalt  }
0x59: {  	_ =	shalt  }
0x5a: {  	_ =	shalt  }
0x5b: {  	_ =	shalt  }
0x5c: {  	_ =	shalt  }
0x5d: {  	_ =	shalt  }
0x5e: {  	_ =	shalt  }
0x5f: {  	_ =	shalt  }
0x60: {  	_ =	shalt  }
0x61: {  	_ =	shalt  }
0x62: {  	_ =	shalt  }
0x63: {  	_ =	shalt  }
0x64: {  	_ =	shalt  }
0x65: {  	_ =	shalt  }
0x66: {  	_ =	shalt  }
0x67: {  	_ =	shalt  }
0x68: {  	_ =	shalt  }
0x69: {  	_ =	shalt  }
0x6a: {  	_ =	shalt  }
0x6b: {  	_ =	shalt  }
0x6c: {  	_ =	shalt  }
0x6d: {  	_ =	shalt  }
0x6e: {  	_ =	shalt  }
0x6f: {  	_ =	shalt  }
0x70: {  	_ =	shalt  }
0x71: {  	_ =	shalt  }
0x72: {  	_ =	shalt  }
0x73: {  	_ =	shalt  }
0x74: {  	_ =	shalt  }
0x75: {  	_ =	shalt  }
0x76: {  	_ =	shalt  }
0x77: {  	_ =	shalt  }
0x78: {  	_ =	shalt  }
0x79: {  	_ =	shalt  }
0x7a: {  	_ =	shalt  }
0x7b: {  	_ =	shalt  }
0x7c: {  	_ =	shalt  }
0x7d: {  	_ =	shalt  }
0x7e: {  	_ =	shalt  }
0x7f: {  	_ =	shalt  }
0x80: {  	_ =	shalt  }
0x81: {  	_ =	shalt  }
0x82: {  	_ =	shalt  }
0x83: {  	_ =	shalt  }
0x84: {  	_ =	shalt  }
0x85: {  	_ =	shalt  }
0x86: {  	_ =	shalt  }
0x87: {  	_ =	shalt  }
.Lfunc_end0:
.L_simem_size_0:
called_computation.3_lowered:
.L_overlay_start_0:
0x88: {  	s2 =	sld [smem:$0x3FD9]  }
0x89: {  	s3 =	sld [smem:$0x3FFE];
	_ =	sdelay $0x1  }
0x8a: {  	s1 =	srdreg.scid  }
0x8b: {  	s0 =	sand.u32 $0x1, s1  }
0x8c: {  	s16 =	sshll.u32 s0, $0xA;
	s2 =	sadd.s32 s3, s2  }
0x8d: {  	s2 =	sadd.s32 s2, s16  }
0x8e: {  	[smem:$0x3FBF] =	sst s2  }
0x8f: {  	_ = 	snop  }
0x90: {  	(tm) =	ssettm $0x1  }
0x91: {  	s17 =	sld [smem:$0x3FFB];
	_ =	sdelay $0x3  }
0x92: {  	_ =	strace s17  }
0x93: {  	s2 =	sld [smem:$0x3FFC];
	_ =	sdelay $0x3  }
0x94: {  	_ =	strace s2  }
0x95: {  	s2 =	sld [smem:$0x3FFD];
	_ =	sdelay $0x3  }
0x96: {  	_ =	strace s2  }
0x97: {  	_ =	strace $0x8FFFFFFF  }
0x98: {  	s18 =	sld [smem:$0x3FDB];
	_ =	sdelay $0x1  }
0x99: {  	s19 =	simm.s32 $_scs_section_size  }
0x9a: {  	s4 =	simm.s32 $_size__tile_overlayer_lowered;
	s5 =	simm.s32 $_tile_overlayer_lowered  }
0x9b: {  	s22 =	simm.s32 $0x1BFF;
	s21 =	sshll.u32 s5, $0x1;
	s2 =	sadd.s32 s19, s18  }
0x9c: {  	s6 =	simm.s32 $0x0;
	s20 =	sshll.u32 s4, $0x1;
	s4 =	sadd.s32 s21, s2  }
0x9d: {  	[timem:s6], [sflag:s22] =	dma.local [hbm:s4], s20  }
0x9e: {  	_ =	swait.ge [sflag:s22], s20  }
0x9f: {  	s3 =	ssub.s32 $0x0, s20;
	[sflag:s22] =	ssyncset.done $0x0  }
0xa0: {  	[sflag:s22] =	ssyncadd.s32 s3;
	_ =	sdelay $0x1  }
0xa1: {  	s23 =	simm.s32 $0x1B8B  }
0xa2: {  	_ =	swait.ge [sflag:s23], $0x1  }
0xa3: {  	[sflag:s23] =	ssyncset.done $0x0  }
0xa4: {  	s25 =	simm.s32 $0x1B8E;
	s24 =	sld [smem:$0x3FFE];
	[sflag:s23] =	ssyncadd.s32 $0xFFFFFFFF  }
0xa5: {  	s26 =	simm.s32 $execute0_lowered;
	[smem:$0x3FD2] =	sst s25  }
0xa6: {  	s4 =	sshll.u32 s26, $0x1;
	_ =	strace $0x8000004F;
	[dreg:$0x1] =	wrdreg $0xFFFFFFFF  }
0xa7: {  	s28 =	simm.s32 $_size_execute0_lowered;
	s2 =	sadd.s32 s2, s4;
	[dreg:$0x0] =	wrdreg $0x0  }
0xa8: {  	s4 =	sshll.u32 s28, $0x1;
	[dreg:$0x2] =	wrdreg s2  }
0xa9: {  	[dreg:$0x3] =	wrdreg s4  }
0xaa: {  	[dreg:$0x4] =	wrdreg $0xC0  }
0xab: {  	_ =	task [dreg:s6], $0x5FFFF  }
0xac: {  	[dreg:$0x1] =	wrdreg $0xFFFFFFFF  }
0xad: {  	[dreg:$0x0] =	wrdreg $0x60  }
0xae: {  	[dreg:$0x2] =	wrdreg s24  }
0xaf: {  	[dreg:$0x3] =	wrdreg $0x40800  }
0xb0: {  	[dreg:$0x4] =	wrdreg $0x48800  }
0xb1: {  	[dreg:$0x5] =	wrdreg $0x9  }
0xb2: {  	_ =	task.clear_ibuf [dreg:s6], $0x6FFFF;
	_ =	strace $0x9000004F  }
0xb3: {  	s29 =	simm.s32 $0x9;
	_ =	strace $0x80000051  }
0xb4: {  	_ =	swait.ge [sflag:s29], $0x1  }
0xb5: {  	[sflag:s29] =	ssyncadd.s32 $0xFFFFFFFF  }
0xb6: {  	_ =	strace $0x90000051  }
0xb7: {  	_ =	sfence  }
0xb8: {  	s30 =	sld [smem:$0x0];
	_ =	sdelay $0x2  }
0xb9: {  	s31 =	sshll.u32 s1, $0xD;
	s1 =	sshrl.u32 s1, $0x2  }
0xba: {  	s3 =	sand.u32 $0x4000, s31;
	s1 =	sadd.s32 s1, s30  }
0xbb: {  	s0 =	sor.u32 s3, s0;
	s1 =	sshll.u32 s1, $0x11  }
0xbc: {  	s0 =	sor.u32 s1, s0  }
0xbd: {  	s0 =	sadd.s32 $0x8F2B, s0  }
0xbe: {  	[sflag:s0] =	ssyncadd.remote.s32 $0x1  }
0xbf: {  	_ =	sfence.sel $0xFFFF  }
0xc0: {  	[dreg:$0x0] =	wrdreg $0xFFFFFFFF;
	(pc) =	sbr.abs _section_cstart, $3  }
0xc1: {  	[dreg:$0x1] =	wrdreg $0xFFFFFFFF  }
0xc2: {  	_ =	task.clear_ibuf [dreg:s6], $0x2FFFF;
	_ =	strace $0x9FFFFFFF  }
0xc3: {  	(tm) =	ssettm $0x7FFFFFFF  }
tec
execute0_lowered:
.L_overlay_start_1:
0x0: {  	(tag) =	ssettag $0x1  }
0x1: {  	s23 =	rddreg [dreg:$0x0]  }
0x2: {  	s1 =	rddreg [dreg:$0x1]  }
0x3: {  	s2 =	rddreg [dreg:$0x2]  }
0x4: {  	s0 =	rddreg [dreg:$0x3];
	s3 =	simm.s32 $0x0  }
0x5: {  	s7 =	simm.s32 $0x80;
	[smem:$0x7FF] =	sst s3  }
0x6: {  	s6 =	simm.s32 $0x1;
	s5 =	sadd.s32 $0x17600, s23;
	_ =	strace $0x80000050  }
0x7: {  	[tilespmem:s7], [sflag:$0x1] =	stream.linear.gather [hbm4b:s5+s3], $0x2000, $0x38;
	[tilespmem:$0x5080] =	vst v63  }
0x8: {  	s4 =	stileid.u32;
	_ =	swait.ge [sflag:s6], $0x2000  }
0x9: {  	s25 =	sshll.u32 s4, $0xB;
	[sflag:s6] =	ssyncset.done $0x0  }
0xa: {  	s8 =	sadd.s32 s25, s1;
	[sflag:s6] =	ssyncadd.s32 $0xFFFFE000  }
0xb: {  	[spmem:s8] =	stream.linear.scatter [tilespmem:s7], [sflag:$0x1], $0x800, $0x38;
	[tilespmem:$0x5080] =	vst v63  }
0xc: {  	_ =	swait.ge [sflag:s6], $0x800  }
0xd: {  	[sflag:s6] =	ssyncset.done $0x0  }
0xe: {  	s9 =	sadd.s32 s25, s2;
	[sflag:s6] =	ssyncadd.s32 $0xFFFFF800  }
0xf: {  	[spmem:s9] =	stream.linear.scatter [tilespmem:s7], [sflag:$0x1], $0x800, $0x38;
	[tilespmem:$0x5080] =	vst v63  }
0x10: {  	s10 =	srdreg.scid;
	_ =	swait.ge [sflag:s6], $0x800  }
0x11: {  	s11 =	simm.s32 $0x2080;
	s24 =	sand.u32 $0x1, s10;
	[sflag:s6] =	ssyncset.done $0x0  }
0x12: {  	s10 =	sadd.s32 $0x17E00, s23;
	s12 =	sshll.u32 s24, $0x4;
	[sflag:s6] =	ssyncadd.s32 $0xFFFFF800  }
0x13: {  	[tilespmem:s11], [sflag:$0x1] =	stream.linear.gather [hbm4b:s10+s3], $0x2000, $0x38;
	[tilespmem:$0x5080] =	vst v63  }
0x14: {  	s12 =	sor.u32 s4, s12;
	_ =	swait.ge [sflag:s6], $0x2000  }
0x15: {  	s13 =	sshll.u32 s12, $0x7;
	[sflag:s6] =	ssyncset.done $0x0  }
0x16: {  	s21 =	sadd.s32 s13, s23;
	[sflag:s6] =	ssyncadd.s32 $0xFFFFE000  }
0x17: {  	s29 =	smul.u32 $0xA000, s12;
	s12 =	sadd.s32 $0xE0600, s21;
	[bflag:$0x0] =	sbarrier.arrive $0xFFFF  }
0x18: {  	[tilespmem:s3], [sflag:$0x1] =	stream.linear.gather [hbm4b:s12+s3], $0x80, $0x38;
	[tilespmem:$0x5080] =	vst v63  }
0x19: {  	s13 =	sshrl.u32 s29, $0x3;
	_ =	swait.ge [sflag:s6], $0x80  }
0x1a: {  	s22 =	sadd.s32 s13, s23;
	[sflag:s6] =	ssyncset.done $0x0  }
0x1b: {  	s13 =	sadd.s32 $0x18600, s22;
	[sflag:s6] =	ssyncadd.s32 $0xFFFFFF80  }
0x1c: {  	[tilespmem:s7], [sflag:$0x1] =	stream.linear.gather [hbm4b:s13+s3], $0x2000, $0x38;
	[tilespmem:$0x5080] =	vst v63  }
0x1d: {  	_ =	swait.ge [sflag:s6], $0x2000  }
0x1e: {  	[sflag:s6] =	ssyncset.done $0x0  }
0x1f: {  	s14 =	simm.s32 $0x40;
	[sflag:s6] =	ssyncadd.s32 $0xFFFFE000  }
0x20: {  	[spmem:s1] =	stream.indirect.scatter.add.f32 [tilespmem:s7], [sflag:$0x1], $0x80, s3, s14, $0xb8;
	[tilespmem:$0x5080] =	vst v63  }
0x21: {  	_ =	swait.ge [sflag:s6], $0x2000  }
0x22: {  	[sflag:s6] =	ssyncset.done $0x0  }
0x23: {  	[sflag:s6] =	ssyncadd.s32 $0xFFFFE000  }
0x24: {  	[spmem:s2] =	stream.indirect.scatter.add.f32 [tilespmem:s11], [sflag:$0x1], $0x80, s3, s14, $0xb8;
	[tilespmem:$0x5080] =	vst v63  }
0x25: {  	_ =	swait.ge [sflag:s6], $0x2000  }
0x26: {  	[sflag:s6] =	ssyncset.done $0x0  }
0x27: {  	s15 =	sadd.s32 $0xE0610, s21;
	[sflag:s6] =	ssyncadd.s32 $0xFFFFE000  }
0x28: {  	[tilespmem:s3], [sflag:$0x1] =	stream.linear.gather [hbm4b:s15+s3], $0x80, $0x38;
	[tilespmem:$0x5080] =	vst v63  }
0x29: {  	_ =	swait.ge [sflag:s6], $0x80  }
0x2a: {  	[sflag:s6] =	ssyncset.done $0x0  }
0x2b: {  	s16 =	sadd.s32 $0x18A00, s22;
	[sflag:s6] =	ssyncadd.s32 $0xFFFFFF80  }
0x2c: {  	[tilespmem:s7], [sflag:$0x1] =	stream.linear.gather [hbm4b:s16+s3], $0x2000, $0x38;
	[tilespmem:$0x5080] =	vst v63  }
0x2d: {  	_ =	swait.ge [sflag:s6], $0x2000  }
0x2e: {  	[sflag:s6] =	ssyncset.done $0x0  }
0x2f: {  	[sflag:s6] =	ssyncadd.s32 $0xFFFFE000  }
0x30: {  	[spmem:s1] =	stream.indirect.scatter.add.f32 [tilespmem:s7], [sflag:$0x1], $0x80, s3, s14, $0xb8;
	[tilespmem:$0x5080] =	vst v63  }
0x31: {  	_ =	swait.ge [sflag:s6], $0x2000  }
0x32: {  	[sflag:s6] =	ssyncset.done $0x0  }
0x33: {  	[sflag:s6] =	ssyncadd.s32 $0xFFFFE000  }
0x34: {  	[spmem:s2] =	stream.indirect.scatter.add.f32 [tilespmem:s11], [sflag:$0x1], $0x80, s3, s14, $0xb8;
	[tilespmem:$0x5080] =	vst v63  }
0x35: {  	_ =	swait.ge [sflag:s6], $0x2000  }
0x36: {  	[sflag:s6] =	ssyncset.done $0x0  }
0x37: {  	s17 =	sadd.s32 $0xE0620, s21;
	[sflag:s6] =	ssyncadd.s32 $0xFFFFE000  }
0x38: {  	[tilespmem:s3], [sflag:$0x1] =	stream.linear.gather [hbm4b:s17+s3], $0x80, $0x38;
	[tilespmem:$0x5080] =	vst v63  }
0x39: {  	_ =	swait.ge [sflag:s6], $0x80  }
0x3a: {  	[sflag:s6] =	ssyncset.done $0x0  }
0x3b: {  	s18 =	sadd.s32 $0x18E00, s22;
	[sflag:s6] =	ssyncadd.s32 $0xFFFFFF80  }
0x3c: {  	[tilespmem:s7], [sflag:$0x1] =	stream.linear.gather [hbm4b:s18+s3], $0x2000, $0x38;
	[tilespmem:$0x5080] =	vst v63  }
0x3d: {  	_ =	swait.ge [sflag:s6], $0x2000  }
0x3e: {  	[sflag:s6] =	ssyncset.done $0x0  }
0x3f: {  	[sflag:s6] =	ssyncadd.s32 $0xFFFFE000  }
0x40: {  	[spmem:s1] =	stream.indirect.scatter.add.f32 [tilespmem:s7], [sflag:$0x1], $0x80, s3, s14, $0xb8;
	[tilespmem:$0x5080] =	vst v63  }
0x41: {  	_ =	swait.ge [sflag:s6], $0x2000  }
0x42: {  	[sflag:s6] =	ssyncset.done $0x0  }
0x43: {  	[sflag:s6] =	ssyncadd.s32 $0xFFFFE000  }
0x44: {  	[spmem:s2] =	stream.indirect.scatter.add.f32 [tilespmem:s11], [sflag:$0x1], $0x80, s3, s14, $0xb8;
	[tilespmem:$0x5080] =	vst v63  }
0x45: {  	_ =	swait.ge [sflag:s6], $0x2000  }
0x46: {  	[sflag:s6] =	ssyncset.done $0x0  }
0x47: {  	s19 =	sadd.s32 $0xE0630, s21;
	[sflag:s6] =	ssyncadd.s32 $0xFFFFE000  }
0x48: {  	[tilespmem:s3], [sflag:$0x1] =	stream.linear.gather [hbm4b:s19+s3], $0x80, $0x38;
	[tilespmem:$0x5080] =	vst v63  }
0x49: {  	_ =	swait.ge [sflag:s6], $0x80  }
0x4a: {  	[sflag:s6] =	ssyncset.done $0x0  }
0x4b: {  	s20 =	sadd.s32 $0x19200, s22;
	[sflag:s6] =	ssyncadd.s32 $0xFFFFFF80  }
0x4c: {  	[tilespmem:s7], [sflag:$0x1] =	stream.linear.gather [hbm4b:s20+s3], $0x2000, $0x38;
	[tilespmem:$0x5080] =	vst v63  }
0x4d: {  	_ =	swait.ge [sflag:s6], $0x2000  }
0x4e: {  	[sflag:s6] =	ssyncset.done $0x0  }
0x4f: {  	[sflag:s6] =	ssyncadd.s32 $0xFFFFE000  }
0x50: {  	[spmem:s1] =	stream.indirect.scatter.add.f32 [tilespmem:s7], [sflag:$0x1], $0x80, s3, s14, $0xb8;
	[tilespmem:$0x5080] =	vst v63  }
0x51: {  	_ =	swait.ge [sflag:s6], $0x2000  }
0x52: {  	[sflag:s6] =	ssyncset.done $0x0  }
0x53: {  	[sflag:s6] =	ssyncadd.s32 $0xFFFFE000  }
0x54: {  	[spmem:s2] =	stream.indirect.scatter.add.f32 [tilespmem:s11], [sflag:$0x1], $0x80, s3, s14, $0xb8;
	[tilespmem:$0x5080] =	vst v63  }
0x55: {  	_ =	swait.ge [sflag:s6], $0x2000  }
0x56: {  	[sflag:s6] =	ssyncset.done $0x0  }
0x57: {  	s21 =	sadd.s32 $0xE0640, s21;
	[sflag:s6] =	ssyncadd.s32 $0xFFFFE000  }
0x58: {  	[tilespmem:s3], [sflag:$0x1] =	stream.linear.gather [hbm4b:s21+s3], $0x80, $0x38;
	[tilespmem:$0x5080] =	vst v63  }
0x59: {  	_ =	swait.ge [sflag:s6], $0x80  }
0x5a: {  	[sflag:s6] =	ssyncset.done $0x0  }
0x5b: {  	s22 =	sadd.s32 $0x19600, s22;
	[sflag:s6] =	ssyncadd.s32 $0xFFFFFF80  }
0x5c: {  	[tilespmem:s7], [sflag:$0x1] =	stream.linear.gather [hbm4b:s22+s3], $0x2000, $0x38;
	[tilespmem:$0x5080] =	vst v63  }
0x5d: {  	_ =	swait.ge [sflag:s6], $0x2000  }
0x5e: {  	[sflag:s6] =	ssyncset.done $0x0  }
0x5f: {  	[sflag:s6] =	ssyncadd.s32 $0xFFFFE000  }
0x60: {  	[spmem:s1] =	stream.indirect.scatter.add.f32 [tilespmem:s7], [sflag:$0x1], $0x80, s3, s14, $0xb8;
	[tilespmem:$0x5080] =	vst v63  }
0x61: {  	_ =	swait.ge [sflag:s6], $0x2000  }
0x62: {  	[sflag:s6] =	ssyncset.done $0x0  }
0x63: {  	[sflag:s6] =	ssyncadd.s32 $0xFFFFE000  }
0x64: {  	[spmem:s2] =	stream.indirect.scatter.add.f32 [tilespmem:s11], [sflag:$0x1], $0x80, s3, s14, $0xb8;
	[tilespmem:$0x5080] =	vst v63  }
0x65: {  	_ =	swait.ge [sflag:s6], $0x2000  }
0x66: {  	[sflag:s6] =	ssyncset.done $0x0  }
0x67: {  	s26 =	sshll.u32 s24, $0xF;
	[sflag:s6] =	ssyncadd.s32 $0xFFFFE000  }
0x68: {  	s25 =	sor.u32 s25, s26;
	[bflag:$0x0] =	sbarrier.arrive $0xFFFF  }
0x69: {  	[tilespmem:s7], [sflag:$0x1] =	stream.linear.gather [spmem:s8], $0x800, $0x38;
	[tilespmem:$0x5080] =	vst v63  }
0x6a: {  	s25 =	sshrl.u32 s25, $0x3;
	_ =	swait.ge [sflag:s6], $0x800  }
0x6b: {  	s25 =	sadd.s32 s25, s23;
	[sflag:s6] =	ssyncset.done $0x0  }
0x6c: {  	s24 =	ssub.s32 $0x2, s24;
	s23 =	sadd.s32 $0x3600, s25;
	[sflag:s6] =	ssyncadd.s32 $0xFFFFF800  }
0x6d: {  	[hbm4b:s23+s3] =	stream.linear.scatter [tilespmem:s7], [sflag:$0x1], $0x800, $0x38;
	[tilespmem:$0x5080] =	vst v63  }
0x6e: {  	s30 =	sshrl.u32 s24, $0x1;
	_ =	swait.ge [sflag:s6], $0x800  }
0x6f: {  	s26 =	ssub.s32 s24, s30;
	[sflag:s6] =	ssyncset.done $0x0  }
0x70: {  	s31 =	smax.u32 s26, $0x1;
	[sflag:s6] =	ssyncadd.s32 $0xFFFFF800  }
0x71: {  	[tilespmem:s11], [sflag:$0x1] =	stream.linear.gather [spmem:s9], $0x800, $0x38;
	[tilespmem:$0x5080] =	vst v63  }
0x72: {  	p0 =	sne.s32 s31, $0x1;
	_ =	swait.ge [sflag:s6], $0x800  }
.Ltmp0:
0x73: {  	[sflag:s6] =	ssyncset.done $0x0;
	(pc) =	sbr.rel @!p0 .LBB2_2-.Ltmp0, $4  }
0x74: {  	s24 =	sadd.s32 $0x5600, s25;
	[sflag:s6] =	ssyncadd.s32 $0xFFFFF800  }
0x75: {  	[hbm4b:s24+s3] =	stream.linear.scatter [tilespmem:s11], [sflag:$0x1], $0x800, $0x38;
	[tilespmem:$0x5080] =	vst v63  }
0x76: {  	_ =	swait.ge [sflag:s6], $0x800  }
0x77: {  	s25 =	sadd.s32 $0xFFFFFFFF, s31;
	[sflag:s6] =	ssyncset.done $0x0  }
.LBB2_1:
0x78: {  	p0 =	sne.s32 s25, $0x1;
	s25 =	sadd.s32 $0xFFFFFFFF, s25;
	[sflag:s6] =	ssyncadd.s32 $0xFFFFF800  }
0x79: {  	[tilespmem:s7], [sflag:$0x1] =	stream.linear.gather [hbm4b:s5+s3], $0x2000, $0x38;
	[tilespmem:$0x5080] =	vst v63  }
0x7a: {  	_ =	swait.ge [sflag:s6], $0x2000  }
0x7b: {  	[sflag:s6] =	ssyncset.done $0x0  }
0x7c: {  	[sflag:s6] =	ssyncadd.s32 $0xFFFFE000  }
0x7d: {  	[spmem:s8] =	stream.linear.scatter [tilespmem:s7], [sflag:$0x1], $0x800, $0x38;
	[tilespmem:$0x5080] =	vst v63  }
0x7e: {  	_ =	swait.ge [sflag:s6], $0x800  }
0x7f: {  	[sflag:s6] =	ssyncset.done $0x0  }
0x80: {  	[sflag:s6] =	ssyncadd.s32 $0xFFFFF800  }
0x81: {  	[spmem:s9] =	stream.linear.scatter [tilespmem:s7], [sflag:$0x1], $0x800, $0x38;
	[tilespmem:$0x5080] =	vst v63  }
0x82: {  	_ =	swait.ge [sflag:s6], $0x800  }
0x83: {  	[sflag:s6] =	ssyncset.done $0x0  }
0x84: {  	[sflag:s6] =	ssyncadd.s32 $0xFFFFF800  }
0x85: {  	[tilespmem:s11], [sflag:$0x1] =	stream.linear.gather [hbm4b:s10+s3], $0x2000, $0x38;
	[tilespmem:$0x5080] =	vst v63  }
0x86: {  	_ =	swait.ge [sflag:s6], $0x2000  }
0x87: {  	[sflag:s6] =	ssyncset.done $0x0  }
0x88: {  	[sflag:s6] =	ssyncadd.s32 $0xFFFFE000  }
0x89: {  	[bflag:$0x0] =	sbarrier.arrive $0xFFFF  }
0x8a: {  	[tilespmem:s3], [sflag:$0x1] =	stream.linear.gather [hbm4b:s12+s3], $0x80, $0x38;
	[tilespmem:$0x5080] =	vst v63  }
0x8b: {  	_ =	swait.ge [sflag:s6], $0x80  }
0x8c: {  	[sflag:s6] =	ssyncset.done $0x0  }
0x8d: {  	[sflag:s6] =	ssyncadd.s32 $0xFFFFFF80  }
0x8e: {  	[tilespmem:s7], [sflag:$0x1] =	stream.linear.gather [hbm4b:s13+s3], $0x2000, $0x38;
	[tilespmem:$0x5080] =	vst v63  }
0x8f: {  	_ =	swait.ge [sflag:s6], $0x2000  }
0x90: {  	[sflag:s6] =	ssyncset.done $0x0  }
0x91: {  	[sflag:s6] =	ssyncadd.s32 $0xFFFFE000  }
0x92: {  	[spmem:s1] =	stream.indirect.scatter.add.f32 [tilespmem:s7], [sflag:$0x1], $0x80, s3, s14, $0xb8;
	[tilespmem:$0x5080] =	vst v63  }
0x93: {  	_ =	swait.ge [sflag:s6], $0x2000  }
0x94: {  	[sflag:s6] =	ssyncset.done $0x0  }
0x95: {  	[sflag:s6] =	ssyncadd.s32 $0xFFFFE000  }
0x96: {  	[spmem:s2] =	stream.indirect.scatter.add.f32 [tilespmem:s11], [sflag:$0x1], $0x80, s3, s14, $0xb8;
	[tilespmem:$0x5080] =	vst v63  }
0x97: {  	_ =	swait.ge [sflag:s6], $0x2000  }
0x98: {  	[sflag:s6] =	ssyncset.done $0x0  }
0x99: {  	[sflag:s6] =	ssyncadd.s32 $0xFFFFE000  }
0x9a: {  	[tilespmem:s3], [sflag:$0x1] =	stream.linear.gather [hbm4b:s15+s3], $0x80, $0x38;
	[tilespmem:$0x5080] =	vst v63  }
0x9b: {  	_ =	swait.ge [sflag:s6], $0x80  }
0x9c: {  	[sflag:s6] =	ssyncset.done $0x0  }
0x9d: {  	[sflag:s6] =	ssyncadd.s32 $0xFFFFFF80  }
0x9e: {  	[tilespmem:s7], [sflag:$0x1] =	stream.linear.gather [hbm4b:s16+s3], $0x2000, $0x38;
	[tilespmem:$0x5080] =	vst v63  }
0x9f: {  	_ =	swait.ge [sflag:s6], $0x2000  }
0xa0: {  	[sflag:s6] =	ssyncset.done $0x0  }
0xa1: {  	[sflag:s6] =	ssyncadd.s32 $0xFFFFE000  }
0xa2: {  	[spmem:s1] =	stream.indirect.scatter.add.f32 [tilespmem:s7], [sflag:$0x1], $0x80, s3, s14, $0xb8;
	[tilespmem:$0x5080] =	vst v63  }
0xa3: {  	_ =	swait.ge [sflag:s6], $0x2000  }
0xa4: {  	[sflag:s6] =	ssyncset.done $0x0  }
0xa5: {  	[sflag:s6] =	ssyncadd.s32 $0xFFFFE000  }
0xa6: {  	[spmem:s2] =	stream.indirect.scatter.add.f32 [tilespmem:s11], [sflag:$0x1], $0x80, s3, s14, $0xb8;
	[tilespmem:$0x5080] =	vst v63  }
0xa7: {  	_ =	swait.ge [sflag:s6], $0x2000  }
0xa8: {  	[sflag:s6] =	ssyncset.done $0x0  }
0xa9: {  	[sflag:s6] =	ssyncadd.s32 $0xFFFFE000  }
0xaa: {  	[tilespmem:s3], [sflag:$0x1] =	stream.linear.gather [hbm4b:s17+s3], $0x80, $0x38;
	[tilespmem:$0x5080] =	vst v63  }
0xab: {  	_ =	swait.ge [sflag:s6], $0x80  }
0xac: {  	[sflag:s6] =	ssyncset.done $0x0  }
0xad: {  	[sflag:s6] =	ssyncadd.s32 $0xFFFFFF80  }
0xae: {  	[tilespmem:s7], [sflag:$0x1] =	stream.linear.gather [hbm4b:s18+s3], $0x2000, $0x38;
	[tilespmem:$0x5080] =	vst v63  }
0xaf: {  	_ =	swait.ge [sflag:s6], $0x2000  }
0xb0: {  	[sflag:s6] =	ssyncset.done $0x0  }
0xb1: {  	[sflag:s6] =	ssyncadd.s32 $0xFFFFE000  }
0xb2: {  	[spmem:s1] =	stream.indirect.scatter.add.f32 [tilespmem:s7], [sflag:$0x1], $0x80, s3, s14, $0xb8;
	[tilespmem:$0x5080] =	vst v63  }
0xb3: {  	_ =	swait.ge [sflag:s6], $0x2000  }
0xb4: {  	[sflag:s6] =	ssyncset.done $0x0  }
0xb5: {  	[sflag:s6] =	ssyncadd.s32 $0xFFFFE000  }
0xb6: {  	[spmem:s2] =	stream.indirect.scatter.add.f32 [tilespmem:s11], [sflag:$0x1], $0x80, s3, s14, $0xb8;
	[tilespmem:$0x5080] =	vst v63  }
0xb7: {  	_ =	swait.ge [sflag:s6], $0x2000  }
0xb8: {  	[sflag:s6] =	ssyncset.done $0x0  }
0xb9: {  	[sflag:s6] =	ssyncadd.s32 $0xFFFFE000  }
0xba: {  	[tilespmem:s3], [sflag:$0x1] =	stream.linear.gather [hbm4b:s19+s3], $0x80, $0x38;
	[tilespmem:$0x5080] =	vst v63  }
0xbb: {  	_ =	swait.ge [sflag:s6], $0x80  }
0xbc: {  	[sflag:s6] =	ssyncset.done $0x0  }
0xbd: {  	[sflag:s6] =	ssyncadd.s32 $0xFFFFFF80  }
0xbe: {  	[tilespmem:s7], [sflag:$0x1] =	stream.linear.gather [hbm4b:s20+s3], $0x2000, $0x38;
	[tilespmem:$0x5080] =	vst v63  }
0xbf: {  	_ =	swait.ge [sflag:s6], $0x2000  }
0xc0: {  	[sflag:s6] =	ssyncset.done $0x0  }
0xc1: {  	[sflag:s6] =	ssyncadd.s32 $0xFFFFE000  }
0xc2: {  	[spmem:s1] =	stream.indirect.scatter.add.f32 [tilespmem:s7], [sflag:$0x1], $0x80, s3, s14, $0xb8;
	[tilespmem:$0x5080] =	vst v63  }
0xc3: {  	_ =	swait.ge [sflag:s6], $0x2000  }
0xc4: {  	[sflag:s6] =	ssyncset.done $0x0  }
0xc5: {  	[sflag:s6] =	ssyncadd.s32 $0xFFFFE000  }
0xc6: {  	[spmem:s2] =	stream.indirect.scatter.add.f32 [tilespmem:s11], [sflag:$0x1], $0x80, s3, s14, $0xb8;
	[tilespmem:$0x5080] =	vst v63  }
0xc7: {  	_ =	swait.ge [sflag:s6], $0x2000  }
0xc8: {  	[sflag:s6] =	ssyncset.done $0x0  }
0xc9: {  	[sflag:s6] =	ssyncadd.s32 $0xFFFFE000  }
0xca: {  	[tilespmem:s3], [sflag:$0x1] =	stream.linear.gather [hbm4b:s21+s3], $0x80, $0x38;
	[tilespmem:$0x5080] =	vst v63  }
0xcb: {  	_ =	swait.ge [sflag:s6], $0x80  }
0xcc: {  	[sflag:s6] =	ssyncset.done $0x0  }
0xcd: {  	[sflag:s6] =	ssyncadd.s32 $0xFFFFFF80  }
0xce: {  	[tilespmem:s7], [sflag:$0x1] =	stream.linear.gather [hbm4b:s22+s3], $0x2000, $0x38;
	[tilespmem:$0x5080] =	vst v63  }
0xcf: {  	_ =	swait.ge [sflag:s6], $0x2000  }
0xd0: {  	[sflag:s6] =	ssyncset.done $0x0  }
0xd1: {  	[sflag:s6] =	ssyncadd.s32 $0xFFFFE000  }
0xd2: {  	[spmem:s1] =	stream.indirect.scatter.add.f32 [tilespmem:s7], [sflag:$0x1], $0x80, s3, s14, $0xb8;
	[tilespmem:$0x5080] =	vst v63  }
0xd3: {  	_ =	swait.ge [sflag:s6], $0x2000  }
0xd4: {  	[sflag:s6] =	ssyncset.done $0x0  }
0xd5: {  	[sflag:s6] =	ssyncadd.s32 $0xFFFFE000  }
0xd6: {  	[spmem:s2] =	stream.indirect.scatter.add.f32 [tilespmem:s11], [sflag:$0x1], $0x80, s3, s14, $0xb8;
	[tilespmem:$0x5080] =	vst v63  }
0xd7: {  	_ =	swait.ge [sflag:s6], $0x2000  }
0xd8: {  	[sflag:s6] =	ssyncset.done $0x0  }
0xd9: {  	[sflag:s6] =	ssyncadd.s32 $0xFFFFE000  }
0xda: {  	[bflag:$0x0] =	sbarrier.arrive $0xFFFF  }
0xdb: {  	[tilespmem:s7], [sflag:$0x1] =	stream.linear.gather [spmem:s8], $0x800, $0x38;
	[tilespmem:$0x5080] =	vst v63  }
0xdc: {  	_ =	swait.ge [sflag:s6], $0x800  }
0xdd: {  	[sflag:s6] =	ssyncset.done $0x0  }
0xde: {  	[sflag:s6] =	ssyncadd.s32 $0xFFFFF800  }
0xdf: {  	[hbm4b:s23+s3] =	stream.linear.scatter [tilespmem:s7], [sflag:$0x1], $0x800, $0x38;
	[tilespmem:$0x5080] =	vst v63  }
0xe0: {  	_ =	swait.ge [sflag:s6], $0x800  }
0xe1: {  	[sflag:s6] =	ssyncset.done $0x0  }
0xe2: {  	[sflag:s6] =	ssyncadd.s32 $0xFFFFF800  }
0xe3: {  	[tilespmem:s11], [sflag:$0x1] =	stream.linear.gather [spmem:s9], $0x800, $0x38;
	[tilespmem:$0x5080] =	vst v63  }
0xe4: {  	_ =	swait.ge [sflag:s6], $0x800  }
.Ltmp1:
0xe5: {  	[sflag:s6] =	ssyncset.done $0x0;
	(pc) =	sbr.rel @p0 .LBB2_1-.Ltmp1, $4  }
0xe6: {  	[sflag:s6] =	ssyncadd.s32 $0xFFFFF800  }
0xe7: {  	[hbm4b:s24+s3] =	stream.linear.scatter [tilespmem:s11], [sflag:$0x1], $0x800, $0x38;
	[tilespmem:$0x5080] =	vst v63  }
0xe8: {  	_ =	swait.ge [sflag:s6], $0x800  }
0xe9: {  	[sflag:s6] =	ssyncset.done $0x0  }
.LBB2_2:
0xea: {  	[sflag:s6] =	ssyncadd.s32 $0xFFFFF800  }
0xeb: {  	_ =	sfence.sel $0x180000  }
0xec: {  	[bflag:$0x0] =	sbarrier.arrive $0xFFFF  }
0xed: {  	p0 =	sne.s32 s4, $0x0;
	_ =	strace $0x90000050  }
0xee: {  	s0 =	sadd.s32 @!p0 $0x100000, s0;
	[bflag:$0x2] =	sbarrier.arrive $0xFFFF  }
0xef: {  	[sflag:s0] =	ssyncadd.tile.s32 @!p0 $0x1;
	_ =	shalt  }
.Lfunc_end2:
_tile_overlayer_lowered:
.L_overlay_start_2:
0xf0: {  	(tag) =	ssettag $0x2  }
0xf1: {  	s0 =	rddreg [dreg:$0x0];
	s2 =	stileid.u32  }
0xf2: {  	s1 =	rddreg [dreg:$0x1];
	p0 =	sne.s32 s2, $0x0  }
0xf3: {  	s3 =	rddreg [dreg:$0x2];
	[bflag:$0x3] =	sbarrier.arrive $0xFFFF;
	s2 =	simm.s32 @!p0 $0x1C01  }
0xf4: {  	[timem:s3], [sflag:s2] =	dma.local @!p0 [hbm:s0], s1  }
0xf5: {  	s0 =	simm.s32 @!p0 $0x1  }
0xf6: {  	_ =	swait.ge @!p0 [sflag:s0], s1  }
0xf7: {  	s1 =	ssub.s32 @!p0 $0x0, s1;
	[sflag:s0] =	ssyncset.done @!p0 $0x0  }
0xf8: {  	[sflag:s0] =	ssyncadd.s32 @!p0 s1  }
0xf9: {  	[bflag:$0x3] =	sbarrier.arrive $0xFFFF  }
0xfa: {  	_ =	shalt  }

</sc_bundles>
